<compile_context>
chip_gen: v7x
topology: tpu7x:2x2x1
jax: 0.10.2.dev20260603
libtpu: 0.0.44.dev20260713+nightly
codegen_flags: <defaults>
</compile_context>

<pallas_src>
import jax
import jax.numpy as jnp
from jax import lax
from jax.experimental import pallas as pl
from jax.experimental.pallas import tpu as pltpu
from jax.experimental.pallas import tpu_sc as plsc

DIM = 128
BATCH = 16384
NC = 2
NS = 16
L = 16
NW = NC * NS
BPW = BATCH // NW
CH = 128
NCH = BPW // CH
NBUF = 3


def _w2v_body(center_hbm, context_hbm, inw_hbm, outw_hbm, o_hbm,
              cidx_v, xidx_v, v_v, u_v, o_v, sem_v, sem_u, sem_i, sem_o):
    wid = lax.axis_index("s") * NC + lax.axis_index("c")

    def gathers(ci):
        buf = ci % NBUF
        cp_v = pltpu.async_copy(inw_hbm.at[cidx_v.at[ci]], v_v.at[buf], sem_v)
        cp_u = pltpu.async_copy(outw_hbm.at[xidx_v.at[ci]], u_v.at[buf], sem_u)
        return cp_v, cp_u

    i0c = pltpu.async_copy(center_hbm.at[wid, 0], cidx_v.at[0], sem_i)
    i0x = pltpu.async_copy(context_hbm.at[wid, 0], xidx_v.at[0], sem_i)
    irc = pltpu.async_copy(
        center_hbm.at[wid, pl.ds(1, NCH - 1)], cidx_v.at[pl.ds(1, NCH - 1)], sem_o)
    irx = pltpu.async_copy(
        context_hbm.at[wid, pl.ds(1, NCH - 1)], xidx_v.at[pl.ds(1, NCH - 1)], sem_o)
    i0c.wait()
    i0x.wait()

    cp = [None] * NCH
    cp[0] = gathers(0)
    irc.wait()
    irx.wait()
    for c in range(1, NBUF - 1):
        cp[c] = gathers(c)

    out_cp = [None] * NCH
    lane = lax.iota(jnp.int32, L)
    RSUB = 4

    def _perm(x, k):
        return x.at[lane ^ k].get(mode="promise_in_bounds")

    def _merge(a, b, k):
        bit = (lane & k) == 0
        return jnp.where(bit, a, b) + jnp.where(bit, _perm(a, k), _perm(b, k))

    for ci in range(NCH):
        buf = ci % NBUF
        n = ci + NBUF - 1
        if n < NCH:
            cp[n] = gathers(n)
        cp[ci][0].wait()
        cp[ci][1].wait()

        def group_body(g, _, buf=buf, ci=ci):
            def sub_body(s, res, buf=buf):
                accs = []
                for jj in range(RSUB):
                    r = g * L + s * RSUB + jj
                    acc = v_v[buf, r, pl.ds(0, L)] * u_v[buf, r, pl.ds(0, L)]
                    for k in range(1, DIM // L):
                        acc = acc + v_v[buf, r, pl.ds(k * L, L)] * u_v[buf, r, pl.ds(k * L, L)]
                    accs.append(acc)
                t = _merge(_merge(accs[0], accs[1], 1), _merge(accs[2], accs[3], 1), 2)
                t = t + _perm(t, 4)
                t = t + _perm(t, 8)
                return jnp.where((lane >> 2) == s, t, res)

            res = lax.fori_loop(0, L // RSUB, sub_body, jnp.zeros((L,), jnp.float32))
            o_v[pl.ds(ci * CH + g * L, L)] = res
            return 0

        lax.fori_loop(0, CH // L, group_body, 0)
        out_cp[ci] = pltpu.async_copy(
            o_v.at[pl.ds(ci * CH, CH)], o_hbm.at[pl.ds(wid * BPW + ci * CH, CH)], sem_o)

    for ci in range(NCH):
        out_cp[ci].wait()


def kernel(center_ids, context_ids, in_embed_w, out_embed_w):
    center_r = center_ids.reshape(NW, NCH, CH).astype(jnp.int32)
    context_r = context_ids.reshape(NW, NCH, CH).astype(jnp.int32)

    mesh = plsc.VectorSubcoreMesh(core_axis_name="c", subcore_axis_name="s")
    run = pl.kernel(
        _w2v_body,
        mesh=mesh,
        out_type=jax.ShapeDtypeStruct((BATCH,), jnp.float32),
        scratch_types=[
            pltpu.VMEM((NCH, CH), jnp.int32),
            pltpu.VMEM((NCH, CH), jnp.int32),
            pltpu.VMEM((NBUF, CH, DIM), jnp.float32),
            pltpu.VMEM((NBUF, CH, DIM), jnp.float32),
            pltpu.VMEM((BPW,), jnp.float32),
            pltpu.SemaphoreType.DMA,
            pltpu.SemaphoreType.DMA,
            pltpu.SemaphoreType.DMA,
            pltpu.SemaphoreType.DMA,
        ],
    )
    return run(center_r, context_r, in_embed_w, out_embed_w)

# --- scband reference (transcript-rebuilt; emitter-appended) ---
"""Pipeline reference for scband-word2-vec-33492154974749 (READ-ONLY COPY).

The authoritative reference and input builder live on the scoring server;
editing this copy changes nothing except your own understanding.
"""

import jax, jax.numpy as jnp
import numpy as np

VOCAB = 100000
DIM = 128
BATCH = 16384

def setup_inputs(seed: int = 0) -> dict:
    key = jax.random.key(seed)
    k1, k2, k3 = jax.random.split(key, 3)
    center_ids = jax.random.randint(k1, (BATCH,), 0, VOCAB, dtype=jnp.int64) if jax.config.jax_enable_x64 else jax.random.randint(k1, (BATCH,), 0, VOCAB, dtype=jnp.int32)
    context_ids = jax.random.randint(k2, (BATCH,), 0, VOCAB, dtype=jnp.int32)
    center_ids = center_ids.astype(jnp.int32)
    init_range = 0.5 / DIM
    in_embed_w = jax.random.uniform(k3, (VOCAB, DIM), dtype=jnp.float32, minval=-init_range, maxval=init_range)
    # out_embed is zero-initialized in the torch module; use small random values so the
    # dot-product output is non-degenerate while remaining faithful in structure.
    out_embed_w = jax.random.normal(jax.random.fold_in(key, 7), (VOCAB, DIM), dtype=jnp.float32) * init_range
    return {"center_ids": center_ids, "context_ids": context_ids, "in_embed_w": in_embed_w, "out_embed_w": out_embed_w}

def reference(center_ids, context_ids, in_embed_w, out_embed_w):
    # forward_pos: dot(in_embed[center], out_embed[context]) per row -> (B,)
    v = jnp.take(in_embed_w, center_ids, axis=0)   # (B, D) gather
    u = jnp.take(out_embed_w, context_ids, axis=0) # (B, D) gather
    logits = jnp.sum(v * u, axis=1)                # (B,)
    return logits

if __name__ == "__main__":
    import jax
    _d = setup_inputs()
    print(jax.jit(kernel)(*tuple(_d.values())))

</pallas_src>

<mosaic_0001>
#map = affine_map<(d0, d1) -> (0, 0, 0)>
#map1 = affine_map<(d0, d1) -> (0, 0)>
#map2 = affine_map<(d0, d1) -> (0)>
module attributes {stable_mosaic.version = 14 : i64} {
  func.func @_w2v_body(%arg0: i32, %arg1: i32, %arg2: memref<32x4x128xi32, #tpu.memory_space<hbm>>, %arg3: memref<32x4x128xi32, #tpu.memory_space<hbm>>, %arg4: memref<100000x128xf32, #tpu.memory_space<hbm>>, %arg5: memref<100000x128xf32, #tpu.memory_space<hbm>>, %arg6: memref<16384xf32, #tpu.memory_space<hbm>>, %arg7: memref<4x128xi32, #tpu.memory_space<vmem>>, %arg8: memref<4x128xi32, #tpu.memory_space<vmem>>, %arg9: memref<3x128x128xf32, #tpu.memory_space<vmem>>, %arg10: memref<3x128x128xf32, #tpu.memory_space<vmem>>, %arg11: memref<512xf32, #tpu.memory_space<vmem>>, %arg12: memref<!tpu.dma_semaphore, #tpu.memory_space<semaphore_mem>>, %arg13: memref<!tpu.dma_semaphore, #tpu.memory_space<semaphore_mem>>, %arg14: memref<!tpu.dma_semaphore, #tpu.memory_space<semaphore_mem>>, %arg15: memref<!tpu.dma_semaphore, #tpu.memory_space<semaphore_mem>>) attributes {dimension_semantics = [#tpu.dimension_semantics<core_parallel>, #tpu.dimension_semantics<subcore_parallel>], iteration_bounds = array<i64: 2, 16>, scalar_prefetch = 0 : i64, scratch_operands = 9 : i64, tpu.core_type = #tpu.core_type<sc_vector_subcore>, window_params = [{transform_indices = #map}, {transform_indices = #map}, {transform_indices = #map1}, {transform_indices = #map1}, {transform_indices = #map2}]} {
    %mul3A = arith.constant 2 : i32
    %mul3A_0 = arith.muli %arg1, %mul3A : i32
    %add3A = arith.addi %mul3A_0, %arg0 : i32
    %dma_start3A = arith.constant 0 : i32
    %dma_start3A_1 = arith.constant 0 : i32
    %dma_start3A_2 = arith.constant 0 : i32
    %dma_start3A_3 = tpu.memref_slice %arg7[%dma_start3A_1, %dma_start3A_2] : memref<4x128xi32, #tpu.memory_space<vmem>> -> memref<1x128xi32, #tpu.memory_space<vmem>>
    %dma_start3A_4 = tpu.memref_squeeze %dma_start3A_3 : memref<1x128xi32, #tpu.memory_space<vmem>> -> memref<128xi32, #tpu.memory_space<vmem>>
    %dma_start3A_5 = arith.constant 0 : i32
    %dma_start3A_6 = tpu.memref_slice %arg2[%add3A, %dma_start3A, %dma_start3A_5] : memref<32x4x128xi32, #tpu.memory_space<hbm>> -> memref<1x1x128xi32, #tpu.memory_space<hbm>>
    %dma_start3A_7 = tpu.memref_squeeze %dma_start3A_6 : memref<1x1x128xi32, #tpu.memory_space<hbm>> -> memref<128xi32, #tpu.memory_space<hbm>>
    %dma_start3A_8 = arith.constant 0 : i32
    %dma_start3A_9 = tpu.memref_slice %arg7[%dma_start3A_1, %dma_start3A_8] : memref<4x128xi32, #tpu.memory_space<vmem>> -> memref<1x128xi32, #tpu.memory_space<vmem>>
    %dma_start3A_10 = tpu.memref_squeeze %dma_start3A_9 : memref<1x128xi32, #tpu.memory_space<vmem>> -> memref<128xi32, #tpu.memory_space<vmem>>
    %dma_start3A_11 = arith.constant 0 : i32
    %dma_start3A_12 = tpu.memref_slice %arg2[%add3A, %dma_start3A, %dma_start3A_11] : memref<32x4x128xi32, #tpu.memory_space<hbm>> -> memref<1x1x128xi32, #tpu.memory_space<hbm>>
    %dma_start3A_13 = tpu.memref_squeeze %dma_start3A_12 : memref<1x1x128xi32, #tpu.memory_space<hbm>> -> memref<128xi32, #tpu.memory_space<hbm>>
    tpu.enqueue_dma source(%dma_start3A_13 : memref<128xi32, #tpu.memory_space<hbm>>) target(%dma_start3A_10 : memref<128xi32, #tpu.memory_space<vmem>>) target_semaphore(%arg14 : memref<!tpu.dma_semaphore, #tpu.memory_space<semaphore_mem>>)
    %dma_start3A_14 = arith.constant 0 : i32
    %dma_start3A_15 = arith.constant 0 : i32
    %dma_start3A_16 = arith.constant 0 : i32
    %dma_start3A_17 = tpu.memref_slice %arg8[%dma_start3A_15, %dma_start3A_16] : memref<4x128xi32, #tpu.memory_space<vmem>> -> memref<1x128xi32, #tpu.memory_space<vmem>>
    %dma_start3A_18 = tpu.memref_squeeze %dma_start3A_17 : memref<1x128xi32, #tpu.memory_space<vmem>> -> memref<128xi32, #tpu.memory_space<vmem>>
    %dma_start3A_19 = arith.constant 0 : i32
    %dma_start3A_20 = tpu.memref_slice %arg3[%add3A, %dma_start3A_14, %dma_start3A_19] : memref<32x4x128xi32, #tpu.memory_space<hbm>> -> memref<1x1x128xi32, #tpu.memory_space<hbm>>
    %dma_start3A_21 = tpu.memref_squeeze %dma_start3A_20 : memref<1x1x128xi32, #tpu.memory_space<hbm>> -> memref<128xi32, #tpu.memory_space<hbm>>
    %dma_start3A_22 = arith.constant 0 : i32
    %dma_start3A_23 = tpu.memref_slice %arg8[%dma_start3A_15, %dma_start3A_22] : memref<4x128xi32, #tpu.memory_space<vmem>> -> memref<1x128xi32, #tpu.memory_space<vmem>>
    %dma_start3A_24 = tpu.memref_squeeze %dma_start3A_23 : memref<1x128xi32, #tpu.memory_space<vmem>> -> memref<128xi32, #tpu.memory_space<vmem>>
    %dma_start3A_25 = arith.constant 0 : i32
    %dma_start3A_26 = tpu.memref_slice %arg3[%add3A, %dma_start3A_14, %dma_start3A_25] : memref<32x4x128xi32, #tpu.memory_space<hbm>> -> memref<1x1x128xi32, #tpu.memory_space<hbm>>
    %dma_start3A_27 = tpu.memref_squeeze %dma_start3A_26 : memref<1x1x128xi32, #tpu.memory_space<hbm>> -> memref<128xi32, #tpu.memory_space<hbm>>
    tpu.enqueue_dma source(%dma_start3A_27 : memref<128xi32, #tpu.memory_space<hbm>>) target(%dma_start3A_24 : memref<128xi32, #tpu.memory_space<vmem>>) target_semaphore(%arg14 : memref<!tpu.dma_semaphore, #tpu.memory_space<semaphore_mem>>)
    %dma_start3A_28 = arith.constant 1 : i32
    %dma_start3A_29 = arith.constant 0 : i32
    %dma_start3A_30 = tpu.memref_slice %arg7[%dma_start3A_28, %dma_start3A_29] : memref<4x128xi32, #tpu.memory_space<vmem>> -> memref<3x128xi32, #tpu.memory_space<vmem>>
    %dma_start3A_31 = arith.constant 1 : i32
    %dma_start3A_32 = arith.constant 0 : i32
    %dma_start3A_33 = tpu.memref_slice %arg2[%add3A, %dma_start3A_31, %dma_start3A_32] : memref<32x4x128xi32, #tpu.memory_space<hbm>> -> memref<1x3x128xi32, #tpu.memory_space<hbm>>
    %dma_start3A_34 = tpu.memref_squeeze %dma_start3A_33 : memref<1x3x128xi32, #tpu.memory_space<hbm>> -> memref<3x128xi32, #tpu.memory_space<hbm>>
    %dma_start3A_35 = arith.constant 1 : i32
    %dma_start3A_36 = arith.constant 0 : i32
    %dma_start3A_37 = tpu.memref_slice %arg7[%dma_start3A_35, %dma_start3A_36] : memref<4x128xi32, #tpu.memory_space<vmem>> -> memref<3x128xi32, #tpu.memory_space<vmem>>
    %dma_start3A_38 = arith.constant 1 : i32
    %dma_start3A_39 = arith.constant 0 : i32
    %dma_start3A_40 = tpu.memref_slice %arg2[%add3A, %dma_start3A_38, %dma_start3A_39] : memref<32x4x128xi32, #tpu.memory_space<hbm>> -> memref<1x3x128xi32, #tpu.memory_space<hbm>>
    %dma_start3A_41 = tpu.memref_squeeze %dma_start3A_40 : memref<1x3x128xi32, #tpu.memory_space<hbm>> -> memref<3x128xi32, #tpu.memory_space<hbm>>
    tpu.enqueue_dma source(%dma_start3A_41 : memref<3x128xi32, #tpu.memory_space<hbm>>) target(%dma_start3A_37 : memref<3x128xi32, #tpu.memory_space<vmem>>) target_semaphore(%arg15 : memref<!tpu.dma_semaphore, #tpu.memory_space<semaphore_mem>>)
    %dma_start3A_42 = arith.constant 1 : i32
    %dma_start3A_43 = arith.constant 0 : i32
    %dma_start3A_44 = tpu.memref_slice %arg8[%dma_start3A_42, %dma_start3A_43] : memref<4x128xi32, #tpu.memory_space<vmem>> -> memref<3x128xi32, #tpu.memory_space<vmem>>
    %dma_start3A_45 = arith.constant 1 : i32
    %dma_start3A_46 = arith.constant 0 : i32
    %dma_start3A_47 = tpu.memref_slice %arg3[%add3A, %dma_start3A_45, %dma_start3A_46] : memref<32x4x128xi32, #tpu.memory_space<hbm>> -> memref<1x3x128xi32, #tpu.memory_space<hbm>>
    %dma_start3A_48 = tpu.memref_squeeze %dma_start3A_47 : memref<1x3x128xi32, #tpu.memory_space<hbm>> -> memref<3x128xi32, #tpu.memory_space<hbm>>
    %dma_start3A_49 = arith.constant 1 : i32
    %dma_start3A_50 = arith.constant 0 : i32
    %dma_start3A_51 = tpu.memref_slice %arg8[%dma_start3A_49, %dma_start3A_50] : memref<4x128xi32, #tpu.memory_space<vmem>> -> memref<3x128xi32, #tpu.memory_space<vmem>>
    %dma_start3A_52 = arith.constant 1 : i32
    %dma_start3A_53 = arith.constant 0 : i32
    %dma_start3A_54 = tpu.memref_slice %arg3[%add3A, %dma_start3A_52, %dma_start3A_53] : memref<32x4x128xi32, #tpu.memory_space<hbm>> -> memref<1x3x128xi32, #tpu.memory_space<hbm>>
    %dma_start3A_55 = tpu.memref_squeeze %dma_start3A_54 : memref<1x3x128xi32, #tpu.memory_space<hbm>> -> memref<3x128xi32, #tpu.memory_space<hbm>>
    tpu.enqueue_dma source(%dma_start3A_55 : memref<3x128xi32, #tpu.memory_space<hbm>>) target(%dma_start3A_51 : memref<3x128xi32, #tpu.memory_space<vmem>>) target_semaphore(%arg15 : memref<!tpu.dma_semaphore, #tpu.memory_space<semaphore_mem>>)
    %dma_wait3A = arith.constant 0 : i32
    %dma_wait3A_56 = arith.constant 0 : i32
    %dma_wait3A_57 = arith.constant 0 : i32
    %dma_wait3A_58 = tpu.memref_slice %arg7[%dma_wait3A_56, %dma_wait3A_57] : memref<4x128xi32, #tpu.memory_space<vmem>> -> memref<1x128xi32, #tpu.memory_space<vmem>>
    %dma_wait3A_59 = tpu.memref_squeeze %dma_wait3A_58 : memref<1x128xi32, #tpu.memory_space<vmem>> -> memref<128xi32, #tpu.memory_space<vmem>>
    %dma_wait3A_60 = arith.constant 0 : i32
    %dma_wait3A_61 = tpu.memref_slice %arg2[%add3A, %dma_wait3A, %dma_wait3A_60] : memref<32x4x128xi32, #tpu.memory_space<hbm>> -> memref<1x1x128xi32, #tpu.memory_space<hbm>>
    %dma_wait3A_62 = tpu.memref_squeeze %dma_wait3A_61 : memref<1x1x128xi32, #tpu.memory_space<hbm>> -> memref<128xi32, #tpu.memory_space<hbm>>
    %dma_wait3A_63 = arith.constant 0 : i32
    %dma_wait3A_64 = tpu.memref_slice %arg7[%dma_wait3A_56, %dma_wait3A_63] : memref<4x128xi32, #tpu.memory_space<vmem>> -> memref<1x128xi32, #tpu.memory_space<vmem>>
    %dma_wait3A_65 = tpu.memref_squeeze %dma_wait3A_64 : memref<1x128xi32, #tpu.memory_space<vmem>> -> memref<128xi32, #tpu.memory_space<vmem>>
    %dma_wait3A_66 = arith.constant 0 : i32
    %dma_wait3A_67 = tpu.memref_slice %arg2[%add3A, %dma_wait3A, %dma_wait3A_66] : memref<32x4x128xi32, #tpu.memory_space<hbm>> -> memref<1x1x128xi32, #tpu.memory_space<hbm>>
    %dma_wait3A_68 = tpu.memref_squeeze %dma_wait3A_67 : memref<1x1x128xi32, #tpu.memory_space<hbm>> -> memref<128xi32, #tpu.memory_space<hbm>>
    tpu.wait_dma2 semaphore(%arg14 : memref<!tpu.dma_semaphore, #tpu.memory_space<semaphore_mem>>) src(%dma_wait3A_68 : memref<128xi32, #tpu.memory_space<hbm>>) dst(%dma_wait3A_65 : memref<128xi32, #tpu.memory_space<vmem>>)
    %dma_wait3A_69 = arith.constant 0 : i32
    %dma_wait3A_70 = arith.constant 0 : i32
    %dma_wait3A_71 = arith.constant 0 : i32
    %dma_wait3A_72 = tpu.memref_slice %arg8[%dma_wait3A_70, %dma_wait3A_71] : memref<4x128xi32, #tpu.memory_space<vmem>> -> memref<1x128xi32, #tpu.memory_space<vmem>>
    %dma_wait3A_73 = tpu.memref_squeeze %dma_wait3A_72 : memref<1x128xi32, #tpu.memory_space<vmem>> -> memref<128xi32, #tpu.memory_space<vmem>>
    %dma_wait3A_74 = arith.constant 0 : i32
    %dma_wait3A_75 = tpu.memref_slice %arg3[%add3A, %dma_wait3A_69, %dma_wait3A_74] : memref<32x4x128xi32, #tpu.memory_space<hbm>> -> memref<1x1x128xi32, #tpu.memory_space<hbm>>
    %dma_wait3A_76 = tpu.memref_squeeze %dma_wait3A_75 : memref<1x1x128xi32, #tpu.memory_space<hbm>> -> memref<128xi32, #tpu.memory_space<hbm>>
    %dma_wait3A_77 = arith.constant 0 : i32
    %dma_wait3A_78 = tpu.memref_slice %arg8[%dma_wait3A_70, %dma_wait3A_77] : memref<4x128xi32, #tpu.memory_space<vmem>> -> memref<1x128xi32, #tpu.memory_space<vmem>>
    %dma_wait3A_79 = tpu.memref_squeeze %dma_wait3A_78 : memref<1x128xi32, #tpu.memory_space<vmem>> -> memref<128xi32, #tpu.memory_space<vmem>>
    %dma_wait3A_80 = arith.constant 0 : i32
    %dma_wait3A_81 = tpu.memref_slice %arg3[%add3A, %dma_wait3A_69, %dma_wait3A_80] : memref<32x4x128xi32, #tpu.memory_space<hbm>> -> memref<1x1x128xi32, #tpu.memory_space<hbm>>
    %dma_wait3A_82 = tpu.memref_squeeze %dma_wait3A_81 : memref<1x1x128xi32, #tpu.memory_space<hbm>> -> memref<128xi32, #tpu.memory_space<hbm>>
    tpu.wait_dma2 semaphore(%arg14 : memref<!tpu.dma_semaphore, #tpu.memory_space<semaphore_mem>>) src(%dma_wait3A_82 : memref<128xi32, #tpu.memory_space<hbm>>) dst(%dma_wait3A_79 : memref<128xi32, #tpu.memory_space<vmem>>)
    %dma_start3A_83 = arith.constant 0 : i32
    %dma_start3A_84 = arith.constant 0 : i32
    %dma_start3A_85 = arith.constant 0 : i32
    %dma_start3A_86 = arith.constant 0 : i32
    %dma_start3A_87 = tpu.memref_slice %arg9[%dma_start3A_84, %dma_start3A_85, %dma_start3A_86] : memref<3x128x128xf32, #tpu.memory_space<vmem>> -> memref<1x128x128xf32, #tpu.memory_space<vmem>>
    %dma_start3A_88 = tpu.memref_squeeze %dma_start3A_87 : memref<1x128x128xf32, #tpu.memory_space<vmem>> -> memref<128x128xf32, #tpu.memory_space<vmem>>
    %dma_start3A_89 = arith.constant 0 : i32
    %dma_start3A_90 = tpu.memref_slice %arg7[%dma_start3A_83, %dma_start3A_89] : memref<4x128xi32, #tpu.memory_space<vmem>> -> memref<1x128xi32, #tpu.memory_space<vmem>>
    %dma_start3A_91 = tpu.memref_squeeze %dma_start3A_90 : memref<1x128xi32, #tpu.memory_space<vmem>> -> memref<128xi32, #tpu.memory_space<vmem>>
    %dma_start3A_92 = arith.constant 0 : i32
    %dma_start3A_93 = arith.constant 0 : i32
    %dma_start3A_94 = tpu.memref_slice %arg4[%dma_start3A_92, %dma_start3A_93] : memref<100000x128xf32, #tpu.memory_space<hbm>> -> memref<100000x128xf32, #tpu.memory_space<hbm>>
    tpu.enqueue_indirect_dma source(%dma_start3A_94 : memref<100000x128xf32, #tpu.memory_space<hbm>>) target(%dma_start3A_88 : memref<128x128xf32, #tpu.memory_space<vmem>>) offsets(%dma_start3A_91 : memref<128xi32, #tpu.memory_space<vmem>>) semaphore(%arg12 : memref<!tpu.dma_semaphore, #tpu.memory_space<semaphore_mem>>)
    %dma_start3A_95 = arith.constant 0 : i32
    %dma_start3A_96 = arith.constant 0 : i32
    %dma_start3A_97 = arith.constant 0 : i32
    %dma_start3A_98 = arith.constant 0 : i32
    %dma_start3A_99 = tpu.memref_slice %arg10[%dma_start3A_96, %dma_start3A_97, %dma_start3A_98] : memref<3x128x128xf32, #tpu.memory_space<vmem>> -> memref<1x128x128xf32, #tpu.memory_space<vmem>>
    %dma_start3A_100 = tpu.memref_squeeze %dma_start3A_99 : memref<1x128x128xf32, #tpu.memory_space<vmem>> -> memref<128x128xf32, #tpu.memory_space<vmem>>
    %dma_start3A_101 = arith.constant 0 : i32
    %dma_start3A_102 = tpu.memref_slice %arg8[%dma_start3A_95, %dma_start3A_101] : memref<4x128xi32, #tpu.memory_space<vmem>> -> memref<1x128xi32, #tpu.memory_space<vmem>>
    %dma_start3A_103 = tpu.memref_squeeze %dma_start3A_102 : memref<1x128xi32, #tpu.memory_space<vmem>> -> memref<128xi32, #tpu.memory_space<vmem>>
    %dma_start3A_104 = arith.constant 0 : i32
    %dma_start3A_105 = arith.constant 0 : i32
    %dma_start3A_106 = tpu.memref_slice %arg5[%dma_start3A_104, %dma_start3A_105] : memref<100000x128xf32, #tpu.memory_space<hbm>> -> memref<100000x128xf32, #tpu.memory_space<hbm>>
    tpu.enqueue_indirect_dma source(%dma_start3A_106 : memref<100000x128xf32, #tpu.memory_space<hbm>>) target(%dma_start3A_100 : memref<128x128xf32, #tpu.memory_space<vmem>>) offsets(%dma_start3A_103 : memref<128xi32, #tpu.memory_space<vmem>>) semaphore(%arg13 : memref<!tpu.dma_semaphore, #tpu.memory_space<semaphore_mem>>)
    %dma_wait3A_107 = arith.constant 1 : i32
    %dma_wait3A_108 = arith.constant 0 : i32
    %dma_wait3A_109 = tpu.memref_slice %arg7[%dma_wait3A_107, %dma_wait3A_108] : memref<4x128xi32, #tpu.memory_space<vmem>> -> memref<3x128xi32, #tpu.memory_space<vmem>>
    %dma_wait3A_110 = arith.constant 1 : i32
    %dma_wait3A_111 = arith.constant 0 : i32
    %dma_wait3A_112 = tpu.memref_slice %arg2[%add3A, %dma_wait3A_110, %dma_wait3A_111] : memref<32x4x128xi32, #tpu.memory_space<hbm>> -> memref<1x3x128xi32, #tpu.memory_space<hbm>>
    %dma_wait3A_113 = tpu.memref_squeeze %dma_wait3A_112 : memref<1x3x128xi32, #tpu.memory_space<hbm>> -> memref<3x128xi32, #tpu.memory_space<hbm>>
    %dma_wait3A_114 = arith.constant 1 : i32
    %dma_wait3A_115 = arith.constant 0 : i32
    %dma_wait3A_116 = tpu.memref_slice %arg7[%dma_wait3A_114, %dma_wait3A_115] : memref<4x128xi32, #tpu.memory_space<vmem>> -> memref<3x128xi32, #tpu.memory_space<vmem>>
    %dma_wait3A_117 = arith.constant 1 : i32
    %dma_wait3A_118 = arith.constant 0 : i32
    %dma_wait3A_119 = tpu.memref_slice %arg2[%add3A, %dma_wait3A_117, %dma_wait3A_118] : memref<32x4x128xi32, #tpu.memory_space<hbm>> -> memref<1x3x128xi32, #tpu.memory_space<hbm>>
    %dma_wait3A_120 = tpu.memref_squeeze %dma_wait3A_119 : memref<1x3x128xi32, #tpu.memory_space<hbm>> -> memref<3x128xi32, #tpu.memory_space<hbm>>
    tpu.wait_dma2 semaphore(%arg15 : memref<!tpu.dma_semaphore, #tpu.memory_space<semaphore_mem>>) src(%dma_wait3A_120 : memref<3x128xi32, #tpu.memory_space<hbm>>) dst(%dma_wait3A_116 : memref<3x128xi32, #tpu.memory_space<vmem>>)
    %dma_wait3A_121 = arith.constant 1 : i32
    %dma_wait3A_122 = arith.constant 0 : i32
    %dma_wait3A_123 = tpu.memref_slice %arg8[%dma_wait3A_121, %dma_wait3A_122] : memref<4x128xi32, #tpu.memory_space<vmem>> -> memref<3x128xi32, #tpu.memory_space<vmem>>
    %dma_wait3A_124 = arith.constant 1 : i32
    %dma_wait3A_125 = arith.constant 0 : i32
    %dma_wait3A_126 = tpu.memref_slice %arg3[%add3A, %dma_wait3A_124, %dma_wait3A_125] : memref<32x4x128xi32, #tpu.memory_space<hbm>> -> memref<1x3x128xi32, #tpu.memory_space<hbm>>
    %dma_wait3A_127 = tpu.memref_squeeze %dma_wait3A_126 : memref<1x3x128xi32, #tpu.memory_space<hbm>> -> memref<3x128xi32, #tpu.memory_space<hbm>>
    %dma_wait3A_128 = arith.constant 1 : i32
    %dma_wait3A_129 = arith.constant 0 : i32
    %dma_wait3A_130 = tpu.memref_slice %arg8[%dma_wait3A_128, %dma_wait3A_129] : memref<4x128xi32, #tpu.memory_space<vmem>> -> memref<3x128xi32, #tpu.memory_space<vmem>>
    %dma_wait3A_131 = arith.constant 1 : i32
    %dma_wait3A_132 = arith.constant 0 : i32
    %dma_wait3A_133 = tpu.memref_slice %arg3[%add3A, %dma_wait3A_131, %dma_wait3A_132] : memref<32x4x128xi32, #tpu.memory_space<hbm>> -> memref<1x3x128xi32, #tpu.memory_space<hbm>>
    %dma_wait3A_134 = tpu.memref_squeeze %dma_wait3A_133 : memref<1x3x128xi32, #tpu.memory_space<hbm>> -> memref<3x128xi32, #tpu.memory_space<hbm>>
    tpu.wait_dma2 semaphore(%arg15 : memref<!tpu.dma_semaphore, #tpu.memory_space<semaphore_mem>>) src(%dma_wait3A_134 : memref<3x128xi32, #tpu.memory_space<hbm>>) dst(%dma_wait3A_130 : memref<3x128xi32, #tpu.memory_space<vmem>>)
    %dma_start3A_135 = arith.constant 1 : i32
    %dma_start3A_136 = arith.constant 1 : i32
    %dma_start3A_137 = arith.constant 0 : i32
    %dma_start3A_138 = arith.constant 0 : i32
    %dma_start3A_139 = tpu.memref_slice %arg9[%dma_start3A_136, %dma_start3A_137, %dma_start3A_138] : memref<3x128x128xf32, #tpu.memory_space<vmem>> -> memref<1x128x128xf32, #tpu.memory_space<vmem>>
    %dma_start3A_140 = tpu.memref_squeeze %dma_start3A_139 : memref<1x128x128xf32, #tpu.memory_space<vmem>> -> memref<128x128xf32, #tpu.memory_space<vmem>>
    %dma_start3A_141 = arith.constant 0 : i32
    %dma_start3A_142 = tpu.memref_slice %arg7[%dma_start3A_135, %dma_start3A_141] : memref<4x128xi32, #tpu.memory_space<vmem>> -> memref<1x128xi32, #tpu.memory_space<vmem>>
    %dma_start3A_143 = tpu.memref_squeeze %dma_start3A_142 : memref<1x128xi32, #tpu.memory_space<vmem>> -> memref<128xi32, #tpu.memory_space<vmem>>
    %dma_start3A_144 = arith.constant 0 : i32
    %dma_start3A_145 = arith.constant 0 : i32
    %dma_start3A_146 = tpu.memref_slice %arg4[%dma_start3A_144, %dma_start3A_145] : memref<100000x128xf32, #tpu.memory_space<hbm>> -> memref<100000x128xf32, #tpu.memory_space<hbm>>
    tpu.enqueue_indirect_dma source(%dma_start3A_146 : memref<100000x128xf32, #tpu.memory_space<hbm>>) target(%dma_start3A_140 : memref<128x128xf32, #tpu.memory_space<vmem>>) offsets(%dma_start3A_143 : memref<128xi32, #tpu.memory_space<vmem>>) semaphore(%arg12 : memref<!tpu.dma_semaphore, #tpu.memory_space<semaphore_mem>>)
    %dma_start3A_147 = arith.constant 1 : i32
    %dma_start3A_148 = arith.constant 1 : i32
    %dma_start3A_149 = arith.constant 0 : i32
    %dma_start3A_150 = arith.constant 0 : i32
    %dma_start3A_151 = tpu.memref_slice %arg10[%dma_start3A_148, %dma_start3A_149, %dma_start3A_150] : memref<3x128x128xf32, #tpu.memory_space<vmem>> -> memref<1x128x128xf32, #tpu.memory_space<vmem>>
    %dma_start3A_152 = tpu.memref_squeeze %dma_start3A_151 : memref<1x128x128xf32, #tpu.memory_space<vmem>> -> memref<128x128xf32, #tpu.memory_space<vmem>>
    %dma_start3A_153 = arith.constant 0 : i32
    %dma_start3A_154 = tpu.memref_slice %arg8[%dma_start3A_147, %dma_start3A_153] : memref<4x128xi32, #tpu.memory_space<vmem>> -> memref<1x128xi32, #tpu.memory_space<vmem>>
    %dma_start3A_155 = tpu.memref_squeeze %dma_start3A_154 : memref<1x128xi32, #tpu.memory_space<vmem>> -> memref<128xi32, #tpu.memory_space<vmem>>
    %dma_start3A_156 = arith.constant 0 : i32
    %dma_start3A_157 = arith.constant 0 : i32
    %dma_start3A_158 = tpu.memref_slice %arg5[%dma_start3A_156, %dma_start3A_157] : memref<100000x128xf32, #tpu.memory_space<hbm>> -> memref<100000x128xf32, #tpu.memory_space<hbm>>
    tpu.enqueue_indirect_dma source(%dma_start3A_158 : memref<100000x128xf32, #tpu.memory_space<hbm>>) target(%dma_start3A_152 : memref<128x128xf32, #tpu.memory_space<vmem>>) offsets(%dma_start3A_155 : memref<128xi32, #tpu.memory_space<vmem>>) semaphore(%arg13 : memref<!tpu.dma_semaphore, #tpu.memory_space<semaphore_mem>>)
    %iota3A = tpu.iota {dimensions = array<i32: 0>} : vector<16xi32>
    %dma_start3A_159 = arith.constant 2 : i32
    %dma_start3A_160 = arith.constant 2 : i32
    %dma_start3A_161 = arith.constant 0 : i32
    %dma_start3A_162 = arith.constant 0 : i32
    %dma_start3A_163 = tpu.memref_slice %arg9[%dma_start3A_160, %dma_start3A_161, %dma_start3A_162] : memref<3x128x128xf32, #tpu.memory_space<vmem>> -> memref<1x128x128xf32, #tpu.memory_space<vmem>>
    %dma_start3A_164 = tpu.memref_squeeze %dma_start3A_163 : memref<1x128x128xf32, #tpu.memory_space<vmem>> -> memref<128x128xf32, #tpu.memory_space<vmem>>
    %dma_start3A_165 = arith.constant 0 : i32
    %dma_start3A_166 = tpu.memref_slice %arg7[%dma_start3A_159, %dma_start3A_165] : memref<4x128xi32, #tpu.memory_space<vmem>> -> memref<1x128xi32, #tpu.memory_space<vmem>>
    %dma_start3A_167 = tpu.memref_squeeze %dma_start3A_166 : memref<1x128xi32, #tpu.memory_space<vmem>> -> memref<128xi32, #tpu.memory_space<vmem>>
    %dma_start3A_168 = arith.constant 0 : i32
    %dma_start3A_169 = arith.constant 0 : i32
    %dma_start3A_170 = tpu.memref_slice %arg4[%dma_start3A_168, %dma_start3A_169] : memref<100000x128xf32, #tpu.memory_space<hbm>> -> memref<100000x128xf32, #tpu.memory_space<hbm>>
    tpu.enqueue_indirect_dma source(%dma_start3A_170 : memref<100000x128xf32, #tpu.memory_space<hbm>>) target(%dma_start3A_164 : memref<128x128xf32, #tpu.memory_space<vmem>>) offsets(%dma_start3A_167 : memref<128xi32, #tpu.memory_space<vmem>>) semaphore(%arg12 : memref<!tpu.dma_semaphore, #tpu.memory_space<semaphore_mem>>)
    %dma_start3A_171 = arith.constant 2 : i32
    %dma_start3A_172 = arith.constant 2 : i32
    %dma_start3A_173 = arith.constant 0 : i32
    %dma_start3A_174 = arith.constant 0 : i32
    %dma_start3A_175 = tpu.memref_slice %arg10[%dma_start3A_172, %dma_start3A_173, %dma_start3A_174] : memref<3x128x128xf32, #tpu.memory_space<vmem>> -> memref<1x128x128xf32, #tpu.memory_space<vmem>>
    %dma_start3A_176 = tpu.memref_squeeze %dma_start3A_175 : memref<1x128x128xf32, #tpu.memory_space<vmem>> -> memref<128x128xf32, #tpu.memory_space<vmem>>
    %dma_start3A_177 = arith.constant 0 : i32
    %dma_start3A_178 = tpu.memref_slice %arg8[%dma_start3A_171, %dma_start3A_177] : memref<4x128xi32, #tpu.memory_space<vmem>> -> memref<1x128xi32, #tpu.memory_space<vmem>>
    %dma_start3A_179 = tpu.memref_squeeze %dma_start3A_178 : memref<1x128xi32, #tpu.memory_space<vmem>> -> memref<128xi32, #tpu.memory_space<vmem>>
    %dma_start3A_180 = arith.constant 0 : i32
    %dma_start3A_181 = arith.constant 0 : i32
    %dma_start3A_182 = tpu.memref_slice %arg5[%dma_start3A_180, %dma_start3A_181] : memref<100000x128xf32, #tpu.memory_space<hbm>> -> memref<100000x128xf32, #tpu.memory_space<hbm>>
    tpu.enqueue_indirect_dma source(%dma_start3A_182 : memref<100000x128xf32, #tpu.memory_space<hbm>>) target(%dma_start3A_176 : memref<128x128xf32, #tpu.memory_space<vmem>>) offsets(%dma_start3A_179 : memref<128xi32, #tpu.memory_space<vmem>>) semaphore(%arg13 : memref<!tpu.dma_semaphore, #tpu.memory_space<semaphore_mem>>)
    %dma_wait3A_183 = arith.constant 0 : i32
    %dma_wait3A_184 = arith.constant 0 : i32
    %dma_wait3A_185 = arith.constant 0 : i32
    %dma_wait3A_186 = arith.constant 0 : i32
    %dma_wait3A_187 = tpu.memref_slice %arg9[%dma_wait3A_184, %dma_wait3A_185, %dma_wait3A_186] : memref<3x128x128xf32, #tpu.memory_space<vmem>> -> memref<1x128x128xf32, #tpu.memory_space<vmem>>
    %dma_wait3A_188 = tpu.memref_squeeze %dma_wait3A_187 : memref<1x128x128xf32, #tpu.memory_space<vmem>> -> memref<128x128xf32, #tpu.memory_space<vmem>>
    %dma_wait3A_189 = arith.constant 0 : i32
    %dma_wait3A_190 = tpu.memref_slice %arg7[%dma_wait3A_183, %dma_wait3A_189] : memref<4x128xi32, #tpu.memory_space<vmem>> -> memref<1x128xi32, #tpu.memory_space<vmem>>
    %dma_wait3A_191 = tpu.memref_squeeze %dma_wait3A_190 : memref<1x128xi32, #tpu.memory_space<vmem>> -> memref<128xi32, #tpu.memory_space<vmem>>
    %dma_wait3A_192 = arith.constant 0 : i32
    %dma_wait3A_193 = arith.constant 0 : i32
    %dma_wait3A_194 = tpu.memref_slice %arg4[%dma_wait3A_192, %dma_wait3A_193] : memref<100000x128xf32, #tpu.memory_space<hbm>> -> memref<100000x128xf32, #tpu.memory_space<hbm>>
    tpu.wait_indirect_dma semaphore(%arg12 : memref<!tpu.dma_semaphore, #tpu.memory_space<semaphore_mem>>) src(%dma_wait3A_194 : memref<100000x128xf32, #tpu.memory_space<hbm>>) dst(%dma_wait3A_188 : memref<128x128xf32, #tpu.memory_space<vmem>>)
    %dma_wait3A_195 = arith.constant 0 : i32
    %dma_wait3A_196 = arith.constant 0 : i32
    %dma_wait3A_197 = arith.constant 0 : i32
    %dma_wait3A_198 = arith.constant 0 : i32
    %dma_wait3A_199 = tpu.memref_slice %arg10[%dma_wait3A_196, %dma_wait3A_197, %dma_wait3A_198] : memref<3x128x128xf32, #tpu.memory_space<vmem>> -> memref<1x128x128xf32, #tpu.memory_space<vmem>>
    %dma_wait3A_200 = tpu.memref_squeeze %dma_wait3A_199 : memref<1x128x128xf32, #tpu.memory_space<vmem>> -> memref<128x128xf32, #tpu.memory_space<vmem>>
    %dma_wait3A_201 = arith.constant 0 : i32
    %dma_wait3A_202 = tpu.memref_slice %arg8[%dma_wait3A_195, %dma_wait3A_201] : memref<4x128xi32, #tpu.memory_space<vmem>> -> memref<1x128xi32, #tpu.memory_space<vmem>>
    %dma_wait3A_203 = tpu.memref_squeeze %dma_wait3A_202 : memref<1x128xi32, #tpu.memory_space<vmem>> -> memref<128xi32, #tpu.memory_space<vmem>>
    %dma_wait3A_204 = arith.constant 0 : i32
    %dma_wait3A_205 = arith.constant 0 : i32
    %dma_wait3A_206 = tpu.memref_slice %arg5[%dma_wait3A_204, %dma_wait3A_205] : memref<100000x128xf32, #tpu.memory_space<hbm>> -> memref<100000x128xf32, #tpu.memory_space<hbm>>
    tpu.wait_indirect_dma semaphore(%arg13 : memref<!tpu.dma_semaphore, #tpu.memory_space<semaphore_mem>>) src(%dma_wait3A_206 : memref<100000x128xf32, #tpu.memory_space<hbm>>) dst(%dma_wait3A_200 : memref<128x128xf32, #tpu.memory_space<vmem>>)
    %scan3A = arith.constant 0 : i32
    %scan3A_207 = arith.constant 0 : i32
    %scan3A_208 = arith.constant 8 : i32
    %scan3A_209 = arith.addi %scan3A_207, %scan3A_208 : i32
    %scan3A_210 = arith.constant 1 : i32
    %scan3A_211 = scf.for %scan3A_394 = %scan3A_207 to %scan3A_209 step %scan3A_210 iter_args(%scan3A_395 = %scan3A) -> (i32)  : i32 {
      %broadcast_in_dim3A = arith.constant 0.000000e+00 : f32
      %broadcast_in_dim3A_396 = vector.broadcast %broadcast_in_dim3A : f32 to vector<16xf32>
      %scan3A_397 = arith.constant 0 : i32
      %scan3A_398 = arith.constant 4 : i32
      %scan3A_399 = arith.addi %scan3A_397, %scan3A_398 : i32
      %scan3A_400 = arith.constant 1 : i32
      %scan3A_401 = scf.for %scan3A_411 = %scan3A_397 to %scan3A_399 step %scan3A_400 iter_args(%scan3A_412 = %broadcast_in_dim3A_396) -> (vector<16xf32>)  : i32 {
        %mul3A_413 = arith.constant 16 : i32
        %mul3A_414 = arith.muli %scan3A_394, %mul3A_413 : i32
        %mul3A_415 = arith.constant 4 : i32
        %mul3A_416 = arith.muli %scan3A_411, %mul3A_415 : i32
        %add3A_417 = arith.addi %mul3A_414, %mul3A_416 : i32
        %add3A_418 = arith.constant 0 : i32
        %add3A_419 = arith.addi %add3A_417, %add3A_418 : i32
        %get3A = arith.constant 0 : i32
        %get3A_420 = arith.index_cast %get3A : i32 to index
        %get3A_421 = arith.index_cast %add3A_419 : i32 to index
        %get3A_422 = arith.constant 0 : index
        %get3A_423 = tpu.vector_load %arg9[%get3A_420, %get3A_421, %get3A_422] {strides = array<i32>} : memref<3x128x128xf32, #tpu.memory_space<vmem>>, vector<1x1x16xf32>,
        %get3A_424 = vector.shape_cast %get3A_423 : vector<1x1x16xf32> to vector<16xf32>
        %get3A_425 = arith.constant 0 : i32
        %get3A_426 = arith.index_cast %get3A_425 : i32 to index
        %get3A_427 = arith.index_cast %add3A_419 : i32 to index
        %get3A_428 = arith.constant 0 : index
        %get3A_429 = tpu.vector_load %arg10[%get3A_426, %get3A_427, %get3A_428] {strides = array<i32>} : memref<3x128x128xf32, #tpu.memory_space<vmem>>, vector<1x1x16xf32>,
        %get3A_430 = vector.shape_cast %get3A_429 : vector<1x1x16xf32> to vector<16xf32>
        %mul3A_431 = arith.mulf %get3A_424, %get3A_430 : vector<16xf32>
        %get3A_432 = arith.constant 0 : i32
        %get3A_433 = arith.index_cast %get3A_432 : i32 to index
        %get3A_434 = arith.index_cast %add3A_419 : i32 to index
        %get3A_435 = arith.constant 16 : index
        %get3A_436 = tpu.vector_load %arg9[%get3A_433, %get3A_434, %get3A_435] {strides = array<i32>} : memref<3x128x128xf32, #tpu.memory_space<vmem>>, vector<1x1x16xf32>,
        %get3A_437 = vector.shape_cast %get3A_436 : vector<1x1x16xf32> to vector<16xf32>
        %get3A_438 = arith.constant 0 : i32
        %get3A_439 = arith.index_cast %get3A_438 : i32 to index
        %get3A_440 = arith.index_cast %add3A_419 : i32 to index
        %get3A_441 = arith.constant 16 : index
        %get3A_442 = tpu.vector_load %arg10[%get3A_439, %get3A_440, %get3A_441] {strides = array<i32>} : memref<3x128x128xf32, #tpu.memory_space<vmem>>, vector<1x1x16xf32>,
        %get3A_443 = vector.shape_cast %get3A_442 : vector<1x1x16xf32> to vector<16xf32>
        %mul3A_444 = arith.mulf %get3A_437, %get3A_443 : vector<16xf32>
        %add3A_445 = arith.addf %mul3A_431, %mul3A_444 : vector<16xf32>
        %get3A_446 = arith.constant 0 : i32
        %get3A_447 = arith.index_cast %get3A_446 : i32 to index
        %get3A_448 = arith.index_cast %add3A_419 : i32 to index
        %get3A_449 = arith.constant 32 : index
        %get3A_450 = tpu.vector_load %arg9[%get3A_447, %get3A_448, %get3A_449] {strides = array<i32>} : memref<3x128x128xf32, #tpu.memory_space<vmem>>, vector<1x1x16xf32>,
        %get3A_451 = vector.shape_cast %get3A_450 : vector<1x1x16xf32> to vector<16xf32>
        %get3A_452 = arith.constant 0 : i32
        %get3A_453 = arith.index_cast %get3A_452 : i32 to index
        %get3A_454 = arith.index_cast %add3A_419 : i32 to index
        %get3A_455 = arith.constant 32 : index
        %get3A_456 = tpu.vector_load %arg10[%get3A_453, %get3A_454, %get3A_455] {strides = array<i32>} : memref<3x128x128xf32, #tpu.memory_space<vmem>>, vector<1x1x16xf32>,
        %get3A_457 = vector.shape_cast %get3A_456 : vector<1x1x16xf32> to vector<16xf32>
        %mul3A_458 = arith.mulf %get3A_451, %get3A_457 : vector<16xf32>
        %add3A_459 = arith.addf %add3A_445, %mul3A_458 : vector<16xf32>
        %get3A_460 = arith.constant 0 : i32
        %get3A_461 = arith.index_cast %get3A_460 : i32 to index
        %get3A_462 = arith.index_cast %add3A_419 : i32 to index
        %get3A_463 = arith.constant 48 : index
        %get3A_464 = tpu.vector_load %arg9[%get3A_461, %get3A_462, %get3A_463] {strides = array<i32>} : memref<3x128x128xf32, #tpu.memory_space<vmem>>, vector<1x1x16xf32>,
        %get3A_465 = vector.shape_cast %get3A_464 : vector<1x1x16xf32> to vector<16xf32>
        %get3A_466 = arith.constant 0 : i32
        %get3A_467 = arith.index_cast %get3A_466 : i32 to index
        %get3A_468 = arith.index_cast %add3A_419 : i32 to index
        %get3A_469 = arith.constant 48 : index
        %get3A_470 = tpu.vector_load %arg10[%get3A_467, %get3A_468, %get3A_469] {strides = array<i32>} : memref<3x128x128xf32, #tpu.memory_space<vmem>>, vector<1x1x16xf32>,
        %get3A_471 = vector.shape_cast %get3A_470 : vector<1x1x16xf32> to vector<16xf32>
        %mul3A_472 = arith.mulf %get3A_465, %get3A_471 : vector<16xf32>
        %add3A_473 = arith.addf %add3A_459, %mul3A_472 : vector<16xf32>
        %get3A_474 = arith.constant 0 : i32
        %get3A_475 = arith.index_cast %get3A_474 : i32 to index
        %get3A_476 = arith.index_cast %add3A_419 : i32 to index
        %get3A_477 = arith.constant 64 : index
        %get3A_478 = tpu.vector_load %arg9[%get3A_475, %get3A_476, %get3A_477] {strides = array<i32>} : memref<3x128x128xf32, #tpu.memory_space<vmem>>, vector<1x1x16xf32>,
        %get3A_479 = vector.shape_cast %get3A_478 : vector<1x1x16xf32> to vector<16xf32>
        %get3A_480 = arith.constant 0 : i32
        %get3A_481 = arith.index_cast %get3A_480 : i32 to index
        %get3A_482 = arith.index_cast %add3A_419 : i32 to index
        %get3A_483 = arith.constant 64 : index
        %get3A_484 = tpu.vector_load %arg10[%get3A_481, %get3A_482, %get3A_483] {strides = array<i32>} : memref<3x128x128xf32, #tpu.memory_space<vmem>>, vector<1x1x16xf32>,
        %get3A_485 = vector.shape_cast %get3A_484 : vector<1x1x16xf32> to vector<16xf32>
        %mul3A_486 = arith.mulf %get3A_479, %get3A_485 : vector<16xf32>
        %add3A_487 = arith.addf %add3A_473, %mul3A_486 : vector<16xf32>
        %get3A_488 = arith.constant 0 : i32
        %get3A_489 = arith.index_cast %get3A_488 : i32 to index
        %get3A_490 = arith.index_cast %add3A_419 : i32 to index
        %get3A_491 = arith.constant 80 : index
        %get3A_492 = tpu.vector_load %arg9[%get3A_489, %get3A_490, %get3A_491] {strides = array<i32>} : memref<3x128x128xf32, #tpu.memory_space<vmem>>, vector<1x1x16xf32>,
        %get3A_493 = vector.shape_cast %get3A_492 : vector<1x1x16xf32> to vector<16xf32>
        %get3A_494 = arith.constant 0 : i32
        %get3A_495 = arith.index_cast %get3A_494 : i32 to index
        %get3A_496 = arith.index_cast %add3A_419 : i32 to index
        %get3A_497 = arith.constant 80 : index
        %get3A_498 = tpu.vector_load %arg10[%get3A_495, %get3A_496, %get3A_497] {strides = array<i32>} : memref<3x128x128xf32, #tpu.memory_space<vmem>>, vector<1x1x16xf32>,
        %get3A_499 = vector.shape_cast %get3A_498 : vector<1x1x16xf32> to vector<16xf32>
        %mul3A_500 = arith.mulf %get3A_493, %get3A_499 : vector<16xf32>
        %add3A_501 = arith.addf %add3A_487, %mul3A_500 : vector<16xf32>
        %get3A_502 = arith.constant 0 : i32
        %get3A_503 = arith.index_cast %get3A_502 : i32 to index
        %get3A_504 = arith.index_cast %add3A_419 : i32 to index
        %get3A_505 = arith.constant 96 : index
        %get3A_506 = tpu.vector_load %arg9[%get3A_503, %get3A_504, %get3A_505] {strides = array<i32>} : memref<3x128x128xf32, #tpu.memory_space<vmem>>, vector<1x1x16xf32>,
        %get3A_507 = vector.shape_cast %get3A_506 : vector<1x1x16xf32> to vector<16xf32>
        %get3A_508 = arith.constant 0 : i32
        %get3A_509 = arith.index_cast %get3A_508 : i32 to index
        %get3A_510 = arith.index_cast %add3A_419 : i32 to index
        %get3A_511 = arith.constant 96 : index
        %get3A_512 = tpu.vector_load %arg10[%get3A_509, %get3A_510, %get3A_511] {strides = array<i32>} : memref<3x128x128xf32, #tpu.memory_space<vmem>>, vector<1x1x16xf32>,
        %get3A_513 = vector.shape_cast %get3A_512 : vector<1x1x16xf32> to vector<16xf32>
        %mul3A_514 = arith.mulf %get3A_507, %get3A_513 : vector<16xf32>
        %add3A_515 = arith.addf %add3A_501, %mul3A_514 : vector<16xf32>
        %get3A_516 = arith.constant 0 : i32
        %get3A_517 = arith.index_cast %get3A_516 : i32 to index
        %get3A_518 = arith.index_cast %add3A_419 : i32 to index
        %get3A_519 = arith.constant 112 : index
        %get3A_520 = tpu.vector_load %arg9[%get3A_517, %get3A_518, %get3A_519] {strides = array<i32>} : memref<3x128x128xf32, #tpu.memory_space<vmem>>, vector<1x1x16xf32>,
        %get3A_521 = vector.shape_cast %get3A_520 : vector<1x1x16xf32> to vector<16xf32>
        %get3A_522 = arith.constant 0 : i32
        %get3A_523 = arith.index_cast %get3A_522 : i32 to index
        %get3A_524 = arith.index_cast %add3A_419 : i32 to index
        %get3A_525 = arith.constant 112 : index
        %get3A_526 = tpu.vector_load %arg10[%get3A_523, %get3A_524, %get3A_525] {strides = array<i32>} : memref<3x128x128xf32, #tpu.memory_space<vmem>>, vector<1x1x16xf32>,
        %get3A_527 = vector.shape_cast %get3A_526 : vector<1x1x16xf32> to vector<16xf32>
        %mul3A_528 = arith.mulf %get3A_521, %get3A_527 : vector<16xf32>
        %add3A_529 = arith.addf %add3A_515, %mul3A_528 : vector<16xf32>
        %mul3A_530 = arith.constant 16 : i32
        %mul3A_531 = arith.muli %scan3A_394, %mul3A_530 : i32
        %mul3A_532 = arith.constant 4 : i32
        %mul3A_533 = arith.muli %scan3A_411, %mul3A_532 : i32
        %add3A_534 = arith.addi %mul3A_531, %mul3A_533 : i32
        %add3A_535 = arith.constant 1 : i32
        %add3A_536 = arith.addi %add3A_534, %add3A_535 : i32
        %get3A_537 = arith.constant 0 : i32
        %get3A_538 = arith.index_cast %get3A_537 : i32 to index
        %get3A_539 = arith.index_cast %add3A_536 : i32 to index
        %get3A_540 = arith.constant 0 : index
        %get3A_541 = tpu.vector_load %arg9[%get3A_538, %get3A_539, %get3A_540] {strides = array<i32>} : memref<3x128x128xf32, #tpu.memory_space<vmem>>, vector<1x1x16xf32>,
        %get3A_542 = vector.shape_cast %get3A_541 : vector<1x1x16xf32> to vector<16xf32>
        %get3A_543 = arith.constant 0 : i32
        %get3A_544 = arith.index_cast %get3A_543 : i32 to index
        %get3A_545 = arith.index_cast %add3A_536 : i32 to index
        %get3A_546 = arith.constant 0 : index
        %get3A_547 = tpu.vector_load %arg10[%get3A_544, %get3A_545, %get3A_546] {strides = array<i32>} : memref<3x128x128xf32, #tpu.memory_space<vmem>>, vector<1x1x16xf32>,
        %get3A_548 = vector.shape_cast %get3A_547 : vector<1x1x16xf32> to vector<16xf32>
        %mul3A_549 = arith.mulf %get3A_542, %get3A_548 : vector<16xf32>
        %get3A_550 = arith.constant 0 : i32
        %get3A_551 = arith.index_cast %get3A_550 : i32 to index
        %get3A_552 = arith.index_cast %add3A_536 : i32 to index
        %get3A_553 = arith.constant 16 : index
        %get3A_554 = tpu.vector_load %arg9[%get3A_551, %get3A_552, %get3A_553] {strides = array<i32>} : memref<3x128x128xf32, #tpu.memory_space<vmem>>, vector<1x1x16xf32>,
        %get3A_555 = vector.shape_cast %get3A_554 : vector<1x1x16xf32> to vector<16xf32>
        %get3A_556 = arith.constant 0 : i32
        %get3A_557 = arith.index_cast %get3A_556 : i32 to index
        %get3A_558 = arith.index_cast %add3A_536 : i32 to index
        %get3A_559 = arith.constant 16 : index
        %get3A_560 = tpu.vector_load %arg10[%get3A_557, %get3A_558, %get3A_559] {strides = array<i32>} : memref<3x128x128xf32, #tpu.memory_space<vmem>>, vector<1x1x16xf32>,
        %get3A_561 = vector.shape_cast %get3A_560 : vector<1x1x16xf32> to vector<16xf32>
        %mul3A_562 = arith.mulf %get3A_555, %get3A_561 : vector<16xf32>
        %add3A_563 = arith.addf %mul3A_549, %mul3A_562 : vector<16xf32>
        %get3A_564 = arith.constant 0 : i32
        %get3A_565 = arith.index_cast %get3A_564 : i32 to index
        %get3A_566 = arith.index_cast %add3A_536 : i32 to index
        %get3A_567 = arith.constant 32 : index
        %get3A_568 = tpu.vector_load %arg9[%get3A_565, %get3A_566, %get3A_567] {strides = array<i32>} : memref<3x128x128xf32, #tpu.memory_space<vmem>>, vector<1x1x16xf32>,
        %get3A_569 = vector.shape_cast %get3A_568 : vector<1x1x16xf32> to vector<16xf32>
        %get3A_570 = arith.constant 0 : i32
        %get3A_571 = arith.index_cast %get3A_570 : i32 to index
        %get3A_572 = arith.index_cast %add3A_536 : i32 to index
        %get3A_573 = arith.constant 32 : index
        %get3A_574 = tpu.vector_load %arg10[%get3A_571, %get3A_572, %get3A_573] {strides = array<i32>} : memref<3x128x128xf32, #tpu.memory_space<vmem>>, vector<1x1x16xf32>,
        %get3A_575 = vector.shape_cast %get3A_574 : vector<1x1x16xf32> to vector<16xf32>
        %mul3A_576 = arith.mulf %get3A_569, %get3A_575 : vector<16xf32>
        %add3A_577 = arith.addf %add3A_563, %mul3A_576 : vector<16xf32>
        %get3A_578 = arith.constant 0 : i32
        %get3A_579 = arith.index_cast %get3A_578 : i32 to index
        %get3A_580 = arith.index_cast %add3A_536 : i32 to index
        %get3A_581 = arith.constant 48 : index
        %get3A_582 = tpu.vector_load %arg9[%get3A_579, %get3A_580, %get3A_581] {strides = array<i32>} : memref<3x128x128xf32, #tpu.memory_space<vmem>>, vector<1x1x16xf32>,
        %get3A_583 = vector.shape_cast %get3A_582 : vector<1x1x16xf32> to vector<16xf32>
        %get3A_584 = arith.constant 0 : i32
        %get3A_585 = arith.index_cast %get3A_584 : i32 to index
        %get3A_586 = arith.index_cast %add3A_536 : i32 to index
        %get3A_587 = arith.constant 48 : index
        %get3A_588 = tpu.vector_load %arg10[%get3A_585, %get3A_586, %get3A_587] {strides = array<i32>} : memref<3x128x128xf32, #tpu.memory_space<vmem>>, vector<1x1x16xf32>,
        %get3A_589 = vector.shape_cast %get3A_588 : vector<1x1x16xf32> to vector<16xf32>
        %mul3A_590 = arith.mulf %get3A_583, %get3A_589 : vector<16xf32>
        %add3A_591 = arith.addf %add3A_577, %mul3A_590 : vector<16xf32>
        %get3A_592 = arith.constant 0 : i32
        %get3A_593 = arith.index_cast %get3A_592 : i32 to index
        %get3A_594 = arith.index_cast %add3A_536 : i32 to index
        %get3A_595 = arith.constant 64 : index
        %get3A_596 = tpu.vector_load %arg9[%get3A_593, %get3A_594, %get3A_595] {strides = array<i32>} : memref<3x128x128xf32, #tpu.memory_space<vmem>>, vector<1x1x16xf32>,
        %get3A_597 = vector.shape_cast %get3A_596 : vector<1x1x16xf32> to vector<16xf32>
        %get3A_598 = arith.constant 0 : i32
        %get3A_599 = arith.index_cast %get3A_598 : i32 to index
        %get3A_600 = arith.index_cast %add3A_536 : i32 to index
        %get3A_601 = arith.constant 64 : index
        %get3A_602 = tpu.vector_load %arg10[%get3A_599, %get3A_600, %get3A_601] {strides = array<i32>} : memref<3x128x128xf32, #tpu.memory_space<vmem>>, vector<1x1x16xf32>,
        %get3A_603 = vector.shape_cast %get3A_602 : vector<1x1x16xf32> to vector<16xf32>
        %mul3A_604 = arith.mulf %get3A_597, %get3A_603 : vector<16xf32>
        %add3A_605 = arith.addf %add3A_591, %mul3A_604 : vector<16xf32>
        %get3A_606 = arith.constant 0 : i32
        %get3A_607 = arith.index_cast %get3A_606 : i32 to index
        %get3A_608 = arith.index_cast %add3A_536 : i32 to index
        %get3A_609 = arith.constant 80 : index
        %get3A_610 = tpu.vector_load %arg9[%get3A_607, %get3A_608, %get3A_609] {strides = array<i32>} : memref<3x128x128xf32, #tpu.memory_space<vmem>>, vector<1x1x16xf32>,
        %get3A_611 = vector.shape_cast %get3A_610 : vector<1x1x16xf32> to vector<16xf32>
        %get3A_612 = arith.constant 0 : i32
        %get3A_613 = arith.index_cast %get3A_612 : i32 to index
        %get3A_614 = arith.index_cast %add3A_536 : i32 to index
        %get3A_615 = arith.constant 80 : index
        %get3A_616 = tpu.vector_load %arg10[%get3A_613, %get3A_614, %get3A_615] {strides = array<i32>} : memref<3x128x128xf32, #tpu.memory_space<vmem>>, vector<1x1x16xf32>,
        %get3A_617 = vector.shape_cast %get3A_616 : vector<1x1x16xf32> to vector<16xf32>
        %mul3A_618 = arith.mulf %get3A_611, %get3A_617 : vector<16xf32>
        %add3A_619 = arith.addf %add3A_605, %mul3A_618 : vector<16xf32>
        %get3A_620 = arith.constant 0 : i32
        %get3A_621 = arith.index_cast %get3A_620 : i32 to index
        %get3A_622 = arith.index_cast %add3A_536 : i32 to index
        %get3A_623 = arith.constant 96 : index
        %get3A_624 = tpu.vector_load %arg9[%get3A_621, %get3A_622, %get3A_623] {strides = array<i32>} : memref<3x128x128xf32, #tpu.memory_space<vmem>>, vector<1x1x16xf32>,
        %get3A_625 = vector.shape_cast %get3A_624 : vector<1x1x16xf32> to vector<16xf32>
        %get3A_626 = arith.constant 0 : i32
        %get3A_627 = arith.index_cast %get3A_626 : i32 to index
        %get3A_628 = arith.index_cast %add3A_536 : i32 to index
        %get3A_629 = arith.constant 96 : index
        %get3A_630 = tpu.vector_load %arg10[%get3A_627, %get3A_628, %get3A_629] {strides = array<i32>} : memref<3x128x128xf32, #tpu.memory_space<vmem>>, vector<1x1x16xf32>,
        %get3A_631 = vector.shape_cast %get3A_630 : vector<1x1x16xf32> to vector<16xf32>
        %mul3A_632 = arith.mulf %get3A_625, %get3A_631 : vector<16xf32>
        %add3A_633 = arith.addf %add3A_619, %mul3A_632 : vector<16xf32>
        %get3A_634 = arith.constant 0 : i32
        %get3A_635 = arith.index_cast %get3A_634 : i32 to index
        %get3A_636 = arith.index_cast %add3A_536 : i32 to index
        %get3A_637 = arith.constant 112 : index
        %get3A_638 = tpu.vector_load %arg9[%get3A_635, %get3A_636, %get3A_637] {strides = array<i32>} : memref<3x128x128xf32, #tpu.memory_space<vmem>>, vector<1x1x16xf32>,
        %get3A_639 = vector.shape_cast %get3A_638 : vector<1x1x16xf32> to vector<16xf32>
        %get3A_640 = arith.constant 0 : i32
        %get3A_641 = arith.index_cast %get3A_640 : i32 to index
        %get3A_642 = arith.index_cast %add3A_536 : i32 to index
        %get3A_643 = arith.constant 112 : index
        %get3A_644 = tpu.vector_load %arg10[%get3A_641, %get3A_642, %get3A_643] {strides = array<i32>} : memref<3x128x128xf32, #tpu.memory_space<vmem>>, vector<1x1x16xf32>,
        %get3A_645 = vector.shape_cast %get3A_644 : vector<1x1x16xf32> to vector<16xf32>
        %mul3A_646 = arith.mulf %get3A_639, %get3A_645 : vector<16xf32>
        %add3A_647 = arith.addf %add3A_633, %mul3A_646 : vector<16xf32>
        %mul3A_648 = arith.constant 16 : i32
        %mul3A_649 = arith.muli %scan3A_394, %mul3A_648 : i32
        %mul3A_650 = arith.constant 4 : i32
        %mul3A_651 = arith.muli %scan3A_411, %mul3A_650 : i32
        %add3A_652 = arith.addi %mul3A_649, %mul3A_651 : i32
        %add3A_653 = arith.constant 2 : i32
        %add3A_654 = arith.addi %add3A_652, %add3A_653 : i32
        %get3A_655 = arith.constant 0 : i32
        %get3A_656 = arith.index_cast %get3A_655 : i32 to index
        %get3A_657 = arith.index_cast %add3A_654 : i32 to index
        %get3A_658 = arith.constant 0 : index
        %get3A_659 = tpu.vector_load %arg9[%get3A_656, %get3A_657, %get3A_658] {strides = array<i32>} : memref<3x128x128xf32, #tpu.memory_space<vmem>>, vector<1x1x16xf32>,
        %get3A_660 = vector.shape_cast %get3A_659 : vector<1x1x16xf32> to vector<16xf32>
        %get3A_661 = arith.constant 0 : i32
        %get3A_662 = arith.index_cast %get3A_661 : i32 to index
        %get3A_663 = arith.index_cast %add3A_654 : i32 to index
        %get3A_664 = arith.constant 0 : index
        %get3A_665 = tpu.vector_load %arg10[%get3A_662, %get3A_663, %get3A_664] {strides = array<i32>} : memref<3x128x128xf32, #tpu.memory_space<vmem>>, vector<1x1x16xf32>,
        %get3A_666 = vector.shape_cast %get3A_665 : vector<1x1x16xf32> to vector<16xf32>
        %mul3A_667 = arith.mulf %get3A_660, %get3A_666 : vector<16xf32>
        %get3A_668 = arith.constant 0 : i32
        %get3A_669 = arith.index_cast %get3A_668 : i32 to index
        %get3A_670 = arith.index_cast %add3A_654 : i32 to index
        %get3A_671 = arith.constant 16 : index
        %get3A_672 = tpu.vector_load %arg9[%get3A_669, %get3A_670, %get3A_671] {strides = array<i32>} : memref<3x128x128xf32, #tpu.memory_space<vmem>>, vector<1x1x16xf32>,
        %get3A_673 = vector.shape_cast %get3A_672 : vector<1x1x16xf32> to vector<16xf32>
        %get3A_674 = arith.constant 0 : i32
        %get3A_675 = arith.index_cast %get3A_674 : i32 to index
        %get3A_676 = arith.index_cast %add3A_654 : i32 to index
        %get3A_677 = arith.constant 16 : index
        %get3A_678 = tpu.vector_load %arg10[%get3A_675, %get3A_676, %get3A_677] {strides = array<i32>} : memref<3x128x128xf32, #tpu.memory_space<vmem>>, vector<1x1x16xf32>,
        %get3A_679 = vector.shape_cast %get3A_678 : vector<1x1x16xf32> to vector<16xf32>
        %mul3A_680 = arith.mulf %get3A_673, %get3A_679 : vector<16xf32>
        %add3A_681 = arith.addf %mul3A_667, %mul3A_680 : vector<16xf32>
        %get3A_682 = arith.constant 0 : i32
        %get3A_683 = arith.index_cast %get3A_682 : i32 to index
        %get3A_684 = arith.index_cast %add3A_654 : i32 to index
        %get3A_685 = arith.constant 32 : index
        %get3A_686 = tpu.vector_load %arg9[%get3A_683, %get3A_684, %get3A_685] {strides = array<i32>} : memref<3x128x128xf32, #tpu.memory_space<vmem>>, vector<1x1x16xf32>,
        %get3A_687 = vector.shape_cast %get3A_686 : vector<1x1x16xf32> to vector<16xf32>
        %get3A_688 = arith.constant 0 : i32
        %get3A_689 = arith.index_cast %get3A_688 : i32 to index
        %get3A_690 = arith.index_cast %add3A_654 : i32 to index
        %get3A_691 = arith.constant 32 : index
        %get3A_692 = tpu.vector_load %arg10[%get3A_689, %get3A_690, %get3A_691] {strides = array<i32>} : memref<3x128x128xf32, #tpu.memory_space<vmem>>, vector<1x1x16xf32>,
        %get3A_693 = vector.shape_cast %get3A_692 : vector<1x1x16xf32> to vector<16xf32>
        %mul3A_694 = arith.mulf %get3A_687, %get3A_693 : vector<16xf32>
        %add3A_695 = arith.addf %add3A_681, %mul3A_694 : vector<16xf32>
        %get3A_696 = arith.constant 0 : i32
        %get3A_697 = arith.index_cast %get3A_696 : i32 to index
        %get3A_698 = arith.index_cast %add3A_654 : i32 to index
        %get3A_699 = arith.constant 48 : index
        %get3A_700 = tpu.vector_load %arg9[%get3A_697, %get3A_698, %get3A_699] {strides = array<i32>} : memref<3x128x128xf32, #tpu.memory_space<vmem>>, vector<1x1x16xf32>,
        %get3A_701 = vector.shape_cast %get3A_700 : vector<1x1x16xf32> to vector<16xf32>
        %get3A_702 = arith.constant 0 : i32
        %get3A_703 = arith.index_cast %get3A_702 : i32 to index
        %get3A_704 = arith.index_cast %add3A_654 : i32 to index
        %get3A_705 = arith.constant 48 : index
        %get3A_706 = tpu.vector_load %arg10[%get3A_703, %get3A_704, %get3A_705] {strides = array<i32>} : memref<3x128x128xf32, #tpu.memory_space<vmem>>, vector<1x1x16xf32>,
        %get3A_707 = vector.shape_cast %get3A_706 : vector<1x1x16xf32> to vector<16xf32>
        %mul3A_708 = arith.mulf %get3A_701, %get3A_707 : vector<16xf32>
        %add3A_709 = arith.addf %add3A_695, %mul3A_708 : vector<16xf32>
        %get3A_710 = arith.constant 0 : i32
        %get3A_711 = arith.index_cast %get3A_710 : i32 to index
        %get3A_712 = arith.index_cast %add3A_654 : i32 to index
        %get3A_713 = arith.constant 64 : index
        %get3A_714 = tpu.vector_load %arg9[%get3A_711, %get3A_712, %get3A_713] {strides = array<i32>} : memref<3x128x128xf32, #tpu.memory_space<vmem>>, vector<1x1x16xf32>,
        %get3A_715 = vector.shape_cast %get3A_714 : vector<1x1x16xf32> to vector<16xf32>
        %get3A_716 = arith.constant 0 : i32
        %get3A_717 = arith.index_cast %get3A_716 : i32 to index
        %get3A_718 = arith.index_cast %add3A_654 : i32 to index
        %get3A_719 = arith.constant 64 : index
        %get3A_720 = tpu.vector_load %arg10[%get3A_717, %get3A_718, %get3A_719] {strides = array<i32>} : memref<3x128x128xf32, #tpu.memory_space<vmem>>, vector<1x1x16xf32>,
        %get3A_721 = vector.shape_cast %get3A_720 : vector<1x1x16xf32> to vector<16xf32>
        %mul3A_722 = arith.mulf %get3A_715, %get3A_721 : vector<16xf32>
        %add3A_723 = arith.addf %add3A_709, %mul3A_722 : vector<16xf32>
        %get3A_724 = arith.constant 0 : i32
        %get3A_725 = arith.index_cast %get3A_724 : i32 to index
        %get3A_726 = arith.index_cast %add3A_654 : i32 to index
        %get3A_727 = arith.constant 80 : index
        %get3A_728 = tpu.vector_load %arg9[%get3A_725, %get3A_726, %get3A_727] {strides = array<i32>} : memref<3x128x128xf32, #tpu.memory_space<vmem>>, vector<1x1x16xf32>,
        %get3A_729 = vector.shape_cast %get3A_728 : vector<1x1x16xf32> to vector<16xf32>
        %get3A_730 = arith.constant 0 : i32
        %get3A_731 = arith.index_cast %get3A_730 : i32 to index
        %get3A_732 = arith.index_cast %add3A_654 : i32 to index
        %get3A_733 = arith.constant 80 : index
        %get3A_734 = tpu.vector_load %arg10[%get3A_731, %get3A_732, %get3A_733] {strides = array<i32>} : memref<3x128x128xf32, #tpu.memory_space<vmem>>, vector<1x1x16xf32>,
        %get3A_735 = vector.shape_cast %get3A_734 : vector<1x1x16xf32> to vector<16xf32>
        %mul3A_736 = arith.mulf %get3A_729, %get3A_735 : vector<16xf32>
        %add3A_737 = arith.addf %add3A_723, %mul3A_736 : vector<16xf32>
        %get3A_738 = arith.constant 0 : i32
        %get3A_739 = arith.index_cast %get3A_738 : i32 to index
        %get3A_740 = arith.index_cast %add3A_654 : i32 to index
        %get3A_741 = arith.constant 96 : index
        %get3A_742 = tpu.vector_load %arg9[%get3A_739, %get3A_740, %get3A_741] {strides = array<i32>} : memref<3x128x128xf32, #tpu.memory_space<vmem>>, vector<1x1x16xf32>,
        %get3A_743 = vector.shape_cast %get3A_742 : vector<1x1x16xf32> to vector<16xf32>
        %get3A_744 = arith.constant 0 : i32
        %get3A_745 = arith.index_cast %get3A_744 : i32 to index
        %get3A_746 = arith.index_cast %add3A_654 : i32 to index
        %get3A_747 = arith.constant 96 : index
        %get3A_748 = tpu.vector_load %arg10[%get3A_745, %get3A_746, %get3A_747] {strides = array<i32>} : memref<3x128x128xf32, #tpu.memory_space<vmem>>, vector<1x1x16xf32>,
        %get3A_749 = vector.shape_cast %get3A_748 : vector<1x1x16xf32> to vector<16xf32>
        %mul3A_750 = arith.mulf %get3A_743, %get3A_749 : vector<16xf32>
        %add3A_751 = arith.addf %add3A_737, %mul3A_750 : vector<16xf32>
        %get3A_752 = arith.constant 0 : i32
        %get3A_753 = arith.index_cast %get3A_752 : i32 to index
        %get3A_754 = arith.index_cast %add3A_654 : i32 to index
        %get3A_755 = arith.constant 112 : index
        %get3A_756 = tpu.vector_load %arg9[%get3A_753, %get3A_754, %get3A_755] {strides = array<i32>} : memref<3x128x128xf32, #tpu.memory_space<vmem>>, vector<1x1x16xf32>,
        %get3A_757 = vector.shape_cast %get3A_756 : vector<1x1x16xf32> to vector<16xf32>
        %get3A_758 = arith.constant 0 : i32
        %get3A_759 = arith.index_cast %get3A_758 : i32 to index
        %get3A_760 = arith.index_cast %add3A_654 : i32 to index
        %get3A_761 = arith.constant 112 : index
        %get3A_762 = tpu.vector_load %arg10[%get3A_759, %get3A_760, %get3A_761] {strides = array<i32>} : memref<3x128x128xf32, #tpu.memory_space<vmem>>, vector<1x1x16xf32>,
        %get3A_763 = vector.shape_cast %get3A_762 : vector<1x1x16xf32> to vector<16xf32>
        %mul3A_764 = arith.mulf %get3A_757, %get3A_763 : vector<16xf32>
        %add3A_765 = arith.addf %add3A_751, %mul3A_764 : vector<16xf32>
        %mul3A_766 = arith.constant 16 : i32
        %mul3A_767 = arith.muli %scan3A_394, %mul3A_766 : i32
        %mul3A_768 = arith.constant 4 : i32
        %mul3A_769 = arith.muli %scan3A_411, %mul3A_768 : i32
        %add3A_770 = arith.addi %mul3A_767, %mul3A_769 : i32
        %add3A_771 = arith.constant 3 : i32
        %add3A_772 = arith.addi %add3A_770, %add3A_771 : i32
        %get3A_773 = arith.constant 0 : i32
        %get3A_774 = arith.index_cast %get3A_773 : i32 to index
        %get3A_775 = arith.index_cast %add3A_772 : i32 to index
        %get3A_776 = arith.constant 0 : index
        %get3A_777 = tpu.vector_load %arg9[%get3A_774, %get3A_775, %get3A_776] {strides = array<i32>} : memref<3x128x128xf32, #tpu.memory_space<vmem>>, vector<1x1x16xf32>,
        %get3A_778 = vector.shape_cast %get3A_777 : vector<1x1x16xf32> to vector<16xf32>
        %get3A_779 = arith.constant 0 : i32
        %get3A_780 = arith.index_cast %get3A_779 : i32 to index
        %get3A_781 = arith.index_cast %add3A_772 : i32 to index
        %get3A_782 = arith.constant 0 : index
        %get3A_783 = tpu.vector_load %arg10[%get3A_780, %get3A_781, %get3A_782] {strides = array<i32>} : memref<3x128x128xf32, #tpu.memory_space<vmem>>, vector<1x1x16xf32>,
        %get3A_784 = vector.shape_cast %get3A_783 : vector<1x1x16xf32> to vector<16xf32>
        %mul3A_785 = arith.mulf %get3A_778, %get3A_784 : vector<16xf32>
        %get3A_786 = arith.constant 0 : i32
        %get3A_787 = arith.index_cast %get3A_786 : i32 to index
        %get3A_788 = arith.index_cast %add3A_772 : i32 to index
        %get3A_789 = arith.constant 16 : index
        %get3A_790 = tpu.vector_load %arg9[%get3A_787, %get3A_788, %get3A_789] {strides = array<i32>} : memref<3x128x128xf32, #tpu.memory_space<vmem>>, vector<1x1x16xf32>,
        %get3A_791 = vector.shape_cast %get3A_790 : vector<1x1x16xf32> to vector<16xf32>
        %get3A_792 = arith.constant 0 : i32
        %get3A_793 = arith.index_cast %get3A_792 : i32 to index
        %get3A_794 = arith.index_cast %add3A_772 : i32 to index
        %get3A_795 = arith.constant 16 : index
        %get3A_796 = tpu.vector_load %arg10[%get3A_793, %get3A_794, %get3A_795] {strides = array<i32>} : memref<3x128x128xf32, #tpu.memory_space<vmem>>, vector<1x1x16xf32>,
        %get3A_797 = vector.shape_cast %get3A_796 : vector<1x1x16xf32> to vector<16xf32>
        %mul3A_798 = arith.mulf %get3A_791, %get3A_797 : vector<16xf32>
        %add3A_799 = arith.addf %mul3A_785, %mul3A_798 : vector<16xf32>
        %get3A_800 = arith.constant 0 : i32
        %get3A_801 = arith.index_cast %get3A_800 : i32 to index
        %get3A_802 = arith.index_cast %add3A_772 : i32 to index
        %get3A_803 = arith.constant 32 : index
        %get3A_804 = tpu.vector_load %arg9[%get3A_801, %get3A_802, %get3A_803] {strides = array<i32>} : memref<3x128x128xf32, #tpu.memory_space<vmem>>, vector<1x1x16xf32>,
        %get3A_805 = vector.shape_cast %get3A_804 : vector<1x1x16xf32> to vector<16xf32>
        %get3A_806 = arith.constant 0 : i32
        %get3A_807 = arith.index_cast %get3A_806 : i32 to index
        %get3A_808 = arith.index_cast %add3A_772 : i32 to index
        %get3A_809 = arith.constant 32 : index
        %get3A_810 = tpu.vector_load %arg10[%get3A_807, %get3A_808, %get3A_809] {strides = array<i32>} : memref<3x128x128xf32, #tpu.memory_space<vmem>>, vector<1x1x16xf32>,
        %get3A_811 = vector.shape_cast %get3A_810 : vector<1x1x16xf32> to vector<16xf32>
        %mul3A_812 = arith.mulf %get3A_805, %get3A_811 : vector<16xf32>
        %add3A_813 = arith.addf %add3A_799, %mul3A_812 : vector<16xf32>
        %get3A_814 = arith.constant 0 : i32
        %get3A_815 = arith.index_cast %get3A_814 : i32 to index
        %get3A_816 = arith.index_cast %add3A_772 : i32 to index
        %get3A_817 = arith.constant 48 : index
        %get3A_818 = tpu.vector_load %arg9[%get3A_815, %get3A_816, %get3A_817] {strides = array<i32>} : memref<3x128x128xf32, #tpu.memory_space<vmem>>, vector<1x1x16xf32>,
        %get3A_819 = vector.shape_cast %get3A_818 : vector<1x1x16xf32> to vector<16xf32>
        %get3A_820 = arith.constant 0 : i32
        %get3A_821 = arith.index_cast %get3A_820 : i32 to index
        %get3A_822 = arith.index_cast %add3A_772 : i32 to index
        %get3A_823 = arith.constant 48 : index
        %get3A_824 = tpu.vector_load %arg10[%get3A_821, %get3A_822, %get3A_823] {strides = array<i32>} : memref<3x128x128xf32, #tpu.memory_space<vmem>>, vector<1x1x16xf32>,
        %get3A_825 = vector.shape_cast %get3A_824 : vector<1x1x16xf32> to vector<16xf32>
        %mul3A_826 = arith.mulf %get3A_819, %get3A_825 : vector<16xf32>
        %add3A_827 = arith.addf %add3A_813, %mul3A_826 : vector<16xf32>
        %get3A_828 = arith.constant 0 : i32
        %get3A_829 = arith.index_cast %get3A_828 : i32 to index
        %get3A_830 = arith.index_cast %add3A_772 : i32 to index
        %get3A_831 = arith.constant 64 : index
        %get3A_832 = tpu.vector_load %arg9[%get3A_829, %get3A_830, %get3A_831] {strides = array<i32>} : memref<3x128x128xf32, #tpu.memory_space<vmem>>, vector<1x1x16xf32>,
        %get3A_833 = vector.shape_cast %get3A_832 : vector<1x1x16xf32> to vector<16xf32>
        %get3A_834 = arith.constant 0 : i32
        %get3A_835 = arith.index_cast %get3A_834 : i32 to index
        %get3A_836 = arith.index_cast %add3A_772 : i32 to index
        %get3A_837 = arith.constant 64 : index
        %get3A_838 = tpu.vector_load %arg10[%get3A_835, %get3A_836, %get3A_837] {strides = array<i32>} : memref<3x128x128xf32, #tpu.memory_space<vmem>>, vector<1x1x16xf32>,
        %get3A_839 = vector.shape_cast %get3A_838 : vector<1x1x16xf32> to vector<16xf32>
        %mul3A_840 = arith.mulf %get3A_833, %get3A_839 : vector<16xf32>
        %add3A_841 = arith.addf %add3A_827, %mul3A_840 : vector<16xf32>
        %get3A_842 = arith.constant 0 : i32
        %get3A_843 = arith.index_cast %get3A_842 : i32 to index
        %get3A_844 = arith.index_cast %add3A_772 : i32 to index
        %get3A_845 = arith.constant 80 : index
        %get3A_846 = tpu.vector_load %arg9[%get3A_843, %get3A_844, %get3A_845] {strides = array<i32>} : memref<3x128x128xf32, #tpu.memory_space<vmem>>, vector<1x1x16xf32>,
        %get3A_847 = vector.shape_cast %get3A_846 : vector<1x1x16xf32> to vector<16xf32>
        %get3A_848 = arith.constant 0 : i32
        %get3A_849 = arith.index_cast %get3A_848 : i32 to index
        %get3A_850 = arith.index_cast %add3A_772 : i32 to index
        %get3A_851 = arith.constant 80 : index
        %get3A_852 = tpu.vector_load %arg10[%get3A_849, %get3A_850, %get3A_851] {strides = array<i32>} : memref<3x128x128xf32, #tpu.memory_space<vmem>>, vector<1x1x16xf32>,
        %get3A_853 = vector.shape_cast %get3A_852 : vector<1x1x16xf32> to vector<16xf32>
        %mul3A_854 = arith.mulf %get3A_847, %get3A_853 : vector<16xf32>
        %add3A_855 = arith.addf %add3A_841, %mul3A_854 : vector<16xf32>
        %get3A_856 = arith.constant 0 : i32
        %get3A_857 = arith.index_cast %get3A_856 : i32 to index
        %get3A_858 = arith.index_cast %add3A_772 : i32 to index
        %get3A_859 = arith.constant 96 : index
        %get3A_860 = tpu.vector_load %arg9[%get3A_857, %get3A_858, %get3A_859] {strides = array<i32>} : memref<3x128x128xf32, #tpu.memory_space<vmem>>, vector<1x1x16xf32>,
        %get3A_861 = vector.shape_cast %get3A_860 : vector<1x1x16xf32> to vector<16xf32>
        %get3A_862 = arith.constant 0 : i32
        %get3A_863 = arith.index_cast %get3A_862 : i32 to index
        %get3A_864 = arith.index_cast %add3A_772 : i32 to index
        %get3A_865 = arith.constant 96 : index
        %get3A_866 = tpu.vector_load %arg10[%get3A_863, %get3A_864, %get3A_865] {strides = array<i32>} : memref<3x128x128xf32, #tpu.memory_space<vmem>>, vector<1x1x16xf32>,
        %get3A_867 = vector.shape_cast %get3A_866 : vector<1x1x16xf32> to vector<16xf32>
        %mul3A_868 = arith.mulf %get3A_861, %get3A_867 : vector<16xf32>
        %add3A_869 = arith.addf %add3A_855, %mul3A_868 : vector<16xf32>
        %get3A_870 = arith.constant 0 : i32
        %get3A_871 = arith.index_cast %get3A_870 : i32 to index
        %get3A_872 = arith.index_cast %add3A_772 : i32 to index
        %get3A_873 = arith.constant 112 : index
        %get3A_874 = tpu.vector_load %arg9[%get3A_871, %get3A_872, %get3A_873] {strides = array<i32>} : memref<3x128x128xf32, #tpu.memory_space<vmem>>, vector<1x1x16xf32>,
        %get3A_875 = vector.shape_cast %get3A_874 : vector<1x1x16xf32> to vector<16xf32>
        %get3A_876 = arith.constant 0 : i32
        %get3A_877 = arith.index_cast %get3A_876 : i32 to index
        %get3A_878 = arith.index_cast %add3A_772 : i32 to index
        %get3A_879 = arith.constant 112 : index
        %get3A_880 = tpu.vector_load %arg10[%get3A_877, %get3A_878, %get3A_879] {strides = array<i32>} : memref<3x128x128xf32, #tpu.memory_space<vmem>>, vector<1x1x16xf32>,
        %get3A_881 = vector.shape_cast %get3A_880 : vector<1x1x16xf32> to vector<16xf32>
        %mul3A_882 = arith.mulf %get3A_875, %get3A_881 : vector<16xf32>
        %add3A_883 = arith.addf %add3A_869, %mul3A_882 : vector<16xf32>
        %and3A = arith.constant 1 : i32
        %and3A_884 = vector.broadcast %and3A : i32 to vector<16xi32>
        %and3A_885 = arith.andi %iota3A, %and3A_884 : vector<16xi32>
        %eq3A = arith.constant 0 : i32
        %eq3A_886 = vector.broadcast %eq3A : i32 to vector<16xi32>
        %eq3A_887 = arith.cmpi eq, %and3A_885, %eq3A_886 : vector<16xi32>
        %select_n3A = arith.select %eq3A_887, %add3A_529, %add3A_647 : vector<16xi1>, vector<16xf32>
        %xor3A = arith.constant 1 : i32
        %xor3A_888 = vector.broadcast %xor3A : i32 to vector<16xi32>
        %xor3A_889 = arith.xori %iota3A, %xor3A_888 : vector<16xi32>
        %lt3A = arith.constant 0 : i32
        %lt3A_890 = vector.broadcast %lt3A : i32 to vector<16xi32>
        %lt3A_891 = arith.cmpi slt, %xor3A_889, %lt3A_890 : vector<16xi32>
        %add3A_892 = arith.constant 16 : i32
        %add3A_893 = vector.broadcast %add3A_892 : i32 to vector<16xi32>
        %add3A_894 = arith.addi %xor3A_889, %add3A_893 : vector<16xi32>
        %select_n3A_895 = arith.select %lt3A_891, %add3A_894, %xor3A_889 : vector<16xi1>, vector<16xi32>
        %broadcast_in_dim3A_896 = vector.shape_cast %select_n3A_895 : vector<16xi32> to vector<16x1xi32>
        %gather3A = vector.shape_cast %broadcast_in_dim3A_896 : vector<16x1xi32> to vector<16xi32>
        %gather3A_897 = tpu.dynamic_gather %add3A_529[%gather3A] in [0] : vector<16xf32>, vector<16xi32> -> vector<16xf32>
        %xor3A_898 = arith.constant 1 : i32
        %xor3A_899 = vector.broadcast %xor3A_898 : i32 to vector<16xi32>
        %xor3A_900 = arith.xori %iota3A, %xor3A_899 : vector<16xi32>
        %lt3A_901 = arith.constant 0 : i32
        %lt3A_902 = vector.broadcast %lt3A_901 : i32 to vector<16xi32>
        %lt3A_903 = arith.cmpi slt, %xor3A_900, %lt3A_902 : vector<16xi32>
        %add3A_904 = arith.constant 16 : i32
        %add3A_905 = vector.broadcast %add3A_904 : i32 to vector<16xi32>
        %add3A_906 = arith.addi %xor3A_900, %add3A_905 : vector<16xi32>
        %select_n3A_907 = arith.select %lt3A_903, %add3A_906, %xor3A_900 : vector<16xi1>, vector<16xi32>
        %broadcast_in_dim3A_908 = vector.shape_cast %select_n3A_907 : vector<16xi32> to vector<16x1xi32>
        %gather3A_909 = vector.shape_cast %broadcast_in_dim3A_908 : vector<16x1xi32> to vector<16xi32>
        %gather3A_910 = tpu.dynamic_gather %add3A_647[%gather3A_909] in [0] : vector<16xf32>, vector<16xi32> -> vector<16xf32>
        %select_n3A_911 = arith.select %eq3A_887, %gather3A_897, %gather3A_910 : vector<16xi1>, vector<16xf32>
        %add3A_912 = arith.addf %select_n3A, %select_n3A_911 : vector<16xf32>
        %and3A_913 = arith.constant 1 : i32
        %and3A_914 = vector.broadcast %and3A_913 : i32 to vector<16xi32>
        %and3A_915 = arith.andi %iota3A, %and3A_914 : vector<16xi32>
        %eq3A_916 = arith.constant 0 : i32
        %eq3A_917 = vector.broadcast %eq3A_916 : i32 to vector<16xi32>
        %eq3A_918 = arith.cmpi eq, %and3A_915, %eq3A_917 : vector<16xi32>
        %select_n3A_919 = arith.select %eq3A_918, %add3A_765, %add3A_883 : vector<16xi1>, vector<16xf32>
        %xor3A_920 = arith.constant 1 : i32
        %xor3A_921 = vector.broadcast %xor3A_920 : i32 to vector<16xi32>
        %xor3A_922 = arith.xori %iota3A, %xor3A_921 : vector<16xi32>
        %lt3A_923 = arith.constant 0 : i32
        %lt3A_924 = vector.broadcast %lt3A_923 : i32 to vector<16xi32>
        %lt3A_925 = arith.cmpi slt, %xor3A_922, %lt3A_924 : vector<16xi32>
        %add3A_926 = arith.constant 16 : i32
        %add3A_927 = vector.broadcast %add3A_926 : i32 to vector<16xi32>
        %add3A_928 = arith.addi %xor3A_922, %add3A_927 : vector<16xi32>
        %select_n3A_929 = arith.select %lt3A_925, %add3A_928, %xor3A_922 : vector<16xi1>, vector<16xi32>
        %broadcast_in_dim3A_930 = vector.shape_cast %select_n3A_929 : vector<16xi32> to vector<16x1xi32>
        %gather3A_931 = vector.shape_cast %broadcast_in_dim3A_930 : vector<16x1xi32> to vector<16xi32>
        %gather3A_932 = tpu.dynamic_gather %add3A_765[%gather3A_931] in [0] : vector<16xf32>, vector<16xi32> -> vector<16xf32>
        %xor3A_933 = arith.constant 1 : i32
        %xor3A_934 = vector.broadcast %xor3A_933 : i32 to vector<16xi32>
        %xor3A_935 = arith.xori %iota3A, %xor3A_934 : vector<16xi32>
        %lt3A_936 = arith.constant 0 : i32
        %lt3A_937 = vector.broadcast %lt3A_936 : i32 to vector<16xi32>
        %lt3A_938 = arith.cmpi slt, %xor3A_935, %lt3A_937 : vector<16xi32>
        %add3A_939 = arith.constant 16 : i32
        %add3A_940 = vector.broadcast %add3A_939 : i32 to vector<16xi32>
        %add3A_941 = arith.addi %xor3A_935, %add3A_940 : vector<16xi32>
        %select_n3A_942 = arith.select %lt3A_938, %add3A_941, %xor3A_935 : vector<16xi1>, vector<16xi32>
        %broadcast_in_dim3A_943 = vector.shape_cast %select_n3A_942 : vector<16xi32> to vector<16x1xi32>
        %gather3A_944 = vector.shape_cast %broadcast_in_dim3A_943 : vector<16x1xi32> to vector<16xi32>
        %gather3A_945 = tpu.dynamic_gather %add3A_883[%gather3A_944] in [0] : vector<16xf32>, vector<16xi32> -> vector<16xf32>
        %select_n3A_946 = arith.select %eq3A_918, %gather3A_932, %gather3A_945 : vector<16xi1>, vector<16xf32>
        %add3A_947 = arith.addf %select_n3A_919, %select_n3A_946 : vector<16xf32>
        %and3A_948 = arith.constant 2 : i32
        %and3A_949 = vector.broadcast %and3A_948 : i32 to vector<16xi32>
        %and3A_950 = arith.andi %iota3A, %and3A_949 : vector<16xi32>
        %eq3A_951 = arith.constant 0 : i32
        %eq3A_952 = vector.broadcast %eq3A_951 : i32 to vector<16xi32>
        %eq3A_953 = arith.cmpi eq, %and3A_950, %eq3A_952 : vector<16xi32>
        %select_n3A_954 = arith.select %eq3A_953, %add3A_912, %add3A_947 : vector<16xi1>, vector<16xf32>
        %xor3A_955 = arith.constant 2 : i32
        %xor3A_956 = vector.broadcast %xor3A_955 : i32 to vector<16xi32>
        %xor3A_957 = arith.xori %iota3A, %xor3A_956 : vector<16xi32>
        %lt3A_958 = arith.constant 0 : i32
        %lt3A_959 = vector.broadcast %lt3A_958 : i32 to vector<16xi32>
        %lt3A_960 = arith.cmpi slt, %xor3A_957, %lt3A_959 : vector<16xi32>
        %add3A_961 = arith.constant 16 : i32
        %add3A_962 = vector.broadcast %add3A_961 : i32 to vector<16xi32>
        %add3A_963 = arith.addi %xor3A_957, %add3A_962 : vector<16xi32>
        %select_n3A_964 = arith.select %lt3A_960, %add3A_963, %xor3A_957 : vector<16xi1>, vector<16xi32>
        %broadcast_in_dim3A_965 = vector.shape_cast %select_n3A_964 : vector<16xi32> to vector<16x1xi32>
        %gather3A_966 = vector.shape_cast %broadcast_in_dim3A_965 : vector<16x1xi32> to vector<16xi32>
        %gather3A_967 = tpu.dynamic_gather %add3A_912[%gather3A_966] in [0] : vector<16xf32>, vector<16xi32> -> vector<16xf32>
        %xor3A_968 = arith.constant 2 : i32
        %xor3A_969 = vector.broadcast %xor3A_968 : i32 to vector<16xi32>
        %xor3A_970 = arith.xori %iota3A, %xor3A_969 : vector<16xi32>
        %lt3A_971 = arith.constant 0 : i32
        %lt3A_972 = vector.broadcast %lt3A_971 : i32 to vector<16xi32>
        %lt3A_973 = arith.cmpi slt, %xor3A_970, %lt3A_972 : vector<16xi32>
        %add3A_974 = arith.constant 16 : i32
        %add3A_975 = vector.broadcast %add3A_974 : i32 to vector<16xi32>
        %add3A_976 = arith.addi %xor3A_970, %add3A_975 : vector<16xi32>
        %select_n3A_977 = arith.select %lt3A_973, %add3A_976, %xor3A_970 : vector<16xi1>, vector<16xi32>
        %broadcast_in_dim3A_978 = vector.shape_cast %select_n3A_977 : vector<16xi32> to vector<16x1xi32>
        %gather3A_979 = vector.shape_cast %broadcast_in_dim3A_978 : vector<16x1xi32> to vector<16xi32>
        %gather3A_980 = tpu.dynamic_gather %add3A_947[%gather3A_979] in [0] : vector<16xf32>, vector<16xi32> -> vector<16xf32>
        %select_n3A_981 = arith.select %eq3A_953, %gather3A_967, %gather3A_980 : vector<16xi1>, vector<16xf32>
        %add3A_982 = arith.addf %select_n3A_954, %select_n3A_981 : vector<16xf32>
        %xor3A_983 = arith.constant 4 : i32
        %xor3A_984 = vector.broadcast %xor3A_983 : i32 to vector<16xi32>
        %xor3A_985 = arith.xori %iota3A, %xor3A_984 : vector<16xi32>
        %lt3A_986 = arith.constant 0 : i32
        %lt3A_987 = vector.broadcast %lt3A_986 : i32 to vector<16xi32>
        %lt3A_988 = arith.cmpi slt, %xor3A_985, %lt3A_987 : vector<16xi32>
        %add3A_989 = arith.constant 16 : i32
        %add3A_990 = vector.broadcast %add3A_989 : i32 to vector<16xi32>
        %add3A_991 = arith.addi %xor3A_985, %add3A_990 : vector<16xi32>
        %select_n3A_992 = arith.select %lt3A_988, %add3A_991, %xor3A_985 : vector<16xi1>, vector<16xi32>
        %broadcast_in_dim3A_993 = vector.shape_cast %select_n3A_992 : vector<16xi32> to vector<16x1xi32>
        %gather3A_994 = vector.shape_cast %broadcast_in_dim3A_993 : vector<16x1xi32> to vector<16xi32>
        %gather3A_995 = tpu.dynamic_gather %add3A_982[%gather3A_994] in [0] : vector<16xf32>, vector<16xi32> -> vector<16xf32>
        %add3A_996 = arith.addf %add3A_982, %gather3A_995 : vector<16xf32>
        %xor3A_997 = arith.constant 8 : i32
        %xor3A_998 = vector.broadcast %xor3A_997 : i32 to vector<16xi32>
        %xor3A_999 = arith.xori %iota3A, %xor3A_998 : vector<16xi32>
        %lt3A_1000 = arith.constant 0 : i32
        %lt3A_1001 = vector.broadcast %lt3A_1000 : i32 to vector<16xi32>
        %lt3A_1002 = arith.cmpi slt, %xor3A_999, %lt3A_1001 : vector<16xi32>
        %add3A_1003 = arith.constant 16 : i32
        %add3A_1004 = vector.broadcast %add3A_1003 : i32 to vector<16xi32>
        %add3A_1005 = arith.addi %xor3A_999, %add3A_1004 : vector<16xi32>
        %select_n3A_1006 = arith.select %lt3A_1002, %add3A_1005, %xor3A_999 : vector<16xi1>, vector<16xi32>
        %broadcast_in_dim3A_1007 = vector.shape_cast %select_n3A_1006 : vector<16xi32> to vector<16x1xi32>
        %gather3A_1008 = vector.shape_cast %broadcast_in_dim3A_1007 : vector<16x1xi32> to vector<16xi32>
        %gather3A_1009 = tpu.dynamic_gather %add3A_996[%gather3A_1008] in [0] : vector<16xf32>, vector<16xi32> -> vector<16xf32>
        %add3A_1010 = arith.addf %add3A_996, %gather3A_1009 : vector<16xf32>
        %shift_right_arithmetic3A = arith.constant 2 : i32
        %shift_right_arithmetic3A_1011 = vector.broadcast %shift_right_arithmetic3A : i32 to vector<16xi32>
        %shift_right_arithmetic3A_1012 = arith.shrsi %iota3A, %shift_right_arithmetic3A_1011 : vector<16xi32>
        %eq3A_1013 = vector.broadcast %scan3A_411 : i32 to vector<16xi32>
        %eq3A_1014 = arith.cmpi eq, %shift_right_arithmetic3A_1012, %eq3A_1013 : vector<16xi32>
        %select_n3A_1015 = arith.select %eq3A_1014, %add3A_1010, %scan3A_412 : vector<16xi1>, vector<16xf32>
        scf.yield %select_n3A_1015 : vector<16xf32>
      }
      %scan3A_402 = arith.constant 4 : i32
      %mul3A_403 = arith.constant 16 : i32
      %mul3A_404 = arith.muli %scan3A_394, %mul3A_403 : i32
      %add3A_405 = arith.constant 0 : i32
      %add3A_406 = arith.addi %add3A_405, %mul3A_404 : i32
      %swap3A = arith.index_cast %add3A_406 : i32 to index
      %swap3A_407 = tpu.vector_load %arg11[%swap3A] {strides = array<i32>} : memref<512xf32, #tpu.memory_space<vmem>>, vector<16xf32>,
      %swap3A_408 = vector.shape_cast %swap3A_407 : vector<16xf32> to vector<16xf32>
      %swap3A_409 = vector.shape_cast %scan3A_401 : vector<16xf32> to vector<16xf32>
      tpu.vector_store %arg11[%swap3A], %swap3A_409 {strides = array<i32>} : memref<512xf32, #tpu.memory_space<vmem>>, vector<16xf32>,
      %scan3A_410 = arith.constant 0 : i32
      scf.yield %scan3A_410 : i32
    }
    %scan3A_212 = arith.constant 8 : i32
    %mul3A_213 = arith.constant 512 : i32
    %mul3A_214 = arith.muli %add3A, %mul3A_213 : i32
    %add3A_215 = arith.constant 0 : i32
    %add3A_216 = arith.addi %mul3A_214, %add3A_215 : i32
    %dma_start3A_217 = arith.constant 0 : i32
    %dma_start3A_218 = tpu.memref_slice %arg11[%dma_start3A_217] : memref<512xf32, #tpu.memory_space<vmem>> -> memref<128xf32, #tpu.memory_space<vmem>>
    %dma_start3A_219 = tpu.memref_slice %arg6[%add3A_216] : memref<16384xf32, #tpu.memory_space<hbm>> -> memref<128xf32, #tpu.memory_space<hbm>>
    %dma_start3A_220 = tpu.memref_slice %arg6[%add3A_216] : memref<16384xf32, #tpu.memory_space<hbm>> -> memref<128xf32, #tpu.memory_space<hbm>>
    %dma_start3A_221 = arith.constant 0 : i32
    %dma_start3A_222 = tpu.memref_slice %arg11[%dma_start3A_221] : memref<512xf32, #tpu.memory_space<vmem>> -> memref<128xf32, #tpu.memory_space<vmem>>
    tpu.enqueue_dma source(%dma_start3A_222 : memref<128xf32, #tpu.memory_space<vmem>>) target(%dma_start3A_220 : memref<128xf32, #tpu.memory_space<hbm>>) target_semaphore(%arg15 : memref<!tpu.dma_semaphore, #tpu.memory_space<semaphore_mem>>)
    %dma_start3A_223 = arith.constant 3 : i32
    %dma_start3A_224 = arith.constant 0 : i32
    %dma_start3A_225 = arith.constant 0 : i32
    %dma_start3A_226 = arith.constant 0 : i32
    %dma_start3A_227 = tpu.memref_slice %arg9[%dma_start3A_224, %dma_start3A_225, %dma_start3A_226] : memref<3x128x128xf32, #tpu.memory_space<vmem>> -> memref<1x128x128xf32, #tpu.memory_space<vmem>>
    %dma_start3A_228 = tpu.memref_squeeze %dma_start3A_227 : memref<1x128x128xf32, #tpu.memory_space<vmem>> -> memref<128x128xf32, #tpu.memory_space<vmem>>
    %dma_start3A_229 = arith.constant 0 : i32
    %dma_start3A_230 = tpu.memref_slice %arg7[%dma_start3A_223, %dma_start3A_229] : memref<4x128xi32, #tpu.memory_space<vmem>> -> memref<1x128xi32, #tpu.memory_space<vmem>>
    %dma_start3A_231 = tpu.memref_squeeze %dma_start3A_230 : memref<1x128xi32, #tpu.memory_space<vmem>> -> memref<128xi32, #tpu.memory_space<vmem>>
    %dma_start3A_232 = arith.constant 0 : i32
    %dma_start3A_233 = arith.constant 0 : i32
    %dma_start3A_234 = tpu.memref_slice %arg4[%dma_start3A_232, %dma_start3A_233] : memref<100000x128xf32, #tpu.memory_space<hbm>> -> memref<100000x128xf32, #tpu.memory_space<hbm>>
    tpu.enqueue_indirect_dma source(%dma_start3A_234 : memref<100000x128xf32, #tpu.memory_space<hbm>>) target(%dma_start3A_228 : memref<128x128xf32, #tpu.memory_space<vmem>>) offsets(%dma_start3A_231 : memref<128xi32, #tpu.memory_space<vmem>>) semaphore(%arg12 : memref<!tpu.dma_semaphore, #tpu.memory_space<semaphore_mem>>)
    %dma_start3A_235 = arith.constant 3 : i32
    %dma_start3A_236 = arith.constant 0 : i32
    %dma_start3A_237 = arith.constant 0 : i32
    %dma_start3A_238 = arith.constant 0 : i32
    %dma_start3A_239 = tpu.memref_slice %arg10[%dma_start3A_236, %dma_start3A_237, %dma_start3A_238] : memref<3x128x128xf32, #tpu.memory_space<vmem>> -> memref<1x128x128xf32, #tpu.memory_space<vmem>>
    %dma_start3A_240 = tpu.memref_squeeze %dma_start3A_239 : memref<1x128x128xf32, #tpu.memory_space<vmem>> -> memref<128x128xf32, #tpu.memory_space<vmem>>
    %dma_start3A_241 = arith.constant 0 : i32
    %dma_start3A_242 = tpu.memref_slice %arg8[%dma_start3A_235, %dma_start3A_241] : memref<4x128xi32, #tpu.memory_space<vmem>> -> memref<1x128xi32, #tpu.memory_space<vmem>>
    %dma_start3A_243 = tpu.memref_squeeze %dma_start3A_242 : memref<1x128xi32, #tpu.memory_space<vmem>> -> memref<128xi32, #tpu.memory_space<vmem>>
    %dma_start3A_244 = arith.constant 0 : i32
    %dma_start3A_245 = arith.constant 0 : i32
    %dma_start3A_246 = tpu.memref_slice %arg5[%dma_start3A_244, %dma_start3A_245] : memref<100000x128xf32, #tpu.memory_space<hbm>> -> memref<100000x128xf32, #tpu.memory_space<hbm>>
    tpu.enqueue_indirect_dma source(%dma_start3A_246 : memref<100000x128xf32, #tpu.memory_space<hbm>>) target(%dma_start3A_240 : memref<128x128xf32, #tpu.memory_space<vmem>>) offsets(%dma_start3A_243 : memref<128xi32, #tpu.memory_space<vmem>>) semaphore(%arg13 : memref<!tpu.dma_semaphore, #tpu.memory_space<semaphore_mem>>)
    %dma_wait3A_247 = arith.constant 1 : i32
    %dma_wait3A_248 = arith.constant 1 : i32
    %dma_wait3A_249 = arith.constant 0 : i32
    %dma_wait3A_250 = arith.constant 0 : i32
    %dma_wait3A_251 = tpu.memref_slice %arg9[%dma_wait3A_248, %dma_wait3A_249, %dma_wait3A_250] : memref<3x128x128xf32, #tpu.memory_space<vmem>> -> memref<1x128x128xf32, #tpu.memory_space<vmem>>
    %dma_wait3A_252 = tpu.memref_squeeze %dma_wait3A_251 : memref<1x128x128xf32, #tpu.memory_space<vmem>> -> memref<128x128xf32, #tpu.memory_space<vmem>>
    %dma_wait3A_253 = arith.constant 0 : i32
    %dma_wait3A_254 = tpu.memref_slice %arg7[%dma_wait3A_247, %dma_wait3A_253] : memref<4x128xi32, #tpu.memory_space<vmem>> -> memref<1x128xi32, #tpu.memory_space<vmem>>
    %dma_wait3A_255 = tpu.memref_squeeze %dma_wait3A_254 : memref<1x128xi32, #tpu.memory_space<vmem>> -> memref<128xi32, #tpu.memory_space<vmem>>
    %dma_wait3A_256 = arith.constant 0 : i32
    %dma_wait3A_257 = arith.constant 0 : i32
    %dma_wait3A_258 = tpu.memref_slice %arg4[%dma_wait3A_256, %dma_wait3A_257] : memref<100000x128xf32, #tpu.memory_space<hbm>> -> memref<100000x128xf32, #tpu.memory_space<hbm>>
    tpu.wait_indirect_dma semaphore(%arg12 : memref<!tpu.dma_semaphore, #tpu.memory_space<semaphore_mem>>) src(%dma_wait3A_258 : memref<100000x128xf32, #tpu.memory_space<hbm>>) dst(%dma_wait3A_252 : memref<128x128xf32, #tpu.memory_space<vmem>>)
    %dma_wait3A_259 = arith.constant 1 : i32
    %dma_wait3A_260 = arith.constant 1 : i32
    %dma_wait3A_261 = arith.constant 0 : i32
    %dma_wait3A_262 = arith.constant 0 : i32
    %dma_wait3A_263 = tpu.memref_slice %arg10[%dma_wait3A_260, %dma_wait3A_261, %dma_wait3A_262] : memref<3x128x128xf32, #tpu.memory_space<vmem>> -> memref<1x128x128xf32, #tpu.memory_space<vmem>>
    %dma_wait3A_264 = tpu.memref_squeeze %dma_wait3A_263 : memref<1x128x128xf32, #tpu.memory_space<vmem>> -> memref<128x128xf32, #tpu.memory_space<vmem>>
    %dma_wait3A_265 = arith.constant 0 : i32
    %dma_wait3A_266 = tpu.memref_slice %arg8[%dma_wait3A_259, %dma_wait3A_265] : memref<4x128xi32, #tpu.memory_space<vmem>> -> memref<1x128xi32, #tpu.memory_space<vmem>>
    %dma_wait3A_267 = tpu.memref_squeeze %dma_wait3A_266 : memref<1x128xi32, #tpu.memory_space<vmem>> -> memref<128xi32, #tpu.memory_space<vmem>>
    %dma_wait3A_268 = arith.constant 0 : i32
    %dma_wait3A_269 = arith.constant 0 : i32
    %dma_wait3A_270 = tpu.memref_slice %arg5[%dma_wait3A_268, %dma_wait3A_269] : memref<100000x128xf32, #tpu.memory_space<hbm>> -> memref<100000x128xf32, #tpu.memory_space<hbm>>
    tpu.wait_indirect_dma semaphore(%arg13 : memref<!tpu.dma_semaphore, #tpu.memory_space<semaphore_mem>>) src(%dma_wait3A_270 : memref<100000x128xf32, #tpu.memory_space<hbm>>) dst(%dma_wait3A_264 : memref<128x128xf32, #tpu.memory_space<vmem>>)
    %scan3A_271 = arith.constant 0 : i32
    %scan3A_272 = arith.constant 0 : i32
    %scan3A_273 = arith.constant 8 : i32
    %scan3A_274 = arith.addi %scan3A_272, %scan3A_273 : i32
    %scan3A_275 = arith.constant 1 : i32
    %scan3A_276 = scf.for %scan3A_394 = %scan3A_272 to %scan3A_274 step %scan3A_275 iter_args(%scan3A_395 = %scan3A_271) -> (i32)  : i32 {
      %broadcast_in_dim3A = arith.constant 0.000000e+00 : f32
      %broadcast_in_dim3A_396 = vector.broadcast %broadcast_in_dim3A : f32 to vector<16xf32>
      %scan3A_397 = arith.constant 0 : i32
      %scan3A_398 = arith.constant 4 : i32
      %scan3A_399 = arith.addi %scan3A_397, %scan3A_398 : i32
      %scan3A_400 = arith.constant 1 : i32
      %scan3A_401 = scf.for %scan3A_411 = %scan3A_397 to %scan3A_399 step %scan3A_400 iter_args(%scan3A_412 = %broadcast_in_dim3A_396) -> (vector<16xf32>)  : i32 {
        %mul3A_413 = arith.constant 16 : i32
        %mul3A_414 = arith.muli %scan3A_394, %mul3A_413 : i32
        %mul3A_415 = arith.constant 4 : i32
        %mul3A_416 = arith.muli %scan3A_411, %mul3A_415 : i32
        %add3A_417 = arith.addi %mul3A_414, %mul3A_416 : i32
        %add3A_418 = arith.constant 0 : i32
        %add3A_419 = arith.addi %add3A_417, %add3A_418 : i32
        %get3A = arith.constant 1 : i32
        %get3A_420 = arith.index_cast %get3A : i32 to index
        %get3A_421 = arith.index_cast %add3A_419 : i32 to index
        %get3A_422 = arith.constant 0 : index
        %get3A_423 = tpu.vector_load %arg9[%get3A_420, %get3A_421, %get3A_422] {strides = array<i32>} : memref<3x128x128xf32, #tpu.memory_space<vmem>>, vector<1x1x16xf32>,
        %get3A_424 = vector.shape_cast %get3A_423 : vector<1x1x16xf32> to vector<16xf32>
        %get3A_425 = arith.constant 1 : i32
        %get3A_426 = arith.index_cast %get3A_425 : i32 to index
        %get3A_427 = arith.index_cast %add3A_419 : i32 to index
        %get3A_428 = arith.constant 0 : index
        %get3A_429 = tpu.vector_load %arg10[%get3A_426, %get3A_427, %get3A_428] {strides = array<i32>} : memref<3x128x128xf32, #tpu.memory_space<vmem>>, vector<1x1x16xf32>,
        %get3A_430 = vector.shape_cast %get3A_429 : vector<1x1x16xf32> to vector<16xf32>
        %mul3A_431 = arith.mulf %get3A_424, %get3A_430 : vector<16xf32>
        %get3A_432 = arith.constant 1 : i32
        %get3A_433 = arith.index_cast %get3A_432 : i32 to index
        %get3A_434 = arith.index_cast %add3A_419 : i32 to index
        %get3A_435 = arith.constant 16 : index
        %get3A_436 = tpu.vector_load %arg9[%get3A_433, %get3A_434, %get3A_435] {strides = array<i32>} : memref<3x128x128xf32, #tpu.memory_space<vmem>>, vector<1x1x16xf32>,
        %get3A_437 = vector.shape_cast %get3A_436 : vector<1x1x16xf32> to vector<16xf32>
        %get3A_438 = arith.constant 1 : i32
        %get3A_439 = arith.index_cast %get3A_438 : i32 to index
        %get3A_440 = arith.index_cast %add3A_419 : i32 to index
        %get3A_441 = arith.constant 16 : index
        %get3A_442 = tpu.vector_load %arg10[%get3A_439, %get3A_440, %get3A_441] {strides = array<i32>} : memref<3x128x128xf32, #tpu.memory_space<vmem>>, vector<1x1x16xf32>,
        %get3A_443 = vector.shape_cast %get3A_442 : vector<1x1x16xf32> to vector<16xf32>
        %mul3A_444 = arith.mulf %get3A_437, %get3A_443 : vector<16xf32>
        %add3A_445 = arith.addf %mul3A_431, %mul3A_444 : vector<16xf32>
        %get3A_446 = arith.constant 1 : i32
        %get3A_447 = arith.index_cast %get3A_446 : i32 to index
        %get3A_448 = arith.index_cast %add3A_419 : i32 to index
        %get3A_449 = arith.constant 32 : index
        %get3A_450 = tpu.vector_load %arg9[%get3A_447, %get3A_448, %get3A_449] {strides = array<i32>} : memref<3x128x128xf32, #tpu.memory_space<vmem>>, vector<1x1x16xf32>,
        %get3A_451 = vector.shape_cast %get3A_450 : vector<1x1x16xf32> to vector<16xf32>
        %get3A_452 = arith.constant 1 : i32
        %get3A_453 = arith.index_cast %get3A_452 : i32 to index
        %get3A_454 = arith.index_cast %add3A_419 : i32 to index
        %get3A_455 = arith.constant 32 : index
        %get3A_456 = tpu.vector_load %arg10[%get3A_453, %get3A_454, %get3A_455] {strides = array<i32>} : memref<3x128x128xf32, #tpu.memory_space<vmem>>, vector<1x1x16xf32>,
        %get3A_457 = vector.shape_cast %get3A_456 : vector<1x1x16xf32> to vector<16xf32>
        %mul3A_458 = arith.mulf %get3A_451, %get3A_457 : vector<16xf32>
        %add3A_459 = arith.addf %add3A_445, %mul3A_458 : vector<16xf32>
        %get3A_460 = arith.constant 1 : i32
        %get3A_461 = arith.index_cast %get3A_460 : i32 to index
        %get3A_462 = arith.index_cast %add3A_419 : i32 to index
        %get3A_463 = arith.constant 48 : index
        %get3A_464 = tpu.vector_load %arg9[%get3A_461, %get3A_462, %get3A_463] {strides = array<i32>} : memref<3x128x128xf32, #tpu.memory_space<vmem>>, vector<1x1x16xf32>,
        %get3A_465 = vector.shape_cast %get3A_464 : vector<1x1x16xf32> to vector<16xf32>
        %get3A_466 = arith.constant 1 : i32
        %get3A_467 = arith.index_cast %get3A_466 : i32 to index
        %get3A_468 = arith.index_cast %add3A_419 : i32 to index
        %get3A_469 = arith.constant 48 : index
        %get3A_470 = tpu.vector_load %arg10[%get3A_467, %get3A_468, %get3A_469] {strides = array<i32>} : memref<3x128x128xf32, #tpu.memory_space<vmem>>, vector<1x1x16xf32>,
        %get3A_471 = vector.shape_cast %get3A_470 : vector<1x1x16xf32> to vector<16xf32>
        %mul3A_472 = arith.mulf %get3A_465, %get3A_471 : vector<16xf32>
        %add3A_473 = arith.addf %add3A_459, %mul3A_472 : vector<16xf32>
        %get3A_474 = arith.constant 1 : i32
        %get3A_475 = arith.index_cast %get3A_474 : i32 to index
        %get3A_476 = arith.index_cast %add3A_419 : i32 to index
        %get3A_477 = arith.constant 64 : index
        %get3A_478 = tpu.vector_load %arg9[%get3A_475, %get3A_476, %get3A_477] {strides = array<i32>} : memref<3x128x128xf32, #tpu.memory_space<vmem>>, vector<1x1x16xf32>,
        %get3A_479 = vector.shape_cast %get3A_478 : vector<1x1x16xf32> to vector<16xf32>
        %get3A_480 = arith.constant 1 : i32
        %get3A_481 = arith.index_cast %get3A_480 : i32 to index
        %get3A_482 = arith.index_cast %add3A_419 : i32 to index
        %get3A_483 = arith.constant 64 : index
        %get3A_484 = tpu.vector_load %arg10[%get3A_481, %get3A_482, %get3A_483] {strides = array<i32>} : memref<3x128x128xf32, #tpu.memory_space<vmem>>, vector<1x1x16xf32>,
        %get3A_485 = vector.shape_cast %get3A_484 : vector<1x1x16xf32> to vector<16xf32>
        %mul3A_486 = arith.mulf %get3A_479, %get3A_485 : vector<16xf32>
        %add3A_487 = arith.addf %add3A_473, %mul3A_486 : vector<16xf32>
        %get3A_488 = arith.constant 1 : i32
        %get3A_489 = arith.index_cast %get3A_488 : i32 to index
        %get3A_490 = arith.index_cast %add3A_419 : i32 to index
        %get3A_491 = arith.constant 80 : index
        %get3A_492 = tpu.vector_load %arg9[%get3A_489, %get3A_490, %get3A_491] {strides = array<i32>} : memref<3x128x128xf32, #tpu.memory_space<vmem>>, vector<1x1x16xf32>,
        %get3A_493 = vector.shape_cast %get3A_492 : vector<1x1x16xf32> to vector<16xf32>
        %get3A_494 = arith.constant 1 : i32
        %get3A_495 = arith.index_cast %get3A_494 : i32 to index
        %get3A_496 = arith.index_cast %add3A_419 : i32 to index
        %get3A_497 = arith.constant 80 : index
        %get3A_498 = tpu.vector_load %arg10[%get3A_495, %get3A_496, %get3A_497] {strides = array<i32>} : memref<3x128x128xf32, #tpu.memory_space<vmem>>, vector<1x1x16xf32>,
        %get3A_499 = vector.shape_cast %get3A_498 : vector<1x1x16xf32> to vector<16xf32>
        %mul3A_500 = arith.mulf %get3A_493, %get3A_499 : vector<16xf32>
        %add3A_501 = arith.addf %add3A_487, %mul3A_500 : vector<16xf32>
        %get3A_502 = arith.constant 1 : i32
        %get3A_503 = arith.index_cast %get3A_502 : i32 to index
        %get3A_504 = arith.index_cast %add3A_419 : i32 to index
        %get3A_505 = arith.constant 96 : index
        %get3A_506 = tpu.vector_load %arg9[%get3A_503, %get3A_504, %get3A_505] {strides = array<i32>} : memref<3x128x128xf32, #tpu.memory_space<vmem>>, vector<1x1x16xf32>,
        %get3A_507 = vector.shape_cast %get3A_506 : vector<1x1x16xf32> to vector<16xf32>
        %get3A_508 = arith.constant 1 : i32
        %get3A_509 = arith.index_cast %get3A_508 : i32 to index
        %get3A_510 = arith.index_cast %add3A_419 : i32 to index
        %get3A_511 = arith.constant 96 : index
        %get3A_512 = tpu.vector_load %arg10[%get3A_509, %get3A_510, %get3A_511] {strides = array<i32>} : memref<3x128x128xf32, #tpu.memory_space<vmem>>, vector<1x1x16xf32>,
        %get3A_513 = vector.shape_cast %get3A_512 : vector<1x1x16xf32> to vector<16xf32>
        %mul3A_514 = arith.mulf %get3A_507, %get3A_513 : vector<16xf32>
        %add3A_515 = arith.addf %add3A_501, %mul3A_514 : vector<16xf32>
        %get3A_516 = arith.constant 1 : i32
        %get3A_517 = arith.index_cast %get3A_516 : i32 to index
        %get3A_518 = arith.index_cast %add3A_419 : i32 to index
        %get3A_519 = arith.constant 112 : index
        %get3A_520 = tpu.vector_load %arg9[%get3A_517, %get3A_518, %get3A_519] {strides = array<i32>} : memref<3x128x128xf32, #tpu.memory_space<vmem>>, vector<1x1x16xf32>,
        %get3A_521 = vector.shape_cast %get3A_520 : vector<1x1x16xf32> to vector<16xf32>
        %get3A_522 = arith.constant 1 : i32
        %get3A_523 = arith.index_cast %get3A_522 : i32 to index
        %get3A_524 = arith.index_cast %add3A_419 : i32 to index
        %get3A_525 = arith.constant 112 : index
        %get3A_526 = tpu.vector_load %arg10[%get3A_523, %get3A_524, %get3A_525] {strides = array<i32>} : memref<3x128x128xf32, #tpu.memory_space<vmem>>, vector<1x1x16xf32>,
        %get3A_527 = vector.shape_cast %get3A_526 : vector<1x1x16xf32> to vector<16xf32>
        %mul3A_528 = arith.mulf %get3A_521, %get3A_527 : vector<16xf32>
        %add3A_529 = arith.addf %add3A_515, %mul3A_528 : vector<16xf32>
        %mul3A_530 = arith.constant 16 : i32
        %mul3A_531 = arith.muli %scan3A_394, %mul3A_530 : i32
        %mul3A_532 = arith.constant 4 : i32
        %mul3A_533 = arith.muli %scan3A_411, %mul3A_532 : i32
        %add3A_534 = arith.addi %mul3A_531, %mul3A_533 : i32
        %add3A_535 = arith.constant 1 : i32
        %add3A_536 = arith.addi %add3A_534, %add3A_535 : i32
        %get3A_537 = arith.constant 1 : i32
        %get3A_538 = arith.index_cast %get3A_537 : i32 to index
        %get3A_539 = arith.index_cast %add3A_536 : i32 to index
        %get3A_540 = arith.constant 0 : index
        %get3A_541 = tpu.vector_load %arg9[%get3A_538, %get3A_539, %get3A_540] {strides = array<i32>} : memref<3x128x128xf32, #tpu.memory_space<vmem>>, vector<1x1x16xf32>,
        %get3A_542 = vector.shape_cast %get3A_541 : vector<1x1x16xf32> to vector<16xf32>
        %get3A_543 = arith.constant 1 : i32
        %get3A_544 = arith.index_cast %get3A_543 : i32 to index
        %get3A_545 = arith.index_cast %add3A_536 : i32 to index
        %get3A_546 = arith.constant 0 : index
        %get3A_547 = tpu.vector_load %arg10[%get3A_544, %get3A_545, %get3A_546] {strides = array<i32>} : memref<3x128x128xf32, #tpu.memory_space<vmem>>, vector<1x1x16xf32>,
        %get3A_548 = vector.shape_cast %get3A_547 : vector<1x1x16xf32> to vector<16xf32>
        %mul3A_549 = arith.mulf %get3A_542, %get3A_548 : vector<16xf32>
        %get3A_550 = arith.constant 1 : i32
        %get3A_551 = arith.index_cast %get3A_550 : i32 to index
        %get3A_552 = arith.index_cast %add3A_536 : i32 to index
        %get3A_553 = arith.constant 16 : index
        %get3A_554 = tpu.vector_load %arg9[%get3A_551, %get3A_552, %get3A_553] {strides = array<i32>} : memref<3x128x128xf32, #tpu.memory_space<vmem>>, vector<1x1x16xf32>,
        %get3A_555 = vector.shape_cast %get3A_554 : vector<1x1x16xf32> to vector<16xf32>
        %get3A_556 = arith.constant 1 : i32
        %get3A_557 = arith.index_cast %get3A_556 : i32 to index
        %get3A_558 = arith.index_cast %add3A_536 : i32 to index
        %get3A_559 = arith.constant 16 : index
        %get3A_560 = tpu.vector_load %arg10[%get3A_557, %get3A_558, %get3A_559] {strides = array<i32>} : memref<3x128x128xf32, #tpu.memory_space<vmem>>, vector<1x1x16xf32>,
        %get3A_561 = vector.shape_cast %get3A_560 : vector<1x1x16xf32> to vector<16xf32>
        %mul3A_562 = arith.mulf %get3A_555, %get3A_561 : vector<16xf32>
        %add3A_563 = arith.addf %mul3A_549, %mul3A_562 : vector<16xf32>
        %get3A_564 = arith.constant 1 : i32
        %get3A_565 = arith.index_cast %get3A_564 : i32 to index
        %get3A_566 = arith.index_cast %add3A_536 : i32 to index
        %get3A_567 = arith.constant 32 : index
        %get3A_568 = tpu.vector_load %arg9[%get3A_565, %get3A_566, %get3A_567] {strides = array<i32>} : memref<3x128x128xf32, #tpu.memory_space<vmem>>, vector<1x1x16xf32>,
        %get3A_569 = vector.shape_cast %get3A_568 : vector<1x1x16xf32> to vector<16xf32>
        %get3A_570 = arith.constant 1 : i32
        %get3A_571 = arith.index_cast %get3A_570 : i32 to index
        %get3A_572 = arith.index_cast %add3A_536 : i32 to index
        %get3A_573 = arith.constant 32 : index
        %get3A_574 = tpu.vector_load %arg10[%get3A_571, %get3A_572, %get3A_573] {strides = array<i32>} : memref<3x128x128xf32, #tpu.memory_space<vmem>>, vector<1x1x16xf32>,
        %get3A_575 = vector.shape_cast %get3A_574 : vector<1x1x16xf32> to vector<16xf32>
        %mul3A_576 = arith.mulf %get3A_569, %get3A_575 : vector<16xf32>
        %add3A_577 = arith.addf %add3A_563, %mul3A_576 : vector<16xf32>
        %get3A_578 = arith.constant 1 : i32
        %get3A_579 = arith.index_cast %get3A_578 : i32 to index
        %get3A_580 = arith.index_cast %add3A_536 : i32 to index
        %get3A_581 = arith.constant 48 : index
        %get3A_582 = tpu.vector_load %arg9[%get3A_579, %get3A_580, %get3A_581] {strides = array<i32>} : memref<3x128x128xf32, #tpu.memory_space<vmem>>, vector<1x1x16xf32>,
        %get3A_583 = vector.shape_cast %get3A_582 : vector<1x1x16xf32> to vector<16xf32>
        %get3A_584 = arith.constant 1 : i32
        %get3A_585 = arith.index_cast %get3A_584 : i32 to index
        %get3A_586 = arith.index_cast %add3A_536 : i32 to index
        %get3A_587 = arith.constant 48 : index
        %get3A_588 = tpu.vector_load %arg10[%get3A_585, %get3A_586, %get3A_587] {strides = array<i32>} : memref<3x128x128xf32, #tpu.memory_space<vmem>>, vector<1x1x16xf32>,
        %get3A_589 = vector.shape_cast %get3A_588 : vector<1x1x16xf32> to vector<16xf32>
        %mul3A_590 = arith.mulf %get3A_583, %get3A_589 : vector<16xf32>
        %add3A_591 = arith.addf %add3A_577, %mul3A_590 : vector<16xf32>
        %get3A_592 = arith.constant 1 : i32
        %get3A_593 = arith.index_cast %get3A_592 : i32 to index
        %get3A_594 = arith.index_cast %add3A_536 : i32 to index
        %get3A_595 = arith.constant 64 : index
        %get3A_596 = tpu.vector_load %arg9[%get3A_593, %get3A_594, %get3A_595] {strides = array<i32>} : memref<3x128x128xf32, #tpu.memory_space<vmem>>, vector<1x1x16xf32>,
        %get3A_597 = vector.shape_cast %get3A_596 : vector<1x1x16xf32> to vector<16xf32>
        %get3A_598 = arith.constant 1 : i32
        %get3A_599 = arith.index_cast %get3A_598 : i32 to index
        %get3A_600 = arith.index_cast %add3A_536 : i32 to index
        %get3A_601 = arith.constant 64 : index
        %get3A_602 = tpu.vector_load %arg10[%get3A_599, %get3A_600, %get3A_601] {strides = array<i32>} : memref<3x128x128xf32, #tpu.memory_space<vmem>>, vector<1x1x16xf32>,
        %get3A_603 = vector.shape_cast %get3A_602 : vector<1x1x16xf32> to vector<16xf32>
        %mul3A_604 = arith.mulf %get3A_597, %get3A_603 : vector<16xf32>
        %add3A_605 = arith.addf %add3A_591, %mul3A_604 : vector<16xf32>
        %get3A_606 = arith.constant 1 : i32
        %get3A_607 = arith.index_cast %get3A_606 : i32 to index
        %get3A_608 = arith.index_cast %add3A_536 : i32 to index
        %get3A_609 = arith.constant 80 : index
        %get3A_610 = tpu.vector_load %arg9[%get3A_607, %get3A_608, %get3A_609] {strides = array<i32>} : memref<3x128x128xf32, #tpu.memory_space<vmem>>, vector<1x1x16xf32>,
        %get3A_611 = vector.shape_cast %get3A_610 : vector<1x1x16xf32> to vector<16xf32>
        %get3A_612 = arith.constant 1 : i32
        %get3A_613 = arith.index_cast %get3A_612 : i32 to index
        %get3A_614 = arith.index_cast %add3A_536 : i32 to index
        %get3A_615 = arith.constant 80 : index
        %get3A_616 = tpu.vector_load %arg10[%get3A_613, %get3A_614, %get3A_615] {strides = array<i32>} : memref<3x128x128xf32, #tpu.memory_space<vmem>>, vector<1x1x16xf32>,
        %get3A_617 = vector.shape_cast %get3A_616 : vector<1x1x16xf32> to vector<16xf32>
        %mul3A_618 = arith.mulf %get3A_611, %get3A_617 : vector<16xf32>
        %add3A_619 = arith.addf %add3A_605, %mul3A_618 : vector<16xf32>
        %get3A_620 = arith.constant 1 : i32
        %get3A_621 = arith.index_cast %get3A_620 : i32 to index
        %get3A_622 = arith.index_cast %add3A_536 : i32 to index
        %get3A_623 = arith.constant 96 : index
        %get3A_624 = tpu.vector_load %arg9[%get3A_621, %get3A_622, %get3A_623] {strides = array<i32>} : memref<3x128x128xf32, #tpu.memory_space<vmem>>, vector<1x1x16xf32>,
        %get3A_625 = vector.shape_cast %get3A_624 : vector<1x1x16xf32> to vector<16xf32>
        %get3A_626 = arith.constant 1 : i32
        %get3A_627 = arith.index_cast %get3A_626 : i32 to index
        %get3A_628 = arith.index_cast %add3A_536 : i32 to index
        %get3A_629 = arith.constant 96 : index
        %get3A_630 = tpu.vector_load %arg10[%get3A_627, %get3A_628, %get3A_629] {strides = array<i32>} : memref<3x128x128xf32, #tpu.memory_space<vmem>>, vector<1x1x16xf32>,
        %get3A_631 = vector.shape_cast %get3A_630 : vector<1x1x16xf32> to vector<16xf32>
        %mul3A_632 = arith.mulf %get3A_625, %get3A_631 : vector<16xf32>
        %add3A_633 = arith.addf %add3A_619, %mul3A_632 : vector<16xf32>
        %get3A_634 = arith.constant 1 : i32
        %get3A_635 = arith.index_cast %get3A_634 : i32 to index
        %get3A_636 = arith.index_cast %add3A_536 : i32 to index
        %get3A_637 = arith.constant 112 : index
        %get3A_638 = tpu.vector_load %arg9[%get3A_635, %get3A_636, %get3A_637] {strides = array<i32>} : memref<3x128x128xf32, #tpu.memory_space<vmem>>, vector<1x1x16xf32>,
        %get3A_639 = vector.shape_cast %get3A_638 : vector<1x1x16xf32> to vector<16xf32>
        %get3A_640 = arith.constant 1 : i32
        %get3A_641 = arith.index_cast %get3A_640 : i32 to index
        %get3A_642 = arith.index_cast %add3A_536 : i32 to index
        %get3A_643 = arith.constant 112 : index
        %get3A_644 = tpu.vector_load %arg10[%get3A_641, %get3A_642, %get3A_643] {strides = array<i32>} : memref<3x128x128xf32, #tpu.memory_space<vmem>>, vector<1x1x16xf32>,
        %get3A_645 = vector.shape_cast %get3A_644 : vector<1x1x16xf32> to vector<16xf32>
        %mul3A_646 = arith.mulf %get3A_639, %get3A_645 : vector<16xf32>
        %add3A_647 = arith.addf %add3A_633, %mul3A_646 : vector<16xf32>
        %mul3A_648 = arith.constant 16 : i32
        %mul3A_649 = arith.muli %scan3A_394, %mul3A_648 : i32
        %mul3A_650 = arith.constant 4 : i32
        %mul3A_651 = arith.muli %scan3A_411, %mul3A_650 : i32
        %add3A_652 = arith.addi %mul3A_649, %mul3A_651 : i32
        %add3A_653 = arith.constant 2 : i32
        %add3A_654 = arith.addi %add3A_652, %add3A_653 : i32
        %get3A_655 = arith.constant 1 : i32
        %get3A_656 = arith.index_cast %get3A_655 : i32 to index
        %get3A_657 = arith.index_cast %add3A_654 : i32 to index
        %get3A_658 = arith.constant 0 : index
        %get3A_659 = tpu.vector_load %arg9[%get3A_656, %get3A_657, %get3A_658] {strides = array<i32>} : memref<3x128x128xf32, #tpu.memory_space<vmem>>, vector<1x1x16xf32>,
        %get3A_660 = vector.shape_cast %get3A_659 : vector<1x1x16xf32> to vector<16xf32>
        %get3A_661 = arith.constant 1 : i32
        %get3A_662 = arith.index_cast %get3A_661 : i32 to index
        %get3A_663 = arith.index_cast %add3A_654 : i32 to index
        %get3A_664 = arith.constant 0 : index
        %get3A_665 = tpu.vector_load %arg10[%get3A_662, %get3A_663, %get3A_664] {strides = array<i32>} : memref<3x128x128xf32, #tpu.memory_space<vmem>>, vector<1x1x16xf32>,
        %get3A_666 = vector.shape_cast %get3A_665 : vector<1x1x16xf32> to vector<16xf32>
        %mul3A_667 = arith.mulf %get3A_660, %get3A_666 : vector<16xf32>
        %get3A_668 = arith.constant 1 : i32
        %get3A_669 = arith.index_cast %get3A_668 : i32 to index
        %get3A_670 = arith.index_cast %add3A_654 : i32 to index
        %get3A_671 = arith.constant 16 : index
        %get3A_672 = tpu.vector_load %arg9[%get3A_669, %get3A_670, %get3A_671] {strides = array<i32>} : memref<3x128x128xf32, #tpu.memory_space<vmem>>, vector<1x1x16xf32>,
        %get3A_673 = vector.shape_cast %get3A_672 : vector<1x1x16xf32> to vector<16xf32>
        %get3A_674 = arith.constant 1 : i32
        %get3A_675 = arith.index_cast %get3A_674 : i32 to index
        %get3A_676 = arith.index_cast %add3A_654 : i32 to index
        %get3A_677 = arith.constant 16 : index
        %get3A_678 = tpu.vector_load %arg10[%get3A_675, %get3A_676, %get3A_677] {strides = array<i32>} : memref<3x128x128xf32, #tpu.memory_space<vmem>>, vector<1x1x16xf32>,
        %get3A_679 = vector.shape_cast %get3A_678 : vector<1x1x16xf32> to vector<16xf32>
        %mul3A_680 = arith.mulf %get3A_673, %get3A_679 : vector<16xf32>
        %add3A_681 = arith.addf %mul3A_667, %mul3A_680 : vector<16xf32>
        %get3A_682 = arith.constant 1 : i32
        %get3A_683 = arith.index_cast %get3A_682 : i32 to index
        %get3A_684 = arith.index_cast %add3A_654 : i32 to index
        %get3A_685 = arith.constant 32 : index
        %get3A_686 = tpu.vector_load %arg9[%get3A_683, %get3A_684, %get3A_685] {strides = array<i32>} : memref<3x128x128xf32, #tpu.memory_space<vmem>>, vector<1x1x16xf32>,
        %get3A_687 = vector.shape_cast %get3A_686 : vector<1x1x16xf32> to vector<16xf32>
        %get3A_688 = arith.constant 1 : i32
        %get3A_689 = arith.index_cast %get3A_688 : i32 to index
        %get3A_690 = arith.index_cast %add3A_654 : i32 to index
        %get3A_691 = arith.constant 32 : index
        %get3A_692 = tpu.vector_load %arg10[%get3A_689, %get3A_690, %get3A_691] {strides = array<i32>} : memref<3x128x128xf32, #tpu.memory_space<vmem>>, vector<1x1x16xf32>,
        %get3A_693 = vector.shape_cast %get3A_692 : vector<1x1x16xf32> to vector<16xf32>
        %mul3A_694 = arith.mulf %get3A_687, %get3A_693 : vector<16xf32>
        %add3A_695 = arith.addf %add3A_681, %mul3A_694 : vector<16xf32>
        %get3A_696 = arith.constant 1 : i32
        %get3A_697 = arith.index_cast %get3A_696 : i32 to index
        %get3A_698 = arith.index_cast %add3A_654 : i32 to index
        %get3A_699 = arith.constant 48 : index
        %get3A_700 = tpu.vector_load %arg9[%get3A_697, %get3A_698, %get3A_699] {strides = array<i32>} : memref<3x128x128xf32, #tpu.memory_space<vmem>>, vector<1x1x16xf32>,
        %get3A_701 = vector.shape_cast %get3A_700 : vector<1x1x16xf32> to vector<16xf32>
        %get3A_702 = arith.constant 1 : i32
        %get3A_703 = arith.index_cast %get3A_702 : i32 to index
        %get3A_704 = arith.index_cast %add3A_654 : i32 to index
        %get3A_705 = arith.constant 48 : index
        %get3A_706 = tpu.vector_load %arg10[%get3A_703, %get3A_704, %get3A_705] {strides = array<i32>} : memref<3x128x128xf32, #tpu.memory_space<vmem>>, vector<1x1x16xf32>,
        %get3A_707 = vector.shape_cast %get3A_706 : vector<1x1x16xf32> to vector<16xf32>
        %mul3A_708 = arith.mulf %get3A_701, %get3A_707 : vector<16xf32>
        %add3A_709 = arith.addf %add3A_695, %mul3A_708 : vector<16xf32>
        %get3A_710 = arith.constant 1 : i32
        %get3A_711 = arith.index_cast %get3A_710 : i32 to index
        %get3A_712 = arith.index_cast %add3A_654 : i32 to index
        %get3A_713 = arith.constant 64 : index
        %get3A_714 = tpu.vector_load %arg9[%get3A_711, %get3A_712, %get3A_713] {strides = array<i32>} : memref<3x128x128xf32, #tpu.memory_space<vmem>>, vector<1x1x16xf32>,
        %get3A_715 = vector.shape_cast %get3A_714 : vector<1x1x16xf32> to vector<16xf32>
        %get3A_716 = arith.constant 1 : i32
        %get3A_717 = arith.index_cast %get3A_716 : i32 to index
        %get3A_718 = arith.index_cast %add3A_654 : i32 to index
        %get3A_719 = arith.constant 64 : index
        %get3A_720 = tpu.vector_load %arg10[%get3A_717, %get3A_718, %get3A_719] {strides = array<i32>} : memref<3x128x128xf32, #tpu.memory_space<vmem>>, vector<1x1x16xf32>,
        %get3A_721 = vector.shape_cast %get3A_720 : vector<1x1x16xf32> to vector<16xf32>
        %mul3A_722 = arith.mulf %get3A_715, %get3A_721 : vector<16xf32>
        %add3A_723 = arith.addf %add3A_709, %mul3A_722 : vector<16xf32>
        %get3A_724 = arith.constant 1 : i32
        %get3A_725 = arith.index_cast %get3A_724 : i32 to index
        %get3A_726 = arith.index_cast %add3A_654 : i32 to index
        %get3A_727 = arith.constant 80 : index
        %get3A_728 = tpu.vector_load %arg9[%get3A_725, %get3A_726, %get3A_727] {strides = array<i32>} : memref<3x128x128xf32, #tpu.memory_space<vmem>>, vector<1x1x16xf32>,
        %get3A_729 = vector.shape_cast %get3A_728 : vector<1x1x16xf32> to vector<16xf32>
        %get3A_730 = arith.constant 1 : i32
        %get3A_731 = arith.index_cast %get3A_730 : i32 to index
        %get3A_732 = arith.index_cast %add3A_654 : i32 to index
        %get3A_733 = arith.constant 80 : index
        %get3A_734 = tpu.vector_load %arg10[%get3A_731, %get3A_732, %get3A_733] {strides = array<i32>} : memref<3x128x128xf32, #tpu.memory_space<vmem>>, vector<1x1x16xf32>,
        %get3A_735 = vector.shape_cast %get3A_734 : vector<1x1x16xf32> to vector<16xf32>
        %mul3A_736 = arith.mulf %get3A_729, %get3A_735 : vector<16xf32>
        %add3A_737 = arith.addf %add3A_723, %mul3A_736 : vector<16xf32>
        %get3A_738 = arith.constant 1 : i32
        %get3A_739 = arith.index_cast %get3A_738 : i32 to index
        %get3A_740 = arith.index_cast %add3A_654 : i32 to index
        %get3A_741 = arith.constant 96 : index
        %get3A_742 = tpu.vector_load %arg9[%get3A_739, %get3A_740, %get3A_741] {strides = array<i32>} : memref<3x128x128xf32, #tpu.memory_space<vmem>>, vector<1x1x16xf32>,
        %get3A_743 = vector.shape_cast %get3A_742 : vector<1x1x16xf32> to vector<16xf32>
        %get3A_744 = arith.constant 1 : i32
        %get3A_745 = arith.index_cast %get3A_744 : i32 to index
        %get3A_746 = arith.index_cast %add3A_654 : i32 to index
        %get3A_747 = arith.constant 96 : index
        %get3A_748 = tpu.vector_load %arg10[%get3A_745, %get3A_746, %get3A_747] {strides = array<i32>} : memref<3x128x128xf32, #tpu.memory_space<vmem>>, vector<1x1x16xf32>,
        %get3A_749 = vector.shape_cast %get3A_748 : vector<1x1x16xf32> to vector<16xf32>
        %mul3A_750 = arith.mulf %get3A_743, %get3A_749 : vector<16xf32>
        %add3A_751 = arith.addf %add3A_737, %mul3A_750 : vector<16xf32>
        %get3A_752 = arith.constant 1 : i32
        %get3A_753 = arith.index_cast %get3A_752 : i32 to index
        %get3A_754 = arith.index_cast %add3A_654 : i32 to index
        %get3A_755 = arith.constant 112 : index
        %get3A_756 = tpu.vector_load %arg9[%get3A_753, %get3A_754, %get3A_755] {strides = array<i32>} : memref<3x128x128xf32, #tpu.memory_space<vmem>>, vector<1x1x16xf32>,
        %get3A_757 = vector.shape_cast %get3A_756 : vector<1x1x16xf32> to vector<16xf32>
        %get3A_758 = arith.constant 1 : i32
        %get3A_759 = arith.index_cast %get3A_758 : i32 to index
        %get3A_760 = arith.index_cast %add3A_654 : i32 to index
        %get3A_761 = arith.constant 112 : index
        %get3A_762 = tpu.vector_load %arg10[%get3A_759, %get3A_760, %get3A_761] {strides = array<i32>} : memref<3x128x128xf32, #tpu.memory_space<vmem>>, vector<1x1x16xf32>,
        %get3A_763 = vector.shape_cast %get3A_762 : vector<1x1x16xf32> to vector<16xf32>
        %mul3A_764 = arith.mulf %get3A_757, %get3A_763 : vector<16xf32>
        %add3A_765 = arith.addf %add3A_751, %mul3A_764 : vector<16xf32>
        %mul3A_766 = arith.constant 16 : i32
        %mul3A_767 = arith.muli %scan3A_394, %mul3A_766 : i32
        %mul3A_768 = arith.constant 4 : i32
        %mul3A_769 = arith.muli %scan3A_411, %mul3A_768 : i32
        %add3A_770 = arith.addi %mul3A_767, %mul3A_769 : i32
        %add3A_771 = arith.constant 3 : i32
        %add3A_772 = arith.addi %add3A_770, %add3A_771 : i32
        %get3A_773 = arith.constant 1 : i32
        %get3A_774 = arith.index_cast %get3A_773 : i32 to index
        %get3A_775 = arith.index_cast %add3A_772 : i32 to index
        %get3A_776 = arith.constant 0 : index
        %get3A_777 = tpu.vector_load %arg9[%get3A_774, %get3A_775, %get3A_776] {strides = array<i32>} : memref<3x128x128xf32, #tpu.memory_space<vmem>>, vector<1x1x16xf32>,
        %get3A_778 = vector.shape_cast %get3A_777 : vector<1x1x16xf32> to vector<16xf32>
        %get3A_779 = arith.constant 1 : i32
        %get3A_780 = arith.index_cast %get3A_779 : i32 to index
        %get3A_781 = arith.index_cast %add3A_772 : i32 to index
        %get3A_782 = arith.constant 0 : index
        %get3A_783 = tpu.vector_load %arg10[%get3A_780, %get3A_781, %get3A_782] {strides = array<i32>} : memref<3x128x128xf32, #tpu.memory_space<vmem>>, vector<1x1x16xf32>,
        %get3A_784 = vector.shape_cast %get3A_783 : vector<1x1x16xf32> to vector<16xf32>
        %mul3A_785 = arith.mulf %get3A_778, %get3A_784 : vector<16xf32>
        %get3A_786 = arith.constant 1 : i32
        %get3A_787 = arith.index_cast %get3A_786 : i32 to index
        %get3A_788 = arith.index_cast %add3A_772 : i32 to index
        %get3A_789 = arith.constant 16 : index
        %get3A_790 = tpu.vector_load %arg9[%get3A_787, %get3A_788, %get3A_789] {strides = array<i32>} : memref<3x128x128xf32, #tpu.memory_space<vmem>>, vector<1x1x16xf32>,
        %get3A_791 = vector.shape_cast %get3A_790 : vector<1x1x16xf32> to vector<16xf32>
        %get3A_792 = arith.constant 1 : i32
        %get3A_793 = arith.index_cast %get3A_792 : i32 to index
        %get3A_794 = arith.index_cast %add3A_772 : i32 to index
        %get3A_795 = arith.constant 16 : index
        %get3A_796 = tpu.vector_load %arg10[%get3A_793, %get3A_794, %get3A_795] {strides = array<i32>} : memref<3x128x128xf32, #tpu.memory_space<vmem>>, vector<1x1x16xf32>,
        %get3A_797 = vector.shape_cast %get3A_796 : vector<1x1x16xf32> to vector<16xf32>
        %mul3A_798 = arith.mulf %get3A_791, %get3A_797 : vector<16xf32>
        %add3A_799 = arith.addf %mul3A_785, %mul3A_798 : vector<16xf32>
        %get3A_800 = arith.constant 1 : i32
        %get3A_801 = arith.index_cast %get3A_800 : i32 to index
        %get3A_802 = arith.index_cast %add3A_772 : i32 to index
        %get3A_803 = arith.constant 32 : index
        %get3A_804 = tpu.vector_load %arg9[%get3A_801, %get3A_802, %get3A_803] {strides = array<i32>} : memref<3x128x128xf32, #tpu.memory_space<vmem>>, vector<1x1x16xf32>,
        %get3A_805 = vector.shape_cast %get3A_804 : vector<1x1x16xf32> to vector<16xf32>
        %get3A_806 = arith.constant 1 : i32
        %get3A_807 = arith.index_cast %get3A_806 : i32 to index
        %get3A_808 = arith.index_cast %add3A_772 : i32 to index
        %get3A_809 = arith.constant 32 : index
        %get3A_810 = tpu.vector_load %arg10[%get3A_807, %get3A_808, %get3A_809] {strides = array<i32>} : memref<3x128x128xf32, #tpu.memory_space<vmem>>, vector<1x1x16xf32>,
        %get3A_811 = vector.shape_cast %get3A_810 : vector<1x1x16xf32> to vector<16xf32>
        %mul3A_812 = arith.mulf %get3A_805, %get3A_811 : vector<16xf32>
        %add3A_813 = arith.addf %add3A_799, %mul3A_812 : vector<16xf32>
        %get3A_814 = arith.constant 1 : i32
        %get3A_815 = arith.index_cast %get3A_814 : i32 to index
        %get3A_816 = arith.index_cast %add3A_772 : i32 to index
        %get3A_817 = arith.constant 48 : index
        %get3A_818 = tpu.vector_load %arg9[%get3A_815, %get3A_816, %get3A_817] {strides = array<i32>} : memref<3x128x128xf32, #tpu.memory_space<vmem>>, vector<1x1x16xf32>,
        %get3A_819 = vector.shape_cast %get3A_818 : vector<1x1x16xf32> to vector<16xf32>
        %get3A_820 = arith.constant 1 : i32
        %get3A_821 = arith.index_cast %get3A_820 : i32 to index
        %get3A_822 = arith.index_cast %add3A_772 : i32 to index
        %get3A_823 = arith.constant 48 : index
        %get3A_824 = tpu.vector_load %arg10[%get3A_821, %get3A_822, %get3A_823] {strides = array<i32>} : memref<3x128x128xf32, #tpu.memory_space<vmem>>, vector<1x1x16xf32>,
        %get3A_825 = vector.shape_cast %get3A_824 : vector<1x1x16xf32> to vector<16xf32>
        %mul3A_826 = arith.mulf %get3A_819, %get3A_825 : vector<16xf32>
        %add3A_827 = arith.addf %add3A_813, %mul3A_826 : vector<16xf32>
        %get3A_828 = arith.constant 1 : i32
        %get3A_829 = arith.index_cast %get3A_828 : i32 to index
        %get3A_830 = arith.index_cast %add3A_772 : i32 to index
        %get3A_831 = arith.constant 64 : index
        %get3A_832 = tpu.vector_load %arg9[%get3A_829, %get3A_830, %get3A_831] {strides = array<i32>} : memref<3x128x128xf32, #tpu.memory_space<vmem>>, vector<1x1x16xf32>,
        %get3A_833 = vector.shape_cast %get3A_832 : vector<1x1x16xf32> to vector<16xf32>
        %get3A_834 = arith.constant 1 : i32
        %get3A_835 = arith.index_cast %get3A_834 : i32 to index
        %get3A_836 = arith.index_cast %add3A_772 : i32 to index
        %get3A_837 = arith.constant 64 : index
        %get3A_838 = tpu.vector_load %arg10[%get3A_835, %get3A_836, %get3A_837] {strides = array<i32>} : memref<3x128x128xf32, #tpu.memory_space<vmem>>, vector<1x1x16xf32>,
        %get3A_839 = vector.shape_cast %get3A_838 : vector<1x1x16xf32> to vector<16xf32>
        %mul3A_840 = arith.mulf %get3A_833, %get3A_839 : vector<16xf32>
        %add3A_841 = arith.addf %add3A_827, %mul3A_840 : vector<16xf32>
        %get3A_842 = arith.constant 1 : i32
        %get3A_843 = arith.index_cast %get3A_842 : i32 to index
        %get3A_844 = arith.index_cast %add3A_772 : i32 to index
        %get3A_845 = arith.constant 80 : index
        %get3A_846 = tpu.vector_load %arg9[%get3A_843, %get3A_844, %get3A_845] {strides = array<i32>} : memref<3x128x128xf32, #tpu.memory_space<vmem>>, vector<1x1x16xf32>,
        %get3A_847 = vector.shape_cast %get3A_846 : vector<1x1x16xf32> to vector<16xf32>
        %get3A_848 = arith.constant 1 : i32
        %get3A_849 = arith.index_cast %get3A_848 : i32 to index
        %get3A_850 = arith.index_cast %add3A_772 : i32 to index
        %get3A_851 = arith.constant 80 : index
        %get3A_852 = tpu.vector_load %arg10[%get3A_849, %get3A_850, %get3A_851] {strides = array<i32>} : memref<3x128x128xf32, #tpu.memory_space<vmem>>, vector<1x1x16xf32>,
        %get3A_853 = vector.shape_cast %get3A_852 : vector<1x1x16xf32> to vector<16xf32>
        %mul3A_854 = arith.mulf %get3A_847, %get3A_853 : vector<16xf32>
        %add3A_855 = arith.addf %add3A_841, %mul3A_854 : vector<16xf32>
        %get3A_856 = arith.constant 1 : i32
        %get3A_857 = arith.index_cast %get3A_856 : i32 to index
        %get3A_858 = arith.index_cast %add3A_772 : i32 to index
        %get3A_859 = arith.constant 96 : index
        %get3A_860 = tpu.vector_load %arg9[%get3A_857, %get3A_858, %get3A_859] {strides = array<i32>} : memref<3x128x128xf32, #tpu.memory_space<vmem>>, vector<1x1x16xf32>,
        %get3A_861 = vector.shape_cast %get3A_860 : vector<1x1x16xf32> to vector<16xf32>
        %get3A_862 = arith.constant 1 : i32
        %get3A_863 = arith.index_cast %get3A_862 : i32 to index
        %get3A_864 = arith.index_cast %add3A_772 : i32 to index
        %get3A_865 = arith.constant 96 : index
        %get3A_866 = tpu.vector_load %arg10[%get3A_863, %get3A_864, %get3A_865] {strides = array<i32>} : memref<3x128x128xf32, #tpu.memory_space<vmem>>, vector<1x1x16xf32>,
        %get3A_867 = vector.shape_cast %get3A_866 : vector<1x1x16xf32> to vector<16xf32>
        %mul3A_868 = arith.mulf %get3A_861, %get3A_867 : vector<16xf32>
        %add3A_869 = arith.addf %add3A_855, %mul3A_868 : vector<16xf32>
        %get3A_870 = arith.constant 1 : i32
        %get3A_871 = arith.index_cast %get3A_870 : i32 to index
        %get3A_872 = arith.index_cast %add3A_772 : i32 to index
        %get3A_873 = arith.constant 112 : index
        %get3A_874 = tpu.vector_load %arg9[%get3A_871, %get3A_872, %get3A_873] {strides = array<i32>} : memref<3x128x128xf32, #tpu.memory_space<vmem>>, vector<1x1x16xf32>,
        %get3A_875 = vector.shape_cast %get3A_874 : vector<1x1x16xf32> to vector<16xf32>
        %get3A_876 = arith.constant 1 : i32
        %get3A_877 = arith.index_cast %get3A_876 : i32 to index
        %get3A_878 = arith.index_cast %add3A_772 : i32 to index
        %get3A_879 = arith.constant 112 : index
        %get3A_880 = tpu.vector_load %arg10[%get3A_877, %get3A_878, %get3A_879] {strides = array<i32>} : memref<3x128x128xf32, #tpu.memory_space<vmem>>, vector<1x1x16xf32>,
        %get3A_881 = vector.shape_cast %get3A_880 : vector<1x1x16xf32> to vector<16xf32>
        %mul3A_882 = arith.mulf %get3A_875, %get3A_881 : vector<16xf32>
        %add3A_883 = arith.addf %add3A_869, %mul3A_882 : vector<16xf32>
        %and3A = arith.constant 1 : i32
        %and3A_884 = vector.broadcast %and3A : i32 to vector<16xi32>
        %and3A_885 = arith.andi %iota3A, %and3A_884 : vector<16xi32>
        %eq3A = arith.constant 0 : i32
        %eq3A_886 = vector.broadcast %eq3A : i32 to vector<16xi32>
        %eq3A_887 = arith.cmpi eq, %and3A_885, %eq3A_886 : vector<16xi32>
        %select_n3A = arith.select %eq3A_887, %add3A_529, %add3A_647 : vector<16xi1>, vector<16xf32>
        %xor3A = arith.constant 1 : i32
        %xor3A_888 = vector.broadcast %xor3A : i32 to vector<16xi32>
        %xor3A_889 = arith.xori %iota3A, %xor3A_888 : vector<16xi32>
        %lt3A = arith.constant 0 : i32
        %lt3A_890 = vector.broadcast %lt3A : i32 to vector<16xi32>
        %lt3A_891 = arith.cmpi slt, %xor3A_889, %lt3A_890 : vector<16xi32>
        %add3A_892 = arith.constant 16 : i32
        %add3A_893 = vector.broadcast %add3A_892 : i32 to vector<16xi32>
        %add3A_894 = arith.addi %xor3A_889, %add3A_893 : vector<16xi32>
        %select_n3A_895 = arith.select %lt3A_891, %add3A_894, %xor3A_889 : vector<16xi1>, vector<16xi32>
        %broadcast_in_dim3A_896 = vector.shape_cast %select_n3A_895 : vector<16xi32> to vector<16x1xi32>
        %gather3A = vector.shape_cast %broadcast_in_dim3A_896 : vector<16x1xi32> to vector<16xi32>
        %gather3A_897 = tpu.dynamic_gather %add3A_529[%gather3A] in [0] : vector<16xf32>, vector<16xi32> -> vector<16xf32>
        %xor3A_898 = arith.constant 1 : i32
        %xor3A_899 = vector.broadcast %xor3A_898 : i32 to vector<16xi32>
        %xor3A_900 = arith.xori %iota3A, %xor3A_899 : vector<16xi32>
        %lt3A_901 = arith.constant 0 : i32
        %lt3A_902 = vector.broadcast %lt3A_901 : i32 to vector<16xi32>
        %lt3A_903 = arith.cmpi slt, %xor3A_900, %lt3A_902 : vector<16xi32>
        %add3A_904 = arith.constant 16 : i32
        %add3A_905 = vector.broadcast %add3A_904 : i32 to vector<16xi32>
        %add3A_906 = arith.addi %xor3A_900, %add3A_905 : vector<16xi32>
        %select_n3A_907 = arith.select %lt3A_903, %add3A_906, %xor3A_900 : vector<16xi1>, vector<16xi32>
        %broadcast_in_dim3A_908 = vector.shape_cast %select_n3A_907 : vector<16xi32> to vector<16x1xi32>
        %gather3A_909 = vector.shape_cast %broadcast_in_dim3A_908 : vector<16x1xi32> to vector<16xi32>
        %gather3A_910 = tpu.dynamic_gather %add3A_647[%gather3A_909] in [0] : vector<16xf32>, vector<16xi32> -> vector<16xf32>
        %select_n3A_911 = arith.select %eq3A_887, %gather3A_897, %gather3A_910 : vector<16xi1>, vector<16xf32>
        %add3A_912 = arith.addf %select_n3A, %select_n3A_911 : vector<16xf32>
        %and3A_913 = arith.constant 1 : i32
        %and3A_914 = vector.broadcast %and3A_913 : i32 to vector<16xi32>
        %and3A_915 = arith.andi %iota3A, %and3A_914 : vector<16xi32>
        %eq3A_916 = arith.constant 0 : i32
        %eq3A_917 = vector.broadcast %eq3A_916 : i32 to vector<16xi32>
        %eq3A_918 = arith.cmpi eq, %and3A_915, %eq3A_917 : vector<16xi32>
        %select_n3A_919 = arith.select %eq3A_918, %add3A_765, %add3A_883 : vector<16xi1>, vector<16xf32>
        %xor3A_920 = arith.constant 1 : i32
        %xor3A_921 = vector.broadcast %xor3A_920 : i32 to vector<16xi32>
        %xor3A_922 = arith.xori %iota3A, %xor3A_921 : vector<16xi32>
        %lt3A_923 = arith.constant 0 : i32
        %lt3A_924 = vector.broadcast %lt3A_923 : i32 to vector<16xi32>
        %lt3A_925 = arith.cmpi slt, %xor3A_922, %lt3A_924 : vector<16xi32>
        %add3A_926 = arith.constant 16 : i32
        %add3A_927 = vector.broadcast %add3A_926 : i32 to vector<16xi32>
        %add3A_928 = arith.addi %xor3A_922, %add3A_927 : vector<16xi32>
        %select_n3A_929 = arith.select %lt3A_925, %add3A_928, %xor3A_922 : vector<16xi1>, vector<16xi32>
        %broadcast_in_dim3A_930 = vector.shape_cast %select_n3A_929 : vector<16xi32> to vector<16x1xi32>
        %gather3A_931 = vector.shape_cast %broadcast_in_dim3A_930 : vector<16x1xi32> to vector<16xi32>
        %gather3A_932 = tpu.dynamic_gather %add3A_765[%gather3A_931] in [0] : vector<16xf32>, vector<16xi32> -> vector<16xf32>
        %xor3A_933 = arith.constant 1 : i32
        %xor3A_934 = vector.broadcast %xor3A_933 : i32 to vector<16xi32>
        %xor3A_935 = arith.xori %iota3A, %xor3A_934 : vector<16xi32>
        %lt3A_936 = arith.constant 0 : i32
        %lt3A_937 = vector.broadcast %lt3A_936 : i32 to vector<16xi32>
        %lt3A_938 = arith.cmpi slt, %xor3A_935, %lt3A_937 : vector<16xi32>
        %add3A_939 = arith.constant 16 : i32
        %add3A_940 = vector.broadcast %add3A_939 : i32 to vector<16xi32>
        %add3A_941 = arith.addi %xor3A_935, %add3A_940 : vector<16xi32>
        %select_n3A_942 = arith.select %lt3A_938, %add3A_941, %xor3A_935 : vector<16xi1>, vector<16xi32>
        %broadcast_in_dim3A_943 = vector.shape_cast %select_n3A_942 : vector<16xi32> to vector<16x1xi32>
        %gather3A_944 = vector.shape_cast %broadcast_in_dim3A_943 : vector<16x1xi32> to vector<16xi32>
        %gather3A_945 = tpu.dynamic_gather %add3A_883[%gather3A_944] in [0] : vector<16xf32>, vector<16xi32> -> vector<16xf32>
        %select_n3A_946 = arith.select %eq3A_918, %gather3A_932, %gather3A_945 : vector<16xi1>, vector<16xf32>
        %add3A_947 = arith.addf %select_n3A_919, %select_n3A_946 : vector<16xf32>
        %and3A_948 = arith.constant 2 : i32
        %and3A_949 = vector.broadcast %and3A_948 : i32 to vector<16xi32>
        %and3A_950 = arith.andi %iota3A, %and3A_949 : vector<16xi32>
        %eq3A_951 = arith.constant 0 : i32
        %eq3A_952 = vector.broadcast %eq3A_951 : i32 to vector<16xi32>
        %eq3A_953 = arith.cmpi eq, %and3A_950, %eq3A_952 : vector<16xi32>
        %select_n3A_954 = arith.select %eq3A_953, %add3A_912, %add3A_947 : vector<16xi1>, vector<16xf32>
        %xor3A_955 = arith.constant 2 : i32
        %xor3A_956 = vector.broadcast %xor3A_955 : i32 to vector<16xi32>
        %xor3A_957 = arith.xori %iota3A, %xor3A_956 : vector<16xi32>
        %lt3A_958 = arith.constant 0 : i32
        %lt3A_959 = vector.broadcast %lt3A_958 : i32 to vector<16xi32>
        %lt3A_960 = arith.cmpi slt, %xor3A_957, %lt3A_959 : vector<16xi32>
        %add3A_961 = arith.constant 16 : i32
        %add3A_962 = vector.broadcast %add3A_961 : i32 to vector<16xi32>
        %add3A_963 = arith.addi %xor3A_957, %add3A_962 : vector<16xi32>
        %select_n3A_964 = arith.select %lt3A_960, %add3A_963, %xor3A_957 : vector<16xi1>, vector<16xi32>
        %broadcast_in_dim3A_965 = vector.shape_cast %select_n3A_964 : vector<16xi32> to vector<16x1xi32>
        %gather3A_966 = vector.shape_cast %broadcast_in_dim3A_965 : vector<16x1xi32> to vector<16xi32>
        %gather3A_967 = tpu.dynamic_gather %add3A_912[%gather3A_966] in [0] : vector<16xf32>, vector<16xi32> -> vector<16xf32>
        %xor3A_968 = arith.constant 2 : i32
        %xor3A_969 = vector.broadcast %xor3A_968 : i32 to vector<16xi32>
        %xor3A_970 = arith.xori %iota3A, %xor3A_969 : vector<16xi32>
        %lt3A_971 = arith.constant 0 : i32
        %lt3A_972 = vector.broadcast %lt3A_971 : i32 to vector<16xi32>
        %lt3A_973 = arith.cmpi slt, %xor3A_970, %lt3A_972 : vector<16xi32>
        %add3A_974 = arith.constant 16 : i32
        %add3A_975 = vector.broadcast %add3A_974 : i32 to vector<16xi32>
        %add3A_976 = arith.addi %xor3A_970, %add3A_975 : vector<16xi32>
        %select_n3A_977 = arith.select %lt3A_973, %add3A_976, %xor3A_970 : vector<16xi1>, vector<16xi32>
        %broadcast_in_dim3A_978 = vector.shape_cast %select_n3A_977 : vector<16xi32> to vector<16x1xi32>
        %gather3A_979 = vector.shape_cast %broadcast_in_dim3A_978 : vector<16x1xi32> to vector<16xi32>
        %gather3A_980 = tpu.dynamic_gather %add3A_947[%gather3A_979] in [0] : vector<16xf32>, vector<16xi32> -> vector<16xf32>
        %select_n3A_981 = arith.select %eq3A_953, %gather3A_967, %gather3A_980 : vector<16xi1>, vector<16xf32>
        %add3A_982 = arith.addf %select_n3A_954, %select_n3A_981 : vector<16xf32>
        %xor3A_983 = arith.constant 4 : i32
        %xor3A_984 = vector.broadcast %xor3A_983 : i32 to vector<16xi32>
        %xor3A_985 = arith.xori %iota3A, %xor3A_984 : vector<16xi32>
        %lt3A_986 = arith.constant 0 : i32
        %lt3A_987 = vector.broadcast %lt3A_986 : i32 to vector<16xi32>
        %lt3A_988 = arith.cmpi slt, %xor3A_985, %lt3A_987 : vector<16xi32>
        %add3A_989 = arith.constant 16 : i32
        %add3A_990 = vector.broadcast %add3A_989 : i32 to vector<16xi32>
        %add3A_991 = arith.addi %xor3A_985, %add3A_990 : vector<16xi32>
        %select_n3A_992 = arith.select %lt3A_988, %add3A_991, %xor3A_985 : vector<16xi1>, vector<16xi32>
        %broadcast_in_dim3A_993 = vector.shape_cast %select_n3A_992 : vector<16xi32> to vector<16x1xi32>
        %gather3A_994 = vector.shape_cast %broadcast_in_dim3A_993 : vector<16x1xi32> to vector<16xi32>
        %gather3A_995 = tpu.dynamic_gather %add3A_982[%gather3A_994] in [0] : vector<16xf32>, vector<16xi32> -> vector<16xf32>
        %add3A_996 = arith.addf %add3A_982, %gather3A_995 : vector<16xf32>
        %xor3A_997 = arith.constant 8 : i32
        %xor3A_998 = vector.broadcast %xor3A_997 : i32 to vector<16xi32>
        %xor3A_999 = arith.xori %iota3A, %xor3A_998 : vector<16xi32>
        %lt3A_1000 = arith.constant 0 : i32
        %lt3A_1001 = vector.broadcast %lt3A_1000 : i32 to vector<16xi32>
        %lt3A_1002 = arith.cmpi slt, %xor3A_999, %lt3A_1001 : vector<16xi32>
        %add3A_1003 = arith.constant 16 : i32
        %add3A_1004 = vector.broadcast %add3A_1003 : i32 to vector<16xi32>
        %add3A_1005 = arith.addi %xor3A_999, %add3A_1004 : vector<16xi32>
        %select_n3A_1006 = arith.select %lt3A_1002, %add3A_1005, %xor3A_999 : vector<16xi1>, vector<16xi32>
        %broadcast_in_dim3A_1007 = vector.shape_cast %select_n3A_1006 : vector<16xi32> to vector<16x1xi32>
        %gather3A_1008 = vector.shape_cast %broadcast_in_dim3A_1007 : vector<16x1xi32> to vector<16xi32>
        %gather3A_1009 = tpu.dynamic_gather %add3A_996[%gather3A_1008] in [0] : vector<16xf32>, vector<16xi32> -> vector<16xf32>
        %add3A_1010 = arith.addf %add3A_996, %gather3A_1009 : vector<16xf32>
        %shift_right_arithmetic3A = arith.constant 2 : i32
        %shift_right_arithmetic3A_1011 = vector.broadcast %shift_right_arithmetic3A : i32 to vector<16xi32>
        %shift_right_arithmetic3A_1012 = arith.shrsi %iota3A, %shift_right_arithmetic3A_1011 : vector<16xi32>
        %eq3A_1013 = vector.broadcast %scan3A_411 : i32 to vector<16xi32>
        %eq3A_1014 = arith.cmpi eq, %shift_right_arithmetic3A_1012, %eq3A_1013 : vector<16xi32>
        %select_n3A_1015 = arith.select %eq3A_1014, %add3A_1010, %scan3A_412 : vector<16xi1>, vector<16xf32>
        scf.yield %select_n3A_1015 : vector<16xf32>
      }
      %scan3A_402 = arith.constant 4 : i32
      %mul3A_403 = arith.constant 16 : i32
      %mul3A_404 = arith.muli %scan3A_394, %mul3A_403 : i32
      %add3A_405 = arith.constant 128 : i32
      %add3A_406 = arith.addi %add3A_405, %mul3A_404 : i32
      %swap3A = arith.index_cast %add3A_406 : i32 to index
      %swap3A_407 = tpu.vector_load %arg11[%swap3A] {strides = array<i32>} : memref<512xf32, #tpu.memory_space<vmem>>, vector<16xf32>,
      %swap3A_408 = vector.shape_cast %swap3A_407 : vector<16xf32> to vector<16xf32>
      %swap3A_409 = vector.shape_cast %scan3A_401 : vector<16xf32> to vector<16xf32>
      tpu.vector_store %arg11[%swap3A], %swap3A_409 {strides = array<i32>} : memref<512xf32, #tpu.memory_space<vmem>>, vector<16xf32>,
      %scan3A_410 = arith.constant 0 : i32
      scf.yield %scan3A_410 : i32
    }
    %scan3A_277 = arith.constant 8 : i32
    %mul3A_278 = arith.constant 512 : i32
    %mul3A_279 = arith.muli %add3A, %mul3A_278 : i32
    %add3A_280 = arith.constant 128 : i32
    %add3A_281 = arith.addi %mul3A_279, %add3A_280 : i32
    %dma_start3A_282 = arith.constant 128 : i32
    %dma_start3A_283 = tpu.memref_slice %arg11[%dma_start3A_282] : memref<512xf32, #tpu.memory_space<vmem>> -> memref<128xf32, #tpu.memory_space<vmem>>
    %dma_start3A_284 = tpu.memref_slice %arg6[%add3A_281] : memref<16384xf32, #tpu.memory_space<hbm>> -> memref<128xf32, #tpu.memory_space<hbm>>
    %dma_start3A_285 = tpu.memref_slice %arg6[%add3A_281] : memref<16384xf32, #tpu.memory_space<hbm>> -> memref<128xf32, #tpu.memory_space<hbm>>
    %dma_start3A_286 = arith.constant 128 : i32
    %dma_start3A_287 = tpu.memref_slice %arg11[%dma_start3A_286] : memref<512xf32, #tpu.memory_space<vmem>> -> memref<128xf32, #tpu.memory_space<vmem>>
    tpu.enqueue_dma source(%dma_start3A_287 : memref<128xf32, #tpu.memory_space<vmem>>) target(%dma_start3A_285 : memref<128xf32, #tpu.memory_space<hbm>>) target_semaphore(%arg15 : memref<!tpu.dma_semaphore, #tpu.memory_space<semaphore_mem>>)
    %dma_wait3A_288 = arith.constant 2 : i32
    %dma_wait3A_289 = arith.constant 2 : i32
    %dma_wait3A_290 = arith.constant 0 : i32
    %dma_wait3A_291 = arith.constant 0 : i32
    %dma_wait3A_292 = tpu.memref_slice %arg9[%dma_wait3A_289, %dma_wait3A_290, %dma_wait3A_291] : memref<3x128x128xf32, #tpu.memory_space<vmem>> -> memref<1x128x128xf32, #tpu.memory_space<vmem>>
    %dma_wait3A_293 = tpu.memref_squeeze %dma_wait3A_292 : memref<1x128x128xf32, #tpu.memory_space<vmem>> -> memref<128x128xf32, #tpu.memory_space<vmem>>
    %dma_wait3A_294 = arith.constant 0 : i32
    %dma_wait3A_295 = tpu.memref_slice %arg7[%dma_wait3A_288, %dma_wait3A_294] : memref<4x128xi32, #tpu.memory_space<vmem>> -> memref<1x128xi32, #tpu.memory_space<vmem>>
    %dma_wait3A_296 = tpu.memref_squeeze %dma_wait3A_295 : memref<1x128xi32, #tpu.memory_space<vmem>> -> memref<128xi32, #tpu.memory_space<vmem>>
    %dma_wait3A_297 = arith.constant 0 : i32
    %dma_wait3A_298 = arith.constant 0 : i32
    %dma_wait3A_299 = tpu.memref_slice %arg4[%dma_wait3A_297, %dma_wait3A_298] : memref<100000x128xf32, #tpu.memory_space<hbm>> -> memref<100000x128xf32, #tpu.memory_space<hbm>>
    tpu.wait_indirect_dma semaphore(%arg12 : memref<!tpu.dma_semaphore, #tpu.memory_space<semaphore_mem>>) src(%dma_wait3A_299 : memref<100000x128xf32, #tpu.memory_space<hbm>>) dst(%dma_wait3A_293 : memref<128x128xf32, #tpu.memory_space<vmem>>)
    %dma_wait3A_300 = arith.constant 2 : i32
    %dma_wait3A_301 = arith.constant 2 : i32
    %dma_wait3A_302 = arith.constant 0 : i32
    %dma_wait3A_303 = arith.constant 0 : i32
    %dma_wait3A_304 = tpu.memref_slice %arg10[%dma_wait3A_301, %dma_wait3A_302, %dma_wait3A_303] : memref<3x128x128xf32, #tpu.memory_space<vmem>> -> memref<1x128x128xf32, #tpu.memory_space<vmem>>
    %dma_wait3A_305 = tpu.memref_squeeze %dma_wait3A_304 : memref<1x128x128xf32, #tpu.memory_space<vmem>> -> memref<128x128xf32, #tpu.memory_space<vmem>>
    %dma_wait3A_306 = arith.constant 0 : i32
    %dma_wait3A_307 = tpu.memref_slice %arg8[%dma_wait3A_300, %dma_wait3A_306] : memref<4x128xi32, #tpu.memory_space<vmem>> -> memref<1x128xi32, #tpu.memory_space<vmem>>
    %dma_wait3A_308 = tpu.memref_squeeze %dma_wait3A_307 : memref<1x128xi32, #tpu.memory_space<vmem>> -> memref<128xi32, #tpu.memory_space<vmem>>
    %dma_wait3A_309 = arith.constant 0 : i32
    %dma_wait3A_310 = arith.constant 0 : i32
    %dma_wait3A_311 = tpu.memref_slice %arg5[%dma_wait3A_309, %dma_wait3A_310] : memref<100000x128xf32, #tpu.memory_space<hbm>> -> memref<100000x128xf32, #tpu.memory_space<hbm>>
    tpu.wait_indirect_dma semaphore(%arg13 : memref<!tpu.dma_semaphore, #tpu.memory_space<semaphore_mem>>) src(%dma_wait3A_311 : memref<100000x128xf32, #tpu.memory_space<hbm>>) dst(%dma_wait3A_305 : memref<128x128xf32, #tpu.memory_space<vmem>>)
    %scan3A_312 = arith.constant 0 : i32
    %scan3A_313 = arith.constant 0 : i32
    %scan3A_314 = arith.constant 8 : i32
    %scan3A_315 = arith.addi %scan3A_313, %scan3A_314 : i32
    %scan3A_316 = arith.constant 1 : i32
    %scan3A_317 = scf.for %scan3A_394 = %scan3A_313 to %scan3A_315 step %scan3A_316 iter_args(%scan3A_395 = %scan3A_312) -> (i32)  : i32 {
      %broadcast_in_dim3A = arith.constant 0.000000e+00 : f32
      %broadcast_in_dim3A_396 = vector.broadcast %broadcast_in_dim3A : f32 to vector<16xf32>
      %scan3A_397 = arith.constant 0 : i32
      %scan3A_398 = arith.constant 4 : i32
      %scan3A_399 = arith.addi %scan3A_397, %scan3A_398 : i32
      %scan3A_400 = arith.constant 1 : i32
      %scan3A_401 = scf.for %scan3A_411 = %scan3A_397 to %scan3A_399 step %scan3A_400 iter_args(%scan3A_412 = %broadcast_in_dim3A_396) -> (vector<16xf32>)  : i32 {
        %mul3A_413 = arith.constant 16 : i32
        %mul3A_414 = arith.muli %scan3A_394, %mul3A_413 : i32
        %mul3A_415 = arith.constant 4 : i32
        %mul3A_416 = arith.muli %scan3A_411, %mul3A_415 : i32
        %add3A_417 = arith.addi %mul3A_414, %mul3A_416 : i32
        %add3A_418 = arith.constant 0 : i32
        %add3A_419 = arith.addi %add3A_417, %add3A_418 : i32
        %get3A = arith.constant 2 : i32
        %get3A_420 = arith.index_cast %get3A : i32 to index
        %get3A_421 = arith.index_cast %add3A_419 : i32 to index
        %get3A_422 = arith.constant 0 : index
        %get3A_423 = tpu.vector_load %arg9[%get3A_420, %get3A_421, %get3A_422] {strides = array<i32>} : memref<3x128x128xf32, #tpu.memory_space<vmem>>, vector<1x1x16xf32>,
        %get3A_424 = vector.shape_cast %get3A_423 : vector<1x1x16xf32> to vector<16xf32>
        %get3A_425 = arith.constant 2 : i32
        %get3A_426 = arith.index_cast %get3A_425 : i32 to index
        %get3A_427 = arith.index_cast %add3A_419 : i32 to index
        %get3A_428 = arith.constant 0 : index
        %get3A_429 = tpu.vector_load %arg10[%get3A_426, %get3A_427, %get3A_428] {strides = array<i32>} : memref<3x128x128xf32, #tpu.memory_space<vmem>>, vector<1x1x16xf32>,
        %get3A_430 = vector.shape_cast %get3A_429 : vector<1x1x16xf32> to vector<16xf32>
        %mul3A_431 = arith.mulf %get3A_424, %get3A_430 : vector<16xf32>
        %get3A_432 = arith.constant 2 : i32
        %get3A_433 = arith.index_cast %get3A_432 : i32 to index
        %get3A_434 = arith.index_cast %add3A_419 : i32 to index
        %get3A_435 = arith.constant 16 : index
        %get3A_436 = tpu.vector_load %arg9[%get3A_433, %get3A_434, %get3A_435] {strides = array<i32>} : memref<3x128x128xf32, #tpu.memory_space<vmem>>, vector<1x1x16xf32>,
        %get3A_437 = vector.shape_cast %get3A_436 : vector<1x1x16xf32> to vector<16xf32>
        %get3A_438 = arith.constant 2 : i32
        %get3A_439 = arith.index_cast %get3A_438 : i32 to index
        %get3A_440 = arith.index_cast %add3A_419 : i32 to index
        %get3A_441 = arith.constant 16 : index
        %get3A_442 = tpu.vector_load %arg10[%get3A_439, %get3A_440, %get3A_441] {strides = array<i32>} : memref<3x128x128xf32, #tpu.memory_space<vmem>>, vector<1x1x16xf32>,
        %get3A_443 = vector.shape_cast %get3A_442 : vector<1x1x16xf32> to vector<16xf32>
        %mul3A_444 = arith.mulf %get3A_437, %get3A_443 : vector<16xf32>
        %add3A_445 = arith.addf %mul3A_431, %mul3A_444 : vector<16xf32>
        %get3A_446 = arith.constant 2 : i32
        %get3A_447 = arith.index_cast %get3A_446 : i32 to index
        %get3A_448 = arith.index_cast %add3A_419 : i32 to index
        %get3A_449 = arith.constant 32 : index
        %get3A_450 = tpu.vector_load %arg9[%get3A_447, %get3A_448, %get3A_449] {strides = array<i32>} : memref<3x128x128xf32, #tpu.memory_space<vmem>>, vector<1x1x16xf32>,
        %get3A_451 = vector.shape_cast %get3A_450 : vector<1x1x16xf32> to vector<16xf32>
        %get3A_452 = arith.constant 2 : i32
        %get3A_453 = arith.index_cast %get3A_452 : i32 to index
        %get3A_454 = arith.index_cast %add3A_419 : i32 to index
        %get3A_455 = arith.constant 32 : index
        %get3A_456 = tpu.vector_load %arg10[%get3A_453, %get3A_454, %get3A_455] {strides = array<i32>} : memref<3x128x128xf32, #tpu.memory_space<vmem>>, vector<1x1x16xf32>,
        %get3A_457 = vector.shape_cast %get3A_456 : vector<1x1x16xf32> to vector<16xf32>
        %mul3A_458 = arith.mulf %get3A_451, %get3A_457 : vector<16xf32>
        %add3A_459 = arith.addf %add3A_445, %mul3A_458 : vector<16xf32>
        %get3A_460 = arith.constant 2 : i32
        %get3A_461 = arith.index_cast %get3A_460 : i32 to index
        %get3A_462 = arith.index_cast %add3A_419 : i32 to index
        %get3A_463 = arith.constant 48 : index
        %get3A_464 = tpu.vector_load %arg9[%get3A_461, %get3A_462, %get3A_463] {strides = array<i32>} : memref<3x128x128xf32, #tpu.memory_space<vmem>>, vector<1x1x16xf32>,
        %get3A_465 = vector.shape_cast %get3A_464 : vector<1x1x16xf32> to vector<16xf32>
        %get3A_466 = arith.constant 2 : i32
        %get3A_467 = arith.index_cast %get3A_466 : i32 to index
        %get3A_468 = arith.index_cast %add3A_419 : i32 to index
        %get3A_469 = arith.constant 48 : index
        %get3A_470 = tpu.vector_load %arg10[%get3A_467, %get3A_468, %get3A_469] {strides = array<i32>} : memref<3x128x128xf32, #tpu.memory_space<vmem>>, vector<1x1x16xf32>,
        %get3A_471 = vector.shape_cast %get3A_470 : vector<1x1x16xf32> to vector<16xf32>
        %mul3A_472 = arith.mulf %get3A_465, %get3A_471 : vector<16xf32>
        %add3A_473 = arith.addf %add3A_459, %mul3A_472 : vector<16xf32>
        %get3A_474 = arith.constant 2 : i32
        %get3A_475 = arith.index_cast %get3A_474 : i32 to index
        %get3A_476 = arith.index_cast %add3A_419 : i32 to index
        %get3A_477 = arith.constant 64 : index
        %get3A_478 = tpu.vector_load %arg9[%get3A_475, %get3A_476, %get3A_477] {strides = array<i32>} : memref<3x128x128xf32, #tpu.memory_space<vmem>>, vector<1x1x16xf32>,
        %get3A_479 = vector.shape_cast %get3A_478 : vector<1x1x16xf32> to vector<16xf32>
        %get3A_480 = arith.constant 2 : i32
        %get3A_481 = arith.index_cast %get3A_480 : i32 to index
        %get3A_482 = arith.index_cast %add3A_419 : i32 to index
        %get3A_483 = arith.constant 64 : index
        %get3A_484 = tpu.vector_load %arg10[%get3A_481, %get3A_482, %get3A_483] {strides = array<i32>} : memref<3x128x128xf32, #tpu.memory_space<vmem>>, vector<1x1x16xf32>,
        %get3A_485 = vector.shape_cast %get3A_484 : vector<1x1x16xf32> to vector<16xf32>
        %mul3A_486 = arith.mulf %get3A_479, %get3A_485 : vector<16xf32>
        %add3A_487 = arith.addf %add3A_473, %mul3A_486 : vector<16xf32>
        %get3A_488 = arith.constant 2 : i32
        %get3A_489 = arith.index_cast %get3A_488 : i32 to index
        %get3A_490 = arith.index_cast %add3A_419 : i32 to index
        %get3A_491 = arith.constant 80 : index
        %get3A_492 = tpu.vector_load %arg9[%get3A_489, %get3A_490, %get3A_491] {strides = array<i32>} : memref<3x128x128xf32, #tpu.memory_space<vmem>>, vector<1x1x16xf32>,
        %get3A_493 = vector.shape_cast %get3A_492 : vector<1x1x16xf32> to vector<16xf32>
        %get3A_494 = arith.constant 2 : i32
        %get3A_495 = arith.index_cast %get3A_494 : i32 to index
        %get3A_496 = arith.index_cast %add3A_419 : i32 to index
        %get3A_497 = arith.constant 80 : index
        %get3A_498 = tpu.vector_load %arg10[%get3A_495, %get3A_496, %get3A_497] {strides = array<i32>} : memref<3x128x128xf32, #tpu.memory_space<vmem>>, vector<1x1x16xf32>,
        %get3A_499 = vector.shape_cast %get3A_498 : vector<1x1x16xf32> to vector<16xf32>
        %mul3A_500 = arith.mulf %get3A_493, %get3A_499 : vector<16xf32>
        %add3A_501 = arith.addf %add3A_487, %mul3A_500 : vector<16xf32>
        %get3A_502 = arith.constant 2 : i32
        %get3A_503 = arith.index_cast %get3A_502 : i32 to index
        %get3A_504 = arith.index_cast %add3A_419 : i32 to index
        %get3A_505 = arith.constant 96 : index
        %get3A_506 = tpu.vector_load %arg9[%get3A_503, %get3A_504, %get3A_505] {strides = array<i32>} : memref<3x128x128xf32, #tpu.memory_space<vmem>>, vector<1x1x16xf32>,
        %get3A_507 = vector.shape_cast %get3A_506 : vector<1x1x16xf32> to vector<16xf32>
        %get3A_508 = arith.constant 2 : i32
        %get3A_509 = arith.index_cast %get3A_508 : i32 to index
        %get3A_510 = arith.index_cast %add3A_419 : i32 to index
        %get3A_511 = arith.constant 96 : index
        %get3A_512 = tpu.vector_load %arg10[%get3A_509, %get3A_510, %get3A_511] {strides = array<i32>} : memref<3x128x128xf32, #tpu.memory_space<vmem>>, vector<1x1x16xf32>,
        %get3A_513 = vector.shape_cast %get3A_512 : vector<1x1x16xf32> to vector<16xf32>
        %mul3A_514 = arith.mulf %get3A_507, %get3A_513 : vector<16xf32>
        %add3A_515 = arith.addf %add3A_501, %mul3A_514 : vector<16xf32>
        %get3A_516 = arith.constant 2 : i32
        %get3A_517 = arith.index_cast %get3A_516 : i32 to index
        %get3A_518 = arith.index_cast %add3A_419 : i32 to index
        %get3A_519 = arith.constant 112 : index
        %get3A_520 = tpu.vector_load %arg9[%get3A_517, %get3A_518, %get3A_519] {strides = array<i32>} : memref<3x128x128xf32, #tpu.memory_space<vmem>>, vector<1x1x16xf32>,
        %get3A_521 = vector.shape_cast %get3A_520 : vector<1x1x16xf32> to vector<16xf32>
        %get3A_522 = arith.constant 2 : i32
        %get3A_523 = arith.index_cast %get3A_522 : i32 to index
        %get3A_524 = arith.index_cast %add3A_419 : i32 to index
        %get3A_525 = arith.constant 112 : index
        %get3A_526 = tpu.vector_load %arg10[%get3A_523, %get3A_524, %get3A_525] {strides = array<i32>} : memref<3x128x128xf32, #tpu.memory_space<vmem>>, vector<1x1x16xf32>,
        %get3A_527 = vector.shape_cast %get3A_526 : vector<1x1x16xf32> to vector<16xf32>
        %mul3A_528 = arith.mulf %get3A_521, %get3A_527 : vector<16xf32>
        %add3A_529 = arith.addf %add3A_515, %mul3A_528 : vector<16xf32>
        %mul3A_530 = arith.constant 16 : i32
        %mul3A_531 = arith.muli %scan3A_394, %mul3A_530 : i32
        %mul3A_532 = arith.constant 4 : i32
        %mul3A_533 = arith.muli %scan3A_411, %mul3A_532 : i32
        %add3A_534 = arith.addi %mul3A_531, %mul3A_533 : i32
        %add3A_535 = arith.constant 1 : i32
        %add3A_536 = arith.addi %add3A_534, %add3A_535 : i32
        %get3A_537 = arith.constant 2 : i32
        %get3A_538 = arith.index_cast %get3A_537 : i32 to index
        %get3A_539 = arith.index_cast %add3A_536 : i32 to index
        %get3A_540 = arith.constant 0 : index
        %get3A_541 = tpu.vector_load %arg9[%get3A_538, %get3A_539, %get3A_540] {strides = array<i32>} : memref<3x128x128xf32, #tpu.memory_space<vmem>>, vector<1x1x16xf32>,
        %get3A_542 = vector.shape_cast %get3A_541 : vector<1x1x16xf32> to vector<16xf32>
        %get3A_543 = arith.constant 2 : i32
        %get3A_544 = arith.index_cast %get3A_543 : i32 to index
        %get3A_545 = arith.index_cast %add3A_536 : i32 to index
        %get3A_546 = arith.constant 0 : index
        %get3A_547 = tpu.vector_load %arg10[%get3A_544, %get3A_545, %get3A_546] {strides = array<i32>} : memref<3x128x128xf32, #tpu.memory_space<vmem>>, vector<1x1x16xf32>,
        %get3A_548 = vector.shape_cast %get3A_547 : vector<1x1x16xf32> to vector<16xf32>
        %mul3A_549 = arith.mulf %get3A_542, %get3A_548 : vector<16xf32>
        %get3A_550 = arith.constant 2 : i32
        %get3A_551 = arith.index_cast %get3A_550 : i32 to index
        %get3A_552 = arith.index_cast %add3A_536 : i32 to index
        %get3A_553 = arith.constant 16 : index
        %get3A_554 = tpu.vector_load %arg9[%get3A_551, %get3A_552, %get3A_553] {strides = array<i32>} : memref<3x128x128xf32, #tpu.memory_space<vmem>>, vector<1x1x16xf32>,
        %get3A_555 = vector.shape_cast %get3A_554 : vector<1x1x16xf32> to vector<16xf32>
        %get3A_556 = arith.constant 2 : i32
        %get3A_557 = arith.index_cast %get3A_556 : i32 to index
        %get3A_558 = arith.index_cast %add3A_536 : i32 to index
        %get3A_559 = arith.constant 16 : index
        %get3A_560 = tpu.vector_load %arg10[%get3A_557, %get3A_558, %get3A_559] {strides = array<i32>} : memref<3x128x128xf32, #tpu.memory_space<vmem>>, vector<1x1x16xf32>,
        %get3A_561 = vector.shape_cast %get3A_560 : vector<1x1x16xf32> to vector<16xf32>
        %mul3A_562 = arith.mulf %get3A_555, %get3A_561 : vector<16xf32>
        %add3A_563 = arith.addf %mul3A_549, %mul3A_562 : vector<16xf32>
        %get3A_564 = arith.constant 2 : i32
        %get3A_565 = arith.index_cast %get3A_564 : i32 to index
        %get3A_566 = arith.index_cast %add3A_536 : i32 to index
        %get3A_567 = arith.constant 32 : index
        %get3A_568 = tpu.vector_load %arg9[%get3A_565, %get3A_566, %get3A_567] {strides = array<i32>} : memref<3x128x128xf32, #tpu.memory_space<vmem>>, vector<1x1x16xf32>,
        %get3A_569 = vector.shape_cast %get3A_568 : vector<1x1x16xf32> to vector<16xf32>
        %get3A_570 = arith.constant 2 : i32
        %get3A_571 = arith.index_cast %get3A_570 : i32 to index
        %get3A_572 = arith.index_cast %add3A_536 : i32 to index
        %get3A_573 = arith.constant 32 : index
        %get3A_574 = tpu.vector_load %arg10[%get3A_571, %get3A_572, %get3A_573] {strides = array<i32>} : memref<3x128x128xf32, #tpu.memory_space<vmem>>, vector<1x1x16xf32>,
        %get3A_575 = vector.shape_cast %get3A_574 : vector<1x1x16xf32> to vector<16xf32>
        %mul3A_576 = arith.mulf %get3A_569, %get3A_575 : vector<16xf32>
        %add3A_577 = arith.addf %add3A_563, %mul3A_576 : vector<16xf32>
        %get3A_578 = arith.constant 2 : i32
        %get3A_579 = arith.index_cast %get3A_578 : i32 to index
        %get3A_580 = arith.index_cast %add3A_536 : i32 to index
        %get3A_581 = arith.constant 48 : index
        %get3A_582 = tpu.vector_load %arg9[%get3A_579, %get3A_580, %get3A_581] {strides = array<i32>} : memref<3x128x128xf32, #tpu.memory_space<vmem>>, vector<1x1x16xf32>,
        %get3A_583 = vector.shape_cast %get3A_582 : vector<1x1x16xf32> to vector<16xf32>
        %get3A_584 = arith.constant 2 : i32
        %get3A_585 = arith.index_cast %get3A_584 : i32 to index
        %get3A_586 = arith.index_cast %add3A_536 : i32 to index
        %get3A_587 = arith.constant 48 : index
        %get3A_588 = tpu.vector_load %arg10[%get3A_585, %get3A_586, %get3A_587] {strides = array<i32>} : memref<3x128x128xf32, #tpu.memory_space<vmem>>, vector<1x1x16xf32>,
        %get3A_589 = vector.shape_cast %get3A_588 : vector<1x1x16xf32> to vector<16xf32>
        %mul3A_590 = arith.mulf %get3A_583, %get3A_589 : vector<16xf32>
        %add3A_591 = arith.addf %add3A_577, %mul3A_590 : vector<16xf32>
        %get3A_592 = arith.constant 2 : i32
        %get3A_593 = arith.index_cast %get3A_592 : i32 to index
        %get3A_594 = arith.index_cast %add3A_536 : i32 to index
        %get3A_595 = arith.constant 64 : index
        %get3A_596 = tpu.vector_load %arg9[%get3A_593, %get3A_594, %get3A_595] {strides = array<i32>} : memref<3x128x128xf32, #tpu.memory_space<vmem>>, vector<1x1x16xf32>,
        %get3A_597 = vector.shape_cast %get3A_596 : vector<1x1x16xf32> to vector<16xf32>
        %get3A_598 = arith.constant 2 : i32
        %get3A_599 = arith.index_cast %get3A_598 : i32 to index
        %get3A_600 = arith.index_cast %add3A_536 : i32 to index
        %get3A_601 = arith.constant 64 : index
        %get3A_602 = tpu.vector_load %arg10[%get3A_599, %get3A_600, %get3A_601] {strides = array<i32>} : memref<3x128x128xf32, #tpu.memory_space<vmem>>, vector<1x1x16xf32>,
        %get3A_603 = vector.shape_cast %get3A_602 : vector<1x1x16xf32> to vector<16xf32>
        %mul3A_604 = arith.mulf %get3A_597, %get3A_603 : vector<16xf32>
        %add3A_605 = arith.addf %add3A_591, %mul3A_604 : vector<16xf32>
        %get3A_606 = arith.constant 2 : i32
        %get3A_607 = arith.index_cast %get3A_606 : i32 to index
        %get3A_608 = arith.index_cast %add3A_536 : i32 to index
        %get3A_609 = arith.constant 80 : index
        %get3A_610 = tpu.vector_load %arg9[%get3A_607, %get3A_608, %get3A_609] {strides = array<i32>} : memref<3x128x128xf32, #tpu.memory_space<vmem>>, vector<1x1x16xf32>,
        %get3A_611 = vector.shape_cast %get3A_610 : vector<1x1x16xf32> to vector<16xf32>
        %get3A_612 = arith.constant 2 : i32
        %get3A_613 = arith.index_cast %get3A_612 : i32 to index
        %get3A_614 = arith.index_cast %add3A_536 : i32 to index
        %get3A_615 = arith.constant 80 : index
        %get3A_616 = tpu.vector_load %arg10[%get3A_613, %get3A_614, %get3A_615] {strides = array<i32>} : memref<3x128x128xf32, #tpu.memory_space<vmem>>, vector<1x1x16xf32>,
        %get3A_617 = vector.shape_cast %get3A_616 : vector<1x1x16xf32> to vector<16xf32>
        %mul3A_618 = arith.mulf %get3A_611, %get3A_617 : vector<16xf32>
        %add3A_619 = arith.addf %add3A_605, %mul3A_618 : vector<16xf32>
        %get3A_620 = arith.constant 2 : i32
        %get3A_621 = arith.index_cast %get3A_620 : i32 to index
        %get3A_622 = arith.index_cast %add3A_536 : i32 to index
        %get3A_623 = arith.constant 96 : index
        %get3A_624 = tpu.vector_load %arg9[%get3A_621, %get3A_622, %get3A_623] {strides = array<i32>} : memref<3x128x128xf32, #tpu.memory_space<vmem>>, vector<1x1x16xf32>,
        %get3A_625 = vector.shape_cast %get3A_624 : vector<1x1x16xf32> to vector<16xf32>
        %get3A_626 = arith.constant 2 : i32
        %get3A_627 = arith.index_cast %get3A_626 : i32 to index
        %get3A_628 = arith.index_cast %add3A_536 : i32 to index
        %get3A_629 = arith.constant 96 : index
        %get3A_630 = tpu.vector_load %arg10[%get3A_627, %get3A_628, %get3A_629] {strides = array<i32>} : memref<3x128x128xf32, #tpu.memory_space<vmem>>, vector<1x1x16xf32>,
        %get3A_631 = vector.shape_cast %get3A_630 : vector<1x1x16xf32> to vector<16xf32>
        %mul3A_632 = arith.mulf %get3A_625, %get3A_631 : vector<16xf32>
        %add3A_633 = arith.addf %add3A_619, %mul3A_632 : vector<16xf32>
        %get3A_634 = arith.constant 2 : i32
        %get3A_635 = arith.index_cast %get3A_634 : i32 to index
        %get3A_636 = arith.index_cast %add3A_536 : i32 to index
        %get3A_637 = arith.constant 112 : index
        %get3A_638 = tpu.vector_load %arg9[%get3A_635, %get3A_636, %get3A_637] {strides = array<i32>} : memref<3x128x128xf32, #tpu.memory_space<vmem>>, vector<1x1x16xf32>,
        %get3A_639 = vector.shape_cast %get3A_638 : vector<1x1x16xf32> to vector<16xf32>
        %get3A_640 = arith.constant 2 : i32
        %get3A_641 = arith.index_cast %get3A_640 : i32 to index
        %get3A_642 = arith.index_cast %add3A_536 : i32 to index
        %get3A_643 = arith.constant 112 : index
        %get3A_644 = tpu.vector_load %arg10[%get3A_641, %get3A_642, %get3A_643] {strides = array<i32>} : memref<3x128x128xf32, #tpu.memory_space<vmem>>, vector<1x1x16xf32>,
        %get3A_645 = vector.shape_cast %get3A_644 : vector<1x1x16xf32> to vector<16xf32>
        %mul3A_646 = arith.mulf %get3A_639, %get3A_645 : vector<16xf32>
        %add3A_647 = arith.addf %add3A_633, %mul3A_646 : vector<16xf32>
        %mul3A_648 = arith.constant 16 : i32
        %mul3A_649 = arith.muli %scan3A_394, %mul3A_648 : i32
        %mul3A_650 = arith.constant 4 : i32
        %mul3A_651 = arith.muli %scan3A_411, %mul3A_650 : i32
        %add3A_652 = arith.addi %mul3A_649, %mul3A_651 : i32
        %add3A_653 = arith.constant 2 : i32
        %add3A_654 = arith.addi %add3A_652, %add3A_653 : i32
        %get3A_655 = arith.constant 2 : i32
        %get3A_656 = arith.index_cast %get3A_655 : i32 to index
        %get3A_657 = arith.index_cast %add3A_654 : i32 to index
        %get3A_658 = arith.constant 0 : index
        %get3A_659 = tpu.vector_load %arg9[%get3A_656, %get3A_657, %get3A_658] {strides = array<i32>} : memref<3x128x128xf32, #tpu.memory_space<vmem>>, vector<1x1x16xf32>,
        %get3A_660 = vector.shape_cast %get3A_659 : vector<1x1x16xf32> to vector<16xf32>
        %get3A_661 = arith.constant 2 : i32
        %get3A_662 = arith.index_cast %get3A_661 : i32 to index
        %get3A_663 = arith.index_cast %add3A_654 : i32 to index
        %get3A_664 = arith.constant 0 : index
        %get3A_665 = tpu.vector_load %arg10[%get3A_662, %get3A_663, %get3A_664] {strides = array<i32>} : memref<3x128x128xf32, #tpu.memory_space<vmem>>, vector<1x1x16xf32>,
        %get3A_666 = vector.shape_cast %get3A_665 : vector<1x1x16xf32> to vector<16xf32>
        %mul3A_667 = arith.mulf %get3A_660, %get3A_666 : vector<16xf32>
        %get3A_668 = arith.constant 2 : i32
        %get3A_669 = arith.index_cast %get3A_668 : i32 to index
        %get3A_670 = arith.index_cast %add3A_654 : i32 to index
        %get3A_671 = arith.constant 16 : index
        %get3A_672 = tpu.vector_load %arg9[%get3A_669, %get3A_670, %get3A_671] {strides = array<i32>} : memref<3x128x128xf32, #tpu.memory_space<vmem>>, vector<1x1x16xf32>,
        %get3A_673 = vector.shape_cast %get3A_672 : vector<1x1x16xf32> to vector<16xf32>
        %get3A_674 = arith.constant 2 : i32
        %get3A_675 = arith.index_cast %get3A_674 : i32 to index
        %get3A_676 = arith.index_cast %add3A_654 : i32 to index
        %get3A_677 = arith.constant 16 : index
        %get3A_678 = tpu.vector_load %arg10[%get3A_675, %get3A_676, %get3A_677] {strides = array<i32>} : memref<3x128x128xf32, #tpu.memory_space<vmem>>, vector<1x1x16xf32>,
        %get3A_679 = vector.shape_cast %get3A_678 : vector<1x1x16xf32> to vector<16xf32>
        %mul3A_680 = arith.mulf %get3A_673, %get3A_679 : vector<16xf32>
        %add3A_681 = arith.addf %mul3A_667, %mul3A_680 : vector<16xf32>
        %get3A_682 = arith.constant 2 : i32
        %get3A_683 = arith.index_cast %get3A_682 : i32 to index
        %get3A_684 = arith.index_cast %add3A_654 : i32 to index
        %get3A_685 = arith.constant 32 : index
        %get3A_686 = tpu.vector_load %arg9[%get3A_683, %get3A_684, %get3A_685] {strides = array<i32>} : memref<3x128x128xf32, #tpu.memory_space<vmem>>, vector<1x1x16xf32>,
        %get3A_687 = vector.shape_cast %get3A_686 : vector<1x1x16xf32> to vector<16xf32>
        %get3A_688 = arith.constant 2 : i32
        %get3A_689 = arith.index_cast %get3A_688 : i32 to index
        %get3A_690 = arith.index_cast %add3A_654 : i32 to index
        %get3A_691 = arith.constant 32 : index
        %get3A_692 = tpu.vector_load %arg10[%get3A_689, %get3A_690, %get3A_691] {strides = array<i32>} : memref<3x128x128xf32, #tpu.memory_space<vmem>>, vector<1x1x16xf32>,
        %get3A_693 = vector.shape_cast %get3A_692 : vector<1x1x16xf32> to vector<16xf32>
        %mul3A_694 = arith.mulf %get3A_687, %get3A_693 : vector<16xf32>
        %add3A_695 = arith.addf %add3A_681, %mul3A_694 : vector<16xf32>
        %get3A_696 = arith.constant 2 : i32
        %get3A_697 = arith.index_cast %get3A_696 : i32 to index
        %get3A_698 = arith.index_cast %add3A_654 : i32 to index
        %get3A_699 = arith.constant 48 : index
        %get3A_700 = tpu.vector_load %arg9[%get3A_697, %get3A_698, %get3A_699] {strides = array<i32>} : memref<3x128x128xf32, #tpu.memory_space<vmem>>, vector<1x1x16xf32>,
        %get3A_701 = vector.shape_cast %get3A_700 : vector<1x1x16xf32> to vector<16xf32>
        %get3A_702 = arith.constant 2 : i32
        %get3A_703 = arith.index_cast %get3A_702 : i32 to index
        %get3A_704 = arith.index_cast %add3A_654 : i32 to index
        %get3A_705 = arith.constant 48 : index
        %get3A_706 = tpu.vector_load %arg10[%get3A_703, %get3A_704, %get3A_705] {strides = array<i32>} : memref<3x128x128xf32, #tpu.memory_space<vmem>>, vector<1x1x16xf32>,
        %get3A_707 = vector.shape_cast %get3A_706 : vector<1x1x16xf32> to vector<16xf32>
        %mul3A_708 = arith.mulf %get3A_701, %get3A_707 : vector<16xf32>
        %add3A_709 = arith.addf %add3A_695, %mul3A_708 : vector<16xf32>
        %get3A_710 = arith.constant 2 : i32
        %get3A_711 = arith.index_cast %get3A_710 : i32 to index
        %get3A_712 = arith.index_cast %add3A_654 : i32 to index
        %get3A_713 = arith.constant 64 : index
        %get3A_714 = tpu.vector_load %arg9[%get3A_711, %get3A_712, %get3A_713] {strides = array<i32>} : memref<3x128x128xf32, #tpu.memory_space<vmem>>, vector<1x1x16xf32>,
        %get3A_715 = vector.shape_cast %get3A_714 : vector<1x1x16xf32> to vector<16xf32>
        %get3A_716 = arith.constant 2 : i32
        %get3A_717 = arith.index_cast %get3A_716 : i32 to index
        %get3A_718 = arith.index_cast %add3A_654 : i32 to index
        %get3A_719 = arith.constant 64 : index
        %get3A_720 = tpu.vector_load %arg10[%get3A_717, %get3A_718, %get3A_719] {strides = array<i32>} : memref<3x128x128xf32, #tpu.memory_space<vmem>>, vector<1x1x16xf32>,
        %get3A_721 = vector.shape_cast %get3A_720 : vector<1x1x16xf32> to vector<16xf32>
        %mul3A_722 = arith.mulf %get3A_715, %get3A_721 : vector<16xf32>
        %add3A_723 = arith.addf %add3A_709, %mul3A_722 : vector<16xf32>
        %get3A_724 = arith.constant 2 : i32
        %get3A_725 = arith.index_cast %get3A_724 : i32 to index
        %get3A_726 = arith.index_cast %add3A_654 : i32 to index
        %get3A_727 = arith.constant 80 : index
        %get3A_728 = tpu.vector_load %arg9[%get3A_725, %get3A_726, %get3A_727] {strides = array<i32>} : memref<3x128x128xf32, #tpu.memory_space<vmem>>, vector<1x1x16xf32>,
        %get3A_729 = vector.shape_cast %get3A_728 : vector<1x1x16xf32> to vector<16xf32>
        %get3A_730 = arith.constant 2 : i32
        %get3A_731 = arith.index_cast %get3A_730 : i32 to index
        %get3A_732 = arith.index_cast %add3A_654 : i32 to index
        %get3A_733 = arith.constant 80 : index
        %get3A_734 = tpu.vector_load %arg10[%get3A_731, %get3A_732, %get3A_733] {strides = array<i32>} : memref<3x128x128xf32, #tpu.memory_space<vmem>>, vector<1x1x16xf32>,
        %get3A_735 = vector.shape_cast %get3A_734 : vector<1x1x16xf32> to vector<16xf32>
        %mul3A_736 = arith.mulf %get3A_729, %get3A_735 : vector<16xf32>
        %add3A_737 = arith.addf %add3A_723, %mul3A_736 : vector<16xf32>
        %get3A_738 = arith.constant 2 : i32
        %get3A_739 = arith.index_cast %get3A_738 : i32 to index
        %get3A_740 = arith.index_cast %add3A_654 : i32 to index
        %get3A_741 = arith.constant 96 : index
        %get3A_742 = tpu.vector_load %arg9[%get3A_739, %get3A_740, %get3A_741] {strides = array<i32>} : memref<3x128x128xf32, #tpu.memory_space<vmem>>, vector<1x1x16xf32>,
        %get3A_743 = vector.shape_cast %get3A_742 : vector<1x1x16xf32> to vector<16xf32>
        %get3A_744 = arith.constant 2 : i32
        %get3A_745 = arith.index_cast %get3A_744 : i32 to index
        %get3A_746 = arith.index_cast %add3A_654 : i32 to index
        %get3A_747 = arith.constant 96 : index
        %get3A_748 = tpu.vector_load %arg10[%get3A_745, %get3A_746, %get3A_747] {strides = array<i32>} : memref<3x128x128xf32, #tpu.memory_space<vmem>>, vector<1x1x16xf32>,
        %get3A_749 = vector.shape_cast %get3A_748 : vector<1x1x16xf32> to vector<16xf32>
        %mul3A_750 = arith.mulf %get3A_743, %get3A_749 : vector<16xf32>
        %add3A_751 = arith.addf %add3A_737, %mul3A_750 : vector<16xf32>
        %get3A_752 = arith.constant 2 : i32
        %get3A_753 = arith.index_cast %get3A_752 : i32 to index
        %get3A_754 = arith.index_cast %add3A_654 : i32 to index
        %get3A_755 = arith.constant 112 : index
        %get3A_756 = tpu.vector_load %arg9[%get3A_753, %get3A_754, %get3A_755] {strides = array<i32>} : memref<3x128x128xf32, #tpu.memory_space<vmem>>, vector<1x1x16xf32>,
        %get3A_757 = vector.shape_cast %get3A_756 : vector<1x1x16xf32> to vector<16xf32>
        %get3A_758 = arith.constant 2 : i32
        %get3A_759 = arith.index_cast %get3A_758 : i32 to index
        %get3A_760 = arith.index_cast %add3A_654 : i32 to index
        %get3A_761 = arith.constant 112 : index
        %get3A_762 = tpu.vector_load %arg10[%get3A_759, %get3A_760, %get3A_761] {strides = array<i32>} : memref<3x128x128xf32, #tpu.memory_space<vmem>>, vector<1x1x16xf32>,
        %get3A_763 = vector.shape_cast %get3A_762 : vector<1x1x16xf32> to vector<16xf32>
        %mul3A_764 = arith.mulf %get3A_757, %get3A_763 : vector<16xf32>
        %add3A_765 = arith.addf %add3A_751, %mul3A_764 : vector<16xf32>
        %mul3A_766 = arith.constant 16 : i32
        %mul3A_767 = arith.muli %scan3A_394, %mul3A_766 : i32
        %mul3A_768 = arith.constant 4 : i32
        %mul3A_769 = arith.muli %scan3A_411, %mul3A_768 : i32
        %add3A_770 = arith.addi %mul3A_767, %mul3A_769 : i32
        %add3A_771 = arith.constant 3 : i32
        %add3A_772 = arith.addi %add3A_770, %add3A_771 : i32
        %get3A_773 = arith.constant 2 : i32
        %get3A_774 = arith.index_cast %get3A_773 : i32 to index
        %get3A_775 = arith.index_cast %add3A_772 : i32 to index
        %get3A_776 = arith.constant 0 : index
        %get3A_777 = tpu.vector_load %arg9[%get3A_774, %get3A_775, %get3A_776] {strides = array<i32>} : memref<3x128x128xf32, #tpu.memory_space<vmem>>, vector<1x1x16xf32>,
        %get3A_778 = vector.shape_cast %get3A_777 : vector<1x1x16xf32> to vector<16xf32>
        %get3A_779 = arith.constant 2 : i32
        %get3A_780 = arith.index_cast %get3A_779 : i32 to index
        %get3A_781 = arith.index_cast %add3A_772 : i32 to index
        %get3A_782 = arith.constant 0 : index
        %get3A_783 = tpu.vector_load %arg10[%get3A_780, %get3A_781, %get3A_782] {strides = array<i32>} : memref<3x128x128xf32, #tpu.memory_space<vmem>>, vector<1x1x16xf32>,
        %get3A_784 = vector.shape_cast %get3A_783 : vector<1x1x16xf32> to vector<16xf32>
        %mul3A_785 = arith.mulf %get3A_778, %get3A_784 : vector<16xf32>
        %get3A_786 = arith.constant 2 : i32
        %get3A_787 = arith.index_cast %get3A_786 : i32 to index
        %get3A_788 = arith.index_cast %add3A_772 : i32 to index
        %get3A_789 = arith.constant 16 : index
        %get3A_790 = tpu.vector_load %arg9[%get3A_787, %get3A_788, %get3A_789] {strides = array<i32>} : memref<3x128x128xf32, #tpu.memory_space<vmem>>, vector<1x1x16xf32>,
        %get3A_791 = vector.shape_cast %get3A_790 : vector<1x1x16xf32> to vector<16xf32>
        %get3A_792 = arith.constant 2 : i32
        %get3A_793 = arith.index_cast %get3A_792 : i32 to index
        %get3A_794 = arith.index_cast %add3A_772 : i32 to index
        %get3A_795 = arith.constant 16 : index
        %get3A_796 = tpu.vector_load %arg10[%get3A_793, %get3A_794, %get3A_795] {strides = array<i32>} : memref<3x128x128xf32, #tpu.memory_space<vmem>>, vector<1x1x16xf32>,
        %get3A_797 = vector.shape_cast %get3A_796 : vector<1x1x16xf32> to vector<16xf32>
        %mul3A_798 = arith.mulf %get3A_791, %get3A_797 : vector<16xf32>
        %add3A_799 = arith.addf %mul3A_785, %mul3A_798 : vector<16xf32>
        %get3A_800 = arith.constant 2 : i32
        %get3A_801 = arith.index_cast %get3A_800 : i32 to index
        %get3A_802 = arith.index_cast %add3A_772 : i32 to index
        %get3A_803 = arith.constant 32 : index
        %get3A_804 = tpu.vector_load %arg9[%get3A_801, %get3A_802, %get3A_803] {strides = array<i32>} : memref<3x128x128xf32, #tpu.memory_space<vmem>>, vector<1x1x16xf32>,
        %get3A_805 = vector.shape_cast %get3A_804 : vector<1x1x16xf32> to vector<16xf32>
        %get3A_806 = arith.constant 2 : i32
        %get3A_807 = arith.index_cast %get3A_806 : i32 to index
        %get3A_808 = arith.index_cast %add3A_772 : i32 to index
        %get3A_809 = arith.constant 32 : index
        %get3A_810 = tpu.vector_load %arg10[%get3A_807, %get3A_808, %get3A_809] {strides = array<i32>} : memref<3x128x128xf32, #tpu.memory_space<vmem>>, vector<1x1x16xf32>,
        %get3A_811 = vector.shape_cast %get3A_810 : vector<1x1x16xf32> to vector<16xf32>
        %mul3A_812 = arith.mulf %get3A_805, %get3A_811 : vector<16xf32>
        %add3A_813 = arith.addf %add3A_799, %mul3A_812 : vector<16xf32>
        %get3A_814 = arith.constant 2 : i32
        %get3A_815 = arith.index_cast %get3A_814 : i32 to index
        %get3A_816 = arith.index_cast %add3A_772 : i32 to index
        %get3A_817 = arith.constant 48 : index
        %get3A_818 = tpu.vector_load %arg9[%get3A_815, %get3A_816, %get3A_817] {strides = array<i32>} : memref<3x128x128xf32, #tpu.memory_space<vmem>>, vector<1x1x16xf32>,
        %get3A_819 = vector.shape_cast %get3A_818 : vector<1x1x16xf32> to vector<16xf32>
        %get3A_820 = arith.constant 2 : i32
        %get3A_821 = arith.index_cast %get3A_820 : i32 to index
        %get3A_822 = arith.index_cast %add3A_772 : i32 to index
        %get3A_823 = arith.constant 48 : index
        %get3A_824 = tpu.vector_load %arg10[%get3A_821, %get3A_822, %get3A_823] {strides = array<i32>} : memref<3x128x128xf32, #tpu.memory_space<vmem>>, vector<1x1x16xf32>,
        %get3A_825 = vector.shape_cast %get3A_824 : vector<1x1x16xf32> to vector<16xf32>
        %mul3A_826 = arith.mulf %get3A_819, %get3A_825 : vector<16xf32>
        %add3A_827 = arith.addf %add3A_813, %mul3A_826 : vector<16xf32>
        %get3A_828 = arith.constant 2 : i32
        %get3A_829 = arith.index_cast %get3A_828 : i32 to index
        %get3A_830 = arith.index_cast %add3A_772 : i32 to index
        %get3A_831 = arith.constant 64 : index
        %get3A_832 = tpu.vector_load %arg9[%get3A_829, %get3A_830, %get3A_831] {strides = array<i32>} : memref<3x128x128xf32, #tpu.memory_space<vmem>>, vector<1x1x16xf32>,
        %get3A_833 = vector.shape_cast %get3A_832 : vector<1x1x16xf32> to vector<16xf32>
        %get3A_834 = arith.constant 2 : i32
        %get3A_835 = arith.index_cast %get3A_834 : i32 to index
        %get3A_836 = arith.index_cast %add3A_772 : i32 to index
        %get3A_837 = arith.constant 64 : index
        %get3A_838 = tpu.vector_load %arg10[%get3A_835, %get3A_836, %get3A_837] {strides = array<i32>} : memref<3x128x128xf32, #tpu.memory_space<vmem>>, vector<1x1x16xf32>,
        %get3A_839 = vector.shape_cast %get3A_838 : vector<1x1x16xf32> to vector<16xf32>
        %mul3A_840 = arith.mulf %get3A_833, %get3A_839 : vector<16xf32>
        %add3A_841 = arith.addf %add3A_827, %mul3A_840 : vector<16xf32>
        %get3A_842 = arith.constant 2 : i32
        %get3A_843 = arith.index_cast %get3A_842 : i32 to index
        %get3A_844 = arith.index_cast %add3A_772 : i32 to index
        %get3A_845 = arith.constant 80 : index
        %get3A_846 = tpu.vector_load %arg9[%get3A_843, %get3A_844, %get3A_845] {strides = array<i32>} : memref<3x128x128xf32, #tpu.memory_space<vmem>>, vector<1x1x16xf32>,
        %get3A_847 = vector.shape_cast %get3A_846 : vector<1x1x16xf32> to vector<16xf32>
        %get3A_848 = arith.constant 2 : i32
        %get3A_849 = arith.index_cast %get3A_848 : i32 to index
        %get3A_850 = arith.index_cast %add3A_772 : i32 to index
        %get3A_851 = arith.constant 80 : index
        %get3A_852 = tpu.vector_load %arg10[%get3A_849, %get3A_850, %get3A_851] {strides = array<i32>} : memref<3x128x128xf32, #tpu.memory_space<vmem>>, vector<1x1x16xf32>,
        %get3A_853 = vector.shape_cast %get3A_852 : vector<1x1x16xf32> to vector<16xf32>
        %mul3A_854 = arith.mulf %get3A_847, %get3A_853 : vector<16xf32>
        %add3A_855 = arith.addf %add3A_841, %mul3A_854 : vector<16xf32>
        %get3A_856 = arith.constant 2 : i32
        %get3A_857 = arith.index_cast %get3A_856 : i32 to index
        %get3A_858 = arith.index_cast %add3A_772 : i32 to index
        %get3A_859 = arith.constant 96 : index
        %get3A_860 = tpu.vector_load %arg9[%get3A_857, %get3A_858, %get3A_859] {strides = array<i32>} : memref<3x128x128xf32, #tpu.memory_space<vmem>>, vector<1x1x16xf32>,
        %get3A_861 = vector.shape_cast %get3A_860 : vector<1x1x16xf32> to vector<16xf32>
        %get3A_862 = arith.constant 2 : i32
        %get3A_863 = arith.index_cast %get3A_862 : i32 to index
        %get3A_864 = arith.index_cast %add3A_772 : i32 to index
        %get3A_865 = arith.constant 96 : index
        %get3A_866 = tpu.vector_load %arg10[%get3A_863, %get3A_864, %get3A_865] {strides = array<i32>} : memref<3x128x128xf32, #tpu.memory_space<vmem>>, vector<1x1x16xf32>,
        %get3A_867 = vector.shape_cast %get3A_866 : vector<1x1x16xf32> to vector<16xf32>
        %mul3A_868 = arith.mulf %get3A_861, %get3A_867 : vector<16xf32>
        %add3A_869 = arith.addf %add3A_855, %mul3A_868 : vector<16xf32>
        %get3A_870 = arith.constant 2 : i32
        %get3A_871 = arith.index_cast %get3A_870 : i32 to index
        %get3A_872 = arith.index_cast %add3A_772 : i32 to index
        %get3A_873 = arith.constant 112 : index
        %get3A_874 = tpu.vector_load %arg9[%get3A_871, %get3A_872, %get3A_873] {strides = array<i32>} : memref<3x128x128xf32, #tpu.memory_space<vmem>>, vector<1x1x16xf32>,
        %get3A_875 = vector.shape_cast %get3A_874 : vector<1x1x16xf32> to vector<16xf32>
        %get3A_876 = arith.constant 2 : i32
        %get3A_877 = arith.index_cast %get3A_876 : i32 to index
        %get3A_878 = arith.index_cast %add3A_772 : i32 to index
        %get3A_879 = arith.constant 112 : index
        %get3A_880 = tpu.vector_load %arg10[%get3A_877, %get3A_878, %get3A_879] {strides = array<i32>} : memref<3x128x128xf32, #tpu.memory_space<vmem>>, vector<1x1x16xf32>,
        %get3A_881 = vector.shape_cast %get3A_880 : vector<1x1x16xf32> to vector<16xf32>
        %mul3A_882 = arith.mulf %get3A_875, %get3A_881 : vector<16xf32>
        %add3A_883 = arith.addf %add3A_869, %mul3A_882 : vector<16xf32>
        %and3A = arith.constant 1 : i32
        %and3A_884 = vector.broadcast %and3A : i32 to vector<16xi32>
        %and3A_885 = arith.andi %iota3A, %and3A_884 : vector<16xi32>
        %eq3A = arith.constant 0 : i32
        %eq3A_886 = vector.broadcast %eq3A : i32 to vector<16xi32>
        %eq3A_887 = arith.cmpi eq, %and3A_885, %eq3A_886 : vector<16xi32>
        %select_n3A = arith.select %eq3A_887, %add3A_529, %add3A_647 : vector<16xi1>, vector<16xf32>
        %xor3A = arith.constant 1 : i32
        %xor3A_888 = vector.broadcast %xor3A : i32 to vector<16xi32>
        %xor3A_889 = arith.xori %iota3A, %xor3A_888 : vector<16xi32>
        %lt3A = arith.constant 0 : i32
        %lt3A_890 = vector.broadcast %lt3A : i32 to vector<16xi32>
        %lt3A_891 = arith.cmpi slt, %xor3A_889, %lt3A_890 : vector<16xi32>
        %add3A_892 = arith.constant 16 : i32
        %add3A_893 = vector.broadcast %add3A_892 : i32 to vector<16xi32>
        %add3A_894 = arith.addi %xor3A_889, %add3A_893 : vector<16xi32>
        %select_n3A_895 = arith.select %lt3A_891, %add3A_894, %xor3A_889 : vector<16xi1>, vector<16xi32>
        %broadcast_in_dim3A_896 = vector.shape_cast %select_n3A_895 : vector<16xi32> to vector<16x1xi32>
        %gather3A = vector.shape_cast %broadcast_in_dim3A_896 : vector<16x1xi32> to vector<16xi32>
        %gather3A_897 = tpu.dynamic_gather %add3A_529[%gather3A] in [0] : vector<16xf32>, vector<16xi32> -> vector<16xf32>
        %xor3A_898 = arith.constant 1 : i32
        %xor3A_899 = vector.broadcast %xor3A_898 : i32 to vector<16xi32>
        %xor3A_900 = arith.xori %iota3A, %xor3A_899 : vector<16xi32>
        %lt3A_901 = arith.constant 0 : i32
        %lt3A_902 = vector.broadcast %lt3A_901 : i32 to vector<16xi32>
        %lt3A_903 = arith.cmpi slt, %xor3A_900, %lt3A_902 : vector<16xi32>
        %add3A_904 = arith.constant 16 : i32
        %add3A_905 = vector.broadcast %add3A_904 : i32 to vector<16xi32>
        %add3A_906 = arith.addi %xor3A_900, %add3A_905 : vector<16xi32>
        %select_n3A_907 = arith.select %lt3A_903, %add3A_906, %xor3A_900 : vector<16xi1>, vector<16xi32>
        %broadcast_in_dim3A_908 = vector.shape_cast %select_n3A_907 : vector<16xi32> to vector<16x1xi32>
        %gather3A_909 = vector.shape_cast %broadcast_in_dim3A_908 : vector<16x1xi32> to vector<16xi32>
        %gather3A_910 = tpu.dynamic_gather %add3A_647[%gather3A_909] in [0] : vector<16xf32>, vector<16xi32> -> vector<16xf32>
        %select_n3A_911 = arith.select %eq3A_887, %gather3A_897, %gather3A_910 : vector<16xi1>, vector<16xf32>
        %add3A_912 = arith.addf %select_n3A, %select_n3A_911 : vector<16xf32>
        %and3A_913 = arith.constant 1 : i32
        %and3A_914 = vector.broadcast %and3A_913 : i32 to vector<16xi32>
        %and3A_915 = arith.andi %iota3A, %and3A_914 : vector<16xi32>
        %eq3A_916 = arith.constant 0 : i32
        %eq3A_917 = vector.broadcast %eq3A_916 : i32 to vector<16xi32>
        %eq3A_918 = arith.cmpi eq, %and3A_915, %eq3A_917 : vector<16xi32>
        %select_n3A_919 = arith.select %eq3A_918, %add3A_765, %add3A_883 : vector<16xi1>, vector<16xf32>
        %xor3A_920 = arith.constant 1 : i32
        %xor3A_921 = vector.broadcast %xor3A_920 : i32 to vector<16xi32>
        %xor3A_922 = arith.xori %iota3A, %xor3A_921 : vector<16xi32>
        %lt3A_923 = arith.constant 0 : i32
        %lt3A_924 = vector.broadcast %lt3A_923 : i32 to vector<16xi32>
        %lt3A_925 = arith.cmpi slt, %xor3A_922, %lt3A_924 : vector<16xi32>
        %add3A_926 = arith.constant 16 : i32
        %add3A_927 = vector.broadcast %add3A_926 : i32 to vector<16xi32>
        %add3A_928 = arith.addi %xor3A_922, %add3A_927 : vector<16xi32>
        %select_n3A_929 = arith.select %lt3A_925, %add3A_928, %xor3A_922 : vector<16xi1>, vector<16xi32>
        %broadcast_in_dim3A_930 = vector.shape_cast %select_n3A_929 : vector<16xi32> to vector<16x1xi32>
        %gather3A_931 = vector.shape_cast %broadcast_in_dim3A_930 : vector<16x1xi32> to vector<16xi32>
        %gather3A_932 = tpu.dynamic_gather %add3A_765[%gather3A_931] in [0] : vector<16xf32>, vector<16xi32> -> vector<16xf32>
        %xor3A_933 = arith.constant 1 : i32
        %xor3A_934 = vector.broadcast %xor3A_933 : i32 to vector<16xi32>
        %xor3A_935 = arith.xori %iota3A, %xor3A_934 : vector<16xi32>
        %lt3A_936 = arith.constant 0 : i32
        %lt3A_937 = vector.broadcast %lt3A_936 : i32 to vector<16xi32>
        %lt3A_938 = arith.cmpi slt, %xor3A_935, %lt3A_937 : vector<16xi32>
        %add3A_939 = arith.constant 16 : i32
        %add3A_940 = vector.broadcast %add3A_939 : i32 to vector<16xi32>
        %add3A_941 = arith.addi %xor3A_935, %add3A_940 : vector<16xi32>
        %select_n3A_942 = arith.select %lt3A_938, %add3A_941, %xor3A_935 : vector<16xi1>, vector<16xi32>
        %broadcast_in_dim3A_943 = vector.shape_cast %select_n3A_942 : vector<16xi32> to vector<16x1xi32>
        %gather3A_944 = vector.shape_cast %broadcast_in_dim3A_943 : vector<16x1xi32> to vector<16xi32>
        %gather3A_945 = tpu.dynamic_gather %add3A_883[%gather3A_944] in [0] : vector<16xf32>, vector<16xi32> -> vector<16xf32>
        %select_n3A_946 = arith.select %eq3A_918, %gather3A_932, %gather3A_945 : vector<16xi1>, vector<16xf32>
        %add3A_947 = arith.addf %select_n3A_919, %select_n3A_946 : vector<16xf32>
        %and3A_948 = arith.constant 2 : i32
        %and3A_949 = vector.broadcast %and3A_948 : i32 to vector<16xi32>
        %and3A_950 = arith.andi %iota3A, %and3A_949 : vector<16xi32>
        %eq3A_951 = arith.constant 0 : i32
        %eq3A_952 = vector.broadcast %eq3A_951 : i32 to vector<16xi32>
        %eq3A_953 = arith.cmpi eq, %and3A_950, %eq3A_952 : vector<16xi32>
        %select_n3A_954 = arith.select %eq3A_953, %add3A_912, %add3A_947 : vector<16xi1>, vector<16xf32>
        %xor3A_955 = arith.constant 2 : i32
        %xor3A_956 = vector.broadcast %xor3A_955 : i32 to vector<16xi32>
        %xor3A_957 = arith.xori %iota3A, %xor3A_956 : vector<16xi32>
        %lt3A_958 = arith.constant 0 : i32
        %lt3A_959 = vector.broadcast %lt3A_958 : i32 to vector<16xi32>
        %lt3A_960 = arith.cmpi slt, %xor3A_957, %lt3A_959 : vector<16xi32>
        %add3A_961 = arith.constant 16 : i32
        %add3A_962 = vector.broadcast %add3A_961 : i32 to vector<16xi32>
        %add3A_963 = arith.addi %xor3A_957, %add3A_962 : vector<16xi32>
        %select_n3A_964 = arith.select %lt3A_960, %add3A_963, %xor3A_957 : vector<16xi1>, vector<16xi32>
        %broadcast_in_dim3A_965 = vector.shape_cast %select_n3A_964 : vector<16xi32> to vector<16x1xi32>
        %gather3A_966 = vector.shape_cast %broadcast_in_dim3A_965 : vector<16x1xi32> to vector<16xi32>
        %gather3A_967 = tpu.dynamic_gather %add3A_912[%gather3A_966] in [0] : vector<16xf32>, vector<16xi32> -> vector<16xf32>
        %xor3A_968 = arith.constant 2 : i32
        %xor3A_969 = vector.broadcast %xor3A_968 : i32 to vector<16xi32>
        %xor3A_970 = arith.xori %iota3A, %xor3A_969 : vector<16xi32>
        %lt3A_971 = arith.constant 0 : i32
        %lt3A_972 = vector.broadcast %lt3A_971 : i32 to vector<16xi32>
        %lt3A_973 = arith.cmpi slt, %xor3A_970, %lt3A_972 : vector<16xi32>
        %add3A_974 = arith.constant 16 : i32
        %add3A_975 = vector.broadcast %add3A_974 : i32 to vector<16xi32>
        %add3A_976 = arith.addi %xor3A_970, %add3A_975 : vector<16xi32>
        %select_n3A_977 = arith.select %lt3A_973, %add3A_976, %xor3A_970 : vector<16xi1>, vector<16xi32>
        %broadcast_in_dim3A_978 = vector.shape_cast %select_n3A_977 : vector<16xi32> to vector<16x1xi32>
        %gather3A_979 = vector.shape_cast %broadcast_in_dim3A_978 : vector<16x1xi32> to vector<16xi32>
        %gather3A_980 = tpu.dynamic_gather %add3A_947[%gather3A_979] in [0] : vector<16xf32>, vector<16xi32> -> vector<16xf32>
        %select_n3A_981 = arith.select %eq3A_953, %gather3A_967, %gather3A_980 : vector<16xi1>, vector<16xf32>
        %add3A_982 = arith.addf %select_n3A_954, %select_n3A_981 : vector<16xf32>
        %xor3A_983 = arith.constant 4 : i32
        %xor3A_984 = vector.broadcast %xor3A_983 : i32 to vector<16xi32>
        %xor3A_985 = arith.xori %iota3A, %xor3A_984 : vector<16xi32>
        %lt3A_986 = arith.constant 0 : i32
        %lt3A_987 = vector.broadcast %lt3A_986 : i32 to vector<16xi32>
        %lt3A_988 = arith.cmpi slt, %xor3A_985, %lt3A_987 : vector<16xi32>
        %add3A_989 = arith.constant 16 : i32
        %add3A_990 = vector.broadcast %add3A_989 : i32 to vector<16xi32>
        %add3A_991 = arith.addi %xor3A_985, %add3A_990 : vector<16xi32>
        %select_n3A_992 = arith.select %lt3A_988, %add3A_991, %xor3A_985 : vector<16xi1>, vector<16xi32>
        %broadcast_in_dim3A_993 = vector.shape_cast %select_n3A_992 : vector<16xi32> to vector<16x1xi32>
        %gather3A_994 = vector.shape_cast %broadcast_in_dim3A_993 : vector<16x1xi32> to vector<16xi32>
        %gather3A_995 = tpu.dynamic_gather %add3A_982[%gather3A_994] in [0] : vector<16xf32>, vector<16xi32> -> vector<16xf32>
        %add3A_996 = arith.addf %add3A_982, %gather3A_995 : vector<16xf32>
        %xor3A_997 = arith.constant 8 : i32
        %xor3A_998 = vector.broadcast %xor3A_997 : i32 to vector<16xi32>
        %xor3A_999 = arith.xori %iota3A, %xor3A_998 : vector<16xi32>
        %lt3A_1000 = arith.constant 0 : i32
        %lt3A_1001 = vector.broadcast %lt3A_1000 : i32 to vector<16xi32>
        %lt3A_1002 = arith.cmpi slt, %xor3A_999, %lt3A_1001 : vector<16xi32>
        %add3A_1003 = arith.constant 16 : i32
        %add3A_1004 = vector.broadcast %add3A_1003 : i32 to vector<16xi32>
        %add3A_1005 = arith.addi %xor3A_999, %add3A_1004 : vector<16xi32>
        %select_n3A_1006 = arith.select %lt3A_1002, %add3A_1005, %xor3A_999 : vector<16xi1>, vector<16xi32>
        %broadcast_in_dim3A_1007 = vector.shape_cast %select_n3A_1006 : vector<16xi32> to vector<16x1xi32>
        %gather3A_1008 = vector.shape_cast %broadcast_in_dim3A_1007 : vector<16x1xi32> to vector<16xi32>
        %gather3A_1009 = tpu.dynamic_gather %add3A_996[%gather3A_1008] in [0] : vector<16xf32>, vector<16xi32> -> vector<16xf32>
        %add3A_1010 = arith.addf %add3A_996, %gather3A_1009 : vector<16xf32>
        %shift_right_arithmetic3A = arith.constant 2 : i32
        %shift_right_arithmetic3A_1011 = vector.broadcast %shift_right_arithmetic3A : i32 to vector<16xi32>
        %shift_right_arithmetic3A_1012 = arith.shrsi %iota3A, %shift_right_arithmetic3A_1011 : vector<16xi32>
        %eq3A_1013 = vector.broadcast %scan3A_411 : i32 to vector<16xi32>
        %eq3A_1014 = arith.cmpi eq, %shift_right_arithmetic3A_1012, %eq3A_1013 : vector<16xi32>
        %select_n3A_1015 = arith.select %eq3A_1014, %add3A_1010, %scan3A_412 : vector<16xi1>, vector<16xf32>
        scf.yield %select_n3A_1015 : vector<16xf32>
      }
      %scan3A_402 = arith.constant 4 : i32
      %mul3A_403 = arith.constant 16 : i32
      %mul3A_404 = arith.muli %scan3A_394, %mul3A_403 : i32
      %add3A_405 = arith.constant 256 : i32
      %add3A_406 = arith.addi %add3A_405, %mul3A_404 : i32
      %swap3A = arith.index_cast %add3A_406 : i32 to index
      %swap3A_407 = tpu.vector_load %arg11[%swap3A] {strides = array<i32>} : memref<512xf32, #tpu.memory_space<vmem>>, vector<16xf32>,
      %swap3A_408 = vector.shape_cast %swap3A_407 : vector<16xf32> to vector<16xf32>
      %swap3A_409 = vector.shape_cast %scan3A_401 : vector<16xf32> to vector<16xf32>
      tpu.vector_store %arg11[%swap3A], %swap3A_409 {strides = array<i32>} : memref<512xf32, #tpu.memory_space<vmem>>, vector<16xf32>,
      %scan3A_410 = arith.constant 0 : i32
      scf.yield %scan3A_410 : i32
    }
    %scan3A_318 = arith.constant 8 : i32
    %mul3A_319 = arith.constant 512 : i32
    %mul3A_320 = arith.muli %add3A, %mul3A_319 : i32
    %add3A_321 = arith.constant 256 : i32
    %add3A_322 = arith.addi %mul3A_320, %add3A_321 : i32
    %dma_start3A_323 = arith.constant 256 : i32
    %dma_start3A_324 = tpu.memref_slice %arg11[%dma_start3A_323] : memref<512xf32, #tpu.memory_space<vmem>> -> memref<128xf32, #tpu.memory_space<vmem>>
    %dma_start3A_325 = tpu.memref_slice %arg6[%add3A_322] : memref<16384xf32, #tpu.memory_space<hbm>> -> memref<128xf32, #tpu.memory_space<hbm>>
    %dma_start3A_326 = tpu.memref_slice %arg6[%add3A_322] : memref<16384xf32, #tpu.memory_space<hbm>> -> memref<128xf32, #tpu.memory_space<hbm>>
    %dma_start3A_327 = arith.constant 256 : i32
    %dma_start3A_328 = tpu.memref_slice %arg11[%dma_start3A_327] : memref<512xf32, #tpu.memory_space<vmem>> -> memref<128xf32, #tpu.memory_space<vmem>>
    tpu.enqueue_dma source(%dma_start3A_328 : memref<128xf32, #tpu.memory_space<vmem>>) target(%dma_start3A_326 : memref<128xf32, #tpu.memory_space<hbm>>) target_semaphore(%arg15 : memref<!tpu.dma_semaphore, #tpu.memory_space<semaphore_mem>>)
    %dma_wait3A_329 = arith.constant 3 : i32
    %dma_wait3A_330 = arith.constant 0 : i32
    %dma_wait3A_331 = arith.constant 0 : i32
    %dma_wait3A_332 = arith.constant 0 : i32
    %dma_wait3A_333 = tpu.memref_slice %arg9[%dma_wait3A_330, %dma_wait3A_331, %dma_wait3A_332] : memref<3x128x128xf32, #tpu.memory_space<vmem>> -> memref<1x128x128xf32, #tpu.memory_space<vmem>>
    %dma_wait3A_334 = tpu.memref_squeeze %dma_wait3A_333 : memref<1x128x128xf32, #tpu.memory_space<vmem>> -> memref<128x128xf32, #tpu.memory_space<vmem>>
    %dma_wait3A_335 = arith.constant 0 : i32
    %dma_wait3A_336 = tpu.memref_slice %arg7[%dma_wait3A_329, %dma_wait3A_335] : memref<4x128xi32, #tpu.memory_space<vmem>> -> memref<1x128xi32, #tpu.memory_space<vmem>>
    %dma_wait3A_337 = tpu.memref_squeeze %dma_wait3A_336 : memref<1x128xi32, #tpu.memory_space<vmem>> -> memref<128xi32, #tpu.memory_space<vmem>>
    %dma_wait3A_338 = arith.constant 0 : i32
    %dma_wait3A_339 = arith.constant 0 : i32
    %dma_wait3A_340 = tpu.memref_slice %arg4[%dma_wait3A_338, %dma_wait3A_339] : memref<100000x128xf32, #tpu.memory_space<hbm>> -> memref<100000x128xf32, #tpu.memory_space<hbm>>
    tpu.wait_indirect_dma semaphore(%arg12 : memref<!tpu.dma_semaphore, #tpu.memory_space<semaphore_mem>>) src(%dma_wait3A_340 : memref<100000x128xf32, #tpu.memory_space<hbm>>) dst(%dma_wait3A_334 : memref<128x128xf32, #tpu.memory_space<vmem>>)
    %dma_wait3A_341 = arith.constant 3 : i32
    %dma_wait3A_342 = arith.constant 0 : i32
    %dma_wait3A_343 = arith.constant 0 : i32
    %dma_wait3A_344 = arith.constant 0 : i32
    %dma_wait3A_345 = tpu.memref_slice %arg10[%dma_wait3A_342, %dma_wait3A_343, %dma_wait3A_344] : memref<3x128x128xf32, #tpu.memory_space<vmem>> -> memref<1x128x128xf32, #tpu.memory_space<vmem>>
    %dma_wait3A_346 = tpu.memref_squeeze %dma_wait3A_345 : memref<1x128x128xf32, #tpu.memory_space<vmem>> -> memref<128x128xf32, #tpu.memory_space<vmem>>
    %dma_wait3A_347 = arith.constant 0 : i32
    %dma_wait3A_348 = tpu.memref_slice %arg8[%dma_wait3A_341, %dma_wait3A_347] : memref<4x128xi32, #tpu.memory_space<vmem>> -> memref<1x128xi32, #tpu.memory_space<vmem>>
    %dma_wait3A_349 = tpu.memref_squeeze %dma_wait3A_348 : memref<1x128xi32, #tpu.memory_space<vmem>> -> memref<128xi32, #tpu.memory_space<vmem>>
    %dma_wait3A_350 = arith.constant 0 : i32
    %dma_wait3A_351 = arith.constant 0 : i32
    %dma_wait3A_352 = tpu.memref_slice %arg5[%dma_wait3A_350, %dma_wait3A_351] : memref<100000x128xf32, #tpu.memory_space<hbm>> -> memref<100000x128xf32, #tpu.memory_space<hbm>>
    tpu.wait_indirect_dma semaphore(%arg13 : memref<!tpu.dma_semaphore, #tpu.memory_space<semaphore_mem>>) src(%dma_wait3A_352 : memref<100000x128xf32, #tpu.memory_space<hbm>>) dst(%dma_wait3A_346 : memref<128x128xf32, #tpu.memory_space<vmem>>)
    %scan3A_353 = arith.constant 0 : i32
    %scan3A_354 = arith.constant 0 : i32
    %scan3A_355 = arith.constant 8 : i32
    %scan3A_356 = arith.addi %scan3A_354, %scan3A_355 : i32
    %scan3A_357 = arith.constant 1 : i32
    %scan3A_358 = scf.for %scan3A_394 = %scan3A_354 to %scan3A_356 step %scan3A_357 iter_args(%scan3A_395 = %scan3A_353) -> (i32)  : i32 {
      %broadcast_in_dim3A = arith.constant 0.000000e+00 : f32
      %broadcast_in_dim3A_396 = vector.broadcast %broadcast_in_dim3A : f32 to vector<16xf32>
      %scan3A_397 = arith.constant 0 : i32
      %scan3A_398 = arith.constant 4 : i32
      %scan3A_399 = arith.addi %scan3A_397, %scan3A_398 : i32
      %scan3A_400 = arith.constant 1 : i32
      %scan3A_401 = scf.for %scan3A_411 = %scan3A_397 to %scan3A_399 step %scan3A_400 iter_args(%scan3A_412 = %broadcast_in_dim3A_396) -> (vector<16xf32>)  : i32 {
        %mul3A_413 = arith.constant 16 : i32
        %mul3A_414 = arith.muli %scan3A_394, %mul3A_413 : i32
        %mul3A_415 = arith.constant 4 : i32
        %mul3A_416 = arith.muli %scan3A_411, %mul3A_415 : i32
        %add3A_417 = arith.addi %mul3A_414, %mul3A_416 : i32
        %add3A_418 = arith.constant 0 : i32
        %add3A_419 = arith.addi %add3A_417, %add3A_418 : i32
        %get3A = arith.constant 0 : i32
        %get3A_420 = arith.index_cast %get3A : i32 to index
        %get3A_421 = arith.index_cast %add3A_419 : i32 to index
        %get3A_422 = arith.constant 0 : index
        %get3A_423 = tpu.vector_load %arg9[%get3A_420, %get3A_421, %get3A_422] {strides = array<i32>} : memref<3x128x128xf32, #tpu.memory_space<vmem>>, vector<1x1x16xf32>,
        %get3A_424 = vector.shape_cast %get3A_423 : vector<1x1x16xf32> to vector<16xf32>
        %get3A_425 = arith.constant 0 : i32
        %get3A_426 = arith.index_cast %get3A_425 : i32 to index
        %get3A_427 = arith.index_cast %add3A_419 : i32 to index
        %get3A_428 = arith.constant 0 : index
        %get3A_429 = tpu.vector_load %arg10[%get3A_426, %get3A_427, %get3A_428] {strides = array<i32>} : memref<3x128x128xf32, #tpu.memory_space<vmem>>, vector<1x1x16xf32>,
        %get3A_430 = vector.shape_cast %get3A_429 : vector<1x1x16xf32> to vector<16xf32>
        %mul3A_431 = arith.mulf %get3A_424, %get3A_430 : vector<16xf32>
        %get3A_432 = arith.constant 0 : i32
        %get3A_433 = arith.index_cast %get3A_432 : i32 to index
        %get3A_434 = arith.index_cast %add3A_419 : i32 to index
        %get3A_435 = arith.constant 16 : index
        %get3A_436 = tpu.vector_load %arg9[%get3A_433, %get3A_434, %get3A_435] {strides = array<i32>} : memref<3x128x128xf32, #tpu.memory_space<vmem>>, vector<1x1x16xf32>,
        %get3A_437 = vector.shape_cast %get3A_436 : vector<1x1x16xf32> to vector<16xf32>
        %get3A_438 = arith.constant 0 : i32
        %get3A_439 = arith.index_cast %get3A_438 : i32 to index
        %get3A_440 = arith.index_cast %add3A_419 : i32 to index
        %get3A_441 = arith.constant 16 : index
        %get3A_442 = tpu.vector_load %arg10[%get3A_439, %get3A_440, %get3A_441] {strides = array<i32>} : memref<3x128x128xf32, #tpu.memory_space<vmem>>, vector<1x1x16xf32>,
        %get3A_443 = vector.shape_cast %get3A_442 : vector<1x1x16xf32> to vector<16xf32>
        %mul3A_444 = arith.mulf %get3A_437, %get3A_443 : vector<16xf32>
        %add3A_445 = arith.addf %mul3A_431, %mul3A_444 : vector<16xf32>
        %get3A_446 = arith.constant 0 : i32
        %get3A_447 = arith.index_cast %get3A_446 : i32 to index
        %get3A_448 = arith.index_cast %add3A_419 : i32 to index
        %get3A_449 = arith.constant 32 : index
        %get3A_450 = tpu.vector_load %arg9[%get3A_447, %get3A_448, %get3A_449] {strides = array<i32>} : memref<3x128x128xf32, #tpu.memory_space<vmem>>, vector<1x1x16xf32>,
        %get3A_451 = vector.shape_cast %get3A_450 : vector<1x1x16xf32> to vector<16xf32>
        %get3A_452 = arith.constant 0 : i32
        %get3A_453 = arith.index_cast %get3A_452 : i32 to index
        %get3A_454 = arith.index_cast %add3A_419 : i32 to index
        %get3A_455 = arith.constant 32 : index
        %get3A_456 = tpu.vector_load %arg10[%get3A_453, %get3A_454, %get3A_455] {strides = array<i32>} : memref<3x128x128xf32, #tpu.memory_space<vmem>>, vector<1x1x16xf32>,
        %get3A_457 = vector.shape_cast %get3A_456 : vector<1x1x16xf32> to vector<16xf32>
        %mul3A_458 = arith.mulf %get3A_451, %get3A_457 : vector<16xf32>
        %add3A_459 = arith.addf %add3A_445, %mul3A_458 : vector<16xf32>
        %get3A_460 = arith.constant 0 : i32
        %get3A_461 = arith.index_cast %get3A_460 : i32 to index
        %get3A_462 = arith.index_cast %add3A_419 : i32 to index
        %get3A_463 = arith.constant 48 : index
        %get3A_464 = tpu.vector_load %arg9[%get3A_461, %get3A_462, %get3A_463] {strides = array<i32>} : memref<3x128x128xf32, #tpu.memory_space<vmem>>, vector<1x1x16xf32>,
        %get3A_465 = vector.shape_cast %get3A_464 : vector<1x1x16xf32> to vector<16xf32>
        %get3A_466 = arith.constant 0 : i32
        %get3A_467 = arith.index_cast %get3A_466 : i32 to index
        %get3A_468 = arith.index_cast %add3A_419 : i32 to index
        %get3A_469 = arith.constant 48 : index
        %get3A_470 = tpu.vector_load %arg10[%get3A_467, %get3A_468, %get3A_469] {strides = array<i32>} : memref<3x128x128xf32, #tpu.memory_space<vmem>>, vector<1x1x16xf32>,
        %get3A_471 = vector.shape_cast %get3A_470 : vector<1x1x16xf32> to vector<16xf32>
        %mul3A_472 = arith.mulf %get3A_465, %get3A_471 : vector<16xf32>
        %add3A_473 = arith.addf %add3A_459, %mul3A_472 : vector<16xf32>
        %get3A_474 = arith.constant 0 : i32
        %get3A_475 = arith.index_cast %get3A_474 : i32 to index
        %get3A_476 = arith.index_cast %add3A_419 : i32 to index
        %get3A_477 = arith.constant 64 : index
        %get3A_478 = tpu.vector_load %arg9[%get3A_475, %get3A_476, %get3A_477] {strides = array<i32>} : memref<3x128x128xf32, #tpu.memory_space<vmem>>, vector<1x1x16xf32>,
        %get3A_479 = vector.shape_cast %get3A_478 : vector<1x1x16xf32> to vector<16xf32>
        %get3A_480 = arith.constant 0 : i32
        %get3A_481 = arith.index_cast %get3A_480 : i32 to index
        %get3A_482 = arith.index_cast %add3A_419 : i32 to index
        %get3A_483 = arith.constant 64 : index
        %get3A_484 = tpu.vector_load %arg10[%get3A_481, %get3A_482, %get3A_483] {strides = array<i32>} : memref<3x128x128xf32, #tpu.memory_space<vmem>>, vector<1x1x16xf32>,
        %get3A_485 = vector.shape_cast %get3A_484 : vector<1x1x16xf32> to vector<16xf32>
        %mul3A_486 = arith.mulf %get3A_479, %get3A_485 : vector<16xf32>
        %add3A_487 = arith.addf %add3A_473, %mul3A_486 : vector<16xf32>
        %get3A_488 = arith.constant 0 : i32
        %get3A_489 = arith.index_cast %get3A_488 : i32 to index
        %get3A_490 = arith.index_cast %add3A_419 : i32 to index
        %get3A_491 = arith.constant 80 : index
        %get3A_492 = tpu.vector_load %arg9[%get3A_489, %get3A_490, %get3A_491] {strides = array<i32>} : memref<3x128x128xf32, #tpu.memory_space<vmem>>, vector<1x1x16xf32>,
        %get3A_493 = vector.shape_cast %get3A_492 : vector<1x1x16xf32> to vector<16xf32>
        %get3A_494 = arith.constant 0 : i32
        %get3A_495 = arith.index_cast %get3A_494 : i32 to index
        %get3A_496 = arith.index_cast %add3A_419 : i32 to index
        %get3A_497 = arith.constant 80 : index
        %get3A_498 = tpu.vector_load %arg10[%get3A_495, %get3A_496, %get3A_497] {strides = array<i32>} : memref<3x128x128xf32, #tpu.memory_space<vmem>>, vector<1x1x16xf32>,
        %get3A_499 = vector.shape_cast %get3A_498 : vector<1x1x16xf32> to vector<16xf32>
        %mul3A_500 = arith.mulf %get3A_493, %get3A_499 : vector<16xf32>
        %add3A_501 = arith.addf %add3A_487, %mul3A_500 : vector<16xf32>
        %get3A_502 = arith.constant 0 : i32
        %get3A_503 = arith.index_cast %get3A_502 : i32 to index
        %get3A_504 = arith.index_cast %add3A_419 : i32 to index
        %get3A_505 = arith.constant 96 : index
        %get3A_506 = tpu.vector_load %arg9[%get3A_503, %get3A_504, %get3A_505] {strides = array<i32>} : memref<3x128x128xf32, #tpu.memory_space<vmem>>, vector<1x1x16xf32>,
        %get3A_507 = vector.shape_cast %get3A_506 : vector<1x1x16xf32> to vector<16xf32>
        %get3A_508 = arith.constant 0 : i32
        %get3A_509 = arith.index_cast %get3A_508 : i32 to index
        %get3A_510 = arith.index_cast %add3A_419 : i32 to index
        %get3A_511 = arith.constant 96 : index
        %get3A_512 = tpu.vector_load %arg10[%get3A_509, %get3A_510, %get3A_511] {strides = array<i32>} : memref<3x128x128xf32, #tpu.memory_space<vmem>>, vector<1x1x16xf32>,
        %get3A_513 = vector.shape_cast %get3A_512 : vector<1x1x16xf32> to vector<16xf32>
        %mul3A_514 = arith.mulf %get3A_507, %get3A_513 : vector<16xf32>
        %add3A_515 = arith.addf %add3A_501, %mul3A_514 : vector<16xf32>
        %get3A_516 = arith.constant 0 : i32
        %get3A_517 = arith.index_cast %get3A_516 : i32 to index
        %get3A_518 = arith.index_cast %add3A_419 : i32 to index
        %get3A_519 = arith.constant 112 : index
        %get3A_520 = tpu.vector_load %arg9[%get3A_517, %get3A_518, %get3A_519] {strides = array<i32>} : memref<3x128x128xf32, #tpu.memory_space<vmem>>, vector<1x1x16xf32>,
        %get3A_521 = vector.shape_cast %get3A_520 : vector<1x1x16xf32> to vector<16xf32>
        %get3A_522 = arith.constant 0 : i32
        %get3A_523 = arith.index_cast %get3A_522 : i32 to index
        %get3A_524 = arith.index_cast %add3A_419 : i32 to index
        %get3A_525 = arith.constant 112 : index
        %get3A_526 = tpu.vector_load %arg10[%get3A_523, %get3A_524, %get3A_525] {strides = array<i32>} : memref<3x128x128xf32, #tpu.memory_space<vmem>>, vector<1x1x16xf32>,
        %get3A_527 = vector.shape_cast %get3A_526 : vector<1x1x16xf32> to vector<16xf32>
        %mul3A_528 = arith.mulf %get3A_521, %get3A_527 : vector<16xf32>
        %add3A_529 = arith.addf %add3A_515, %mul3A_528 : vector<16xf32>
        %mul3A_530 = arith.constant 16 : i32
        %mul3A_531 = arith.muli %scan3A_394, %mul3A_530 : i32
        %mul3A_532 = arith.constant 4 : i32
        %mul3A_533 = arith.muli %scan3A_411, %mul3A_532 : i32
        %add3A_534 = arith.addi %mul3A_531, %mul3A_533 : i32
        %add3A_535 = arith.constant 1 : i32
        %add3A_536 = arith.addi %add3A_534, %add3A_535 : i32
        %get3A_537 = arith.constant 0 : i32
        %get3A_538 = arith.index_cast %get3A_537 : i32 to index
        %get3A_539 = arith.index_cast %add3A_536 : i32 to index
        %get3A_540 = arith.constant 0 : index
        %get3A_541 = tpu.vector_load %arg9[%get3A_538, %get3A_539, %get3A_540] {strides = array<i32>} : memref<3x128x128xf32, #tpu.memory_space<vmem>>, vector<1x1x16xf32>,
        %get3A_542 = vector.shape_cast %get3A_541 : vector<1x1x16xf32> to vector<16xf32>
        %get3A_543 = arith.constant 0 : i32
        %get3A_544 = arith.index_cast %get3A_543 : i32 to index
        %get3A_545 = arith.index_cast %add3A_536 : i32 to index
        %get3A_546 = arith.constant 0 : index
        %get3A_547 = tpu.vector_load %arg10[%get3A_544, %get3A_545, %get3A_546] {strides = array<i32>} : memref<3x128x128xf32, #tpu.memory_space<vmem>>, vector<1x1x16xf32>,
        %get3A_548 = vector.shape_cast %get3A_547 : vector<1x1x16xf32> to vector<16xf32>
        %mul3A_549 = arith.mulf %get3A_542, %get3A_548 : vector<16xf32>
        %get3A_550 = arith.constant 0 : i32
        %get3A_551 = arith.index_cast %get3A_550 : i32 to index
        %get3A_552 = arith.index_cast %add3A_536 : i32 to index
        %get3A_553 = arith.constant 16 : index
        %get3A_554 = tpu.vector_load %arg9[%get3A_551, %get3A_552, %get3A_553] {strides = array<i32>} : memref<3x128x128xf32, #tpu.memory_space<vmem>>, vector<1x1x16xf32>,
        %get3A_555 = vector.shape_cast %get3A_554 : vector<1x1x16xf32> to vector<16xf32>
        %get3A_556 = arith.constant 0 : i32
        %get3A_557 = arith.index_cast %get3A_556 : i32 to index
        %get3A_558 = arith.index_cast %add3A_536 : i32 to index
        %get3A_559 = arith.constant 16 : index
        %get3A_560 = tpu.vector_load %arg10[%get3A_557, %get3A_558, %get3A_559] {strides = array<i32>} : memref<3x128x128xf32, #tpu.memory_space<vmem>>, vector<1x1x16xf32>,
        %get3A_561 = vector.shape_cast %get3A_560 : vector<1x1x16xf32> to vector<16xf32>
        %mul3A_562 = arith.mulf %get3A_555, %get3A_561 : vector<16xf32>
        %add3A_563 = arith.addf %mul3A_549, %mul3A_562 : vector<16xf32>
        %get3A_564 = arith.constant 0 : i32
        %get3A_565 = arith.index_cast %get3A_564 : i32 to index
        %get3A_566 = arith.index_cast %add3A_536 : i32 to index
        %get3A_567 = arith.constant 32 : index
        %get3A_568 = tpu.vector_load %arg9[%get3A_565, %get3A_566, %get3A_567] {strides = array<i32>} : memref<3x128x128xf32, #tpu.memory_space<vmem>>, vector<1x1x16xf32>,
        %get3A_569 = vector.shape_cast %get3A_568 : vector<1x1x16xf32> to vector<16xf32>
        %get3A_570 = arith.constant 0 : i32
        %get3A_571 = arith.index_cast %get3A_570 : i32 to index
        %get3A_572 = arith.index_cast %add3A_536 : i32 to index
        %get3A_573 = arith.constant 32 : index
        %get3A_574 = tpu.vector_load %arg10[%get3A_571, %get3A_572, %get3A_573] {strides = array<i32>} : memref<3x128x128xf32, #tpu.memory_space<vmem>>, vector<1x1x16xf32>,
        %get3A_575 = vector.shape_cast %get3A_574 : vector<1x1x16xf32> to vector<16xf32>
        %mul3A_576 = arith.mulf %get3A_569, %get3A_575 : vector<16xf32>
        %add3A_577 = arith.addf %add3A_563, %mul3A_576 : vector<16xf32>
        %get3A_578 = arith.constant 0 : i32
        %get3A_579 = arith.index_cast %get3A_578 : i32 to index
        %get3A_580 = arith.index_cast %add3A_536 : i32 to index
        %get3A_581 = arith.constant 48 : index
        %get3A_582 = tpu.vector_load %arg9[%get3A_579, %get3A_580, %get3A_581] {strides = array<i32>} : memref<3x128x128xf32, #tpu.memory_space<vmem>>, vector<1x1x16xf32>,
        %get3A_583 = vector.shape_cast %get3A_582 : vector<1x1x16xf32> to vector<16xf32>
        %get3A_584 = arith.constant 0 : i32
        %get3A_585 = arith.index_cast %get3A_584 : i32 to index
        %get3A_586 = arith.index_cast %add3A_536 : i32 to index
        %get3A_587 = arith.constant 48 : index
        %get3A_588 = tpu.vector_load %arg10[%get3A_585, %get3A_586, %get3A_587] {strides = array<i32>} : memref<3x128x128xf32, #tpu.memory_space<vmem>>, vector<1x1x16xf32>,
        %get3A_589 = vector.shape_cast %get3A_588 : vector<1x1x16xf32> to vector<16xf32>
        %mul3A_590 = arith.mulf %get3A_583, %get3A_589 : vector<16xf32>
        %add3A_591 = arith.addf %add3A_577, %mul3A_590 : vector<16xf32>
        %get3A_592 = arith.constant 0 : i32
        %get3A_593 = arith.index_cast %get3A_592 : i32 to index
        %get3A_594 = arith.index_cast %add3A_536 : i32 to index
        %get3A_595 = arith.constant 64 : index
        %get3A_596 = tpu.vector_load %arg9[%get3A_593, %get3A_594, %get3A_595] {strides = array<i32>} : memref<3x128x128xf32, #tpu.memory_space<vmem>>, vector<1x1x16xf32>,
        %get3A_597 = vector.shape_cast %get3A_596 : vector<1x1x16xf32> to vector<16xf32>
        %get3A_598 = arith.constant 0 : i32
        %get3A_599 = arith.index_cast %get3A_598 : i32 to index
        %get3A_600 = arith.index_cast %add3A_536 : i32 to index
        %get3A_601 = arith.constant 64 : index
        %get3A_602 = tpu.vector_load %arg10[%get3A_599, %get3A_600, %get3A_601] {strides = array<i32>} : memref<3x128x128xf32, #tpu.memory_space<vmem>>, vector<1x1x16xf32>,
        %get3A_603 = vector.shape_cast %get3A_602 : vector<1x1x16xf32> to vector<16xf32>
        %mul3A_604 = arith.mulf %get3A_597, %get3A_603 : vector<16xf32>
        %add3A_605 = arith.addf %add3A_591, %mul3A_604 : vector<16xf32>
        %get3A_606 = arith.constant 0 : i32
        %get3A_607 = arith.index_cast %get3A_606 : i32 to index
        %get3A_608 = arith.index_cast %add3A_536 : i32 to index
        %get3A_609 = arith.constant 80 : index
        %get3A_610 = tpu.vector_load %arg9[%get3A_607, %get3A_608, %get3A_609] {strides = array<i32>} : memref<3x128x128xf32, #tpu.memory_space<vmem>>, vector<1x1x16xf32>,
        %get3A_611 = vector.shape_cast %get3A_610 : vector<1x1x16xf32> to vector<16xf32>
        %get3A_612 = arith.constant 0 : i32
        %get3A_613 = arith.index_cast %get3A_612 : i32 to index
        %get3A_614 = arith.index_cast %add3A_536 : i32 to index
        %get3A_615 = arith.constant 80 : index
        %get3A_616 = tpu.vector_load %arg10[%get3A_613, %get3A_614, %get3A_615] {strides = array<i32>} : memref<3x128x128xf32, #tpu.memory_space<vmem>>, vector<1x1x16xf32>,
        %get3A_617 = vector.shape_cast %get3A_616 : vector<1x1x16xf32> to vector<16xf32>
        %mul3A_618 = arith.mulf %get3A_611, %get3A_617 : vector<16xf32>
        %add3A_619 = arith.addf %add3A_605, %mul3A_618 : vector<16xf32>
        %get3A_620 = arith.constant 0 : i32
        %get3A_621 = arith.index_cast %get3A_620 : i32 to index
        %get3A_622 = arith.index_cast %add3A_536 : i32 to index
        %get3A_623 = arith.constant 96 : index
        %get3A_624 = tpu.vector_load %arg9[%get3A_621, %get3A_622, %get3A_623] {strides = array<i32>} : memref<3x128x128xf32, #tpu.memory_space<vmem>>, vector<1x1x16xf32>,
        %get3A_625 = vector.shape_cast %get3A_624 : vector<1x1x16xf32> to vector<16xf32>
        %get3A_626 = arith.constant 0 : i32
        %get3A_627 = arith.index_cast %get3A_626 : i32 to index
        %get3A_628 = arith.index_cast %add3A_536 : i32 to index
        %get3A_629 = arith.constant 96 : index
        %get3A_630 = tpu.vector_load %arg10[%get3A_627, %get3A_628, %get3A_629] {strides = array<i32>} : memref<3x128x128xf32, #tpu.memory_space<vmem>>, vector<1x1x16xf32>,
        %get3A_631 = vector.shape_cast %get3A_630 : vector<1x1x16xf32> to vector<16xf32>
        %mul3A_632 = arith.mulf %get3A_625, %get3A_631 : vector<16xf32>
        %add3A_633 = arith.addf %add3A_619, %mul3A_632 : vector<16xf32>
        %get3A_634 = arith.constant 0 : i32
        %get3A_635 = arith.index_cast %get3A_634 : i32 to index
        %get3A_636 = arith.index_cast %add3A_536 : i32 to index
        %get3A_637 = arith.constant 112 : index
        %get3A_638 = tpu.vector_load %arg9[%get3A_635, %get3A_636, %get3A_637] {strides = array<i32>} : memref<3x128x128xf32, #tpu.memory_space<vmem>>, vector<1x1x16xf32>,
        %get3A_639 = vector.shape_cast %get3A_638 : vector<1x1x16xf32> to vector<16xf32>
        %get3A_640 = arith.constant 0 : i32
        %get3A_641 = arith.index_cast %get3A_640 : i32 to index
        %get3A_642 = arith.index_cast %add3A_536 : i32 to index
        %get3A_643 = arith.constant 112 : index
        %get3A_644 = tpu.vector_load %arg10[%get3A_641, %get3A_642, %get3A_643] {strides = array<i32>} : memref<3x128x128xf32, #tpu.memory_space<vmem>>, vector<1x1x16xf32>,
        %get3A_645 = vector.shape_cast %get3A_644 : vector<1x1x16xf32> to vector<16xf32>
        %mul3A_646 = arith.mulf %get3A_639, %get3A_645 : vector<16xf32>
        %add3A_647 = arith.addf %add3A_633, %mul3A_646 : vector<16xf32>
        %mul3A_648 = arith.constant 16 : i32
        %mul3A_649 = arith.muli %scan3A_394, %mul3A_648 : i32
        %mul3A_650 = arith.constant 4 : i32
        %mul3A_651 = arith.muli %scan3A_411, %mul3A_650 : i32
        %add3A_652 = arith.addi %mul3A_649, %mul3A_651 : i32
        %add3A_653 = arith.constant 2 : i32
        %add3A_654 = arith.addi %add3A_652, %add3A_653 : i32
        %get3A_655 = arith.constant 0 : i32
        %get3A_656 = arith.index_cast %get3A_655 : i32 to index
        %get3A_657 = arith.index_cast %add3A_654 : i32 to index
        %get3A_658 = arith.constant 0 : index
        %get3A_659 = tpu.vector_load %arg9[%get3A_656, %get3A_657, %get3A_658] {strides = array<i32>} : memref<3x128x128xf32, #tpu.memory_space<vmem>>, vector<1x1x16xf32>,
        %get3A_660 = vector.shape_cast %get3A_659 : vector<1x1x16xf32> to vector<16xf32>
        %get3A_661 = arith.constant 0 : i32
        %get3A_662 = arith.index_cast %get3A_661 : i32 to index
        %get3A_663 = arith.index_cast %add3A_654 : i32 to index
        %get3A_664 = arith.constant 0 : index
        %get3A_665 = tpu.vector_load %arg10[%get3A_662, %get3A_663, %get3A_664] {strides = array<i32>} : memref<3x128x128xf32, #tpu.memory_space<vmem>>, vector<1x1x16xf32>,
        %get3A_666 = vector.shape_cast %get3A_665 : vector<1x1x16xf32> to vector<16xf32>
        %mul3A_667 = arith.mulf %get3A_660, %get3A_666 : vector<16xf32>
        %get3A_668 = arith.constant 0 : i32
        %get3A_669 = arith.index_cast %get3A_668 : i32 to index
        %get3A_670 = arith.index_cast %add3A_654 : i32 to index
        %get3A_671 = arith.constant 16 : index
        %get3A_672 = tpu.vector_load %arg9[%get3A_669, %get3A_670, %get3A_671] {strides = array<i32>} : memref<3x128x128xf32, #tpu.memory_space<vmem>>, vector<1x1x16xf32>,
        %get3A_673 = vector.shape_cast %get3A_672 : vector<1x1x16xf32> to vector<16xf32>
        %get3A_674 = arith.constant 0 : i32
        %get3A_675 = arith.index_cast %get3A_674 : i32 to index
        %get3A_676 = arith.index_cast %add3A_654 : i32 to index
        %get3A_677 = arith.constant 16 : index
        %get3A_678 = tpu.vector_load %arg10[%get3A_675, %get3A_676, %get3A_677] {strides = array<i32>} : memref<3x128x128xf32, #tpu.memory_space<vmem>>, vector<1x1x16xf32>,
        %get3A_679 = vector.shape_cast %get3A_678 : vector<1x1x16xf32> to vector<16xf32>
        %mul3A_680 = arith.mulf %get3A_673, %get3A_679 : vector<16xf32>
        %add3A_681 = arith.addf %mul3A_667, %mul3A_680 : vector<16xf32>
        %get3A_682 = arith.constant 0 : i32
        %get3A_683 = arith.index_cast %get3A_682 : i32 to index
        %get3A_684 = arith.index_cast %add3A_654 : i32 to index
        %get3A_685 = arith.constant 32 : index
        %get3A_686 = tpu.vector_load %arg9[%get3A_683, %get3A_684, %get3A_685] {strides = array<i32>} : memref<3x128x128xf32, #tpu.memory_space<vmem>>, vector<1x1x16xf32>,
        %get3A_687 = vector.shape_cast %get3A_686 : vector<1x1x16xf32> to vector<16xf32>
        %get3A_688 = arith.constant 0 : i32
        %get3A_689 = arith.index_cast %get3A_688 : i32 to index
        %get3A_690 = arith.index_cast %add3A_654 : i32 to index
        %get3A_691 = arith.constant 32 : index
        %get3A_692 = tpu.vector_load %arg10[%get3A_689, %get3A_690, %get3A_691] {strides = array<i32>} : memref<3x128x128xf32, #tpu.memory_space<vmem>>, vector<1x1x16xf32>,
        %get3A_693 = vector.shape_cast %get3A_692 : vector<1x1x16xf32> to vector<16xf32>
        %mul3A_694 = arith.mulf %get3A_687, %get3A_693 : vector<16xf32>
        %add3A_695 = arith.addf %add3A_681, %mul3A_694 : vector<16xf32>
        %get3A_696 = arith.constant 0 : i32
        %get3A_697 = arith.index_cast %get3A_696 : i32 to index
        %get3A_698 = arith.index_cast %add3A_654 : i32 to index
        %get3A_699 = arith.constant 48 : index
        %get3A_700 = tpu.vector_load %arg9[%get3A_697, %get3A_698, %get3A_699] {strides = array<i32>} : memref<3x128x128xf32, #tpu.memory_space<vmem>>, vector<1x1x16xf32>,
        %get3A_701 = vector.shape_cast %get3A_700 : vector<1x1x16xf32> to vector<16xf32>
        %get3A_702 = arith.constant 0 : i32
        %get3A_703 = arith.index_cast %get3A_702 : i32 to index
        %get3A_704 = arith.index_cast %add3A_654 : i32 to index
        %get3A_705 = arith.constant 48 : index
        %get3A_706 = tpu.vector_load %arg10[%get3A_703, %get3A_704, %get3A_705] {strides = array<i32>} : memref<3x128x128xf32, #tpu.memory_space<vmem>>, vector<1x1x16xf32>,
        %get3A_707 = vector.shape_cast %get3A_706 : vector<1x1x16xf32> to vector<16xf32>
        %mul3A_708 = arith.mulf %get3A_701, %get3A_707 : vector<16xf32>
        %add3A_709 = arith.addf %add3A_695, %mul3A_708 : vector<16xf32>
        %get3A_710 = arith.constant 0 : i32
        %get3A_711 = arith.index_cast %get3A_710 : i32 to index
        %get3A_712 = arith.index_cast %add3A_654 : i32 to index
        %get3A_713 = arith.constant 64 : index
        %get3A_714 = tpu.vector_load %arg9[%get3A_711, %get3A_712, %get3A_713] {strides = array<i32>} : memref<3x128x128xf32, #tpu.memory_space<vmem>>, vector<1x1x16xf32>,
        %get3A_715 = vector.shape_cast %get3A_714 : vector<1x1x16xf32> to vector<16xf32>
        %get3A_716 = arith.constant 0 : i32
        %get3A_717 = arith.index_cast %get3A_716 : i32 to index
        %get3A_718 = arith.index_cast %add3A_654 : i32 to index
        %get3A_719 = arith.constant 64 : index
        %get3A_720 = tpu.vector_load %arg10[%get3A_717, %get3A_718, %get3A_719] {strides = array<i32>} : memref<3x128x128xf32, #tpu.memory_space<vmem>>, vector<1x1x16xf32>,
        %get3A_721 = vector.shape_cast %get3A_720 : vector<1x1x16xf32> to vector<16xf32>
        %mul3A_722 = arith.mulf %get3A_715, %get3A_721 : vector<16xf32>
        %add3A_723 = arith.addf %add3A_709, %mul3A_722 : vector<16xf32>
        %get3A_724 = arith.constant 0 : i32
        %get3A_725 = arith.index_cast %get3A_724 : i32 to index
        %get3A_726 = arith.index_cast %add3A_654 : i32 to index
        %get3A_727 = arith.constant 80 : index
        %get3A_728 = tpu.vector_load %arg9[%get3A_725, %get3A_726, %get3A_727] {strides = array<i32>} : memref<3x128x128xf32, #tpu.memory_space<vmem>>, vector<1x1x16xf32>,
        %get3A_729 = vector.shape_cast %get3A_728 : vector<1x1x16xf32> to vector<16xf32>
        %get3A_730 = arith.constant 0 : i32
        %get3A_731 = arith.index_cast %get3A_730 : i32 to index
        %get3A_732 = arith.index_cast %add3A_654 : i32 to index
        %get3A_733 = arith.constant 80 : index
        %get3A_734 = tpu.vector_load %arg10[%get3A_731, %get3A_732, %get3A_733] {strides = array<i32>} : memref<3x128x128xf32, #tpu.memory_space<vmem>>, vector<1x1x16xf32>,
        %get3A_735 = vector.shape_cast %get3A_734 : vector<1x1x16xf32> to vector<16xf32>
        %mul3A_736 = arith.mulf %get3A_729, %get3A_735 : vector<16xf32>
        %add3A_737 = arith.addf %add3A_723, %mul3A_736 : vector<16xf32>
        %get3A_738 = arith.constant 0 : i32
        %get3A_739 = arith.index_cast %get3A_738 : i32 to index
        %get3A_740 = arith.index_cast %add3A_654 : i32 to index
        %get3A_741 = arith.constant 96 : index
        %get3A_742 = tpu.vector_load %arg9[%get3A_739, %get3A_740, %get3A_741] {strides = array<i32>} : memref<3x128x128xf32, #tpu.memory_space<vmem>>, vector<1x1x16xf32>,
        %get3A_743 = vector.shape_cast %get3A_742 : vector<1x1x16xf32> to vector<16xf32>
        %get3A_744 = arith.constant 0 : i32
        %get3A_745 = arith.index_cast %get3A_744 : i32 to index
        %get3A_746 = arith.index_cast %add3A_654 : i32 to index
        %get3A_747 = arith.constant 96 : index
        %get3A_748 = tpu.vector_load %arg10[%get3A_745, %get3A_746, %get3A_747] {strides = array<i32>} : memref<3x128x128xf32, #tpu.memory_space<vmem>>, vector<1x1x16xf32>,
        %get3A_749 = vector.shape_cast %get3A_748 : vector<1x1x16xf32> to vector<16xf32>
        %mul3A_750 = arith.mulf %get3A_743, %get3A_749 : vector<16xf32>
        %add3A_751 = arith.addf %add3A_737, %mul3A_750 : vector<16xf32>
        %get3A_752 = arith.constant 0 : i32
        %get3A_753 = arith.index_cast %get3A_752 : i32 to index
        %get3A_754 = arith.index_cast %add3A_654 : i32 to index
        %get3A_755 = arith.constant 112 : index
        %get3A_756 = tpu.vector_load %arg9[%get3A_753, %get3A_754, %get3A_755] {strides = array<i32>} : memref<3x128x128xf32, #tpu.memory_space<vmem>>, vector<1x1x16xf32>,
        %get3A_757 = vector.shape_cast %get3A_756 : vector<1x1x16xf32> to vector<16xf32>
        %get3A_758 = arith.constant 0 : i32
        %get3A_759 = arith.index_cast %get3A_758 : i32 to index
        %get3A_760 = arith.index_cast %add3A_654 : i32 to index
        %get3A_761 = arith.constant 112 : index
        %get3A_762 = tpu.vector_load %arg10[%get3A_759, %get3A_760, %get3A_761] {strides = array<i32>} : memref<3x128x128xf32, #tpu.memory_space<vmem>>, vector<1x1x16xf32>,
        %get3A_763 = vector.shape_cast %get3A_762 : vector<1x1x16xf32> to vector<16xf32>
        %mul3A_764 = arith.mulf %get3A_757, %get3A_763 : vector<16xf32>
        %add3A_765 = arith.addf %add3A_751, %mul3A_764 : vector<16xf32>
        %mul3A_766 = arith.constant 16 : i32
        %mul3A_767 = arith.muli %scan3A_394, %mul3A_766 : i32
        %mul3A_768 = arith.constant 4 : i32
        %mul3A_769 = arith.muli %scan3A_411, %mul3A_768 : i32
        %add3A_770 = arith.addi %mul3A_767, %mul3A_769 : i32
        %add3A_771 = arith.constant 3 : i32
        %add3A_772 = arith.addi %add3A_770, %add3A_771 : i32
        %get3A_773 = arith.constant 0 : i32
        %get3A_774 = arith.index_cast %get3A_773 : i32 to index
        %get3A_775 = arith.index_cast %add3A_772 : i32 to index
        %get3A_776 = arith.constant 0 : index
        %get3A_777 = tpu.vector_load %arg9[%get3A_774, %get3A_775, %get3A_776] {strides = array<i32>} : memref<3x128x128xf32, #tpu.memory_space<vmem>>, vector<1x1x16xf32>,
        %get3A_778 = vector.shape_cast %get3A_777 : vector<1x1x16xf32> to vector<16xf32>
        %get3A_779 = arith.constant 0 : i32
        %get3A_780 = arith.index_cast %get3A_779 : i32 to index
        %get3A_781 = arith.index_cast %add3A_772 : i32 to index
        %get3A_782 = arith.constant 0 : index
        %get3A_783 = tpu.vector_load %arg10[%get3A_780, %get3A_781, %get3A_782] {strides = array<i32>} : memref<3x128x128xf32, #tpu.memory_space<vmem>>, vector<1x1x16xf32>,
        %get3A_784 = vector.shape_cast %get3A_783 : vector<1x1x16xf32> to vector<16xf32>
        %mul3A_785 = arith.mulf %get3A_778, %get3A_784 : vector<16xf32>
        %get3A_786 = arith.constant 0 : i32
        %get3A_787 = arith.index_cast %get3A_786 : i32 to index
        %get3A_788 = arith.index_cast %add3A_772 : i32 to index
        %get3A_789 = arith.constant 16 : index
        %get3A_790 = tpu.vector_load %arg9[%get3A_787, %get3A_788, %get3A_789] {strides = array<i32>} : memref<3x128x128xf32, #tpu.memory_space<vmem>>, vector<1x1x16xf32>,
        %get3A_791 = vector.shape_cast %get3A_790 : vector<1x1x16xf32> to vector<16xf32>
        %get3A_792 = arith.constant 0 : i32
        %get3A_793 = arith.index_cast %get3A_792 : i32 to index
        %get3A_794 = arith.index_cast %add3A_772 : i32 to index
        %get3A_795 = arith.constant 16 : index
        %get3A_796 = tpu.vector_load %arg10[%get3A_793, %get3A_794, %get3A_795] {strides = array<i32>} : memref<3x128x128xf32, #tpu.memory_space<vmem>>, vector<1x1x16xf32>,
        %get3A_797 = vector.shape_cast %get3A_796 : vector<1x1x16xf32> to vector<16xf32>
        %mul3A_798 = arith.mulf %get3A_791, %get3A_797 : vector<16xf32>
        %add3A_799 = arith.addf %mul3A_785, %mul3A_798 : vector<16xf32>
        %get3A_800 = arith.constant 0 : i32
        %get3A_801 = arith.index_cast %get3A_800 : i32 to index
        %get3A_802 = arith.index_cast %add3A_772 : i32 to index
        %get3A_803 = arith.constant 32 : index
        %get3A_804 = tpu.vector_load %arg9[%get3A_801, %get3A_802, %get3A_803] {strides = array<i32>} : memref<3x128x128xf32, #tpu.memory_space<vmem>>, vector<1x1x16xf32>,
        %get3A_805 = vector.shape_cast %get3A_804 : vector<1x1x16xf32> to vector<16xf32>
        %get3A_806 = arith.constant 0 : i32
        %get3A_807 = arith.index_cast %get3A_806 : i32 to index
        %get3A_808 = arith.index_cast %add3A_772 : i32 to index
        %get3A_809 = arith.constant 32 : index
        %get3A_810 = tpu.vector_load %arg10[%get3A_807, %get3A_808, %get3A_809] {strides = array<i32>} : memref<3x128x128xf32, #tpu.memory_space<vmem>>, vector<1x1x16xf32>,
        %get3A_811 = vector.shape_cast %get3A_810 : vector<1x1x16xf32> to vector<16xf32>
        %mul3A_812 = arith.mulf %get3A_805, %get3A_811 : vector<16xf32>
        %add3A_813 = arith.addf %add3A_799, %mul3A_812 : vector<16xf32>
        %get3A_814 = arith.constant 0 : i32
        %get3A_815 = arith.index_cast %get3A_814 : i32 to index
        %get3A_816 = arith.index_cast %add3A_772 : i32 to index
        %get3A_817 = arith.constant 48 : index
        %get3A_818 = tpu.vector_load %arg9[%get3A_815, %get3A_816, %get3A_817] {strides = array<i32>} : memref<3x128x128xf32, #tpu.memory_space<vmem>>, vector<1x1x16xf32>,
        %get3A_819 = vector.shape_cast %get3A_818 : vector<1x1x16xf32> to vector<16xf32>
        %get3A_820 = arith.constant 0 : i32
        %get3A_821 = arith.index_cast %get3A_820 : i32 to index
        %get3A_822 = arith.index_cast %add3A_772 : i32 to index
        %get3A_823 = arith.constant 48 : index
        %get3A_824 = tpu.vector_load %arg10[%get3A_821, %get3A_822, %get3A_823] {strides = array<i32>} : memref<3x128x128xf32, #tpu.memory_space<vmem>>, vector<1x1x16xf32>,
        %get3A_825 = vector.shape_cast %get3A_824 : vector<1x1x16xf32> to vector<16xf32>
        %mul3A_826 = arith.mulf %get3A_819, %get3A_825 : vector<16xf32>
        %add3A_827 = arith.addf %add3A_813, %mul3A_826 : vector<16xf32>
        %get3A_828 = arith.constant 0 : i32
        %get3A_829 = arith.index_cast %get3A_828 : i32 to index
        %get3A_830 = arith.index_cast %add3A_772 : i32 to index
        %get3A_831 = arith.constant 64 : index
        %get3A_832 = tpu.vector_load %arg9[%get3A_829, %get3A_830, %get3A_831] {strides = array<i32>} : memref<3x128x128xf32, #tpu.memory_space<vmem>>, vector<1x1x16xf32>,
        %get3A_833 = vector.shape_cast %get3A_832 : vector<1x1x16xf32> to vector<16xf32>
        %get3A_834 = arith.constant 0 : i32
        %get3A_835 = arith.index_cast %get3A_834 : i32 to index
        %get3A_836 = arith.index_cast %add3A_772 : i32 to index
        %get3A_837 = arith.constant 64 : index
        %get3A_838 = tpu.vector_load %arg10[%get3A_835, %get3A_836, %get3A_837] {strides = array<i32>} : memref<3x128x128xf32, #tpu.memory_space<vmem>>, vector<1x1x16xf32>,
        %get3A_839 = vector.shape_cast %get3A_838 : vector<1x1x16xf32> to vector<16xf32>
        %mul3A_840 = arith.mulf %get3A_833, %get3A_839 : vector<16xf32>
        %add3A_841 = arith.addf %add3A_827, %mul3A_840 : vector<16xf32>
        %get3A_842 = arith.constant 0 : i32
        %get3A_843 = arith.index_cast %get3A_842 : i32 to index
        %get3A_844 = arith.index_cast %add3A_772 : i32 to index
        %get3A_845 = arith.constant 80 : index
        %get3A_846 = tpu.vector_load %arg9[%get3A_843, %get3A_844, %get3A_845] {strides = array<i32>} : memref<3x128x128xf32, #tpu.memory_space<vmem>>, vector<1x1x16xf32>,
        %get3A_847 = vector.shape_cast %get3A_846 : vector<1x1x16xf32> to vector<16xf32>
        %get3A_848 = arith.constant 0 : i32
        %get3A_849 = arith.index_cast %get3A_848 : i32 to index
        %get3A_850 = arith.index_cast %add3A_772 : i32 to index
        %get3A_851 = arith.constant 80 : index
        %get3A_852 = tpu.vector_load %arg10[%get3A_849, %get3A_850, %get3A_851] {strides = array<i32>} : memref<3x128x128xf32, #tpu.memory_space<vmem>>, vector<1x1x16xf32>,
        %get3A_853 = vector.shape_cast %get3A_852 : vector<1x1x16xf32> to vector<16xf32>
        %mul3A_854 = arith.mulf %get3A_847, %get3A_853 : vector<16xf32>
        %add3A_855 = arith.addf %add3A_841, %mul3A_854 : vector<16xf32>
        %get3A_856 = arith.constant 0 : i32
        %get3A_857 = arith.index_cast %get3A_856 : i32 to index
        %get3A_858 = arith.index_cast %add3A_772 : i32 to index
        %get3A_859 = arith.constant 96 : index
        %get3A_860 = tpu.vector_load %arg9[%get3A_857, %get3A_858, %get3A_859] {strides = array<i32>} : memref<3x128x128xf32, #tpu.memory_space<vmem>>, vector<1x1x16xf32>,
        %get3A_861 = vector.shape_cast %get3A_860 : vector<1x1x16xf32> to vector<16xf32>
        %get3A_862 = arith.constant 0 : i32
        %get3A_863 = arith.index_cast %get3A_862 : i32 to index
        %get3A_864 = arith.index_cast %add3A_772 : i32 to index
        %get3A_865 = arith.constant 96 : index
        %get3A_866 = tpu.vector_load %arg10[%get3A_863, %get3A_864, %get3A_865] {strides = array<i32>} : memref<3x128x128xf32, #tpu.memory_space<vmem>>, vector<1x1x16xf32>,
        %get3A_867 = vector.shape_cast %get3A_866 : vector<1x1x16xf32> to vector<16xf32>
        %mul3A_868 = arith.mulf %get3A_861, %get3A_867 : vector<16xf32>
        %add3A_869 = arith.addf %add3A_855, %mul3A_868 : vector<16xf32>
        %get3A_870 = arith.constant 0 : i32
        %get3A_871 = arith.index_cast %get3A_870 : i32 to index
        %get3A_872 = arith.index_cast %add3A_772 : i32 to index
        %get3A_873 = arith.constant 112 : index
        %get3A_874 = tpu.vector_load %arg9[%get3A_871, %get3A_872, %get3A_873] {strides = array<i32>} : memref<3x128x128xf32, #tpu.memory_space<vmem>>, vector<1x1x16xf32>,
        %get3A_875 = vector.shape_cast %get3A_874 : vector<1x1x16xf32> to vector<16xf32>
        %get3A_876 = arith.constant 0 : i32
        %get3A_877 = arith.index_cast %get3A_876 : i32 to index
        %get3A_878 = arith.index_cast %add3A_772 : i32 to index
        %get3A_879 = arith.constant 112 : index
        %get3A_880 = tpu.vector_load %arg10[%get3A_877, %get3A_878, %get3A_879] {strides = array<i32>} : memref<3x128x128xf32, #tpu.memory_space<vmem>>, vector<1x1x16xf32>,
        %get3A_881 = vector.shape_cast %get3A_880 : vector<1x1x16xf32> to vector<16xf32>
        %mul3A_882 = arith.mulf %get3A_875, %get3A_881 : vector<16xf32>
        %add3A_883 = arith.addf %add3A_869, %mul3A_882 : vector<16xf32>
        %and3A = arith.constant 1 : i32
        %and3A_884 = vector.broadcast %and3A : i32 to vector<16xi32>
        %and3A_885 = arith.andi %iota3A, %and3A_884 : vector<16xi32>
        %eq3A = arith.constant 0 : i32
        %eq3A_886 = vector.broadcast %eq3A : i32 to vector<16xi32>
        %eq3A_887 = arith.cmpi eq, %and3A_885, %eq3A_886 : vector<16xi32>
        %select_n3A = arith.select %eq3A_887, %add3A_529, %add3A_647 : vector<16xi1>, vector<16xf32>
        %xor3A = arith.constant 1 : i32
        %xor3A_888 = vector.broadcast %xor3A : i32 to vector<16xi32>
        %xor3A_889 = arith.xori %iota3A, %xor3A_888 : vector<16xi32>
        %lt3A = arith.constant 0 : i32
        %lt3A_890 = vector.broadcast %lt3A : i32 to vector<16xi32>
        %lt3A_891 = arith.cmpi slt, %xor3A_889, %lt3A_890 : vector<16xi32>
        %add3A_892 = arith.constant 16 : i32
        %add3A_893 = vector.broadcast %add3A_892 : i32 to vector<16xi32>
        %add3A_894 = arith.addi %xor3A_889, %add3A_893 : vector<16xi32>
        %select_n3A_895 = arith.select %lt3A_891, %add3A_894, %xor3A_889 : vector<16xi1>, vector<16xi32>
        %broadcast_in_dim3A_896 = vector.shape_cast %select_n3A_895 : vector<16xi32> to vector<16x1xi32>
        %gather3A = vector.shape_cast %broadcast_in_dim3A_896 : vector<16x1xi32> to vector<16xi32>
        %gather3A_897 = tpu.dynamic_gather %add3A_529[%gather3A] in [0] : vector<16xf32>, vector<16xi32> -> vector<16xf32>
        %xor3A_898 = arith.constant 1 : i32
        %xor3A_899 = vector.broadcast %xor3A_898 : i32 to vector<16xi32>
        %xor3A_900 = arith.xori %iota3A, %xor3A_899 : vector<16xi32>
        %lt3A_901 = arith.constant 0 : i32
        %lt3A_902 = vector.broadcast %lt3A_901 : i32 to vector<16xi32>
        %lt3A_903 = arith.cmpi slt, %xor3A_900, %lt3A_902 : vector<16xi32>
        %add3A_904 = arith.constant 16 : i32
        %add3A_905 = vector.broadcast %add3A_904 : i32 to vector<16xi32>
        %add3A_906 = arith.addi %xor3A_900, %add3A_905 : vector<16xi32>
        %select_n3A_907 = arith.select %lt3A_903, %add3A_906, %xor3A_900 : vector<16xi1>, vector<16xi32>
        %broadcast_in_dim3A_908 = vector.shape_cast %select_n3A_907 : vector<16xi32> to vector<16x1xi32>
        %gather3A_909 = vector.shape_cast %broadcast_in_dim3A_908 : vector<16x1xi32> to vector<16xi32>
        %gather3A_910 = tpu.dynamic_gather %add3A_647[%gather3A_909] in [0] : vector<16xf32>, vector<16xi32> -> vector<16xf32>
        %select_n3A_911 = arith.select %eq3A_887, %gather3A_897, %gather3A_910 : vector<16xi1>, vector<16xf32>
        %add3A_912 = arith.addf %select_n3A, %select_n3A_911 : vector<16xf32>
        %and3A_913 = arith.constant 1 : i32
        %and3A_914 = vector.broadcast %and3A_913 : i32 to vector<16xi32>
        %and3A_915 = arith.andi %iota3A, %and3A_914 : vector<16xi32>
        %eq3A_916 = arith.constant 0 : i32
        %eq3A_917 = vector.broadcast %eq3A_916 : i32 to vector<16xi32>
        %eq3A_918 = arith.cmpi eq, %and3A_915, %eq3A_917 : vector<16xi32>
        %select_n3A_919 = arith.select %eq3A_918, %add3A_765, %add3A_883 : vector<16xi1>, vector<16xf32>
        %xor3A_920 = arith.constant 1 : i32
        %xor3A_921 = vector.broadcast %xor3A_920 : i32 to vector<16xi32>
        %xor3A_922 = arith.xori %iota3A, %xor3A_921 : vector<16xi32>
        %lt3A_923 = arith.constant 0 : i32
        %lt3A_924 = vector.broadcast %lt3A_923 : i32 to vector<16xi32>
        %lt3A_925 = arith.cmpi slt, %xor3A_922, %lt3A_924 : vector<16xi32>
        %add3A_926 = arith.constant 16 : i32
        %add3A_927 = vector.broadcast %add3A_926 : i32 to vector<16xi32>
        %add3A_928 = arith.addi %xor3A_922, %add3A_927 : vector<16xi32>
        %select_n3A_929 = arith.select %lt3A_925, %add3A_928, %xor3A_922 : vector<16xi1>, vector<16xi32>
        %broadcast_in_dim3A_930 = vector.shape_cast %select_n3A_929 : vector<16xi32> to vector<16x1xi32>
        %gather3A_931 = vector.shape_cast %broadcast_in_dim3A_930 : vector<16x1xi32> to vector<16xi32>
        %gather3A_932 = tpu.dynamic_gather %add3A_765[%gather3A_931] in [0] : vector<16xf32>, vector<16xi32> -> vector<16xf32>
        %xor3A_933 = arith.constant 1 : i32
        %xor3A_934 = vector.broadcast %xor3A_933 : i32 to vector<16xi32>
        %xor3A_935 = arith.xori %iota3A, %xor3A_934 : vector<16xi32>
        %lt3A_936 = arith.constant 0 : i32
        %lt3A_937 = vector.broadcast %lt3A_936 : i32 to vector<16xi32>
        %lt3A_938 = arith.cmpi slt, %xor3A_935, %lt3A_937 : vector<16xi32>
        %add3A_939 = arith.constant 16 : i32
        %add3A_940 = vector.broadcast %add3A_939 : i32 to vector<16xi32>
        %add3A_941 = arith.addi %xor3A_935, %add3A_940 : vector<16xi32>
        %select_n3A_942 = arith.select %lt3A_938, %add3A_941, %xor3A_935 : vector<16xi1>, vector<16xi32>
        %broadcast_in_dim3A_943 = vector.shape_cast %select_n3A_942 : vector<16xi32> to vector<16x1xi32>
        %gather3A_944 = vector.shape_cast %broadcast_in_dim3A_943 : vector<16x1xi32> to vector<16xi32>
        %gather3A_945 = tpu.dynamic_gather %add3A_883[%gather3A_944] in [0] : vector<16xf32>, vector<16xi32> -> vector<16xf32>
        %select_n3A_946 = arith.select %eq3A_918, %gather3A_932, %gather3A_945 : vector<16xi1>, vector<16xf32>
        %add3A_947 = arith.addf %select_n3A_919, %select_n3A_946 : vector<16xf32>
        %and3A_948 = arith.constant 2 : i32
        %and3A_949 = vector.broadcast %and3A_948 : i32 to vector<16xi32>
        %and3A_950 = arith.andi %iota3A, %and3A_949 : vector<16xi32>
        %eq3A_951 = arith.constant 0 : i32
        %eq3A_952 = vector.broadcast %eq3A_951 : i32 to vector<16xi32>
        %eq3A_953 = arith.cmpi eq, %and3A_950, %eq3A_952 : vector<16xi32>
        %select_n3A_954 = arith.select %eq3A_953, %add3A_912, %add3A_947 : vector<16xi1>, vector<16xf32>
        %xor3A_955 = arith.constant 2 : i32
        %xor3A_956 = vector.broadcast %xor3A_955 : i32 to vector<16xi32>
        %xor3A_957 = arith.xori %iota3A, %xor3A_956 : vector<16xi32>
        %lt3A_958 = arith.constant 0 : i32
        %lt3A_959 = vector.broadcast %lt3A_958 : i32 to vector<16xi32>
        %lt3A_960 = arith.cmpi slt, %xor3A_957, %lt3A_959 : vector<16xi32>
        %add3A_961 = arith.constant 16 : i32
        %add3A_962 = vector.broadcast %add3A_961 : i32 to vector<16xi32>
        %add3A_963 = arith.addi %xor3A_957, %add3A_962 : vector<16xi32>
        %select_n3A_964 = arith.select %lt3A_960, %add3A_963, %xor3A_957 : vector<16xi1>, vector<16xi32>
        %broadcast_in_dim3A_965 = vector.shape_cast %select_n3A_964 : vector<16xi32> to vector<16x1xi32>
        %gather3A_966 = vector.shape_cast %broadcast_in_dim3A_965 : vector<16x1xi32> to vector<16xi32>
        %gather3A_967 = tpu.dynamic_gather %add3A_912[%gather3A_966] in [0] : vector<16xf32>, vector<16xi32> -> vector<16xf32>
        %xor3A_968 = arith.constant 2 : i32
        %xor3A_969 = vector.broadcast %xor3A_968 : i32 to vector<16xi32>
        %xor3A_970 = arith.xori %iota3A, %xor3A_969 : vector<16xi32>
        %lt3A_971 = arith.constant 0 : i32
        %lt3A_972 = vector.broadcast %lt3A_971 : i32 to vector<16xi32>
        %lt3A_973 = arith.cmpi slt, %xor3A_970, %lt3A_972 : vector<16xi32>
        %add3A_974 = arith.constant 16 : i32
        %add3A_975 = vector.broadcast %add3A_974 : i32 to vector<16xi32>
        %add3A_976 = arith.addi %xor3A_970, %add3A_975 : vector<16xi32>
        %select_n3A_977 = arith.select %lt3A_973, %add3A_976, %xor3A_970 : vector<16xi1>, vector<16xi32>
        %broadcast_in_dim3A_978 = vector.shape_cast %select_n3A_977 : vector<16xi32> to vector<16x1xi32>
        %gather3A_979 = vector.shape_cast %broadcast_in_dim3A_978 : vector<16x1xi32> to vector<16xi32>
        %gather3A_980 = tpu.dynamic_gather %add3A_947[%gather3A_979] in [0] : vector<16xf32>, vector<16xi32> -> vector<16xf32>
        %select_n3A_981 = arith.select %eq3A_953, %gather3A_967, %gather3A_980 : vector<16xi1>, vector<16xf32>
        %add3A_982 = arith.addf %select_n3A_954, %select_n3A_981 : vector<16xf32>
        %xor3A_983 = arith.constant 4 : i32
        %xor3A_984 = vector.broadcast %xor3A_983 : i32 to vector<16xi32>
        %xor3A_985 = arith.xori %iota3A, %xor3A_984 : vector<16xi32>
        %lt3A_986 = arith.constant 0 : i32
        %lt3A_987 = vector.broadcast %lt3A_986 : i32 to vector<16xi32>
        %lt3A_988 = arith.cmpi slt, %xor3A_985, %lt3A_987 : vector<16xi32>
        %add3A_989 = arith.constant 16 : i32
        %add3A_990 = vector.broadcast %add3A_989 : i32 to vector<16xi32>
        %add3A_991 = arith.addi %xor3A_985, %add3A_990 : vector<16xi32>
        %select_n3A_992 = arith.select %lt3A_988, %add3A_991, %xor3A_985 : vector<16xi1>, vector<16xi32>
        %broadcast_in_dim3A_993 = vector.shape_cast %select_n3A_992 : vector<16xi32> to vector<16x1xi32>
        %gather3A_994 = vector.shape_cast %broadcast_in_dim3A_993 : vector<16x1xi32> to vector<16xi32>
        %gather3A_995 = tpu.dynamic_gather %add3A_982[%gather3A_994] in [0] : vector<16xf32>, vector<16xi32> -> vector<16xf32>
        %add3A_996 = arith.addf %add3A_982, %gather3A_995 : vector<16xf32>
        %xor3A_997 = arith.constant 8 : i32
        %xor3A_998 = vector.broadcast %xor3A_997 : i32 to vector<16xi32>
        %xor3A_999 = arith.xori %iota3A, %xor3A_998 : vector<16xi32>
        %lt3A_1000 = arith.constant 0 : i32
        %lt3A_1001 = vector.broadcast %lt3A_1000 : i32 to vector<16xi32>
        %lt3A_1002 = arith.cmpi slt, %xor3A_999, %lt3A_1001 : vector<16xi32>
        %add3A_1003 = arith.constant 16 : i32
        %add3A_1004 = vector.broadcast %add3A_1003 : i32 to vector<16xi32>
        %add3A_1005 = arith.addi %xor3A_999, %add3A_1004 : vector<16xi32>
        %select_n3A_1006 = arith.select %lt3A_1002, %add3A_1005, %xor3A_999 : vector<16xi1>, vector<16xi32>
        %broadcast_in_dim3A_1007 = vector.shape_cast %select_n3A_1006 : vector<16xi32> to vector<16x1xi32>
        %gather3A_1008 = vector.shape_cast %broadcast_in_dim3A_1007 : vector<16x1xi32> to vector<16xi32>
        %gather3A_1009 = tpu.dynamic_gather %add3A_996[%gather3A_1008] in [0] : vector<16xf32>, vector<16xi32> -> vector<16xf32>
        %add3A_1010 = arith.addf %add3A_996, %gather3A_1009 : vector<16xf32>
        %shift_right_arithmetic3A = arith.constant 2 : i32
        %shift_right_arithmetic3A_1011 = vector.broadcast %shift_right_arithmetic3A : i32 to vector<16xi32>
        %shift_right_arithmetic3A_1012 = arith.shrsi %iota3A, %shift_right_arithmetic3A_1011 : vector<16xi32>
        %eq3A_1013 = vector.broadcast %scan3A_411 : i32 to vector<16xi32>
        %eq3A_1014 = arith.cmpi eq, %shift_right_arithmetic3A_1012, %eq3A_1013 : vector<16xi32>
        %select_n3A_1015 = arith.select %eq3A_1014, %add3A_1010, %scan3A_412 : vector<16xi1>, vector<16xf32>
        scf.yield %select_n3A_1015 : vector<16xf32>
      }
      %scan3A_402 = arith.constant 4 : i32
      %mul3A_403 = arith.constant 16 : i32
      %mul3A_404 = arith.muli %scan3A_394, %mul3A_403 : i32
      %add3A_405 = arith.constant 384 : i32
      %add3A_406 = arith.addi %add3A_405, %mul3A_404 : i32
      %swap3A = arith.index_cast %add3A_406 : i32 to index
      %swap3A_407 = tpu.vector_load %arg11[%swap3A] {strides = array<i32>} : memref<512xf32, #tpu.memory_space<vmem>>, vector<16xf32>,
      %swap3A_408 = vector.shape_cast %swap3A_407 : vector<16xf32> to vector<16xf32>
      %swap3A_409 = vector.shape_cast %scan3A_401 : vector<16xf32> to vector<16xf32>
      tpu.vector_store %arg11[%swap3A], %swap3A_409 {strides = array<i32>} : memref<512xf32, #tpu.memory_space<vmem>>, vector<16xf32>,
      %scan3A_410 = arith.constant 0 : i32
      scf.yield %scan3A_410 : i32
    }
    %scan3A_359 = arith.constant 8 : i32
    %mul3A_360 = arith.constant 512 : i32
    %mul3A_361 = arith.muli %add3A, %mul3A_360 : i32
    %add3A_362 = arith.constant 384 : i32
    %add3A_363 = arith.addi %mul3A_361, %add3A_362 : i32
    %dma_start3A_364 = arith.constant 384 : i32
    %dma_start3A_365 = tpu.memref_slice %arg11[%dma_start3A_364] : memref<512xf32, #tpu.memory_space<vmem>> -> memref<128xf32, #tpu.memory_space<vmem>>
    %dma_start3A_366 = tpu.memref_slice %arg6[%add3A_363] : memref<16384xf32, #tpu.memory_space<hbm>> -> memref<128xf32, #tpu.memory_space<hbm>>
    %dma_start3A_367 = tpu.memref_slice %arg6[%add3A_363] : memref<16384xf32, #tpu.memory_space<hbm>> -> memref<128xf32, #tpu.memory_space<hbm>>
    %dma_start3A_368 = arith.constant 384 : i32
    %dma_start3A_369 = tpu.memref_slice %arg11[%dma_start3A_368] : memref<512xf32, #tpu.memory_space<vmem>> -> memref<128xf32, #tpu.memory_space<vmem>>
    tpu.enqueue_dma source(%dma_start3A_369 : memref<128xf32, #tpu.memory_space<vmem>>) target(%dma_start3A_367 : memref<128xf32, #tpu.memory_space<hbm>>) target_semaphore(%arg15 : memref<!tpu.dma_semaphore, #tpu.memory_space<semaphore_mem>>)
    %dma_wait3A_370 = arith.constant 0 : i32
    %dma_wait3A_371 = tpu.memref_slice %arg11[%dma_wait3A_370] : memref<512xf32, #tpu.memory_space<vmem>> -> memref<128xf32, #tpu.memory_space<vmem>>
    %dma_wait3A_372 = tpu.memref_slice %arg6[%add3A_216] : memref<16384xf32, #tpu.memory_space<hbm>> -> memref<128xf32, #tpu.memory_space<hbm>>
    %dma_wait3A_373 = tpu.memref_slice %arg6[%add3A_216] : memref<16384xf32, #tpu.memory_space<hbm>> -> memref<128xf32, #tpu.memory_space<hbm>>
    %dma_wait3A_374 = arith.constant 0 : i32
    %dma_wait3A_375 = tpu.memref_slice %arg11[%dma_wait3A_374] : memref<512xf32, #tpu.memory_space<vmem>> -> memref<128xf32, #tpu.memory_space<vmem>>
    tpu.wait_dma2 semaphore(%arg15 : memref<!tpu.dma_semaphore, #tpu.memory_space<semaphore_mem>>) src(%dma_wait3A_375 : memref<128xf32, #tpu.memory_space<vmem>>) dst(%dma_wait3A_373 : memref<128xf32, #tpu.memory_space<hbm>>)
    %dma_wait3A_376 = arith.constant 128 : i32
    %dma_wait3A_377 = tpu.memref_slice %arg11[%dma_wait3A_376] : memref<512xf32, #tpu.memory_space<vmem>> -> memref<128xf32, #tpu.memory_space<vmem>>
    %dma_wait3A_378 = tpu.memref_slice %arg6[%add3A_281] : memref<16384xf32, #tpu.memory_space<hbm>> -> memref<128xf32, #tpu.memory_space<hbm>>
    %dma_wait3A_379 = tpu.memref_slice %arg6[%add3A_281] : memref<16384xf32, #tpu.memory_space<hbm>> -> memref<128xf32, #tpu.memory_space<hbm>>
    %dma_wait3A_380 = arith.constant 128 : i32
    %dma_wait3A_381 = tpu.memref_slice %arg11[%dma_wait3A_380] : memref<512xf32, #tpu.memory_space<vmem>> -> memref<128xf32, #tpu.memory_space<vmem>>
    tpu.wait_dma2 semaphore(%arg15 : memref<!tpu.dma_semaphore, #tpu.memory_space<semaphore_mem>>) src(%dma_wait3A_381 : memref<128xf32, #tpu.memory_space<vmem>>) dst(%dma_wait3A_379 : memref<128xf32, #tpu.memory_space<hbm>>)
    %dma_wait3A_382 = arith.constant 256 : i32
    %dma_wait3A_383 = tpu.memref_slice %arg11[%dma_wait3A_382] : memref<512xf32, #tpu.memory_space<vmem>> -> memref<128xf32, #tpu.memory_space<vmem>>
    %dma_wait3A_384 = tpu.memref_slice %arg6[%add3A_322] : memref<16384xf32, #tpu.memory_space<hbm>> -> memref<128xf32, #tpu.memory_space<hbm>>
    %dma_wait3A_385 = tpu.memref_slice %arg6[%add3A_322] : memref<16384xf32, #tpu.memory_space<hbm>> -> memref<128xf32, #tpu.memory_space<hbm>>
    %dma_wait3A_386 = arith.constant 256 : i32
    %dma_wait3A_387 = tpu.memref_slice %arg11[%dma_wait3A_386] : memref<512xf32, #tpu.memory_space<vmem>> -> memref<128xf32, #tpu.memory_space<vmem>>
    tpu.wait_dma2 semaphore(%arg15 : memref<!tpu.dma_semaphore, #tpu.memory_space<semaphore_mem>>) src(%dma_wait3A_387 : memref<128xf32, #tpu.memory_space<vmem>>) dst(%dma_wait3A_385 : memref<128xf32, #tpu.memory_space<hbm>>)
    %dma_wait3A_388 = arith.constant 384 : i32
    %dma_wait3A_389 = tpu.memref_slice %arg11[%dma_wait3A_388] : memref<512xf32, #tpu.memory_space<vmem>> -> memref<128xf32, #tpu.memory_space<vmem>>
    %dma_wait3A_390 = tpu.memref_slice %arg6[%add3A_363] : memref<16384xf32, #tpu.memory_space<hbm>> -> memref<128xf32, #tpu.memory_space<hbm>>
    %dma_wait3A_391 = tpu.memref_slice %arg6[%add3A_363] : memref<16384xf32, #tpu.memory_space<hbm>> -> memref<128xf32, #tpu.memory_space<hbm>>
    %dma_wait3A_392 = arith.constant 384 : i32
    %dma_wait3A_393 = tpu.memref_slice %arg11[%dma_wait3A_392] : memref<512xf32, #tpu.memory_space<vmem>> -> memref<128xf32, #tpu.memory_space<vmem>>
    tpu.wait_dma2 semaphore(%arg15 : memref<!tpu.dma_semaphore, #tpu.memory_space<semaphore_mem>>) src(%dma_wait3A_393 : memref<128xf32, #tpu.memory_space<vmem>>) dst(%dma_wait3A_391 : memref<128xf32, #tpu.memory_space<hbm>>)
    return
  }
}

</mosaic_0001>

<sc_bundles>
// kernel: kernel.3.cloned.1.call-start
scs
__scs_entry_jumppad:
0x0: {  	(pc) =	sbr.rel $0x88, $3  }
0x1: {  	(tag) =	ssettag $0x0;
	lr =	simm.s32 $0x1  }
0x2: {  	[smem:$0x3F9D] =	sst lr;
	_ =	strace $0xD0000000  }
0x3: {  	_ = 	snop  }
0x4: {  	_ = 	snop  }
0x5: {  	_ = 	snop  }
0x6: {  	_ = 	snop  }
0x7: {  	_ = 	snop  }
__scs_overlays_trampoline_lowered:
0x8: {  	[smem:$0x3FAC] =	sst s0  }
0x9: {  	[smem:$0x3FAD] =	sst s1  }
0xa: {  	[smem:$0x3FAE] =	sst s2  }
0xb: {  	[smem:$0x3FAF] =	sst s3  }
0xc: {  	[smem:$0x3FB0] =	sst s4  }
0xd: {  	[smem:$0x3FB1] =	sst s5  }
0xe: {  	[smem:$0x3FB2] =	sst s6  }
0xf: {  	[smem:$0x3FB3] =	sst s7  }
0x10: {  	[smem:$0x3FB4] =	sst s8  }
0x11: {  	[smem:$0x3FB5] =	sst s9;
	s0 =	simm.s32 @!p0 $0x0  }
0x12: {  	s1 =	sld [smem:$0x3F9B];
	s0 =	simm.s32 @p0 $0x1  }
0x13: {  	[smem:$0x3FB6] =	sst s0;
	s0 =	simm.s32 @!p1 $0x0  }
0x14: {  	s2 =	sld [smem:$0x3F9A];
	s0 =	simm.s32 @p1 $0x1  }
0x15: {  	[smem:$0x3FB7] =	sst s0;
	s0 =	simm.s32 @!p2 $0x0  }
0x16: {  	s3 =	sld [smem:$0x3FDB];
	s0 =	simm.s32 @p2 $0x1  }
0x17: {  	s4 =	simm.s32 $0x1BF5;
	[smem:$0x3FB9] =	sst s0  }
0x18: {  	s0 =	sld [smem:$0x3F9C];
	_ =	swait.ge [sflag:s4], $0x0  }
0x19: {  	s7 =	sld [smem:$0x3F9D]  }
0x1a: {  	s8 =	sadd.s32 $0xFFFFE003, lr  }
0x1b: {  	s9 =	sadd.s32 $0xFFFFFEF7, lr;
	s5 =	simm.s32 $0xFFFFFFFF;
	p2 =	slt.u32 s8, $0xFFFFF086  }
0x1c: {  	p1 =	slt.u32 s9, $0xF7A;
	s5 =	simm.s32 @!p2 $0x0  }
0x1d: {  	s5 =	simm.s32 @p1 $0x1;
	p0 =	seq.s32 s7, s2  }
0x1e: {  	s7 =	smul.u32 @!p0 $0xF7A, s2;
	p2 =	seq.s32 @!p0 s5, $0x0  }
0x1f: {  	s9 =	smul.u32 $0xF7A, s1;
	s8 =	simm.s32 @!p0 $0x1BF5;
	p2 =	por !p2, p0  }
0x20: {  	[sflag:s8] =	ssyncset.s32 @!p0 $0xFFFFF086;
	s6 =	sadd.s32 @!p0 s3, s7;
	s7 =	simm.s32 @!p0 $0x108  }
0x21: {  	s3 =	sadd.s32 s3, s9;
	s6 =	sadd.s32 @!p0 $0x88, s6;
	s7 =	simm.s32 @p2 $0x1082  }
0x22: {  	[simem:s7], [sflag:s8] =	dma.local @!p0 [hbm:s6], $0xF7A  }
0x23: {  	s9 =	sor.u32 $0xD0000000, s2;
	s6 =	simm.s32 $0x108;
	_ =	swait.ge @!p0 [sflag:s8], $0x0  }
0x24: {  	s3 =	sadd.s32 $0x88, s3;
	s6 =	simm.s32 @!p1 $0x1082;
	[sflag:s4] =	ssyncset.s32 $0xFFFFF086  }
0x25: {  	[simem:s6], [sflag:s4] =	dma.local [hbm:s3], $0xF7A  }
0x26: {  	[smem:$0x3F9D] =	sst s1;
	(tag) =	ssettag s2;
	_ =	strace s9  }
0x27: {  	s1 =	sld [smem:$0x3FAD]  }
0x28: {  	s2 =	sld [smem:$0x3FAE]  }
0x29: {  	s4 =	sld [smem:$0x3FB0]  }
0x2a: {  	p0 =	seq.s32 s5, $0x0;
	s5 =	sld [smem:$0x3FB1]  }
0x2b: {  	s6 =	sld [smem:$0x3FB2]  }
0x2c: {  	s7 =	sld [smem:$0x3FB3]  }
0x2d: {  	s3 =	simm.s32 $0x108;
	s8 =	sld [smem:$0x3FB4]  }
0x2e: {  	s3 =	simm.s32 @!p0 $0x1082;
	s9 =	sld [smem:$0x3FB5]  }
0x2f: {  	lr =	sadd.s32 s0, s3;
	s0 =	sld [smem:$0x3FAC]  }
0x30: {  	s3 =	sld [smem:$0x3FAF]  }
0x31: {  	[smem:$0x3FB8] =	sst s10  }
0x32: {  	s10 =	sld [smem:$0x3FB6];
	_ =	sdelay $0x3  }
0x33: {  	p0 =	seq.s32 s10, $0x1;
	s10 =	sld [smem:$0x3FB8];
	_ =	sdelay $0x3  }
0x34: {  	[smem:$0x3FB8] =	sst s10  }
0x35: {  	s10 =	sld [smem:$0x3FB7];
	_ =	sdelay $0x3  }
0x36: {  	p1 =	seq.s32 s10, $0x1;
	s10 =	sld [smem:$0x3FB8];
	_ =	sdelay $0x3  }
0x37: {  	[smem:$0x3FB8] =	sst s10  }
0x38: {  	s10 =	sld [smem:$0x3FB9]  }
0x39: {  	_ = 	snop;
	(pc) =	sbr.ind lr, $3  }
0x3a: {  	_ = 	snop  }
0x3b: {  	_ = 	snop  }
0x3c: {  	p2 =	seq.s32 s10, $0x1;
	s10 =	sld [smem:$0x3FB8]  }
0x3d: {  	_ =	shalt  }
0x3e: {  	_ =	shalt  }
0x3f: {  	_ =	shalt  }
0x40: {  	_ =	shalt  }
0x41: {  	_ =	shalt  }
0x42: {  	_ =	shalt  }
0x43: {  	_ =	shalt  }
0x44: {  	_ =	shalt  }
0x45: {  	_ =	shalt  }
0x46: {  	_ =	shalt  }
0x47: {  	_ =	shalt  }
0x48: {  	_ =	shalt  }
0x49: {  	_ =	shalt  }
0x4a: {  	_ =	shalt  }
0x4b: {  	_ =	shalt  }
0x4c: {  	_ =	shalt  }
0x4d: {  	_ =	shalt  }
0x4e: {  	_ =	shalt  }
0x4f: {  	_ =	shalt  }
0x50: {  	_ =	shalt  }
0x51: {  	_ =	shalt  }
0x52: {  	_ =	shalt  }
0x53: {  	_ =	shalt  }
0x54: {  	_ =	shalt  }
0x55: {  	_ =	shalt  }
0x56: {  	_ =	shalt  }
0x57: {  	_ =	shalt  }
0x58: {  	_ =	shalt  }
0x59: {  	_ =	shalt  }
0x5a: {  	_ =	shalt  }
0x5b: {  	_ =	shalt  }
0x5c: {  	_ =	shalt  }
0x5d: {  	_ =	shalt  }
0x5e: {  	_ =	shalt  }
0x5f: {  	_ =	shalt  }
0x60: {  	_ =	shalt  }
0x61: {  	_ =	shalt  }
0x62: {  	_ =	shalt  }
0x63: {  	_ =	shalt  }
0x64: {  	_ =	shalt  }
0x65: {  	_ =	shalt  }
0x66: {  	_ =	shalt  }
0x67: {  	_ =	shalt  }
0x68: {  	_ =	shalt  }
0x69: {  	_ =	shalt  }
0x6a: {  	_ =	shalt  }
0x6b: {  	_ =	shalt  }
0x6c: {  	_ =	shalt  }
0x6d: {  	_ =	shalt  }
0x6e: {  	_ =	shalt  }
0x6f: {  	_ =	shalt  }
0x70: {  	_ =	shalt  }
0x71: {  	_ =	shalt  }
0x72: {  	_ =	shalt  }
0x73: {  	_ =	shalt  }
0x74: {  	_ =	shalt  }
0x75: {  	_ =	shalt  }
0x76: {  	_ =	shalt  }
0x77: {  	_ =	shalt  }
0x78: {  	_ =	shalt  }
0x79: {  	_ =	shalt  }
0x7a: {  	_ =	shalt  }
0x7b: {  	_ =	shalt  }
0x7c: {  	_ =	shalt  }
0x7d: {  	_ =	shalt  }
0x7e: {  	_ =	shalt  }
0x7f: {  	_ =	shalt  }
0x80: {  	_ =	shalt  }
0x81: {  	_ =	shalt  }
0x82: {  	_ =	shalt  }
0x83: {  	_ =	shalt  }
0x84: {  	_ =	shalt  }
0x85: {  	_ =	shalt  }
0x86: {  	_ =	shalt  }
0x87: {  	_ =	shalt  }
.Lfunc_end0:
.L_simem_size_0:
called_computation_lowered:
.L_overlay_start_0:
0x88: {  	s2 =	sld [smem:$0x3FD9]  }
0x89: {  	s3 =	sld [smem:$0x3FFE];
	_ =	sdelay $0x1  }
0x8a: {  	s1 =	srdreg.scid  }
0x8b: {  	s0 =	sand.u32 $0x1, s1  }
0x8c: {  	s18 =	sshll.u32 s0, $0xA;
	s2 =	sadd.s32 s3, s2  }
0x8d: {  	s2 =	sadd.s32 s2, s18  }
0x8e: {  	[smem:$0x3FC4] =	sst s2  }
0x8f: {  	_ = 	snop  }
0x90: {  	s2 =	sld [smem:$0x3FC9]  }
0x91: {  	s19 =	sld [smem:$0x3FC8]  }
0x92: {  	s4 =	sld [smem:$0x3FC7]  }
0x93: {  	s5 =	sld [smem:$0x3FC6]  }
0x94: {  	s6 =	sld [smem:$0x3FD0];
	(tm) =	ssettm $0x1  }
0x95: {  	s7 =	sld [smem:$0x3FFB];
	_ =	sdelay $0x3  }
0x96: {  	_ =	strace s7  }
0x97: {  	s7 =	sld [smem:$0x3FFC];
	_ =	sdelay $0x3  }
0x98: {  	_ =	strace s7  }
0x99: {  	s7 =	sld [smem:$0x3FFD];
	_ =	sdelay $0x3  }
0x9a: {  	_ =	strace s7  }
0x9b: {  	_ =	strace $0x8FFFFFFF  }
0x9c: {  	s20 =	sld [smem:$0x3FDB];
	_ =	sdelay $0x1  }
0x9d: {  	s8 =	simm.s32 $_scs_section_size  }
0x9e: {  	s9 =	simm.s32 $_size__tile_overlayer_lowered;
	s10 =	simm.s32 $_tile_overlayer_lowered  }
0x9f: {  	s23 =	simm.s32 $0x1BFF;
	s22 =	sshll.u32 s10, $0x1;
	s7 =	sadd.s32 s8, s20  }
0xa0: {  	s11 =	simm.s32 $0x0;
	s21 =	sshll.u32 s9, $0x1;
	s9 =	sadd.s32 s22, s7  }
0xa1: {  	[timem:s11], [sflag:s23] =	dma.local [hbm:s9], s21  }
0xa2: {  	_ =	swait.ge [sflag:s23], s21  }
0xa3: {  	s8 =	ssub.s32 $0x0, s21;
	[sflag:s23] =	ssyncset.done $0x0  }
0xa4: {  	[sflag:s23] =	ssyncadd.s32 s8;
	_ =	sdelay $0x1  }
0xa5: {  	s24 =	simm.s32 $0x1B8B  }
0xa6: {  	_ =	swait.ge [sflag:s24], $0x1  }
0xa7: {  	[sflag:s24] =	ssyncset.done $0x0  }
0xa8: {  	s25 =	simm.s32 $0x1B8E;
	[sflag:s24] =	ssyncadd.s32 $0xFFFFFFFF  }
0xa9: {  	s26 =	simm.s32 $execute0_lowered;
	[smem:$0x3FD2] =	sst s25  }
0xaa: {  	s8 =	sshll.u32 s26, $0x1;
	_ =	strace $0x80000046;
	[dreg:$0x1] =	wrdreg $0xFFFFFFFF  }
0xab: {  	s28 =	simm.s32 $_size_execute0_lowered;
	s7 =	sadd.s32 s7, s8;
	[dreg:$0x0] =	wrdreg $0x0  }
0xac: {  	s8 =	sshll.u32 s28, $0x1;
	[dreg:$0x2] =	wrdreg s7  }
0xad: {  	[dreg:$0x3] =	wrdreg s8  }
0xae: {  	[dreg:$0x4] =	wrdreg $0xC0  }
0xaf: {  	_ =	task [dreg:s11], $0x5FFFF  }
0xb0: {  	[dreg:$0x1] =	wrdreg $0xFFFFFFFF  }
0xb1: {  	[dreg:$0x0] =	wrdreg $0x60  }
0xb2: {  	[dreg:$0x2] =	wrdreg s2  }
0xb3: {  	[dreg:$0x3] =	wrdreg s19  }
0xb4: {  	[dreg:$0x4] =	wrdreg s4  }
0xb5: {  	[dreg:$0x5] =	wrdreg s5  }
0xb6: {  	[dreg:$0x6] =	wrdreg s6  }
0xb7: {  	[dreg:$0x7] =	wrdreg $0x9  }
0xb8: {  	_ =	task.clear_ibuf [dreg:s11], $0x8FFFF;
	_ =	strace $0x90000046  }
0xb9: {  	s29 =	simm.s32 $0x9;
	_ =	strace $0x80000048  }
0xba: {  	_ =	swait.ge [sflag:s29], $0x1  }
0xbb: {  	[sflag:s29] =	ssyncadd.s32 $0xFFFFFFFF  }
0xbc: {  	_ =	strace $0x90000048  }
0xbd: {  	_ =	sfence  }
0xbe: {  	s30 =	sld [smem:$0x0];
	_ =	sdelay $0x2  }
0xbf: {  	s31 =	sshll.u32 s1, $0xD;
	s1 =	sshrl.u32 s1, $0x2  }
0xc0: {  	s3 =	sand.u32 $0x4000, s31;
	s1 =	sadd.s32 s1, s30  }
0xc1: {  	s0 =	sor.u32 s3, s0;
	s1 =	sshll.u32 s1, $0x11  }
0xc2: {  	s0 =	sor.u32 s1, s0  }
0xc3: {  	s0 =	sadd.s32 $0x8F2B, s0  }
0xc4: {  	[sflag:s0] =	ssyncadd.remote.s32 $0x1  }
0xc5: {  	_ =	sfence.sel $0xFFFF  }
0xc6: {  	[dreg:$0x0] =	wrdreg $0xFFFFFFFF;
	(pc) =	sbr.abs _section_cstart, $3  }
0xc7: {  	[dreg:$0x1] =	wrdreg $0xFFFFFFFF  }
0xc8: {  	_ =	task.clear_ibuf [dreg:s11], $0x2FFFF;
	_ =	strace $0x9FFFFFFF  }
0xc9: {  	(tm) =	ssettm $0x7FFFFFFF  }
tec
execute0_lowered:
.L_overlay_start_1:
0x0: {  	(tag) =	ssettag $0x1  }
0x1: {  	vm0 =	vcmask $0xB08  }
0x2: {  	vm1 =	vcmask $0x300;
	v0 =	vimm.s32 $0xEFCDAB89;
	v1 =	vimm.s32 $0x67452301  }
0x3: {  	v2 =	vimm.s32 $0xDCFE98BA;
	v3 =	vimm.s32 $0x54761032;
	v4 =	vimm.s32 $0xBA98FEDC  }
0x4: {  	s1 =	rddreg [dreg:$0x0];
	v5 =	vimm.s32 $0x32107654;
	vm2 =	vcmask $0x700;
	vm0 =	vmor vm1, vm0  }
0x5: {  	s4 =	rddreg [dreg:$0x1];
	vm1 =	vcmask $0x1310;
	v0 =	vunpack.c.l.s4.s8 v0;
	v1 =	vunpack.c.l.s4.s8 v1  }
0x6: {  	s0 =	rddreg [dreg:$0x2];
	v2 =	vunpack.c.l.s4.s8 v2;
	vm0 =	vmor vm0, vm1;
	vm1 =	vcmask $0x1B18  }
0x7: {  	s2 =	rddreg [dreg:$0x3];
	v3 =	vunpack.c.l.s4.s8 v3;
	v4 =	vunpack.c.l.s4.s8 v4;
	vm0 =	vmor vm0, vm1  }
0x8: {  	s10 =	rddreg [dreg:$0x4];
	s3 =	simm.s32 $0x0;
	vm1 =	vcmask $0x2320;
	v0 =	vunpack.c.0.s8.s32 v0;
	v1 =	vunpack.c.0.s8.s32 v1  }
0x9: {  	s5 =	srdreg.scid;
	s7 =	stileid.u32;
	s14 =	simm.s32 $0x200;
	v5 =	vunpack.c.l.s4.s8 v5;
	vm0 =	vmor vm0, vm1;
	vm1 =	vcmask $0x2B28  }
0xa: {  	s15 =	simm.s32 $0x80;
	s16 =	simm.s32 $0x280;
	s17 =	simm.s32 $0x3;
	vm0 =	vmor vm0, vm1;
	vm1 =	vcmask $0x3330;
	v6 =	vcombine.low v1, v0  }
0xb: {  	s20 =	simm.s32 $0x4;
	s28 =	simm.s32 $0x1;
	s29 =	simm.s32 $0x2;
	v0 =	vunpack.c.0.s8.s32 v2;
	v1 =	vunpack.c.0.s8.s32 v3;
	v2 =	vunpack.c.0.s8.s32 v4  }
0xc: {  	s18 =	simm.s32 $0x18500;
	s19 =	simm.s32 $0x18580;
	s5 =	sand.u32 $0x1, s5;
	v3 =	vunpack.c.0.s8.s32 v5;
	v4 =	vimm.s32 $0xFEDCBA98;
	vm0 =	vmor vm0, vm1  }
0xd: {  	s21 =	simm.s32 $0x0;
	[smem:$0x7FF] =	sst s3;
	s6 =	ssub.s32 $0x2, s5;
	vm1 =	vcmask $0x3B38;
	v4 =	vunpack.c.l.s4.s8 v4;
	v5 =	vcombine.low v1, v0  }
0xe: {  	s7 =	sshll.u32 s7, $0x7;
	s5 =	sshll.u32 s5, $0x6;
	s8 =	sshrl.u32 s6, $0x1;
	v1 =	vimm.s32 $0x76543210;
	v0 =	vcombine.low v3, v2;
	vm0 =	vmor vm0, vm1  }
0xf: {  	_ =	strace $0x80000047;
	s9 =	sor.u32 s5, s7;
	s13 =	ssub.s32 s6, s8;
	vm1 =	vcmask $0x1710;
	v1 =	vunpack.c.l.s4.s8 v1;
	v2 =	vunpack.c.0.s8.s32 v4  }
0x10: {  	s5 =	sadd.s32 s1, s9;
	s11 =	sor.u32 $0x10, s9;
	s6 =	sadd.s32 s4, s9;
	vm1 =	vmor vm2, vm1;
	vm2 =	vcmask $0x2720;
	v4 =	vlaneseq.u32  }
0x11: {  	s8 =	sadd.s32 s10, s9;
	s7 =	sadd.s32 s1, s11;
	s9 =	sadd.s32 s4, s11;
	vm1 =	vmor vm1, vm2;
	vm2 =	vcmask $0x3730;
	v1 =	vunpack.c.0.s8.s32 v1  }
0x12: {  	s10 =	sadd.s32 s10, s11;
	s11 =	sadd.s32 $0x20, s8;
	s12 =	sadd.s32 $0x30, s8;
	v3 =	vand.u32 $0xF, v5;
	v4 =	vshrl.u32 v4, $0x2;
	v2 =	vand.u32 $0xF, v2  }
0x13: {  	s13 =	smax.u32 s13, $0x1;
	s1 =	simm.s32 $0x380;
	s4 =	simm.s32 $0x18480;
	vm1 =	vmor vm1, vm2;
	v1 =	vcombine.low v2, v1;
	v2 =	vand.u32 $0xF, v6  }
.LBB2_1:
0x14: {  	[tilespmem:s3], [sflag:$0x3] =	stream.linear.gather [hbm4b:s5+s3], $0x80, $0x38;
	[tilespmem:$0x18600] =	vst v63  }
0x15: {  	_ = 	snop  }
0x16: {  	[tilespmem:s14], [sflag:$0x3] =	stream.linear.gather [hbm4b:s6+s3], $0x80, $0x38;
	[tilespmem:$0x18600] =	vst v63  }
0x17: {  	_ = 	snop  }
0x18: {  	[tilespmem:s15], [sflag:$0x4] =	stream.linear.gather [hbm4b:s7+s3], $0x180, $0x38;
	[tilespmem:$0x18600] =	vst v63  }
0x19: {  	_ = 	snop  }
0x1a: {  	[tilespmem:s16], [sflag:$0x4] =	stream.linear.gather [hbm4b:s9+s3], $0x180, $0x38;
	[tilespmem:$0x18600] =	vst v63  }
0x1b: {  	_ =	swait.ge [sflag:s17], $0x80  }
0x1c: {  	[sflag:s17] =	ssyncset.done $0x0  }
0x1d: {  	[sflag:s17] =	ssyncadd.s32 $0xFFFFFF80  }
0x1e: {  	_ =	swait.ge [sflag:s17], $0x80  }
0x1f: {  	[sflag:s17] =	ssyncset.done $0x0  }
0x20: {  	s22 =	simm.s32 $0x400;
	[sflag:s17] =	ssyncadd.s32 $0xFFFFFF80  }
0x21: {  	[tilespmem:s22], [sflag:$0x1] =	stream.indirect.gather [hbm4b:s0+s15], $0x80, s3, s15, $0xb8;
	[tilespmem:$0x18600] =	vst v63  }
0x22: {  	s23 =	simm.s32 $0xC400  }
0x23: {  	[tilespmem:s23], [sflag:$0x2] =	stream.indirect.gather [hbm4b:s2+s15], $0x80, s14, s15, $0xb8;
	[tilespmem:$0x18600] =	vst v63  }
0x24: {  	_ =	swait.ge [sflag:s20], $0x180  }
0x25: {  	[sflag:s20] =	ssyncset.done $0x0  }
0x26: {  	[sflag:s20] =	ssyncadd.s32 $0xFFFFFE80  }
0x27: {  	_ =	swait.ge [sflag:s20], $0x180  }
0x28: {  	[sflag:s20] =	ssyncset.done $0x0  }
0x29: {  	s24 =	simm.s32 $0x4400;
	[sflag:s20] =	ssyncadd.s32 $0xFFFFFE80  }
0x2a: {  	[tilespmem:s24], [sflag:$0x1] =	stream.indirect.gather [hbm4b:s0+s15], $0x80, s15, s15, $0xb8;
	[tilespmem:$0x18600] =	vst v63  }
0x2b: {  	s25 =	simm.s32 $0x10400  }
0x2c: {  	[tilespmem:s25], [sflag:$0x2] =	stream.indirect.gather [hbm4b:s2+s15], $0x80, s16, s15, $0xb8;
	[tilespmem:$0x18600] =	vst v63  }
0x2d: {  	s26 =	simm.s32 $0x100;
	s23 =	simm.s32 $0x8400  }
0x2e: {  	[tilespmem:s23], [sflag:$0x1] =	stream.indirect.gather [hbm4b:s0+s15], $0x80, s26, s15, $0xb8;
	[tilespmem:$0x18600] =	vst v63  }
0x2f: {  	s30 =	simm.s32 $0x300;
	s31 =	simm.s32 $0x14400  }
0x30: {  	[tilespmem:s31], [sflag:$0x2] =	stream.indirect.gather [hbm4b:s2+s15], $0x80, s30, s15, $0xb8;
	[tilespmem:$0x18600] =	vst v63  }
0x31: {  	_ =	swait.ge [sflag:s28], $0x4000  }
0x32: {  	[sflag:s28] =	ssyncset.done $0x0  }
0x33: {  	[sflag:s28] =	ssyncadd.s32 $0xFFFFC000  }
0x34: {  	_ =	swait.ge [sflag:s29], $0x4000  }
0x35: {  	s22 =	simm.s32 $0x500;
	[sflag:s29] =	ssyncset.done $0x0  }
0x36: {  	s24 =	simm.s32 $0x0;
	s23 =	simm.s32 $0xC500;
	[sflag:s29] =	ssyncadd.s32 $0xFFFFC000  }
.LBB2_2:
0x37: {  	v7 =	vld [tilespmem:s22+$0xFFFFFF70]  }
0x38: {  	v14 =	vld [tilespmem:s23+$0xFFFFFF70]  }
0x39: {  	v15 =	vld [tilespmem:s22+$0xFFFFFFF0]  }
0x3a: {  	v16 =	vld [tilespmem:s23+$0xFFFFFFF0]  }
0x3b: {  	v5 =	vld [tilespmem:s22+$0x70]  }
0x3c: {  	v6 =	vld [tilespmem:s23+$0x70]  }
0x3d: {  	v17 =	vld [tilespmem:s22+$0xFFFFFF60]  }
0x3e: {  	v20 =	vld [tilespmem:s23+$0xFFFFFF60]  }
0x3f: {  	v21 =	vld [tilespmem:s22+$0xFFFFFFE0]  }
0x40: {  	v22 =	vld [tilespmem:s23+$0xFFFFFFE0]  }
0x41: {  	v8 =	vld [tilespmem:s22+$0x60]  }
0x42: {  	v9 =	vld [tilespmem:s23+$0x60]  }
0x43: {  	v23 =	vld [tilespmem:s22+$0xFFFFFF50]  }
0x44: {  	v30 =	vld [tilespmem:s23+$0xFFFFFF50]  }
0x45: {  	v31 =	vld [tilespmem:s22+$0xFFFFFFD0]  }
0x46: {  	v45 =	vld [tilespmem:s23+$0xFFFFFFD0]  }
0x47: {  	v10 =	vld [tilespmem:s22+$0x50]  }
0x48: {  	v11 =	vld [tilespmem:s23+$0x50]  }
0x49: {  	v46 =	vld [tilespmem:s22+$0xFFFFFF40]  }
0x4a: {  	v47 =	vld [tilespmem:s23+$0xFFFFFF40]  }
0x4b: {  	v48 =	vld [tilespmem:s22+$0xFFFFFFC0]  }
0x4c: {  	v49 =	vld [tilespmem:s23+$0xFFFFFFC0]  }
0x4d: {  	v12 =	vld [tilespmem:s22+$0x40]  }
0x4e: {  	v13 =	vld [tilespmem:s23+$0x40]  }
0x4f: {  	v50 =	vld [tilespmem:s22+$0xFFFFFF30]  }
0x50: {  	v51 =	vld [tilespmem:s23+$0xFFFFFF30]  }
0x51: {  	v52 =	vld [tilespmem:s22+$0xFFFFFFB0]  }
0x52: {  	v53 =	vld [tilespmem:s23+$0xFFFFFFB0]  }
0x53: {  	v18 =	vld [tilespmem:s22+$0x30]  }
0x54: {  	v19 =	vld [tilespmem:s23+$0x30]  }
0x55: {  	v26 =	vld [tilespmem:s22+$0xFFFFFF20]  }
0x56: {  	v27 =	vld [tilespmem:s23+$0xFFFFFF20]  }
0x57: {  	v28 =	vld [tilespmem:s22+$0xFFFFFFA0]  }
0x58: {  	v29 =	vld [tilespmem:s23+$0xFFFFFFA0]  }
0x59: {  	v24 =	vld [tilespmem:s22+$0x20]  }
0x5a: {  	v25 =	vld [tilespmem:s23+$0x20]  }
0x5b: {  	v32 =	vld [tilespmem:s22+$0xFFFFFF00]  }
0x5c: {  	v33 =	vld [tilespmem:s23+$0xFFFFFF00]  }
0x5d: {  	v34 =	vld [tilespmem:s22+$0xFFFFFF10]  }
0x5e: {  	v36 =	vld [tilespmem:s23+$0xFFFFFF10]  }
0x5f: {  	v35 =	vld [tilespmem:s22+$0xFFFFFF80]  }
0x60: {  	v37 =	vld [tilespmem:s23+$0xFFFFFF80]  }
0x61: {  	v38 =	vld [tilespmem:s22+$0xFFFFFF90]  }
0x62: {  	v40 =	vld [tilespmem:s23+$0xFFFFFF90]  }
0x63: {  	v39 =	vld [tilespmem:s22+$0x0]  }
0x64: {  	v41 =	vld [tilespmem:s23+$0x0]  }
0x65: {  	v42 =	vld [tilespmem:s22+$0x10]  }
0x66: {  	v43 =	vld [tilespmem:s23+$0x10];
	v14 =	vmul.f32 v14, v7;
	v15 =	vmul.f32 v16, v15  }
0x67: {  	v44 =	vld [tilespmem:s22+$0x80];
	v16 =	vmul.f32 v20, v17;
	v17 =	vmul.f32 v22, v21  }
0x68: {  	v20 =	vmul.f32 v30, v23;
	v21 =	vmul.f32 v45, v31;
	v45 =	vld [tilespmem:s23+$0x80]  }
0x69: {  	s25 =	simm.s32 $0x0;
	v22 =	vmul.f32 v47, v46;
	v23 =	vmul.f32 v49, v48;
	v46 =	vld [tilespmem:s22+$0x90]  }
0x6a: {  	s31 =	simm.s32 $0x1;
	s30 =	smov.u32 s22;
	s26 =	smov.u32 s23;
	v7 =	vimm.f32 $0.0e+00;
	v30 =	vmul.f32 v51, v50;
	v31 =	vmul.f32 v53, v52;
	v47 =	vld [tilespmem:s23+$0x90]  }
.LBB2_3:
0x6b: {  	p0 =	sne.s32 s31, $0x3;
	v26 =	vmul.f32 v27, v26;
	v27 =	vmul.f32 v29, v28;
	v28 =	vld [tilespmem:s30+$0xA0]  }
0x6c: {  	v29 =	vmul.f32 v33, v32;
	v32 =	vmul.f32 v36, v34;
	v33 =	vld [tilespmem:s26+$0xA0]  }
0x6d: {  	v34 =	vmul.f32 v37, v35;
	v35 =	vmul.f32 v40, v38;
	v36 =	vld [tilespmem:s30+$0xB0]  }
0x6e: {  	v37 =	vmul.f32 v41, v39;
	v38 =	vmul.f32 v43, v42;
	v39 =	vld [tilespmem:s26+$0xB0]  }
0x6f: {  	v40 =	vmul.f32 v45, v44;
	v41 =	vmul.f32 v47, v46;
	v42 =	vld [tilespmem:s30+$0xC0]  }
0x70: {  	v24 =	vmul.f32 v25, v24;
	v29 =	vadd.f32 v32, v29;
	v32 =	vadd.f32 v35, v34;
	v25 =	vld [tilespmem:s26+$0xC0]  }
0x71: {  	v34 =	vadd.f32 v38, v37;
	v35 =	vadd.f32 v41, v40;
	v28 =	vmul.f32 v33, v28;
	v33 =	vld [tilespmem:s30+$0xD0]  }
0x72: {  	v18 =	vmul.f32 v19, v18;
	v26 =	vadd.f32 v26, v29;
	v27 =	vadd.f32 v27, v32;
	v19 =	vld [tilespmem:s26+$0xD0]  }
0x73: {  	v24 =	vadd.f32 v24, v34;
	v28 =	vadd.f32 v28, v35;
	v29 =	vmul.f32 v39, v36;
	v32 =	vld [tilespmem:s30+$0xE0]  }
0x74: {  	v12 =	vmul.f32 v13, v12;
	v26 =	vadd.f32 v30, v26;
	v27 =	vadd.f32 v31, v27;
	v13 =	vld [tilespmem:s26+$0xE0]  }
0x75: {  	v18 =	vadd.f32 v18, v24;
	v24 =	vadd.f32 v29, v28;
	v25 =	vmul.f32 v25, v42;
	v28 =	vld [tilespmem:s30+$0xF0]  }
0x76: {  	v10 =	vmul.f32 v11, v10;
	v26 =	vadd.f32 v22, v26;
	v27 =	vadd.f32 v23, v27;
	s30 =	sadd.s32 $0x200, s30;
	v11 =	vld [tilespmem:s26+$0xF0]  }
0x77: {  	v12 =	vadd.f32 v12, v18;
	s26 =	sadd.s32 $0x200, s26;
	v22 =	vld [tilespmem:s30+$0xFFFFFF70];
	v18 =	vadd.f32 v25, v24;
	v19 =	vmul.f32 v19, v33  }
0x78: {  	v8 =	vmul.f32 v9, v8;
	v20 =	vadd.f32 v20, v26;
	v21 =	vadd.f32 v21, v27;
	v23 =	vld [tilespmem:s26+$0xFFFFFF70]  }
0x79: {  	v9 =	vadd.f32 v10, v12;
	v30 =	vld [tilespmem:s30+$0xFFFFFFF0];
	v10 =	vadd.f32 v19, v18;
	v12 =	vmul.f32 v13, v32  }
0x7a: {  	v13 =	vadd.f32 v16, v20;
	v16 =	vadd.f32 v17, v21;
	v17 =	vmul.f32 v6, v5;
	v31 =	vld [tilespmem:s26+$0xFFFFFFF0]  }
0x7b: {  	v8 =	vadd.f32 v8, v9;
	v5 =	vld [tilespmem:s30+$0x70];
	v9 =	vadd.f32 v12, v10;
	v10 =	vmul.f32 v11, v28  }
0x7c: {  	v11 =	vadd.f32 v14, v13;
	v12 =	vadd.f32 v15, v16;
	v6 =	vld [tilespmem:s26+$0x70]  }
0x7d: {  	v13 =	vadd.f32 v17, v8;
	v16 =	vld [tilespmem:s30+$0xFFFFFF60];
	v9 =	vadd.f32 v10, v9  }
0x7e: {  	v10 =	vperm.xlane v11, v2;
	v14 =	vperm.xlane v12, v2;
	v17 =	vld [tilespmem:s26+$0xFFFFFF60]  }
0x7f: {  	v15 =	vperm.xlane v13, v2;
	v20 =	vld [tilespmem:s30+$0xFFFFFFE0];
	v18 =	vperm.xlane v9, v2  }
0x80: {  	v11 =	vsel vm0, v11, v12;
	v21 =	vld [tilespmem:s26+$0xFFFFFFE0]  }
0x81: {  	v10 =	vsel vm0, v10, v14;
	v12 =	vsel vm0, v13, v9;
	v8 =	vld [tilespmem:s30+$0x60];
	v13 =	vsel vm0, v15, v18  }
0x82: {  	v10 =	vadd.f32 v10, v11;
	v9 =	vld [tilespmem:s26+$0x60];
	v11 =	vadd.f32 v13, v12  }
0x83: {  	v45 =	vld [tilespmem:s30+$0xFFFFFF50]  }
0x84: {  	v12 =	vperm.xlane v10, v3;
	v46 =	vld [tilespmem:s26+$0xFFFFFF50];
	v13 =	vperm.xlane v11, v3  }
0x85: {  	v47 =	vld [tilespmem:s30+$0xFFFFFFD0]  }
0x86: {  	v11 =	vsel vm1, v10, v11;
	v48 =	vld [tilespmem:s26+$0xFFFFFFD0];
	v12 =	vsel vm1, v12, v13  }
0x87: {  	v10 =	vld [tilespmem:s30+$0x50];
	v12 =	vadd.f32 v12, v11  }
0x88: {  	v11 =	vld [tilespmem:s26+$0x50]  }
0x89: {  	v49 =	vld [tilespmem:s30+$0xFFFFFF40];
	v13 =	vperm.xlane v12, v0  }
0x8a: {  	v50 =	vld [tilespmem:s26+$0xFFFFFF40]  }
0x8b: {  	v51 =	vld [tilespmem:s30+$0xFFFFFFC0];
	v14 =	vadd.f32 v12, v13  }
0x8c: {  	v52 =	vld [tilespmem:s26+$0xFFFFFFC0]  }
0x8d: {  	v12 =	vld [tilespmem:s30+$0x40];
	v15 =	vperm.xlane v14, v1  }
0x8e: {  	v13 =	vld [tilespmem:s26+$0x40]  }
0x8f: {  	v53 =	vld [tilespmem:s30+$0xFFFFFF30];
	v14 =	vadd.f32 v14, v15;
	v15 =	vmov s25;
	s25 =	smov.u32 s31  }
0x90: {  	v54 =	vld [tilespmem:s26+$0xFFFFFF30];
	vm2 =	veq.s32 v15, v4  }
0x91: {  	v55 =	vld [tilespmem:s30+$0xFFFFFFB0];
	v7 =	vsel vm2, v14, v7  }
0x92: {  	v56 =	vld [tilespmem:s26+$0xFFFFFFB0]  }
0x93: {  	v18 =	vld [tilespmem:s30+$0x30]  }
0x94: {  	v19 =	vld [tilespmem:s26+$0x30]  }
0x95: {  	v26 =	vld [tilespmem:s30+$0xFFFFFF20]  }
0x96: {  	v27 =	vld [tilespmem:s26+$0xFFFFFF20]  }
0x97: {  	v28 =	vld [tilespmem:s30+$0xFFFFFFA0]  }
0x98: {  	v29 =	vld [tilespmem:s26+$0xFFFFFFA0]  }
0x99: {  	v24 =	vld [tilespmem:s30+$0x20]  }
0x9a: {  	v25 =	vld [tilespmem:s26+$0x20]  }
0x9b: {  	v32 =	vld [tilespmem:s30+$0xFFFFFF00]  }
0x9c: {  	v33 =	vld [tilespmem:s26+$0xFFFFFF00]  }
0x9d: {  	v34 =	vld [tilespmem:s30+$0xFFFFFF10]  }
0x9e: {  	v36 =	vld [tilespmem:s26+$0xFFFFFF10]  }
0x9f: {  	v35 =	vld [tilespmem:s30+$0xFFFFFF80]  }
0xa0: {  	v37 =	vld [tilespmem:s26+$0xFFFFFF80]  }
0xa1: {  	v38 =	vld [tilespmem:s30+$0xFFFFFF90]  }
0xa2: {  	v40 =	vld [tilespmem:s26+$0xFFFFFF90]  }
0xa3: {  	v39 =	vld [tilespmem:s30+$0x0]  }
0xa4: {  	v41 =	vld [tilespmem:s26+$0x0]  }
0xa5: {  	v42 =	vld [tilespmem:s30+$0x10]  }
.Ltmp0:
0xa6: {  	v15 =	vmul.f32 v31, v30;
	v14 =	vmul.f32 v23, v22;
	v43 =	vld [tilespmem:s26+$0x10];
	(pc) =	sbr.rel @p0 .LBB2_3-.Ltmp0, $4  }
0xa7: {  	v16 =	vmul.f32 v17, v16;
	v17 =	vmul.f32 v21, v20;
	v44 =	vld [tilespmem:s30+$0x80]  }
0xa8: {  	v20 =	vmul.f32 v46, v45;
	v21 =	vmul.f32 v48, v47;
	v45 =	vld [tilespmem:s26+$0x80]  }
0xa9: {  	v22 =	vmul.f32 v50, v49;
	v23 =	vmul.f32 v52, v51;
	v46 =	vld [tilespmem:s30+$0x90]  }
0xaa: {  	s31 =	sadd.s32 $0x1, s31;
	v30 =	vmul.f32 v54, v53;
	v31 =	vmul.f32 v56, v55;
	v47 =	vld [tilespmem:s26+$0x90]  }
0xab: {  	v26 =	vmul.f32 v27, v26;
	v48 =	vmul.f32 v29, v28;
	v49 =	vld [tilespmem:s30+$0xA0]  }
0xac: {  	v50 =	vmul.f32 v33, v32;
	v51 =	vmul.f32 v36, v34;
	v52 =	vld [tilespmem:s26+$0xA0]  }
0xad: {  	v53 =	vmul.f32 v37, v35;
	v54 =	vmul.f32 v40, v38;
	v55 =	vld [tilespmem:s30+$0xB0]  }
0xae: {  	v56 =	vmul.f32 v41, v39;
	v57 =	vmul.f32 v43, v42;
	v58 =	vld [tilespmem:s26+$0xB0]  }
0xaf: {  	v61 =	vld [tilespmem:s30+$0xC0];
	v59 =	vmul.f32 v45, v44;
	v60 =	vmul.f32 v47, v46  }
0xb0: {  	v24 =	vmul.f32 v25, v24;
	v63 =	vld [tilespmem:s26+$0xC0];
	v29 =	vadd.f32 v51, v50;
	v62 =	vadd.f32 v54, v53  }
0xb1: {  	v40 =	vld [tilespmem:s30+$0xD0];
	v37 =	vadd.f32 v57, v56;
	v28 =	vmul.f32 v52, v49;
	v38 =	vadd.f32 v60, v59  }
0xb2: {  	v18 =	vmul.f32 v19, v18;
	v41 =	vld [tilespmem:s26+$0xD0];
	v26 =	vadd.f32 v26, v29;
	v27 =	vadd.f32 v48, v62  }
0xb3: {  	v44 =	vld [tilespmem:s30+$0xE0];
	v24 =	vadd.f32 v24, v37;
	v43 =	vmul.f32 v58, v55;
	v28 =	vadd.f32 v28, v38  }
0xb4: {  	v12 =	vmul.f32 v13, v12;
	v45 =	vld [tilespmem:s26+$0xE0];
	v26 =	vadd.f32 v30, v26;
	v27 =	vadd.f32 v31, v27  }
0xb5: {  	v47 =	vld [tilespmem:s30+$0xF0];
	v25 =	vmul.f32 v63, v61;
	v18 =	vadd.f32 v18, v24;
	v46 =	vadd.f32 v43, v28  }
0xb6: {  	v10 =	vmul.f32 v11, v10;
	v48 =	vld [tilespmem:s26+$0xF0];
	v22 =	vadd.f32 v22, v26;
	v23 =	vadd.f32 v23, v27  }
0xb7: {  	v19 =	vmul.f32 v41, v40;
	v12 =	vadd.f32 v12, v18;
	v49 =	vadd.f32 v25, v46  }
0xb8: {  	v8 =	vmul.f32 v9, v8;
	v20 =	vadd.f32 v20, v22;
	v21 =	vadd.f32 v21, v23  }
0xb9: {  	v52 =	vmul.f32 v45, v44;
	v50 =	vadd.f32 v10, v12;
	v51 =	vadd.f32 v19, v49  }
0xba: {  	v5 =	vmul.f32 v6, v5;
	v53 =	vadd.f32 v16, v20;
	v54 =	vadd.f32 v17, v21  }
0xbb: {  	v56 =	vmul.f32 v48, v47;
	v6 =	vadd.f32 v8, v50;
	v55 =	vadd.f32 v52, v51  }
0xbc: {  	v57 =	vadd.f32 v14, v53;
	v58 =	vadd.f32 v15, v54  }
0xbd: {  	v5 =	vadd.f32 v5, v6;
	v6 =	vadd.f32 v56, v55  }
0xbe: {  	v59 =	vperm.xlane v57, v2;
	v60 =	vperm.xlane v58, v2  }
0xbf: {  	v61 =	vperm.xlane v5, v2;
	v62 =	vperm.xlane v6, v2  }
0xc0: {  	v10 =	vsel vm0, v57, v58  }
0xc1: {  	v8 =	vsel vm0, v59, v60;
	v5 =	vsel vm0, v5, v6;
	v6 =	vsel vm0, v61, v62  }
0xc2: {  	v8 =	vadd.f32 v8, v10;
	v5 =	vadd.f32 v6, v5;
	_ =	sdelay $0x1  }
0xc3: {  	v6 =	vperm.xlane v8, v3;
	v63 =	vperm.xlane v5, v3;
	_ =	sdelay $0x1  }
0xc4: {  	v5 =	vsel vm1, v8, v5;
	v6 =	vsel vm1, v6, v63  }
0xc5: {  	v5 =	vadd.f32 v6, v5;
	_ =	sdelay $0x1  }
0xc6: {  	v6 =	vperm.xlane v5, v0;
	_ =	sdelay $0x1  }
0xc7: {  	v5 =	vadd.f32 v5, v6  }
0xc8: {  	s31 =	sshll.u32 s24, $0x4;
	s24 =	sadd.s32 $0x1, s24  }
0xc9: {  	p0 =	sne.s32 s24, $0x8;
	v6 =	vperm.xlane v5, v1  }
.Ltmp1:
0xca: {  	_ = 	snop;
	(pc) =	sbr.rel @p0 .LBB2_2-.Ltmp1, $4  }
0xcb: {  	v5 =	vadd.f32 v5, v6;
	v6 =	vmov s25  }
0xcc: {  	vm2 =	veq.s32 v6, v4  }
0xcd: {  	s25 =	sand.u32 $0x3FFFFFF0, s31;
	v5 =	vsel vm2, v5, v7  }
0xce: {  	s22 =	sadd.s32 $0x800, s22;
	s23 =	sadd.s32 $0x800, s23;
	[tilespmem:s25+$0x18400] =	vst v5  }
0xcf: {  	s22 =	simm.s32 $0x0;
	s23 =	simm.s32 $0x18400  }
0xd0: {  	[hbm4b:s8+s22] =	stream.linear.scatter [tilespmem:s23], [sflag:$0x4], $0x80, $0x38;
	[tilespmem:$0x18600] =	vst v63  }
0xd1: {  	s24 =	simm.s32 $0x180;
	s23 =	simm.s32 $0x400  }
0xd2: {  	[tilespmem:s23], [sflag:$0x1] =	stream.indirect.gather [hbm4b:s0+s15], $0x80, s24, s15, $0xb8;
	[tilespmem:$0x18600] =	vst v63  }
0xd3: {  	s24 =	simm.s32 $0xC400  }
0xd4: {  	[tilespmem:s24], [sflag:$0x2] =	stream.indirect.gather [hbm4b:s2+s15], $0x80, s1, s15, $0xb8;
	[tilespmem:$0x18600] =	vst v63  }
0xd5: {  	_ =	swait.ge [sflag:s28], $0x4000  }
0xd6: {  	[sflag:s28] =	ssyncset.done $0x0  }
0xd7: {  	[sflag:s28] =	ssyncadd.s32 $0xFFFFC000  }
0xd8: {  	_ =	swait.ge [sflag:s29], $0x4000  }
0xd9: {  	[sflag:s29] =	ssyncset.done $0x0  }
0xda: {  	s25 =	simm.s32 $0x0;
	[sflag:s29] =	ssyncadd.s32 $0xFFFFC000  }
.LBB2_6:
0xdb: {  	v6 =	vmov s23  }
0xdc: {  	v5 =	vmov s24;
	_ =	sdelay $0x2  }
0xdd: {  	s30 =	simm.s32 $0x0  }
0xde: {  	v20 =	vld.idx.msk [tilespmem:v6+s30+$0x4070 ss:$0x1], $0xffff  }
0xdf: {  	v10 =	vld.idx.msk [tilespmem:v5+s30+$0x4070 ss:$0x1], $0xffff  }
0xe0: {  	v12 =	vld.idx.msk [tilespmem:v6+s30+$0x40F0 ss:$0x1], $0xffff  }
0xe1: {  	v13 =	vld.idx.msk [tilespmem:v5+s30+$0x40F0 ss:$0x1], $0xffff  }
0xe2: {  	v7 =	vld.idx.msk [tilespmem:v6+s30+$0x4170 ss:$0x1], $0xffff  }
0xe3: {  	v9 =	vld.idx.msk [tilespmem:v6+s30+$0x4060 ss:$0x1], $0xffff  }
0xe4: {  	v11 =	vld.idx.msk [tilespmem:v5+s30+$0x4060 ss:$0x1], $0xffff  }
0xe5: {  	v17 =	vld.idx.msk [tilespmem:v6+s30+$0x40E0 ss:$0x1], $0xffff  }
0xe6: {  	v18 =	vld.idx.msk [tilespmem:v5+s30+$0x40E0 ss:$0x1], $0xffff  }
0xe7: {  	v19 =	vld.idx.msk [tilespmem:v6+s30+$0x4050 ss:$0x1], $0xffff  }
0xe8: {  	v21 =	vld.idx.msk [tilespmem:v5+s30+$0x4050 ss:$0x1], $0xffff  }
0xe9: {  	v22 =	vld.idx.msk [tilespmem:v6+s30+$0x40D0 ss:$0x1], $0xffff  }
0xea: {  	v23 =	vld.idx.msk [tilespmem:v5+s30+$0x40D0 ss:$0x1], $0xffff  }
0xeb: {  	v27 =	vld.idx.msk [tilespmem:v6+s30+$0x4040 ss:$0x1], $0xffff  }
0xec: {  	v28 =	vld.idx.msk [tilespmem:v5+s30+$0x4040 ss:$0x1], $0xffff  }
0xed: {  	v29 =	vld.idx.msk [tilespmem:v6+s30+$0x40C0 ss:$0x1], $0xffff  }
0xee: {  	v30 =	vld.idx.msk [tilespmem:v5+s30+$0x40C0 ss:$0x1], $0xffff  }
0xef: {  	v33 =	vld.idx.msk [tilespmem:v6+s30+$0x4030 ss:$0x1], $0xffff  }
0xf0: {  	v34 =	vld.idx.msk [tilespmem:v5+s30+$0x4030 ss:$0x1], $0xffff  }
0xf1: {  	v35 =	vld.idx.msk [tilespmem:v6+s30+$0x40B0 ss:$0x1], $0xffff  }
0xf2: {  	v36 =	vld.idx.msk [tilespmem:v5+s30+$0x40B0 ss:$0x1], $0xffff  }
0xf3: {  	v26 =	vld.idx.msk [tilespmem:v5+s30+$0x4130 ss:$0x1], $0xffff  }
0xf4: {  	v39 =	vld.idx.msk [tilespmem:v6+s30+$0x4020 ss:$0x1], $0xffff  }
0xf5: {  	v40 =	vld.idx.msk [tilespmem:v5+s30+$0x4020 ss:$0x1], $0xffff  }
0xf6: {  	v41 =	vld.idx.msk [tilespmem:v6+s30+$0x40A0 ss:$0x1], $0xffff  }
0xf7: {  	v42 =	vld.idx.msk [tilespmem:v5+s30+$0x40A0 ss:$0x1], $0xffff  }
0xf8: {  	v43 =	vld.idx.msk [tilespmem:v6+s30+$0x4120 ss:$0x1], $0xffff  }
0xf9: {  	v44 =	vld.idx.msk [tilespmem:v5+s30+$0x4120 ss:$0x1], $0xffff  }
0xfa: {  	v45 =	vld.idx.msk [tilespmem:v6+s30+$0x4000 ss:$0x1], $0xffff  }
0xfb: {  	v46 =	vld.idx.msk [tilespmem:v5+s30+$0x4000 ss:$0x1], $0xffff  }
0xfc: {  	v47 =	vld.idx.msk [tilespmem:v6+s30+$0x4010 ss:$0x1], $0xffff  }
0xfd: {  	v48 =	vld.idx.msk [tilespmem:v5+s30+$0x4010 ss:$0x1], $0xffff  }
0xfe: {  	v49 =	vld.idx.msk [tilespmem:v6+s30+$0x4080 ss:$0x1], $0xffff  }
0xff: {  	v50 =	vld.idx.msk [tilespmem:v5+s30+$0x4080 ss:$0x1], $0xffff  }
0x100: {  	v51 =	vld.idx.msk [tilespmem:v6+s30+$0x4090 ss:$0x1], $0xffff  }
0x101: {  	v52 =	vld.idx.msk [tilespmem:v5+s30+$0x4090 ss:$0x1], $0xffff  }
0x102: {  	v53 =	vld.idx.msk [tilespmem:v6+s30+$0x4100 ss:$0x1], $0xffff  }
0x103: {  	v54 =	vld.idx.msk [tilespmem:v5+s30+$0x4100 ss:$0x1], $0xffff  }
0x104: {  	v55 =	vld.idx.msk [tilespmem:v6+s30+$0x4110 ss:$0x1], $0xffff  }
0x105: {  	v56 =	vld.idx.msk [tilespmem:v5+s30+$0x4110 ss:$0x1], $0xffff  }
0x106: {  	[tilespmem:$0x1FF50] =	vst v7;
	v7 =	vld.idx.msk [tilespmem:v5+s30+$0x4170 ss:$0x1], $0xffff  }
0x107: {  	v57 =	vld.idx.msk [tilespmem:v6+s30+$0x4180 ss:$0x1], $0xffff  }
0x108: {  	v58 =	vld.idx.msk [tilespmem:v5+s30+$0x4180 ss:$0x1], $0xffff  }
0x109: {  	v59 =	vld.idx.msk [tilespmem:v6+s30+$0x4190 ss:$0x1], $0xffff  }
0x10a: {  	v60 =	vld.idx.msk [tilespmem:v5+s30+$0x4190 ss:$0x1], $0xffff  }
0x10b: {  	[tilespmem:$0x1FF60] =	vst v7;
	v7 =	vld.idx.msk [tilespmem:v6+s30+$0x4160 ss:$0x1], $0xffff  }
0x10c: {  	v61 =	vld.idx.msk [tilespmem:v6+s30+$0x41A0 ss:$0x1], $0xffff  }
0x10d: {  	v62 =	vld.idx.msk [tilespmem:v5+s30+$0x41A0 ss:$0x1], $0xffff  }
0x10e: {  	v63 =	vld.idx.msk [tilespmem:v6+s30+$0x41B0 ss:$0x1], $0xffff  }
0x10f: {  	v15 =	vld.idx.msk [tilespmem:v5+s30+$0x41B0 ss:$0x1], $0xffff  }
0x110: {  	[tilespmem:$0x1FF30] =	vst v7;
	v7 =	vld.idx.msk [tilespmem:v5+s30+$0x4160 ss:$0x1], $0xffff  }
0x111: {  	v16 =	vld.idx.msk [tilespmem:v6+s30+$0x41C0 ss:$0x1], $0xffff  }
0x112: {  	v14 =	vld.idx.msk [tilespmem:v5+s30+$0x41C0 ss:$0x1], $0xffff  }
0x113: {  	v25 =	vld.idx.msk [tilespmem:v6+s30+$0x41D0 ss:$0x1], $0xffff  }
0x114: {  	v24 =	vld.idx.msk [tilespmem:v5+s30+$0x41D0 ss:$0x1], $0xffff  }
0x115: {  	[tilespmem:$0x1FF40] =	vst v7;
	v7 =	vld.idx.msk [tilespmem:v6+s30+$0x4150 ss:$0x1], $0xffff  }
0x116: {  	v38 =	vld.idx.msk [tilespmem:v6+s30+$0x41E0 ss:$0x1], $0xffff  }
0x117: {  	s26 =	simm.s32 $0x200;
	v31 =	vld.idx.msk [tilespmem:v5+s30+$0x41E0 ss:$0x1], $0xffff  }
0x118: {  	v8 =	vld.idx.msk [tilespmem:v5+s26+$0x4170 ss:$0x1], $0xffff  }
0x119: {  	v37 =	vmul.f32 v10, v20;
	v10 =	vld.idx.msk [tilespmem:v6+s26+$0x4060 ss:$0x1], $0xffff  }
0x11a: {  	[tilespmem:$0x1FF10] =	vst v7;
	v7 =	vld.idx.msk [tilespmem:v5+s30+$0x4150 ss:$0x1], $0xffff  }
0x11b: {  	v20 =	vmul.f32 v11, v9;
	v9 =	vld.idx.msk [tilespmem:v5+s26+$0x4060 ss:$0x1], $0xffff  }
0x11c: {  	v27 =	vmul.f32 v28, v27;
	v28 =	vmul.f32 v30, v29;
	v30 =	vld.idx.msk [tilespmem:v5+s26+$0x40E0 ss:$0x1], $0xffff  }
0x11d: {  	v11 =	vmul.f32 v23, v22;
	v22 =	vmul.f32 v34, v33;
	v33 =	vld.idx.msk [tilespmem:v6+s26+$0x4050 ss:$0x1], $0xffff  }
0x11e: {  	v23 =	vmul.f32 v36, v35;
	v35 =	vld.idx.msk [tilespmem:v5+s26+$0x4050 ss:$0x1], $0xffff  }
0x11f: {  	v32 =	vmul.f32 v13, v12;
	[tilespmem:$0x1FF20] =	vst v7;
	v7 =	vld.idx.msk [tilespmem:v6+s30+$0x4140 ss:$0x1], $0xffff  }
0x120: {  	v13 =	vmul.f32 v48, v47;
	v47 =	vmul.f32 v54, v53;
	v53 =	vld.idx.msk [tilespmem:v6+s26+$0x40D0 ss:$0x1], $0xffff  }
0x121: {  	v17 =	vmul.f32 v18, v17;
	v54 =	vld.idx.msk [tilespmem:v5+s26+$0x40D0 ss:$0x1], $0xffff  }
0x122: {  	v18 =	vmul.f32 v21, v19;
	v19 =	vmul.f32 v40, v39;
	v39 =	vld.idx.msk [tilespmem:v6+s26+$0x40A0 ss:$0x1], $0xffff  }
0x123: {  	v40 =	vld.idx.msk [tilespmem:v5+s26+$0x40A0 ss:$0x1], $0xffff  }
0x124: {  	[tilespmem:$0x1FEF0] =	vst v7;
	v7 =	vld.idx.msk [tilespmem:v5+s30+$0x4140 ss:$0x1], $0xffff  }
0x125: {  	v21 =	vmul.f32 v42, v41;
	v12 =	vmul.f32 v46, v45;
	v41 =	vld.idx.msk [tilespmem:v6+s26+$0x4000 ss:$0x1], $0xffff  }
0x126: {  	v29 =	vmul.f32 v50, v49;
	v46 =	vmul.f32 v52, v51;
	v42 =	vld.idx.msk [tilespmem:v5+s26+$0x4000 ss:$0x1], $0xffff  }
0x127: {  	v52 =	vmul.f32 v44, v43;
	v43 =	vld.idx.msk [tilespmem:v6+s26+$0x4010 ss:$0x1], $0xffff  }
0x128: {  	v45 =	vld.idx.msk [tilespmem:v5+s26+$0x4010 ss:$0x1], $0xffff;
	v29 =	vadd.f32 v46, v29  }
0x129: {  	v51 =	vadd.f32 v13, v12;
	[tilespmem:$0x1FF00] =	vst v7;
	v7 =	vld.idx.msk [tilespmem:v6+s30+$0x4130 ss:$0x1], $0xffff  }
0x12a: {  	v44 =	vld.idx.msk [tilespmem:v6+s26+$0x4080 ss:$0x1], $0xffff;
	v29 =	vadd.f32 v21, v29  }
0x12b: {  	v49 =	vmul.f32 v58, v57;
	v12 =	vld.idx.msk [tilespmem:v6+s26+$0x4150 ss:$0x1], $0xffff;
	v57 =	vadd.f32 v19, v51  }
0x12c: {  	v13 =	vld.idx.msk [tilespmem:v5+s26+$0x4150 ss:$0x1], $0xffff;
	v29 =	vadd.f32 v23, v29  }
0x12d: {  	v50 =	vmul.f32 v60, v59;
	v46 =	vld.idx.msk [tilespmem:v5+s26+$0x4080 ss:$0x1], $0xffff;
	v59 =	vadd.f32 v22, v57  }
0x12e: {  	v28 =	vadd.f32 v28, v29;
	[tilespmem:$0x1FEE0] =	vst v7;
	v7 =	vld.idx.msk [tilespmem:v6+s30+$0x41F0 ss:$0x1], $0xffff  }
0x12f: {  	v48 =	vmul.f32 v56, v55;
	v27 =	vadd.f32 v27, v59;
	v19 =	vld [tilespmem:$0x1FEE0]  }
0x130: {  	v56 =	vmul.f32 v62, v61;
	v55 =	vadd.f32 v50, v49;
	v11 =	vadd.f32 v11, v28;
	v22 =	vld [tilespmem:$0x1FEF0]  }
0x131: {  	v36 =	vadd.f32 v48, v47;
	v18 =	vadd.f32 v18, v27;
	v23 =	vld [tilespmem:$0x1FF00]  }
0x132: {  	v15 =	vmul.f32 v15, v63;
	v58 =	vadd.f32 v56, v55;
	v11 =	vadd.f32 v17, v11;
	v17 =	vld [tilespmem:$0x1FF50]  }
0x133: {  	v16 =	vmul.f32 v14, v16;
	v34 =	vadd.f32 v52, v36;
	v18 =	vadd.f32 v20, v18;
	v20 =	vld [tilespmem:$0x1FF60]  }
0x134: {  	v15 =	vadd.f32 v15, v58;
	[tilespmem:$0x1FF70] =	vst v7;
	v7 =	vld.idx.msk [tilespmem:v5+s30+$0x41F0 ss:$0x1], $0xffff;
	v26 =	vmul.f32 v26, v19  }
0x135: {  	v24 =	vmul.f32 v24, v25;
	v14 =	vld [tilespmem:$0x1FF10]  }
0x136: {  	v16 =	vadd.f32 v16, v15;
	v29 =	vld [tilespmem:$0x1FF20];
	v60 =	vmul.f32 v23, v22;
	v26 =	vadd.f32 v26, v34  }
0x137: {  	v25 =	vld [tilespmem:$0x1FF30]  }
0x138: {  	v16 =	vadd.f32 v24, v16;
	v24 =	vmul.f32 v31, v38;
	v34 =	vadd.f32 v60, v26;
	v26 =	vld [tilespmem:$0x1FF40]  }
0x139: {  	v20 =	vmul.f32 v20, v17;
	v17 =	vld [tilespmem:$0x1FF70];
	[tilespmem:$0x1FF80] =	vst v7  }
0x13a: {  	v16 =	vadd.f32 v24, v16;
	v24 =	vld [tilespmem:$0x1FF80]  }
0x13b: {  	v47 =	vld.idx.msk [tilespmem:v6+s26+$0x4090 ss:$0x1], $0xffff;
	v29 =	vmul.f32 v29, v14  }
0x13c: {  	v49 =	vld.idx.msk [tilespmem:v5+s26+$0x4090 ss:$0x1], $0xffff  }
0x13d: {  	v48 =	vld.idx.msk [tilespmem:v6+s26+$0x4100 ss:$0x1], $0xffff;
	v28 =	vadd.f32 v29, v34;
	v25 =	vmul.f32 v26, v25  }
0x13e: {  	v50 =	vld.idx.msk [tilespmem:v5+s26+$0x4100 ss:$0x1], $0xffff  }
0x13f: {  	v21 =	vld.idx.msk [tilespmem:v5+s26+$0x4040 ss:$0x1], $0xffff;
	v24 =	vmul.f32 v24, v17;
	v25 =	vadd.f32 v25, v28  }
0x140: {  	v36 =	vld.idx.msk [tilespmem:v5+s26+$0x40B0 ss:$0x1], $0xffff;
	v18 =	vadd.f32 v37, v18;
	v11 =	vadd.f32 v32, v11  }
0x141: {  	v51 =	vld.idx.msk [tilespmem:v6+s26+$0x4110 ss:$0x1], $0xffff;
	v16 =	vadd.f32 v24, v16;
	v25 =	vadd.f32 v20, v25  }
0x142: {  	v7 =	vld.idx.msk [tilespmem:v6+s26+$0x4070 ss:$0x1], $0xffff;
	v28 =	vperm.xlane v11, v2;
	v24 =	vperm.xlane v18, v2  }
0x143: {  	v52 =	vld.idx.msk [tilespmem:v5+s26+$0x4110 ss:$0x1], $0xffff;
	[tilespmem:$0x1FFD0] =	vst v10;
	v61 =	vperm.xlane v16, v2;
	v29 =	vperm.xlane v25, v2  }
0x144: {  	[tilespmem:$0x1FFE0] =	vst v9;
	v9 =	vld.idx.msk [tilespmem:v6+s26+$0x40E0 ss:$0x1], $0xffff;
	v11 =	vsel vm0, v18, v11  }
0x145: {  	v10 =	vld.idx.msk [tilespmem:v5+s26+$0x4160 ss:$0x1], $0xffff;
	v18 =	vsel vm0, v24, v28;
	v16 =	vsel vm0, v25, v16;
	v24 =	vsel vm0, v29, v61  }
0x146: {  	v62 =	vld [tilespmem:$0x1FFE0];
	v11 =	vadd.f32 v18, v11;
	v16 =	vadd.f32 v24, v16  }
0x147: {  	[tilespmem:$0x1FF90] =	vst v7;
	v7 =	vld.idx.msk [tilespmem:v5+s26+$0x4070 ss:$0x1], $0xffff  }
0x148: {  	v15 =	vld.idx.msk [tilespmem:v5+s26+$0x4140 ss:$0x1], $0xffff;
	v18 =	vperm.xlane v11, v3;
	v24 =	vperm.xlane v16, v3  }
0x149: {  	[tilespmem:$0x1FFF0] =	vst v9;
	v9 =	vld.idx.msk [tilespmem:v6+s26+$0x4160 ss:$0x1], $0xffff  }
0x14a: {  	v27 =	vld.idx.msk [tilespmem:v5+s26+$0x4030 ss:$0x1], $0xffff;
	v11 =	vsel vm1, v11, v16;
	v16 =	vsel vm1, v18, v24  }
0x14b: {  	v31 =	vld.idx.msk [tilespmem:v6+s26+$0x40B0 ss:$0x1], $0xffff;
	v11 =	vadd.f32 v16, v11  }
0x14c: {  	[tilespmem:$0x1FFA0] =	vst v7;
	v7 =	vld.idx.msk [tilespmem:v6+s26+$0x40F0 ss:$0x1], $0xffff  }
0x14d: {  	v38 =	vld.idx.msk [tilespmem:v5+s26+$0x4020 ss:$0x1], $0xffff;
	v16 =	vperm.xlane v11, v0  }
0x14e: {  	v37 =	vld.idx.msk [tilespmem:v6+s26+$0x4020 ss:$0x1], $0xffff  }
0x14f: {  	v32 =	vmul.f32 v35, v33;
	v35 =	vld.idx.msk [tilespmem:v6+s26+$0x4190 ss:$0x1], $0xffff;
	v11 =	vadd.f32 v11, v16  }
0x150: {  	v14 =	vld.idx.msk [tilespmem:v6+s26+$0x4140 ss:$0x1], $0xffff  }
0x151: {  	[tilespmem:$0x1FFB0] =	vst v7;
	v7 =	vld.idx.msk [tilespmem:v5+s26+$0x40F0 ss:$0x1], $0xffff;
	v16 =	vperm.xlane v11, v1  }
0x152: {  	v18 =	vld [tilespmem:$0x1FFA0]  }
0x153: {  	v11 =	vadd.f32 v11, v16;
	v16 =	vld [tilespmem:$0x1FF90]  }
0x154: {  	v22 =	vld.idx.msk [tilespmem:v6+s26+$0x40C0 ss:$0x1], $0xffff  }
0x155: {  	v23 =	vld.idx.msk [tilespmem:v5+s26+$0x40C0 ss:$0x1], $0xffff  }
0x156: {  	v19 =	vld.idx.msk [tilespmem:v6+s26+$0x4040 ss:$0x1], $0xffff;
	[tilespmem:$0x1FFC0] =	vst v7  }
0x157: {  	v24 =	vld [tilespmem:$0x1FFC0]  }
0x158: {  	v16 =	vmul.f32 v18, v16;
	v18 =	vld [tilespmem:$0x1FFB0]  }
0x159: {  	v34 =	vld.idx.msk [tilespmem:v5+s26+$0x4120 ss:$0x1], $0xffff  }
0x15a: {  	v26 =	vld.idx.msk [tilespmem:v6+s26+$0x4030 ss:$0x1], $0xffff  }
0x15b: {  	v17 =	vld.idx.msk [tilespmem:v6+s26+$0x4130 ss:$0x1], $0xffff;
	v25 =	vmov s22  }
0x15c: {  	vm2 =	veq.s32 v25, v4;
	v25 =	vld [tilespmem:$0x1FFF0]  }
0x15d: {  	v18 =	vmul.f32 v24, v18;
	v24 =	vld [tilespmem:$0x1FFD0]  }
0x15e: {  	v20 =	vld.idx.msk [tilespmem:v5+s26+$0x4130 ss:$0x1], $0xffff  }
0x15f: {  	v28 =	vld.idx.msk [tilespmem:v6+s26+$0x4180 ss:$0x1], $0xffff  }
0x160: {  	v29 =	vld.idx.msk [tilespmem:v6+s26+$0x4120 ss:$0x1], $0xffff  }
0x161: {  	v63 =	vimm.f32 $0.0e+00;
	v25 =	vmul.f32 v30, v25;
	v30 =	vld.idx.msk [tilespmem:v5+s26+$0x4180 ss:$0x1], $0xffff  }
0x162: {  	s31 =	simm.s32 $0x1000;
	v33 =	vmul.f32 v54, v53;
	s30 =	simm.s32 $0x0;
	v7 =	vld.idx.msk [tilespmem:v6+s26+$0x4170 ss:$0x1], $0xffff;
	v11 =	vsel vm2, v11, v63;
	v24 =	vmul.f32 v62, v24  }
.LBB2_7:
0x163: {  	p0 =	sne.s32 s31, $0x1800;
	v19 =	vmul.f32 v21, v19;
	v21 =	vmul.f32 v23, v22;
	v22 =	vld.idx.msk [tilespmem:v5+s26+$0x4190 ss:$0x1], $0xffff  }
0x164: {  	v23 =	vmul.f32 v27, v26;
	v26 =	vmul.f32 v36, v31;
	v27 =	vld.idx.msk [tilespmem:v6+s26+$0x41A0 ss:$0x1], $0xffff  }
0x165: {  	v31 =	vmul.f32 v38, v37;
	v36 =	vmul.f32 v40, v39;
	v37 =	vld.idx.msk [tilespmem:v5+s26+$0x41A0 ss:$0x1], $0xffff  }
0x166: {  	v38 =	vmul.f32 v42, v41;
	v39 =	vmul.f32 v45, v43;
	v40 =	vld.idx.msk [tilespmem:v6+s26+$0x41B0 ss:$0x1], $0xffff  }
0x167: {  	v41 =	vmul.f32 v46, v44;
	v42 =	vmul.f32 v49, v47;
	v43 =	vld.idx.msk [tilespmem:v5+s26+$0x41B0 ss:$0x1], $0xffff  }
0x168: {  	v44 =	vmul.f32 v50, v48;
	v45 =	vmul.f32 v52, v51;
	v46 =	vld.idx.msk [tilespmem:v6+s26+$0x41C0 ss:$0x1], $0xffff  }
0x169: {  	v28 =	vmul.f32 v30, v28;
	v22 =	vmul.f32 v22, v35;
	v30 =	vld.idx.msk [tilespmem:v5+s26+$0x41C0 ss:$0x1], $0xffff  }
0x16a: {  	v29 =	vmul.f32 v34, v29;
	v35 =	vadd.f32 v39, v38;
	v38 =	vadd.f32 v42, v41;
	v34 =	vld.idx.msk [tilespmem:v6+s26+$0x41D0 ss:$0x1], $0xffff  }
0x16b: {  	v39 =	vadd.f32 v45, v44;
	v22 =	vadd.f32 v22, v28;
	v27 =	vmul.f32 v37, v27;
	v37 =	vld.idx.msk [tilespmem:v5+s26+$0x41D0 ss:$0x1], $0xffff  }
0x16c: {  	v17 =	vmul.f32 v20, v17;
	v28 =	vadd.f32 v31, v35;
	v31 =	vadd.f32 v36, v38;
	v20 =	vld.idx.msk [tilespmem:v6+s26+$0x41E0 ss:$0x1], $0xffff  }
0x16d: {  	v29 =	vadd.f32 v29, v39;
	v22 =	vadd.f32 v27, v22;
	v27 =	vmul.f32 v43, v40;
	v36 =	vld.idx.msk [tilespmem:v5+s26+$0x41E0 ss:$0x1], $0xffff  }
0x16e: {  	v14 =	vmul.f32 v15, v14;
	v23 =	vadd.f32 v23, v28;
	v26 =	vadd.f32 v26, v31;
	v15 =	vld.idx.msk [tilespmem:v6+s26+$0x41F0 ss:$0x1], $0xffff  }
0x16f: {  	v17 =	vadd.f32 v17, v29;
	v22 =	vadd.f32 v27, v22;
	v27 =	vmul.f32 v30, v46;
	v29 =	vld.idx.msk [tilespmem:v5+s26+$0x41F0 ss:$0x1], $0xffff;
	s26 =	sshra.s32 s31, $0x2  }
0x170: {  	v12 =	vmul.f32 v13, v12;
	v19 =	vadd.f32 v19, v23;
	v21 =	vadd.f32 v21, v26;
	v28 =	vld.idx.msk [tilespmem:v6+s26+$0x4070 ss:$0x1], $0xffff  }
0x171: {  	v13 =	vadd.f32 v14, v17;
	v14 =	vadd.f32 v27, v22;
	v17 =	vmul.f32 v37, v34;
	v30 =	vld.idx.msk [tilespmem:v5+s26+$0x4070 ss:$0x1], $0xffff  }
0x172: {  	v9 =	vmul.f32 v10, v9;
	v19 =	vadd.f32 v32, v19;
	v21 =	vadd.f32 v33, v21;
	v35 =	vld.idx.msk [tilespmem:v6+s26+$0x40F0 ss:$0x1], $0xffff  }
0x173: {  	v10 =	vadd.f32 v12, v13;
	v12 =	vadd.f32 v17, v14;
	v13 =	vmul.f32 v36, v20;
	v32 =	vld.idx.msk [tilespmem:v5+s26+$0x40F0 ss:$0x1], $0xffff  }
0x174: {  	v14 =	vadd.f32 v24, v19;
	v17 =	vadd.f32 v25, v21;
	v19 =	vmul.f32 v8, v7;
	v7 =	vld.idx.msk [tilespmem:v6+s26+$0x4170 ss:$0x1], $0xffff  }
0x175: {  	v9 =	vadd.f32 v9, v10;
	v10 =	vadd.f32 v13, v12;
	v12 =	vmul.f32 v29, v15;
	v8 =	vld.idx.msk [tilespmem:v5+s26+$0x4170 ss:$0x1], $0xffff  }
0x176: {  	v13 =	vadd.f32 v16, v14;
	v14 =	vadd.f32 v18, v17;
	v24 =	vld.idx.msk [tilespmem:v6+s26+$0x4060 ss:$0x1], $0xffff  }
0x177: {  	v15 =	vadd.f32 v19, v9;
	v12 =	vadd.f32 v12, v10;
	v25 =	vld.idx.msk [tilespmem:v5+s26+$0x4060 ss:$0x1], $0xffff  }
0x178: {  	v16 =	vperm.xlane v13, v2;
	v17 =	vperm.xlane v14, v2;
	v33 =	vld.idx.msk [tilespmem:v6+s26+$0x40E0 ss:$0x1], $0xffff  }
0x179: {  	v18 =	vperm.xlane v15, v2;
	v19 =	vperm.xlane v12, v2;
	v53 =	vld.idx.msk [tilespmem:v5+s26+$0x40E0 ss:$0x1], $0xffff  }
0x17a: {  	v13 =	vsel vm0, v13, v14;
	v9 =	vld.idx.msk [tilespmem:v6+s26+$0x4160 ss:$0x1], $0xffff  }
0x17b: {  	v14 =	vsel vm0, v16, v17;
	v12 =	vsel vm0, v15, v12;
	v15 =	vsel vm0, v18, v19;
	v10 =	vld.idx.msk [tilespmem:v5+s26+$0x4160 ss:$0x1], $0xffff  }
0x17c: {  	v13 =	vadd.f32 v14, v13;
	v14 =	vadd.f32 v15, v12;
	v54 =	vld.idx.msk [tilespmem:v6+s26+$0x4050 ss:$0x1], $0xffff  }
0x17d: {  	v55 =	vld.idx.msk [tilespmem:v5+s26+$0x4050 ss:$0x1], $0xffff  }
0x17e: {  	v15 =	vperm.xlane v13, v3;
	v16 =	vperm.xlane v14, v3;
	v56 =	vld.idx.msk [tilespmem:v6+s26+$0x40D0 ss:$0x1], $0xffff  }
0x17f: {  	v57 =	vld.idx.msk [tilespmem:v5+s26+$0x40D0 ss:$0x1], $0xffff  }
0x180: {  	v14 =	vsel vm1, v13, v14;
	v15 =	vsel vm1, v15, v16;
	v12 =	vld.idx.msk [tilespmem:v6+s26+$0x4150 ss:$0x1], $0xffff  }
0x181: {  	v14 =	vadd.f32 v15, v14;
	v13 =	vld.idx.msk [tilespmem:v5+s26+$0x4150 ss:$0x1], $0xffff  }
0x182: {  	v19 =	vld.idx.msk [tilespmem:v6+s26+$0x4040 ss:$0x1], $0xffff  }
0x183: {  	v15 =	vperm.xlane v14, v0;
	v21 =	vld.idx.msk [tilespmem:v5+s26+$0x4040 ss:$0x1], $0xffff  }
0x184: {  	v22 =	vld.idx.msk [tilespmem:v6+s26+$0x40C0 ss:$0x1], $0xffff  }
0x185: {  	v16 =	vadd.f32 v14, v15;
	v23 =	vld.idx.msk [tilespmem:v5+s26+$0x40C0 ss:$0x1], $0xffff  }
0x186: {  	v14 =	vld.idx.msk [tilespmem:v6+s26+$0x4140 ss:$0x1], $0xffff  }
0x187: {  	v17 =	vperm.xlane v16, v1;
	v15 =	vld.idx.msk [tilespmem:v5+s26+$0x4140 ss:$0x1], $0xffff  }
0x188: {  	s30 =	sadd.s32 $0x1, s30;
	v26 =	vld.idx.msk [tilespmem:v6+s26+$0x4030 ss:$0x1], $0xffff  }
0x189: {  	v16 =	vadd.f32 v16, v17;
	v17 =	vmov s30;
	v27 =	vld.idx.msk [tilespmem:v5+s26+$0x4030 ss:$0x1], $0xffff  }
0x18a: {  	vm2 =	veq.s32 v17, v4;
	v31 =	vld.idx.msk [tilespmem:v6+s26+$0x40B0 ss:$0x1], $0xffff  }
0x18b: {  	v11 =	vsel vm2, v16, v11;
	v36 =	vld.idx.msk [tilespmem:v5+s26+$0x40B0 ss:$0x1], $0xffff  }
0x18c: {  	v17 =	vld.idx.msk [tilespmem:v6+s26+$0x4130 ss:$0x1], $0xffff  }
0x18d: {  	v20 =	vld.idx.msk [tilespmem:v5+s26+$0x4130 ss:$0x1], $0xffff  }
0x18e: {  	v37 =	vld.idx.msk [tilespmem:v6+s26+$0x4020 ss:$0x1], $0xffff  }
0x18f: {  	v38 =	vld.idx.msk [tilespmem:v5+s26+$0x4020 ss:$0x1], $0xffff  }
0x190: {  	v39 =	vld.idx.msk [tilespmem:v6+s26+$0x40A0 ss:$0x1], $0xffff  }
0x191: {  	v40 =	vld.idx.msk [tilespmem:v5+s26+$0x40A0 ss:$0x1], $0xffff  }
0x192: {  	v29 =	vld.idx.msk [tilespmem:v6+s26+$0x4120 ss:$0x1], $0xffff  }
0x193: {  	v34 =	vld.idx.msk [tilespmem:v5+s26+$0x4120 ss:$0x1], $0xffff  }
0x194: {  	v41 =	vld.idx.msk [tilespmem:v6+s26+$0x4000 ss:$0x1], $0xffff  }
0x195: {  	v42 =	vld.idx.msk [tilespmem:v5+s26+$0x4000 ss:$0x1], $0xffff  }
0x196: {  	v43 =	vld.idx.msk [tilespmem:v6+s26+$0x4010 ss:$0x1], $0xffff  }
0x197: {  	v45 =	vld.idx.msk [tilespmem:v5+s26+$0x4010 ss:$0x1], $0xffff  }
0x198: {  	v44 =	vld.idx.msk [tilespmem:v6+s26+$0x4080 ss:$0x1], $0xffff  }
0x199: {  	v46 =	vld.idx.msk [tilespmem:v5+s26+$0x4080 ss:$0x1], $0xffff  }
0x19a: {  	v47 =	vld.idx.msk [tilespmem:v6+s26+$0x4090 ss:$0x1], $0xffff  }
0x19b: {  	v49 =	vld.idx.msk [tilespmem:v5+s26+$0x4090 ss:$0x1], $0xffff  }
0x19c: {  	v48 =	vld.idx.msk [tilespmem:v6+s26+$0x4100 ss:$0x1], $0xffff  }
0x19d: {  	v50 =	vld.idx.msk [tilespmem:v5+s26+$0x4100 ss:$0x1], $0xffff  }
.Ltmp2:
0x19e: {  	v51 =	vld.idx.msk [tilespmem:v6+s26+$0x4110 ss:$0x1], $0xffff;
	(pc) =	sbr.rel @p0 .LBB2_7-.Ltmp2, $4  }
0x19f: {  	v52 =	vld.idx.msk [tilespmem:v5+s26+$0x4110 ss:$0x1], $0xffff  }
0x1a0: {  	v18 =	vmul.f32 v32, v35;
	v16 =	vmul.f32 v30, v28;
	v28 =	vld.idx.msk [tilespmem:v6+s26+$0x4180 ss:$0x1], $0xffff  }
0x1a1: {  	v24 =	vmul.f32 v25, v24;
	v25 =	vmul.f32 v53, v33;
	v30 =	vld.idx.msk [tilespmem:v5+s26+$0x4180 ss:$0x1], $0xffff  }
0x1a2: {  	s31 =	sadd.s32 $0x800, s31;
	v32 =	vmul.f32 v55, v54;
	v33 =	vmul.f32 v57, v56;
	v35 =	vld.idx.msk [tilespmem:v6+s26+$0x4190 ss:$0x1], $0xffff  }
0x1a3: {  	_ =	sdelay $0x2  }
0x1a4: {  	v19 =	vmul.f32 v21, v19;
	v21 =	vmul.f32 v23, v22  }
0x1a5: {  	v59 =	vld.idx.msk [tilespmem:v5+s26+$0x4190 ss:$0x1], $0xffff;
	v23 =	vmul.f32 v27, v26;
	v26 =	vmul.f32 v36, v31  }
0x1a6: {  	v27 =	vld.idx.msk [tilespmem:v6+s26+$0x41A0 ss:$0x1], $0xffff;
	v31 =	vmul.f32 v38, v37;
	v36 =	vmul.f32 v40, v39  }
0x1a7: {  	v37 =	vld.idx.msk [tilespmem:v5+s26+$0x41A0 ss:$0x1], $0xffff;
	v60 =	vmul.f32 v42, v41;
	v61 =	vmul.f32 v45, v43  }
0x1a8: {  	v40 =	vld.idx.msk [tilespmem:v6+s26+$0x41B0 ss:$0x1], $0xffff;
	v62 =	vmul.f32 v46, v44;
	v63 =	vmul.f32 v49, v47  }
0x1a9: {  	v49 =	vld.idx.msk [tilespmem:v5+s26+$0x41B0 ss:$0x1], $0xffff;
	v53 =	vmul.f32 v50, v48;
	v54 =	vmul.f32 v52, v51  }
0x1aa: {  	v55 =	vld.idx.msk [tilespmem:v6+s26+$0x41C0 ss:$0x1], $0xffff;
	v28 =	vmul.f32 v30, v28;
	v22 =	vmul.f32 v59, v35  }
0x1ab: {  	v56 =	vld.idx.msk [tilespmem:v5+s26+$0x41C0 ss:$0x1], $0xffff;
	v29 =	vmul.f32 v34, v29;
	v57 =	vadd.f32 v61, v60;
	v58 =	vadd.f32 v63, v62  }
0x1ac: {  	v61 =	vld.idx.msk [tilespmem:v5+s26+$0x41D0 ss:$0x1], $0xffff;
	v60 =	vadd.f32 v54, v53;
	v27 =	vmul.f32 v37, v27;
	v22 =	vadd.f32 v22, v28  }
0x1ad: {  	v17 =	vmul.f32 v20, v17;
	v31 =	vadd.f32 v31, v57;
	v62 =	vadd.f32 v36, v58;
	v59 =	vld.idx.msk [tilespmem:v6+s26+$0x41D0 ss:$0x1], $0xffff  }
0x1ae: {  	v42 =	vld.idx.msk [tilespmem:v5+s26+$0x41E0 ss:$0x1], $0xffff;
	v29 =	vadd.f32 v29, v60;
	v41 =	vmul.f32 v49, v40;
	v22 =	vadd.f32 v27, v22  }
0x1af: {  	v14 =	vmul.f32 v15, v14;
	v63 =	vld.idx.msk [tilespmem:v6+s26+$0x41E0 ss:$0x1], $0xffff;
	v23 =	vadd.f32 v23, v31;
	v26 =	vadd.f32 v26, v62  }
0x1b0: {  	v5 =	vld.idx.msk [tilespmem:v5+s26+$0x41F0 ss:$0x1], $0xffff;
	v45 =	vmul.f32 v56, v55;
	v43 =	vadd.f32 v17, v29;
	v44 =	vadd.f32 v41, v22  }
0x1b1: {  	v12 =	vmul.f32 v13, v12;
	v6 =	vld.idx.msk [tilespmem:v6+s26+$0x41F0 ss:$0x1], $0xffff;
	v19 =	vadd.f32 v19, v23;
	v21 =	vadd.f32 v21, v26  }
0x1b2: {  	v46 =	vadd.f32 v14, v43;
	v48 =	vmul.f32 v61, v59;
	v47 =	vadd.f32 v45, v44  }
0x1b3: {  	v9 =	vmul.f32 v10, v9;
	v49 =	vadd.f32 v32, v19;
	v50 =	vadd.f32 v33, v21  }
0x1b4: {  	v53 =	vmul.f32 v42, v63;
	v51 =	vadd.f32 v12, v46;
	v52 =	vadd.f32 v48, v47  }
0x1b5: {  	v7 =	vmul.f32 v8, v7;
	v54 =	vadd.f32 v24, v49;
	v55 =	vadd.f32 v25, v50  }
0x1b6: {  	v5 =	vmul.f32 v5, v6;
	v56 =	vadd.f32 v9, v51;
	v57 =	vadd.f32 v53, v52  }
0x1b7: {  	v6 =	vadd.f32 v16, v54;
	v58 =	vadd.f32 v18, v55  }
0x1b8: {  	v7 =	vadd.f32 v7, v56;
	v5 =	vadd.f32 v5, v57  }
0x1b9: {  	v59 =	vperm.xlane v6, v2;
	v60 =	vperm.xlane v58, v2  }
0x1ba: {  	v61 =	vperm.xlane v7, v2;
	v62 =	vperm.xlane v5, v2  }
0x1bb: {  	v6 =	vsel vm0, v6, v58  }
0x1bc: {  	v8 =	vsel vm0, v59, v60;
	v5 =	vsel vm0, v7, v5;
	v7 =	vsel vm0, v61, v62  }
0x1bd: {  	v6 =	vadd.f32 v8, v6;
	v5 =	vadd.f32 v7, v5;
	_ =	sdelay $0x1  }
0x1be: {  	v7 =	vperm.xlane v6, v3;
	v63 =	vperm.xlane v5, v3;
	_ =	sdelay $0x1  }
0x1bf: {  	v5 =	vsel vm1, v6, v5;
	v6 =	vsel vm1, v7, v63  }
0x1c0: {  	v5 =	vadd.f32 v6, v5;
	_ =	sdelay $0x1  }
0x1c1: {  	v6 =	vperm.xlane v5, v0;
	_ =	sdelay $0x1  }
0x1c2: {  	v5 =	vadd.f32 v5, v6  }
0x1c3: {  	s31 =	sshll.u32 s25, $0x4;
	s25 =	sadd.s32 $0x1, s25  }
0x1c4: {  	p0 =	sne.s32 s25, $0x8;
	v6 =	vperm.xlane v5, v1  }
.Ltmp3:
0x1c5: {  	s30 =	sadd.s32 $0x1, s30;
	(pc) =	sbr.rel @p0 .LBB2_6-.Ltmp3, $4  }
0x1c6: {  	v5 =	vadd.f32 v5, v6;
	v6 =	vmov s30  }
0x1c7: {  	vm2 =	veq.s32 v6, v4  }
0x1c8: {  	s26 =	sand.u32 $0x3FFFFFF0, s31;
	v5 =	vsel vm2, v5, v11  }
0x1c9: {  	s24 =	sadd.s32 $0x800, s24;
	s23 =	sadd.s32 $0x800, s23;
	[tilespmem:s26+$0x18480] =	vst v5  }
0x1ca: {  	s22 =	simm.s32 $0x0  }
0x1cb: {  	[hbm4b:s10+s22] =	stream.linear.scatter [tilespmem:s4], [sflag:$0x4], $0x80, $0x38;
	[tilespmem:$0x18600] =	vst v63  }
0x1cc: {  	_ =	swait.ge [sflag:s28], $0x4000  }
0x1cd: {  	[sflag:s28] =	ssyncset.done $0x0  }
0x1ce: {  	[sflag:s28] =	ssyncadd.s32 $0xFFFFC000  }
0x1cf: {  	_ =	swait.ge [sflag:s29], $0x4000  }
0x1d0: {  	s23 =	simm.s32 $0xC400;
	[sflag:s29] =	ssyncset.done $0x0  }
0x1d1: {  	s24 =	simm.s32 $0x400;
	s25 =	simm.s32 $0x0;
	[sflag:s29] =	ssyncadd.s32 $0xFFFFC000  }
.LBB2_10:
0x1d2: {  	v6 =	vmov s24  }
0x1d3: {  	v5 =	vmov s23;
	_ =	sdelay $0x2  }
0x1d4: {  	s30 =	simm.s32 $0x0  }
0x1d5: {  	v20 =	vld.idx.msk [tilespmem:v6+s30+$0x8070 ss:$0x1], $0xffff  }
0x1d6: {  	v10 =	vld.idx.msk [tilespmem:v5+s30+$0x8070 ss:$0x1], $0xffff  }
0x1d7: {  	v12 =	vld.idx.msk [tilespmem:v6+s30+$0x80F0 ss:$0x1], $0xffff  }
0x1d8: {  	v13 =	vld.idx.msk [tilespmem:v5+s30+$0x80F0 ss:$0x1], $0xffff  }
0x1d9: {  	v7 =	vld.idx.msk [tilespmem:v6+s30+$0x8170 ss:$0x1], $0xffff  }
0x1da: {  	v9 =	vld.idx.msk [tilespmem:v6+s30+$0x8060 ss:$0x1], $0xffff  }
0x1db: {  	v11 =	vld.idx.msk [tilespmem:v5+s30+$0x8060 ss:$0x1], $0xffff  }
0x1dc: {  	v17 =	vld.idx.msk [tilespmem:v6+s30+$0x80E0 ss:$0x1], $0xffff  }
0x1dd: {  	v18 =	vld.idx.msk [tilespmem:v5+s30+$0x80E0 ss:$0x1], $0xffff  }
0x1de: {  	v19 =	vld.idx.msk [tilespmem:v6+s30+$0x8050 ss:$0x1], $0xffff  }
0x1df: {  	v21 =	vld.idx.msk [tilespmem:v5+s30+$0x8050 ss:$0x1], $0xffff  }
0x1e0: {  	v22 =	vld.idx.msk [tilespmem:v6+s30+$0x80D0 ss:$0x1], $0xffff  }
0x1e1: {  	v23 =	vld.idx.msk [tilespmem:v5+s30+$0x80D0 ss:$0x1], $0xffff  }
0x1e2: {  	v27 =	vld.idx.msk [tilespmem:v6+s30+$0x8040 ss:$0x1], $0xffff  }
0x1e3: {  	v28 =	vld.idx.msk [tilespmem:v5+s30+$0x8040 ss:$0x1], $0xffff  }
0x1e4: {  	v29 =	vld.idx.msk [tilespmem:v6+s30+$0x80C0 ss:$0x1], $0xffff  }
0x1e5: {  	v30 =	vld.idx.msk [tilespmem:v5+s30+$0x80C0 ss:$0x1], $0xffff  }
0x1e6: {  	v33 =	vld.idx.msk [tilespmem:v6+s30+$0x8030 ss:$0x1], $0xffff  }
0x1e7: {  	v34 =	vld.idx.msk [tilespmem:v5+s30+$0x8030 ss:$0x1], $0xffff  }
0x1e8: {  	v35 =	vld.idx.msk [tilespmem:v6+s30+$0x80B0 ss:$0x1], $0xffff  }
0x1e9: {  	v36 =	vld.idx.msk [tilespmem:v5+s30+$0x80B0 ss:$0x1], $0xffff  }
0x1ea: {  	v26 =	vld.idx.msk [tilespmem:v5+s30+$0x8130 ss:$0x1], $0xffff  }
0x1eb: {  	v39 =	vld.idx.msk [tilespmem:v6+s30+$0x8020 ss:$0x1], $0xffff  }
0x1ec: {  	v40 =	vld.idx.msk [tilespmem:v5+s30+$0x8020 ss:$0x1], $0xffff  }
0x1ed: {  	v41 =	vld.idx.msk [tilespmem:v6+s30+$0x80A0 ss:$0x1], $0xffff  }
0x1ee: {  	v42 =	vld.idx.msk [tilespmem:v5+s30+$0x80A0 ss:$0x1], $0xffff  }
0x1ef: {  	v43 =	vld.idx.msk [tilespmem:v6+s30+$0x8120 ss:$0x1], $0xffff  }
0x1f0: {  	v44 =	vld.idx.msk [tilespmem:v5+s30+$0x8120 ss:$0x1], $0xffff  }
0x1f1: {  	v45 =	vld.idx.msk [tilespmem:v6+s30+$0x8000 ss:$0x1], $0xffff  }
0x1f2: {  	v46 =	vld.idx.msk [tilespmem:v5+s30+$0x8000 ss:$0x1], $0xffff  }
0x1f3: {  	v47 =	vld.idx.msk [tilespmem:v6+s30+$0x8010 ss:$0x1], $0xffff  }
0x1f4: {  	v48 =	vld.idx.msk [tilespmem:v5+s30+$0x8010 ss:$0x1], $0xffff  }
0x1f5: {  	v49 =	vld.idx.msk [tilespmem:v6+s30+$0x8080 ss:$0x1], $0xffff  }
0x1f6: {  	v50 =	vld.idx.msk [tilespmem:v5+s30+$0x8080 ss:$0x1], $0xffff  }
0x1f7: {  	v51 =	vld.idx.msk [tilespmem:v6+s30+$0x8090 ss:$0x1], $0xffff  }
0x1f8: {  	v52 =	vld.idx.msk [tilespmem:v5+s30+$0x8090 ss:$0x1], $0xffff  }
0x1f9: {  	v53 =	vld.idx.msk [tilespmem:v6+s30+$0x8100 ss:$0x1], $0xffff  }
0x1fa: {  	v54 =	vld.idx.msk [tilespmem:v5+s30+$0x8100 ss:$0x1], $0xffff  }
0x1fb: {  	v55 =	vld.idx.msk [tilespmem:v6+s30+$0x8110 ss:$0x1], $0xffff  }
0x1fc: {  	v56 =	vld.idx.msk [tilespmem:v5+s30+$0x8110 ss:$0x1], $0xffff  }
0x1fd: {  	[tilespmem:$0x1FE30] =	vst v7;
	v7 =	vld.idx.msk [tilespmem:v5+s30+$0x8170 ss:$0x1], $0xffff  }
0x1fe: {  	v57 =	vld.idx.msk [tilespmem:v6+s30+$0x8180 ss:$0x1], $0xffff  }
0x1ff: {  	v58 =	vld.idx.msk [tilespmem:v5+s30+$0x8180 ss:$0x1], $0xffff  }
0x200: {  	v59 =	vld.idx.msk [tilespmem:v6+s30+$0x8190 ss:$0x1], $0xffff  }
0x201: {  	v60 =	vld.idx.msk [tilespmem:v5+s30+$0x8190 ss:$0x1], $0xffff  }
0x202: {  	[tilespmem:$0x1FE40] =	vst v7;
	v7 =	vld.idx.msk [tilespmem:v6+s30+$0x8160 ss:$0x1], $0xffff  }
0x203: {  	v61 =	vld.idx.msk [tilespmem:v6+s30+$0x81A0 ss:$0x1], $0xffff  }
0x204: {  	v62 =	vld.idx.msk [tilespmem:v5+s30+$0x81A0 ss:$0x1], $0xffff  }
0x205: {  	v63 =	vld.idx.msk [tilespmem:v6+s30+$0x81B0 ss:$0x1], $0xffff  }
0x206: {  	v15 =	vld.idx.msk [tilespmem:v5+s30+$0x81B0 ss:$0x1], $0xffff  }
0x207: {  	[tilespmem:$0x1FE10] =	vst v7;
	v7 =	vld.idx.msk [tilespmem:v5+s30+$0x8160 ss:$0x1], $0xffff  }
0x208: {  	v16 =	vld.idx.msk [tilespmem:v6+s30+$0x81C0 ss:$0x1], $0xffff  }
0x209: {  	v14 =	vld.idx.msk [tilespmem:v5+s30+$0x81C0 ss:$0x1], $0xffff  }
0x20a: {  	v25 =	vld.idx.msk [tilespmem:v6+s30+$0x81D0 ss:$0x1], $0xffff  }
0x20b: {  	v24 =	vld.idx.msk [tilespmem:v5+s30+$0x81D0 ss:$0x1], $0xffff  }
0x20c: {  	[tilespmem:$0x1FE20] =	vst v7;
	v7 =	vld.idx.msk [tilespmem:v6+s30+$0x8150 ss:$0x1], $0xffff  }
0x20d: {  	v38 =	vld.idx.msk [tilespmem:v6+s30+$0x81E0 ss:$0x1], $0xffff  }
0x20e: {  	s26 =	simm.s32 $0x200;
	v31 =	vld.idx.msk [tilespmem:v5+s30+$0x81E0 ss:$0x1], $0xffff  }
0x20f: {  	v8 =	vld.idx.msk [tilespmem:v5+s26+$0x8170 ss:$0x1], $0xffff  }
0x210: {  	v37 =	vmul.f32 v10, v20;
	v10 =	vld.idx.msk [tilespmem:v6+s26+$0x8060 ss:$0x1], $0xffff  }
0x211: {  	[tilespmem:$0x1FDF0] =	vst v7;
	v7 =	vld.idx.msk [tilespmem:v5+s30+$0x8150 ss:$0x1], $0xffff  }
0x212: {  	v20 =	vmul.f32 v11, v9;
	v9 =	vld.idx.msk [tilespmem:v5+s26+$0x8060 ss:$0x1], $0xffff  }
0x213: {  	v27 =	vmul.f32 v28, v27;
	v28 =	vmul.f32 v30, v29;
	v30 =	vld.idx.msk [tilespmem:v5+s26+$0x80E0 ss:$0x1], $0xffff  }
0x214: {  	v11 =	vmul.f32 v23, v22;
	v22 =	vmul.f32 v34, v33;
	v33 =	vld.idx.msk [tilespmem:v6+s26+$0x8050 ss:$0x1], $0xffff  }
0x215: {  	v23 =	vmul.f32 v36, v35;
	v35 =	vld.idx.msk [tilespmem:v5+s26+$0x8050 ss:$0x1], $0xffff  }
0x216: {  	v32 =	vmul.f32 v13, v12;
	[tilespmem:$0x1FE00] =	vst v7;
	v7 =	vld.idx.msk [tilespmem:v6+s30+$0x8140 ss:$0x1], $0xffff  }
0x217: {  	v13 =	vmul.f32 v48, v47;
	v47 =	vmul.f32 v54, v53;
	v53 =	vld.idx.msk [tilespmem:v6+s26+$0x80D0 ss:$0x1], $0xffff  }
0x218: {  	v17 =	vmul.f32 v18, v17;
	v54 =	vld.idx.msk [tilespmem:v5+s26+$0x80D0 ss:$0x1], $0xffff  }
0x219: {  	v18 =	vmul.f32 v21, v19;
	v19 =	vmul.f32 v40, v39;
	v39 =	vld.idx.msk [tilespmem:v6+s26+$0x80A0 ss:$0x1], $0xffff  }
0x21a: {  	v40 =	vld.idx.msk [tilespmem:v5+s26+$0x80A0 ss:$0x1], $0xffff  }
0x21b: {  	[tilespmem:$0x1FDD0] =	vst v7;
	v7 =	vld.idx.msk [tilespmem:v5+s30+$0x8140 ss:$0x1], $0xffff  }
0x21c: {  	v21 =	vmul.f32 v42, v41;
	v12 =	vmul.f32 v46, v45;
	v41 =	vld.idx.msk [tilespmem:v6+s26+$0x8000 ss:$0x1], $0xffff  }
0x21d: {  	v29 =	vmul.f32 v50, v49;
	v46 =	vmul.f32 v52, v51;
	v42 =	vld.idx.msk [tilespmem:v5+s26+$0x8000 ss:$0x1], $0xffff  }
0x21e: {  	v52 =	vmul.f32 v44, v43;
	v43 =	vld.idx.msk [tilespmem:v6+s26+$0x8010 ss:$0x1], $0xffff  }
0x21f: {  	v45 =	vld.idx.msk [tilespmem:v5+s26+$0x8010 ss:$0x1], $0xffff;
	v29 =	vadd.f32 v46, v29  }
0x220: {  	v51 =	vadd.f32 v13, v12;
	[tilespmem:$0x1FDE0] =	vst v7;
	v7 =	vld.idx.msk [tilespmem:v6+s30+$0x8130 ss:$0x1], $0xffff  }
0x221: {  	v44 =	vld.idx.msk [tilespmem:v6+s26+$0x8080 ss:$0x1], $0xffff;
	v29 =	vadd.f32 v21, v29  }
0x222: {  	v49 =	vmul.f32 v58, v57;
	v12 =	vld.idx.msk [tilespmem:v6+s26+$0x8150 ss:$0x1], $0xffff;
	v57 =	vadd.f32 v19, v51  }
0x223: {  	v13 =	vld.idx.msk [tilespmem:v5+s26+$0x8150 ss:$0x1], $0xffff;
	v29 =	vadd.f32 v23, v29  }
0x224: {  	v50 =	vmul.f32 v60, v59;
	v46 =	vld.idx.msk [tilespmem:v5+s26+$0x8080 ss:$0x1], $0xffff;
	v59 =	vadd.f32 v22, v57  }
0x225: {  	v28 =	vadd.f32 v28, v29;
	[tilespmem:$0x1FDC0] =	vst v7;
	v7 =	vld.idx.msk [tilespmem:v6+s30+$0x81F0 ss:$0x1], $0xffff  }
0x226: {  	v48 =	vmul.f32 v56, v55;
	v27 =	vadd.f32 v27, v59;
	v19 =	vld [tilespmem:$0x1FDC0]  }
0x227: {  	v56 =	vmul.f32 v62, v61;
	v55 =	vadd.f32 v50, v49;
	v11 =	vadd.f32 v11, v28;
	v22 =	vld [tilespmem:$0x1FDD0]  }
0x228: {  	v36 =	vadd.f32 v48, v47;
	v18 =	vadd.f32 v18, v27;
	v23 =	vld [tilespmem:$0x1FDE0]  }
0x229: {  	v15 =	vmul.f32 v15, v63;
	v58 =	vadd.f32 v56, v55;
	v11 =	vadd.f32 v17, v11;
	v17 =	vld [tilespmem:$0x1FE30]  }
0x22a: {  	v16 =	vmul.f32 v14, v16;
	v34 =	vadd.f32 v52, v36;
	v18 =	vadd.f32 v20, v18;
	v20 =	vld [tilespmem:$0x1FE40]  }
0x22b: {  	v15 =	vadd.f32 v15, v58;
	[tilespmem:$0x1FE50] =	vst v7;
	v7 =	vld.idx.msk [tilespmem:v5+s30+$0x81F0 ss:$0x1], $0xffff;
	v26 =	vmul.f32 v26, v19  }
0x22c: {  	v24 =	vmul.f32 v24, v25;
	v14 =	vld [tilespmem:$0x1FDF0]  }
0x22d: {  	v16 =	vadd.f32 v16, v15;
	v29 =	vld [tilespmem:$0x1FE00];
	v60 =	vmul.f32 v23, v22;
	v26 =	vadd.f32 v26, v34  }
0x22e: {  	v25 =	vld [tilespmem:$0x1FE10]  }
0x22f: {  	v16 =	vadd.f32 v24, v16;
	v24 =	vmul.f32 v31, v38;
	v34 =	vadd.f32 v60, v26;
	v26 =	vld [tilespmem:$0x1FE20]  }
0x230: {  	v20 =	vmul.f32 v20, v17;
	v17 =	vld [tilespmem:$0x1FE50];
	[tilespmem:$0x1FE60] =	vst v7  }
0x231: {  	v16 =	vadd.f32 v24, v16;
	v24 =	vld [tilespmem:$0x1FE60]  }
0x232: {  	v47 =	vld.idx.msk [tilespmem:v6+s26+$0x8090 ss:$0x1], $0xffff;
	v29 =	vmul.f32 v29, v14  }
0x233: {  	v49 =	vld.idx.msk [tilespmem:v5+s26+$0x8090 ss:$0x1], $0xffff  }
0x234: {  	v48 =	vld.idx.msk [tilespmem:v6+s26+$0x8100 ss:$0x1], $0xffff;
	v28 =	vadd.f32 v29, v34;
	v25 =	vmul.f32 v26, v25  }
0x235: {  	v50 =	vld.idx.msk [tilespmem:v5+s26+$0x8100 ss:$0x1], $0xffff  }
0x236: {  	v21 =	vld.idx.msk [tilespmem:v5+s26+$0x8040 ss:$0x1], $0xffff;
	v24 =	vmul.f32 v24, v17;
	v25 =	vadd.f32 v25, v28  }
0x237: {  	v36 =	vld.idx.msk [tilespmem:v5+s26+$0x80B0 ss:$0x1], $0xffff;
	v18 =	vadd.f32 v37, v18;
	v11 =	vadd.f32 v32, v11  }
0x238: {  	v51 =	vld.idx.msk [tilespmem:v6+s26+$0x8110 ss:$0x1], $0xffff;
	v16 =	vadd.f32 v24, v16;
	v25 =	vadd.f32 v20, v25  }
0x239: {  	v7 =	vld.idx.msk [tilespmem:v6+s26+$0x8070 ss:$0x1], $0xffff;
	v28 =	vperm.xlane v11, v2;
	v24 =	vperm.xlane v18, v2  }
0x23a: {  	v52 =	vld.idx.msk [tilespmem:v5+s26+$0x8110 ss:$0x1], $0xffff;
	[tilespmem:$0x1FEB0] =	vst v10;
	v61 =	vperm.xlane v16, v2;
	v29 =	vperm.xlane v25, v2  }
0x23b: {  	[tilespmem:$0x1FEC0] =	vst v9;
	v9 =	vld.idx.msk [tilespmem:v6+s26+$0x80E0 ss:$0x1], $0xffff;
	v11 =	vsel vm0, v18, v11  }
0x23c: {  	v10 =	vld.idx.msk [tilespmem:v5+s26+$0x8160 ss:$0x1], $0xffff;
	v18 =	vsel vm0, v24, v28;
	v16 =	vsel vm0, v25, v16;
	v24 =	vsel vm0, v29, v61  }
0x23d: {  	v62 =	vld [tilespmem:$0x1FEC0];
	v11 =	vadd.f32 v18, v11;
	v16 =	vadd.f32 v24, v16  }
0x23e: {  	[tilespmem:$0x1FE70] =	vst v7;
	v7 =	vld.idx.msk [tilespmem:v5+s26+$0x8070 ss:$0x1], $0xffff  }
0x23f: {  	v15 =	vld.idx.msk [tilespmem:v5+s26+$0x8140 ss:$0x1], $0xffff;
	v18 =	vperm.xlane v11, v3;
	v24 =	vperm.xlane v16, v3  }
0x240: {  	[tilespmem:$0x1FED0] =	vst v9;
	v9 =	vld.idx.msk [tilespmem:v6+s26+$0x8160 ss:$0x1], $0xffff  }
0x241: {  	v27 =	vld.idx.msk [tilespmem:v5+s26+$0x8030 ss:$0x1], $0xffff;
	v11 =	vsel vm1, v11, v16;
	v16 =	vsel vm1, v18, v24  }
0x242: {  	v31 =	vld.idx.msk [tilespmem:v6+s26+$0x80B0 ss:$0x1], $0xffff;
	v11 =	vadd.f32 v16, v11  }
0x243: {  	[tilespmem:$0x1FE80] =	vst v7;
	v7 =	vld.idx.msk [tilespmem:v6+s26+$0x80F0 ss:$0x1], $0xffff  }
0x244: {  	v38 =	vld.idx.msk [tilespmem:v5+s26+$0x8020 ss:$0x1], $0xffff;
	v16 =	vperm.xlane v11, v0  }
0x245: {  	v37 =	vld.idx.msk [tilespmem:v6+s26+$0x8020 ss:$0x1], $0xffff  }
0x246: {  	v32 =	vmul.f32 v35, v33;
	v35 =	vld.idx.msk [tilespmem:v6+s26+$0x8190 ss:$0x1], $0xffff;
	v11 =	vadd.f32 v11, v16  }
0x247: {  	v14 =	vld.idx.msk [tilespmem:v6+s26+$0x8140 ss:$0x1], $0xffff  }
0x248: {  	[tilespmem:$0x1FE90] =	vst v7;
	v7 =	vld.idx.msk [tilespmem:v5+s26+$0x80F0 ss:$0x1], $0xffff;
	v16 =	vperm.xlane v11, v1  }
0x249: {  	v18 =	vld [tilespmem:$0x1FE80]  }
0x24a: {  	v11 =	vadd.f32 v11, v16;
	v16 =	vld [tilespmem:$0x1FE70]  }
0x24b: {  	v22 =	vld.idx.msk [tilespmem:v6+s26+$0x80C0 ss:$0x1], $0xffff  }
0x24c: {  	v23 =	vld.idx.msk [tilespmem:v5+s26+$0x80C0 ss:$0x1], $0xffff  }
0x24d: {  	v19 =	vld.idx.msk [tilespmem:v6+s26+$0x8040 ss:$0x1], $0xffff;
	[tilespmem:$0x1FEA0] =	vst v7  }
0x24e: {  	v24 =	vld [tilespmem:$0x1FEA0]  }
0x24f: {  	v16 =	vmul.f32 v18, v16;
	v18 =	vld [tilespmem:$0x1FE90]  }
0x250: {  	v34 =	vld.idx.msk [tilespmem:v5+s26+$0x8120 ss:$0x1], $0xffff  }
0x251: {  	v26 =	vld.idx.msk [tilespmem:v6+s26+$0x8030 ss:$0x1], $0xffff  }
0x252: {  	v17 =	vld.idx.msk [tilespmem:v6+s26+$0x8130 ss:$0x1], $0xffff;
	v25 =	vmov s22  }
0x253: {  	vm2 =	veq.s32 v25, v4;
	v25 =	vld [tilespmem:$0x1FED0]  }
0x254: {  	v18 =	vmul.f32 v24, v18;
	v24 =	vld [tilespmem:$0x1FEB0]  }
0x255: {  	v20 =	vld.idx.msk [tilespmem:v5+s26+$0x8130 ss:$0x1], $0xffff  }
0x256: {  	v28 =	vld.idx.msk [tilespmem:v6+s26+$0x8180 ss:$0x1], $0xffff  }
0x257: {  	v29 =	vld.idx.msk [tilespmem:v6+s26+$0x8120 ss:$0x1], $0xffff  }
0x258: {  	v63 =	vimm.f32 $0.0e+00;
	v25 =	vmul.f32 v30, v25;
	v30 =	vld.idx.msk [tilespmem:v5+s26+$0x8180 ss:$0x1], $0xffff  }
0x259: {  	s31 =	simm.s32 $0x1000;
	v33 =	vmul.f32 v54, v53;
	s30 =	simm.s32 $0x0;
	v7 =	vld.idx.msk [tilespmem:v6+s26+$0x8170 ss:$0x1], $0xffff;
	v11 =	vsel vm2, v11, v63;
	v24 =	vmul.f32 v62, v24  }
.LBB2_11:
0x25a: {  	p0 =	sne.s32 s31, $0x1800;
	v19 =	vmul.f32 v21, v19;
	v21 =	vmul.f32 v23, v22;
	v22 =	vld.idx.msk [tilespmem:v5+s26+$0x8190 ss:$0x1], $0xffff  }
0x25b: {  	v23 =	vmul.f32 v27, v26;
	v26 =	vmul.f32 v36, v31;
	v27 =	vld.idx.msk [tilespmem:v6+s26+$0x81A0 ss:$0x1], $0xffff  }
0x25c: {  	v31 =	vmul.f32 v38, v37;
	v36 =	vmul.f32 v40, v39;
	v37 =	vld.idx.msk [tilespmem:v5+s26+$0x81A0 ss:$0x1], $0xffff  }
0x25d: {  	v38 =	vmul.f32 v42, v41;
	v39 =	vmul.f32 v45, v43;
	v40 =	vld.idx.msk [tilespmem:v6+s26+$0x81B0 ss:$0x1], $0xffff  }
0x25e: {  	v41 =	vmul.f32 v46, v44;
	v42 =	vmul.f32 v49, v47;
	v43 =	vld.idx.msk [tilespmem:v5+s26+$0x81B0 ss:$0x1], $0xffff  }
0x25f: {  	v44 =	vmul.f32 v50, v48;
	v45 =	vmul.f32 v52, v51;
	v46 =	vld.idx.msk [tilespmem:v6+s26+$0x81C0 ss:$0x1], $0xffff  }
0x260: {  	v28 =	vmul.f32 v30, v28;
	v22 =	vmul.f32 v22, v35;
	v30 =	vld.idx.msk [tilespmem:v5+s26+$0x81C0 ss:$0x1], $0xffff  }
0x261: {  	v29 =	vmul.f32 v34, v29;
	v35 =	vadd.f32 v39, v38;
	v38 =	vadd.f32 v42, v41;
	v34 =	vld.idx.msk [tilespmem:v6+s26+$0x81D0 ss:$0x1], $0xffff  }
0x262: {  	v39 =	vadd.f32 v45, v44;
	v22 =	vadd.f32 v22, v28;
	v27 =	vmul.f32 v37, v27;
	v37 =	vld.idx.msk [tilespmem:v5+s26+$0x81D0 ss:$0x1], $0xffff  }
0x263: {  	v17 =	vmul.f32 v20, v17;
	v28 =	vadd.f32 v31, v35;
	v31 =	vadd.f32 v36, v38;
	v20 =	vld.idx.msk [tilespmem:v6+s26+$0x81E0 ss:$0x1], $0xffff  }
0x264: {  	v29 =	vadd.f32 v29, v39;
	v22 =	vadd.f32 v27, v22;
	v27 =	vmul.f32 v43, v40;
	v36 =	vld.idx.msk [tilespmem:v5+s26+$0x81E0 ss:$0x1], $0xffff  }
0x265: {  	v14 =	vmul.f32 v15, v14;
	v23 =	vadd.f32 v23, v28;
	v26 =	vadd.f32 v26, v31;
	v15 =	vld.idx.msk [tilespmem:v6+s26+$0x81F0 ss:$0x1], $0xffff  }
0x266: {  	v17 =	vadd.f32 v17, v29;
	v22 =	vadd.f32 v27, v22;
	v27 =	vmul.f32 v30, v46;
	v29 =	vld.idx.msk [tilespmem:v5+s26+$0x81F0 ss:$0x1], $0xffff;
	s26 =	sshra.s32 s31, $0x2  }
0x267: {  	v12 =	vmul.f32 v13, v12;
	v19 =	vadd.f32 v19, v23;
	v21 =	vadd.f32 v21, v26;
	v28 =	vld.idx.msk [tilespmem:v6+s26+$0x8070 ss:$0x1], $0xffff  }
0x268: {  	v13 =	vadd.f32 v14, v17;
	v14 =	vadd.f32 v27, v22;
	v17 =	vmul.f32 v37, v34;
	v30 =	vld.idx.msk [tilespmem:v5+s26+$0x8070 ss:$0x1], $0xffff  }
0x269: {  	v9 =	vmul.f32 v10, v9;
	v19 =	vadd.f32 v32, v19;
	v21 =	vadd.f32 v33, v21;
	v35 =	vld.idx.msk [tilespmem:v6+s26+$0x80F0 ss:$0x1], $0xffff  }
0x26a: {  	v10 =	vadd.f32 v12, v13;
	v12 =	vadd.f32 v17, v14;
	v13 =	vmul.f32 v36, v20;
	v32 =	vld.idx.msk [tilespmem:v5+s26+$0x80F0 ss:$0x1], $0xffff  }
0x26b: {  	v14 =	vadd.f32 v24, v19;
	v17 =	vadd.f32 v25, v21;
	v19 =	vmul.f32 v8, v7;
	v7 =	vld.idx.msk [tilespmem:v6+s26+$0x8170 ss:$0x1], $0xffff  }
0x26c: {  	v9 =	vadd.f32 v9, v10;
	v10 =	vadd.f32 v13, v12;
	v12 =	vmul.f32 v29, v15;
	v8 =	vld.idx.msk [tilespmem:v5+s26+$0x8170 ss:$0x1], $0xffff  }
0x26d: {  	v13 =	vadd.f32 v16, v14;
	v14 =	vadd.f32 v18, v17;
	v24 =	vld.idx.msk [tilespmem:v6+s26+$0x8060 ss:$0x1], $0xffff  }
0x26e: {  	v15 =	vadd.f32 v19, v9;
	v12 =	vadd.f32 v12, v10;
	v25 =	vld.idx.msk [tilespmem:v5+s26+$0x8060 ss:$0x1], $0xffff  }
0x26f: {  	v16 =	vperm.xlane v13, v2;
	v17 =	vperm.xlane v14, v2;
	v33 =	vld.idx.msk [tilespmem:v6+s26+$0x80E0 ss:$0x1], $0xffff  }
0x270: {  	v18 =	vperm.xlane v15, v2;
	v19 =	vperm.xlane v12, v2;
	v53 =	vld.idx.msk [tilespmem:v5+s26+$0x80E0 ss:$0x1], $0xffff  }
0x271: {  	v13 =	vsel vm0, v13, v14;
	v9 =	vld.idx.msk [tilespmem:v6+s26+$0x8160 ss:$0x1], $0xffff  }
0x272: {  	v14 =	vsel vm0, v16, v17;
	v12 =	vsel vm0, v15, v12;
	v15 =	vsel vm0, v18, v19;
	v10 =	vld.idx.msk [tilespmem:v5+s26+$0x8160 ss:$0x1], $0xffff  }
0x273: {  	v13 =	vadd.f32 v14, v13;
	v14 =	vadd.f32 v15, v12;
	v54 =	vld.idx.msk [tilespmem:v6+s26+$0x8050 ss:$0x1], $0xffff  }
0x274: {  	v55 =	vld.idx.msk [tilespmem:v5+s26+$0x8050 ss:$0x1], $0xffff  }
0x275: {  	v15 =	vperm.xlane v13, v3;
	v16 =	vperm.xlane v14, v3;
	v56 =	vld.idx.msk [tilespmem:v6+s26+$0x80D0 ss:$0x1], $0xffff  }
0x276: {  	v57 =	vld.idx.msk [tilespmem:v5+s26+$0x80D0 ss:$0x1], $0xffff  }
0x277: {  	v14 =	vsel vm1, v13, v14;
	v15 =	vsel vm1, v15, v16;
	v12 =	vld.idx.msk [tilespmem:v6+s26+$0x8150 ss:$0x1], $0xffff  }
0x278: {  	v14 =	vadd.f32 v15, v14;
	v13 =	vld.idx.msk [tilespmem:v5+s26+$0x8150 ss:$0x1], $0xffff  }
0x279: {  	v19 =	vld.idx.msk [tilespmem:v6+s26+$0x8040 ss:$0x1], $0xffff  }
0x27a: {  	v15 =	vperm.xlane v14, v0;
	v21 =	vld.idx.msk [tilespmem:v5+s26+$0x8040 ss:$0x1], $0xffff  }
0x27b: {  	v22 =	vld.idx.msk [tilespmem:v6+s26+$0x80C0 ss:$0x1], $0xffff  }
0x27c: {  	v16 =	vadd.f32 v14, v15;
	v23 =	vld.idx.msk [tilespmem:v5+s26+$0x80C0 ss:$0x1], $0xffff  }
0x27d: {  	v14 =	vld.idx.msk [tilespmem:v6+s26+$0x8140 ss:$0x1], $0xffff  }
0x27e: {  	v17 =	vperm.xlane v16, v1;
	v15 =	vld.idx.msk [tilespmem:v5+s26+$0x8140 ss:$0x1], $0xffff  }
0x27f: {  	s30 =	sadd.s32 $0x1, s30;
	v26 =	vld.idx.msk [tilespmem:v6+s26+$0x8030 ss:$0x1], $0xffff  }
0x280: {  	v16 =	vadd.f32 v16, v17;
	v17 =	vmov s30;
	v27 =	vld.idx.msk [tilespmem:v5+s26+$0x8030 ss:$0x1], $0xffff  }
0x281: {  	vm2 =	veq.s32 v17, v4;
	v31 =	vld.idx.msk [tilespmem:v6+s26+$0x80B0 ss:$0x1], $0xffff  }
0x282: {  	v11 =	vsel vm2, v16, v11;
	v36 =	vld.idx.msk [tilespmem:v5+s26+$0x80B0 ss:$0x1], $0xffff  }
0x283: {  	v17 =	vld.idx.msk [tilespmem:v6+s26+$0x8130 ss:$0x1], $0xffff  }
0x284: {  	v20 =	vld.idx.msk [tilespmem:v5+s26+$0x8130 ss:$0x1], $0xffff  }
0x285: {  	v37 =	vld.idx.msk [tilespmem:v6+s26+$0x8020 ss:$0x1], $0xffff  }
0x286: {  	v38 =	vld.idx.msk [tilespmem:v5+s26+$0x8020 ss:$0x1], $0xffff  }
0x287: {  	v39 =	vld.idx.msk [tilespmem:v6+s26+$0x80A0 ss:$0x1], $0xffff  }
0x288: {  	v40 =	vld.idx.msk [tilespmem:v5+s26+$0x80A0 ss:$0x1], $0xffff  }
0x289: {  	v29 =	vld.idx.msk [tilespmem:v6+s26+$0x8120 ss:$0x1], $0xffff  }
0x28a: {  	v34 =	vld.idx.msk [tilespmem:v5+s26+$0x8120 ss:$0x1], $0xffff  }
0x28b: {  	v41 =	vld.idx.msk [tilespmem:v6+s26+$0x8000 ss:$0x1], $0xffff  }
0x28c: {  	v42 =	vld.idx.msk [tilespmem:v5+s26+$0x8000 ss:$0x1], $0xffff  }
0x28d: {  	v43 =	vld.idx.msk [tilespmem:v6+s26+$0x8010 ss:$0x1], $0xffff  }
0x28e: {  	v45 =	vld.idx.msk [tilespmem:v5+s26+$0x8010 ss:$0x1], $0xffff  }
0x28f: {  	v44 =	vld.idx.msk [tilespmem:v6+s26+$0x8080 ss:$0x1], $0xffff  }
0x290: {  	v46 =	vld.idx.msk [tilespmem:v5+s26+$0x8080 ss:$0x1], $0xffff  }
0x291: {  	v47 =	vld.idx.msk [tilespmem:v6+s26+$0x8090 ss:$0x1], $0xffff  }
0x292: {  	v49 =	vld.idx.msk [tilespmem:v5+s26+$0x8090 ss:$0x1], $0xffff  }
0x293: {  	v48 =	vld.idx.msk [tilespmem:v6+s26+$0x8100 ss:$0x1], $0xffff  }
0x294: {  	v50 =	vld.idx.msk [tilespmem:v5+s26+$0x8100 ss:$0x1], $0xffff  }
.Ltmp4:
0x295: {  	v51 =	vld.idx.msk [tilespmem:v6+s26+$0x8110 ss:$0x1], $0xffff;
	(pc) =	sbr.rel @p0 .LBB2_11-.Ltmp4, $4  }
0x296: {  	v52 =	vld.idx.msk [tilespmem:v5+s26+$0x8110 ss:$0x1], $0xffff  }
0x297: {  	v18 =	vmul.f32 v32, v35;
	v16 =	vmul.f32 v30, v28;
	v28 =	vld.idx.msk [tilespmem:v6+s26+$0x8180 ss:$0x1], $0xffff  }
0x298: {  	v24 =	vmul.f32 v25, v24;
	v25 =	vmul.f32 v53, v33;
	v30 =	vld.idx.msk [tilespmem:v5+s26+$0x8180 ss:$0x1], $0xffff  }
0x299: {  	s31 =	sadd.s32 $0x800, s31;
	v32 =	vmul.f32 v55, v54;
	v33 =	vmul.f32 v57, v56;
	v35 =	vld.idx.msk [tilespmem:v6+s26+$0x8190 ss:$0x1], $0xffff  }
0x29a: {  	_ =	sdelay $0x2  }
0x29b: {  	v19 =	vmul.f32 v21, v19;
	v21 =	vmul.f32 v23, v22  }
0x29c: {  	v59 =	vld.idx.msk [tilespmem:v5+s26+$0x8190 ss:$0x1], $0xffff;
	v23 =	vmul.f32 v27, v26;
	v26 =	vmul.f32 v36, v31  }
0x29d: {  	v27 =	vld.idx.msk [tilespmem:v6+s26+$0x81A0 ss:$0x1], $0xffff;
	v31 =	vmul.f32 v38, v37;
	v36 =	vmul.f32 v40, v39  }
0x29e: {  	v37 =	vld.idx.msk [tilespmem:v5+s26+$0x81A0 ss:$0x1], $0xffff;
	v60 =	vmul.f32 v42, v41;
	v61 =	vmul.f32 v45, v43  }
0x29f: {  	v40 =	vld.idx.msk [tilespmem:v6+s26+$0x81B0 ss:$0x1], $0xffff;
	v62 =	vmul.f32 v46, v44;
	v63 =	vmul.f32 v49, v47  }
0x2a0: {  	v49 =	vld.idx.msk [tilespmem:v5+s26+$0x81B0 ss:$0x1], $0xffff;
	v53 =	vmul.f32 v50, v48;
	v54 =	vmul.f32 v52, v51  }
0x2a1: {  	v55 =	vld.idx.msk [tilespmem:v6+s26+$0x81C0 ss:$0x1], $0xffff;
	v28 =	vmul.f32 v30, v28;
	v22 =	vmul.f32 v59, v35  }
0x2a2: {  	v56 =	vld.idx.msk [tilespmem:v5+s26+$0x81C0 ss:$0x1], $0xffff;
	v29 =	vmul.f32 v34, v29;
	v57 =	vadd.f32 v61, v60;
	v58 =	vadd.f32 v63, v62  }
0x2a3: {  	v61 =	vld.idx.msk [tilespmem:v5+s26+$0x81D0 ss:$0x1], $0xffff;
	v60 =	vadd.f32 v54, v53;
	v27 =	vmul.f32 v37, v27;
	v22 =	vadd.f32 v22, v28  }
0x2a4: {  	v17 =	vmul.f32 v20, v17;
	v31 =	vadd.f32 v31, v57;
	v62 =	vadd.f32 v36, v58;
	v59 =	vld.idx.msk [tilespmem:v6+s26+$0x81D0 ss:$0x1], $0xffff  }
0x2a5: {  	v42 =	vld.idx.msk [tilespmem:v5+s26+$0x81E0 ss:$0x1], $0xffff;
	v29 =	vadd.f32 v29, v60;
	v41 =	vmul.f32 v49, v40;
	v22 =	vadd.f32 v27, v22  }
0x2a6: {  	v14 =	vmul.f32 v15, v14;
	v63 =	vld.idx.msk [tilespmem:v6+s26+$0x81E0 ss:$0x1], $0xffff;
	v23 =	vadd.f32 v23, v31;
	v26 =	vadd.f32 v26, v62  }
0x2a7: {  	v5 =	vld.idx.msk [tilespmem:v5+s26+$0x81F0 ss:$0x1], $0xffff;
	v45 =	vmul.f32 v56, v55;
	v43 =	vadd.f32 v17, v29;
	v44 =	vadd.f32 v41, v22  }
0x2a8: {  	v12 =	vmul.f32 v13, v12;
	v6 =	vld.idx.msk [tilespmem:v6+s26+$0x81F0 ss:$0x1], $0xffff;
	v19 =	vadd.f32 v19, v23;
	v21 =	vadd.f32 v21, v26  }
0x2a9: {  	v46 =	vadd.f32 v14, v43;
	v48 =	vmul.f32 v61, v59;
	v47 =	vadd.f32 v45, v44  }
0x2aa: {  	v9 =	vmul.f32 v10, v9;
	v49 =	vadd.f32 v32, v19;
	v50 =	vadd.f32 v33, v21  }
0x2ab: {  	v53 =	vmul.f32 v42, v63;
	v51 =	vadd.f32 v12, v46;
	v52 =	vadd.f32 v48, v47  }
0x2ac: {  	v7 =	vmul.f32 v8, v7;
	v54 =	vadd.f32 v24, v49;
	v55 =	vadd.f32 v25, v50  }
0x2ad: {  	v5 =	vmul.f32 v5, v6;
	v56 =	vadd.f32 v9, v51;
	v57 =	vadd.f32 v53, v52  }
0x2ae: {  	v6 =	vadd.f32 v16, v54;
	v58 =	vadd.f32 v18, v55  }
0x2af: {  	v7 =	vadd.f32 v7, v56;
	v5 =	vadd.f32 v5, v57  }
0x2b0: {  	v59 =	vperm.xlane v6, v2;
	v60 =	vperm.xlane v58, v2  }
0x2b1: {  	v61 =	vperm.xlane v7, v2;
	v62 =	vperm.xlane v5, v2  }
0x2b2: {  	v6 =	vsel vm0, v6, v58  }
0x2b3: {  	v8 =	vsel vm0, v59, v60;
	v5 =	vsel vm0, v7, v5;
	v7 =	vsel vm0, v61, v62  }
0x2b4: {  	v6 =	vadd.f32 v8, v6;
	v5 =	vadd.f32 v7, v5;
	_ =	sdelay $0x1  }
0x2b5: {  	v7 =	vperm.xlane v6, v3;
	v63 =	vperm.xlane v5, v3;
	_ =	sdelay $0x1  }
0x2b6: {  	v5 =	vsel vm1, v6, v5;
	v6 =	vsel vm1, v7, v63  }
0x2b7: {  	v5 =	vadd.f32 v6, v5;
	_ =	sdelay $0x1  }
0x2b8: {  	v6 =	vperm.xlane v5, v0;
	_ =	sdelay $0x1  }
0x2b9: {  	v5 =	vadd.f32 v5, v6  }
0x2ba: {  	s31 =	sshll.u32 s25, $0x4;
	s25 =	sadd.s32 $0x1, s25  }
0x2bb: {  	p0 =	sne.s32 s25, $0x8;
	v6 =	vperm.xlane v5, v1  }
.Ltmp5:
0x2bc: {  	s30 =	sadd.s32 $0x1, s30;
	(pc) =	sbr.rel @p0 .LBB2_10-.Ltmp5, $4  }
0x2bd: {  	v5 =	vadd.f32 v5, v6;
	v6 =	vmov s30  }
0x2be: {  	vm2 =	veq.s32 v6, v4  }
0x2bf: {  	s26 =	sand.u32 $0x3FFFFFF0, s31;
	v5 =	vsel vm2, v5, v11  }
0x2c0: {  	s23 =	sadd.s32 $0x800, s23;
	s24 =	sadd.s32 $0x800, s24;
	[tilespmem:s26+$0x18500] =	vst v5  }
0x2c1: {  	s22 =	simm.s32 $0x0  }
0x2c2: {  	[hbm4b:s11+s22] =	stream.linear.scatter [tilespmem:s18], [sflag:$0x4], $0x80, $0x38;
	[tilespmem:$0x18600] =	vst v63  }
0x2c3: {  	_ =	swait.ge [sflag:s28], $0x4000  }
0x2c4: {  	[sflag:s28] =	ssyncset.done $0x0  }
0x2c5: {  	[sflag:s28] =	ssyncadd.s32 $0xFFFFC000  }
0x2c6: {  	_ =	swait.ge [sflag:s29], $0x4000  }
0x2c7: {  	[sflag:s29] =	ssyncset.done $0x0  }
0x2c8: {  	s23 =	simm.s32 $0x500;
	s24 =	simm.s32 $0xC500;
	[sflag:s29] =	ssyncadd.s32 $0xFFFFC000  }
.LBB2_14:
0x2c9: {  	v7 =	vld [tilespmem:s23+$0xFFFFFF70]  }
0x2ca: {  	v14 =	vld [tilespmem:s24+$0xFFFFFF70]  }
0x2cb: {  	v15 =	vld [tilespmem:s23+$0xFFFFFFF0]  }
0x2cc: {  	v16 =	vld [tilespmem:s24+$0xFFFFFFF0]  }
0x2cd: {  	v5 =	vld [tilespmem:s23+$0x70]  }
0x2ce: {  	v6 =	vld [tilespmem:s24+$0x70]  }
0x2cf: {  	v17 =	vld [tilespmem:s23+$0xFFFFFF60]  }
0x2d0: {  	v20 =	vld [tilespmem:s24+$0xFFFFFF60]  }
0x2d1: {  	v21 =	vld [tilespmem:s23+$0xFFFFFFE0]  }
0x2d2: {  	v22 =	vld [tilespmem:s24+$0xFFFFFFE0]  }
0x2d3: {  	v8 =	vld [tilespmem:s23+$0x60]  }
0x2d4: {  	v9 =	vld [tilespmem:s24+$0x60]  }
0x2d5: {  	v23 =	vld [tilespmem:s23+$0xFFFFFF50]  }
0x2d6: {  	v30 =	vld [tilespmem:s24+$0xFFFFFF50]  }
0x2d7: {  	v31 =	vld [tilespmem:s23+$0xFFFFFFD0]  }
0x2d8: {  	v45 =	vld [tilespmem:s24+$0xFFFFFFD0]  }
0x2d9: {  	v10 =	vld [tilespmem:s23+$0x50]  }
0x2da: {  	v11 =	vld [tilespmem:s24+$0x50]  }
0x2db: {  	v46 =	vld [tilespmem:s23+$0xFFFFFF40]  }
0x2dc: {  	v47 =	vld [tilespmem:s24+$0xFFFFFF40]  }
0x2dd: {  	v48 =	vld [tilespmem:s23+$0xFFFFFFC0]  }
0x2de: {  	v49 =	vld [tilespmem:s24+$0xFFFFFFC0]  }
0x2df: {  	v12 =	vld [tilespmem:s23+$0x40]  }
0x2e0: {  	v13 =	vld [tilespmem:s24+$0x40]  }
0x2e1: {  	v50 =	vld [tilespmem:s23+$0xFFFFFF30]  }
0x2e2: {  	v51 =	vld [tilespmem:s24+$0xFFFFFF30]  }
0x2e3: {  	v52 =	vld [tilespmem:s23+$0xFFFFFFB0]  }
0x2e4: {  	v53 =	vld [tilespmem:s24+$0xFFFFFFB0]  }
0x2e5: {  	v18 =	vld [tilespmem:s23+$0x30]  }
0x2e6: {  	v19 =	vld [tilespmem:s24+$0x30]  }
0x2e7: {  	v26 =	vld [tilespmem:s23+$0xFFFFFF20]  }
0x2e8: {  	v27 =	vld [tilespmem:s24+$0xFFFFFF20]  }
0x2e9: {  	v28 =	vld [tilespmem:s23+$0xFFFFFFA0]  }
0x2ea: {  	v29 =	vld [tilespmem:s24+$0xFFFFFFA0]  }
0x2eb: {  	v24 =	vld [tilespmem:s23+$0x20]  }
0x2ec: {  	v25 =	vld [tilespmem:s24+$0x20]  }
0x2ed: {  	v32 =	vld [tilespmem:s23+$0xFFFFFF00]  }
0x2ee: {  	v33 =	vld [tilespmem:s24+$0xFFFFFF00]  }
0x2ef: {  	v34 =	vld [tilespmem:s23+$0xFFFFFF10]  }
0x2f0: {  	v36 =	vld [tilespmem:s24+$0xFFFFFF10]  }
0x2f1: {  	v35 =	vld [tilespmem:s23+$0xFFFFFF80]  }
0x2f2: {  	v37 =	vld [tilespmem:s24+$0xFFFFFF80]  }
0x2f3: {  	v38 =	vld [tilespmem:s23+$0xFFFFFF90]  }
0x2f4: {  	v40 =	vld [tilespmem:s24+$0xFFFFFF90]  }
0x2f5: {  	v39 =	vld [tilespmem:s23+$0x0]  }
0x2f6: {  	v41 =	vld [tilespmem:s24+$0x0]  }
0x2f7: {  	v42 =	vld [tilespmem:s23+$0x10]  }
0x2f8: {  	v43 =	vld [tilespmem:s24+$0x10];
	v14 =	vmul.f32 v14, v7;
	v15 =	vmul.f32 v16, v15  }
0x2f9: {  	v44 =	vld [tilespmem:s23+$0x80];
	v16 =	vmul.f32 v20, v17;
	v17 =	vmul.f32 v22, v21  }
0x2fa: {  	v20 =	vmul.f32 v30, v23;
	v21 =	vmul.f32 v45, v31;
	v45 =	vld [tilespmem:s24+$0x80]  }
0x2fb: {  	s31 =	simm.s32 $0x1;
	v22 =	vmul.f32 v47, v46;
	v23 =	vmul.f32 v49, v48;
	v46 =	vld [tilespmem:s23+$0x90]  }
0x2fc: {  	s30 =	smov.u32 s23;
	s26 =	smov.u32 s24;
	s25 =	simm.s32 $0x0;
	v7 =	vimm.f32 $0.0e+00;
	v30 =	vmul.f32 v51, v50;
	v31 =	vmul.f32 v53, v52;
	v47 =	vld [tilespmem:s24+$0x90]  }
.LBB2_15:
0x2fd: {  	p0 =	sne.s32 s31, $0x3;
	v26 =	vmul.f32 v27, v26;
	v27 =	vmul.f32 v29, v28;
	v28 =	vld [tilespmem:s30+$0xA0]  }
0x2fe: {  	v29 =	vmul.f32 v33, v32;
	v32 =	vmul.f32 v36, v34;
	v33 =	vld [tilespmem:s26+$0xA0]  }
0x2ff: {  	v34 =	vmul.f32 v37, v35;
	v35 =	vmul.f32 v40, v38;
	v36 =	vld [tilespmem:s30+$0xB0]  }
0x300: {  	v37 =	vmul.f32 v41, v39;
	v38 =	vmul.f32 v43, v42;
	v39 =	vld [tilespmem:s26+$0xB0]  }
0x301: {  	v40 =	vmul.f32 v45, v44;
	v41 =	vmul.f32 v47, v46;
	v42 =	vld [tilespmem:s30+$0xC0]  }
0x302: {  	v24 =	vmul.f32 v25, v24;
	v29 =	vadd.f32 v32, v29;
	v32 =	vadd.f32 v35, v34;
	v25 =	vld [tilespmem:s26+$0xC0]  }
0x303: {  	v34 =	vadd.f32 v38, v37;
	v35 =	vadd.f32 v41, v40;
	v28 =	vmul.f32 v33, v28;
	v33 =	vld [tilespmem:s30+$0xD0]  }
0x304: {  	v18 =	vmul.f32 v19, v18;
	v26 =	vadd.f32 v26, v29;
	v27 =	vadd.f32 v27, v32;
	v19 =	vld [tilespmem:s26+$0xD0]  }
0x305: {  	v24 =	vadd.f32 v24, v34;
	v28 =	vadd.f32 v28, v35;
	v29 =	vmul.f32 v39, v36;
	v32 =	vld [tilespmem:s30+$0xE0]  }
0x306: {  	v12 =	vmul.f32 v13, v12;
	v26 =	vadd.f32 v30, v26;
	v27 =	vadd.f32 v31, v27;
	v13 =	vld [tilespmem:s26+$0xE0]  }
0x307: {  	v18 =	vadd.f32 v18, v24;
	v24 =	vadd.f32 v29, v28;
	v25 =	vmul.f32 v25, v42;
	v28 =	vld [tilespmem:s30+$0xF0]  }
0x308: {  	v10 =	vmul.f32 v11, v10;
	v26 =	vadd.f32 v22, v26;
	v27 =	vadd.f32 v23, v27;
	s30 =	sadd.s32 $0x200, s30;
	v11 =	vld [tilespmem:s26+$0xF0]  }
0x309: {  	v12 =	vadd.f32 v12, v18;
	s26 =	sadd.s32 $0x200, s26;
	v22 =	vld [tilespmem:s30+$0xFFFFFF70];
	v18 =	vadd.f32 v25, v24;
	v19 =	vmul.f32 v19, v33  }
0x30a: {  	v8 =	vmul.f32 v9, v8;
	v20 =	vadd.f32 v20, v26;
	v21 =	vadd.f32 v21, v27;
	v23 =	vld [tilespmem:s26+$0xFFFFFF70]  }
0x30b: {  	v9 =	vadd.f32 v10, v12;
	v30 =	vld [tilespmem:s30+$0xFFFFFFF0];
	v10 =	vadd.f32 v19, v18;
	v12 =	vmul.f32 v13, v32  }
0x30c: {  	v13 =	vadd.f32 v16, v20;
	v16 =	vadd.f32 v17, v21;
	v17 =	vmul.f32 v6, v5;
	v31 =	vld [tilespmem:s26+$0xFFFFFFF0]  }
0x30d: {  	v8 =	vadd.f32 v8, v9;
	v5 =	vld [tilespmem:s30+$0x70];
	v9 =	vadd.f32 v12, v10;
	v10 =	vmul.f32 v11, v28  }
0x30e: {  	v11 =	vadd.f32 v14, v13;
	v12 =	vadd.f32 v15, v16;
	v6 =	vld [tilespmem:s26+$0x70]  }
0x30f: {  	v13 =	vadd.f32 v17, v8;
	v16 =	vld [tilespmem:s30+$0xFFFFFF60];
	v9 =	vadd.f32 v10, v9  }
0x310: {  	v10 =	vperm.xlane v11, v2;
	v14 =	vperm.xlane v12, v2;
	v17 =	vld [tilespmem:s26+$0xFFFFFF60]  }
0x311: {  	v15 =	vperm.xlane v13, v2;
	v20 =	vld [tilespmem:s30+$0xFFFFFFE0];
	v18 =	vperm.xlane v9, v2  }
0x312: {  	v11 =	vsel vm0, v11, v12;
	v21 =	vld [tilespmem:s26+$0xFFFFFFE0]  }
0x313: {  	v10 =	vsel vm0, v10, v14;
	v12 =	vsel vm0, v13, v9;
	v8 =	vld [tilespmem:s30+$0x60];
	v13 =	vsel vm0, v15, v18  }
0x314: {  	v10 =	vadd.f32 v10, v11;
	v9 =	vld [tilespmem:s26+$0x60];
	v11 =	vadd.f32 v13, v12  }
0x315: {  	v45 =	vld [tilespmem:s30+$0xFFFFFF50]  }
0x316: {  	v12 =	vperm.xlane v10, v3;
	v46 =	vld [tilespmem:s26+$0xFFFFFF50];
	v13 =	vperm.xlane v11, v3  }
0x317: {  	v47 =	vld [tilespmem:s30+$0xFFFFFFD0]  }
0x318: {  	v11 =	vsel vm1, v10, v11;
	v48 =	vld [tilespmem:s26+$0xFFFFFFD0];
	v12 =	vsel vm1, v12, v13  }
0x319: {  	v10 =	vld [tilespmem:s30+$0x50];
	v12 =	vadd.f32 v12, v11  }
0x31a: {  	v11 =	vld [tilespmem:s26+$0x50]  }
0x31b: {  	v49 =	vld [tilespmem:s30+$0xFFFFFF40];
	v13 =	vperm.xlane v12, v0  }
0x31c: {  	v50 =	vld [tilespmem:s26+$0xFFFFFF40]  }
0x31d: {  	v51 =	vld [tilespmem:s30+$0xFFFFFFC0];
	v14 =	vadd.f32 v12, v13  }
0x31e: {  	v52 =	vld [tilespmem:s26+$0xFFFFFFC0]  }
0x31f: {  	v12 =	vld [tilespmem:s30+$0x40];
	v15 =	vperm.xlane v14, v1  }
0x320: {  	v13 =	vld [tilespmem:s26+$0x40]  }
0x321: {  	v53 =	vld [tilespmem:s30+$0xFFFFFF30];
	v14 =	vadd.f32 v14, v15;
	v15 =	vmov s25;
	s25 =	smov.u32 s31  }
0x322: {  	v54 =	vld [tilespmem:s26+$0xFFFFFF30];
	vm2 =	veq.s32 v15, v4  }
0x323: {  	v55 =	vld [tilespmem:s30+$0xFFFFFFB0];
	v7 =	vsel vm2, v14, v7  }
0x324: {  	v56 =	vld [tilespmem:s26+$0xFFFFFFB0]  }
0x325: {  	v18 =	vld [tilespmem:s30+$0x30]  }
0x326: {  	v19 =	vld [tilespmem:s26+$0x30]  }
0x327: {  	v26 =	vld [tilespmem:s30+$0xFFFFFF20]  }
0x328: {  	v27 =	vld [tilespmem:s26+$0xFFFFFF20]  }
0x329: {  	v28 =	vld [tilespmem:s30+$0xFFFFFFA0]  }
0x32a: {  	v29 =	vld [tilespmem:s26+$0xFFFFFFA0]  }
0x32b: {  	v24 =	vld [tilespmem:s30+$0x20]  }
0x32c: {  	v25 =	vld [tilespmem:s26+$0x20]  }
0x32d: {  	v32 =	vld [tilespmem:s30+$0xFFFFFF00]  }
0x32e: {  	v33 =	vld [tilespmem:s26+$0xFFFFFF00]  }
0x32f: {  	v34 =	vld [tilespmem:s30+$0xFFFFFF10]  }
0x330: {  	v36 =	vld [tilespmem:s26+$0xFFFFFF10]  }
0x331: {  	v35 =	vld [tilespmem:s30+$0xFFFFFF80]  }
0x332: {  	v37 =	vld [tilespmem:s26+$0xFFFFFF80]  }
0x333: {  	v38 =	vld [tilespmem:s30+$0xFFFFFF90]  }
0x334: {  	v40 =	vld [tilespmem:s26+$0xFFFFFF90]  }
0x335: {  	v39 =	vld [tilespmem:s30+$0x0]  }
0x336: {  	v41 =	vld [tilespmem:s26+$0x0]  }
0x337: {  	v42 =	vld [tilespmem:s30+$0x10]  }
.Ltmp6:
0x338: {  	v15 =	vmul.f32 v31, v30;
	v14 =	vmul.f32 v23, v22;
	v43 =	vld [tilespmem:s26+$0x10];
	(pc) =	sbr.rel @p0 .LBB2_15-.Ltmp6, $4  }
0x339: {  	v16 =	vmul.f32 v17, v16;
	v17 =	vmul.f32 v21, v20;
	v44 =	vld [tilespmem:s30+$0x80]  }
0x33a: {  	v20 =	vmul.f32 v46, v45;
	v21 =	vmul.f32 v48, v47;
	v45 =	vld [tilespmem:s26+$0x80]  }
0x33b: {  	v22 =	vmul.f32 v50, v49;
	v23 =	vmul.f32 v52, v51;
	v46 =	vld [tilespmem:s30+$0x90]  }
0x33c: {  	s31 =	sadd.s32 $0x1, s31;
	v30 =	vmul.f32 v54, v53;
	v31 =	vmul.f32 v56, v55;
	v47 =	vld [tilespmem:s26+$0x90]  }
0x33d: {  	v26 =	vmul.f32 v27, v26;
	v48 =	vmul.f32 v29, v28;
	v49 =	vld [tilespmem:s30+$0xA0]  }
0x33e: {  	v50 =	vmul.f32 v33, v32;
	v51 =	vmul.f32 v36, v34;
	v52 =	vld [tilespmem:s26+$0xA0]  }
0x33f: {  	v53 =	vmul.f32 v37, v35;
	v54 =	vmul.f32 v40, v38;
	v55 =	vld [tilespmem:s30+$0xB0]  }
0x340: {  	v56 =	vmul.f32 v41, v39;
	v57 =	vmul.f32 v43, v42;
	v58 =	vld [tilespmem:s26+$0xB0]  }
0x341: {  	v61 =	vld [tilespmem:s30+$0xC0];
	v59 =	vmul.f32 v45, v44;
	v60 =	vmul.f32 v47, v46  }
0x342: {  	v24 =	vmul.f32 v25, v24;
	v63 =	vld [tilespmem:s26+$0xC0];
	v29 =	vadd.f32 v51, v50;
	v62 =	vadd.f32 v54, v53  }
0x343: {  	v40 =	vld [tilespmem:s30+$0xD0];
	v37 =	vadd.f32 v57, v56;
	v28 =	vmul.f32 v52, v49;
	v38 =	vadd.f32 v60, v59  }
0x344: {  	v18 =	vmul.f32 v19, v18;
	v41 =	vld [tilespmem:s26+$0xD0];
	v26 =	vadd.f32 v26, v29;
	v27 =	vadd.f32 v48, v62  }
0x345: {  	v44 =	vld [tilespmem:s30+$0xE0];
	v24 =	vadd.f32 v24, v37;
	v43 =	vmul.f32 v58, v55;
	v28 =	vadd.f32 v28, v38  }
0x346: {  	v12 =	vmul.f32 v13, v12;
	v45 =	vld [tilespmem:s26+$0xE0];
	v26 =	vadd.f32 v30, v26;
	v27 =	vadd.f32 v31, v27  }
0x347: {  	v47 =	vld [tilespmem:s30+$0xF0];
	v25 =	vmul.f32 v63, v61;
	v18 =	vadd.f32 v18, v24;
	v46 =	vadd.f32 v43, v28  }
0x348: {  	v10 =	vmul.f32 v11, v10;
	v48 =	vld [tilespmem:s26+$0xF0];
	v22 =	vadd.f32 v22, v26;
	v23 =	vadd.f32 v23, v27  }
0x349: {  	v19 =	vmul.f32 v41, v40;
	v12 =	vadd.f32 v12, v18;
	v49 =	vadd.f32 v25, v46  }
0x34a: {  	v8 =	vmul.f32 v9, v8;
	v20 =	vadd.f32 v20, v22;
	v21 =	vadd.f32 v21, v23  }
0x34b: {  	v52 =	vmul.f32 v45, v44;
	v50 =	vadd.f32 v10, v12;
	v51 =	vadd.f32 v19, v49  }
0x34c: {  	v5 =	vmul.f32 v6, v5;
	v53 =	vadd.f32 v16, v20;
	v54 =	vadd.f32 v17, v21  }
0x34d: {  	v56 =	vmul.f32 v48, v47;
	v6 =	vadd.f32 v8, v50;
	v55 =	vadd.f32 v52, v51  }
0x34e: {  	v57 =	vadd.f32 v14, v53;
	v58 =	vadd.f32 v15, v54  }
0x34f: {  	v5 =	vadd.f32 v5, v6;
	v6 =	vadd.f32 v56, v55  }
0x350: {  	v59 =	vperm.xlane v57, v2;
	v60 =	vperm.xlane v58, v2  }
0x351: {  	v61 =	vperm.xlane v5, v2;
	v62 =	vperm.xlane v6, v2  }
0x352: {  	v10 =	vsel vm0, v57, v58  }
0x353: {  	v8 =	vsel vm0, v59, v60;
	v5 =	vsel vm0, v5, v6;
	v6 =	vsel vm0, v61, v62  }
0x354: {  	v8 =	vadd.f32 v8, v10;
	v5 =	vadd.f32 v6, v5;
	_ =	sdelay $0x1  }
0x355: {  	v6 =	vperm.xlane v8, v3;
	v63 =	vperm.xlane v5, v3;
	_ =	sdelay $0x1  }
0x356: {  	v5 =	vsel vm1, v8, v5;
	v6 =	vsel vm1, v6, v63  }
0x357: {  	v5 =	vadd.f32 v6, v5;
	_ =	sdelay $0x1  }
0x358: {  	v6 =	vperm.xlane v5, v0;
	_ =	sdelay $0x1  }
0x359: {  	v5 =	vadd.f32 v5, v6  }
0x35a: {  	s31 =	sshll.u32 s22, $0x4;
	s22 =	sadd.s32 $0x1, s22  }
0x35b: {  	p0 =	sne.s32 s22, $0x8;
	v6 =	vperm.xlane v5, v1  }
.Ltmp7:
0x35c: {  	_ = 	snop;
	(pc) =	sbr.rel @p0 .LBB2_14-.Ltmp7, $4  }
0x35d: {  	v5 =	vadd.f32 v5, v6;
	v6 =	vmov s25  }
0x35e: {  	vm2 =	veq.s32 v6, v4  }
0x35f: {  	s25 =	sand.u32 $0x3FFFFFF0, s31;
	v5 =	vsel vm2, v5, v7  }
0x360: {  	s23 =	sadd.s32 $0x800, s23;
	s24 =	sadd.s32 $0x800, s24;
	[tilespmem:s25+$0x18580] =	vst v5  }
0x361: {  	[hbm4b:s12+s3] =	stream.linear.scatter [tilespmem:s19], [sflag:$0x4], $0x80, $0x38;
	[tilespmem:$0x18600] =	vst v63  }
0x362: {  	_ =	swait.ge [sflag:s20], $0x80  }
0x363: {  	[sflag:s20] =	ssyncset.done $0x0  }
0x364: {  	[sflag:s20] =	ssyncadd.s32 $0xFFFFFF80  }
0x365: {  	_ =	swait.ge [sflag:s20], $0x80  }
0x366: {  	[sflag:s20] =	ssyncset.done $0x0  }
0x367: {  	s21 =	sadd.s32 $0x1, s21;
	[sflag:s20] =	ssyncadd.s32 $0xFFFFFF80  }
0x368: {  	p0 =	sne.s32 s21, s13;
	_ =	swait.ge [sflag:s20], $0x80  }
.Ltmp8:
0x369: {  	[sflag:s20] =	ssyncset.done $0x0;
	(pc) =	sbr.rel @p0 .LBB2_1-.Ltmp8, $4  }
0x36a: {  	[sflag:s20] =	ssyncadd.s32 $0xFFFFFF80  }
0x36b: {  	_ =	swait.ge [sflag:s20], $0x80  }
0x36c: {  	[sflag:s20] =	ssyncset.done $0x0  }
0x36d: {  	[sflag:s20] =	ssyncadd.s32 $0xFFFFFF80  }
0x36e: {  	_ =	sfence.sel $0x180000  }
0x36f: {  	[bflag:$0x0] =	sbarrier.arrive $0xFFFF  }
0x370: {  	_ =	strace $0x90000047  }
0x371: {  	s0 =	stileid.u32;
	[bflag:$0x2] =	sbarrier.arrive $0xFFFF  }
0x372: {  	p0 =	sne.s32 s0, $0x0;
	s0 =	rddreg [dreg:$0x5]  }
0x373: {  	s0 =	sadd.s32 @!p0 $0x100000, s0  }
0x374: {  	[sflag:s0] =	ssyncadd.tile.s32 @!p0 $0x1;
	_ =	shalt  }
.Lfunc_end2:
_tile_overlayer_lowered:
.L_overlay_start_2:
0x375: {  	(tag) =	ssettag $0x2  }
0x376: {  	s0 =	rddreg [dreg:$0x0];
	s2 =	stileid.u32  }
0x377: {  	s1 =	rddreg [dreg:$0x1];
	p0 =	sne.s32 s2, $0x0  }
0x378: {  	s3 =	rddreg [dreg:$0x2];
	[bflag:$0x3] =	sbarrier.arrive $0xFFFF;
	s2 =	simm.s32 @!p0 $0x1C05  }
0x379: {  	[timem:s3], [sflag:s2] =	dma.local @!p0 [hbm:s0], s1  }
0x37a: {  	s0 =	simm.s32 @!p0 $0x5  }
0x37b: {  	_ =	swait.ge @!p0 [sflag:s0], s1  }
0x37c: {  	s1 =	ssub.s32 @!p0 $0x0, s1;
	[sflag:s0] =	ssyncset.done @!p0 $0x0  }
0x37d: {  	[sflag:s0] =	ssyncadd.s32 @!p0 s1  }
0x37e: {  	[bflag:$0x3] =	sbarrier.arrive $0xFFFF  }
0x37f: {  	_ =	shalt  }

</sc_bundles>
